<compile_context>
chip_gen: v7x
topology: tpu7x:2x2x1
jax: 0.10.2.dev20260603
libtpu: 0.0.44.dev20260713+nightly
codegen_flags: <defaults>
</compile_context>

<pallas_src>
import functools

import jax
import jax.numpy as jnp
from jax import lax
from jax.experimental import pallas as pl
from jax.experimental.pallas import tpu as pltpu
from jax.experimental.pallas import tpu_sc as plsc

NN = 10000
EE = 320000
DD = 128
GG = 512

NC = 2
NS = 16
NW = NC * NS

NP = 10240
EP = 327680
EPW = EP // NW
ECH = 128
NCH = EPW // ECH
BCH = 8
NB = NCH // BCH
RPT = NP // NS

PPW = NP // NW
PCH = 80
PNCH = PPW // PCH
GPT = GG // NS

_mesh = plsc.VectorSubcoreMesh(core_axis_name="c", subcore_axis_name="s")


@functools.partial(
    pl.kernel,
    out_type=jax.ShapeDtypeStruct((NC * NP,), jnp.float32),
    mesh=_mesh,
    scratch_types=[
        pltpu.VMEM((NCH, 2, ECH), jnp.int32),
        pltpu.VMEM((ECH,), jnp.float32),
        pltpu.VMEM_SHARED((NP,), jnp.float32),
    ],
)
def _sc_degree(pairs_hbm, zeros_hbm, out_hbm, idx_v, ones_v, acc):
    c = lax.axis_index("c")
    s = lax.axis_index("s")
    wid = s * NC + c
    pltpu.sync_copy(pairs_hbm.at[wid], idx_v)
    for k in range(ECH // 16):
        ones_v[pl.ds(k * 16, 16)] = jnp.ones((16,), jnp.float32)
    pltpu.sync_copy(zeros_hbm.at[pl.ds(s * RPT, RPT)], acc.at[pl.ds(s * RPT, RPT)])
    plsc.subcore_barrier()

    def body(j, _):
        pltpu.sync_copy(ones_v, acc.at[idx_v.at[j, 1]], add=True)
        return 0

    lax.fori_loop(0, NCH, body, 0)
    plsc.subcore_barrier()
    pltpu.sync_copy(acc.at[pl.ds(s * RPT, RPT)],
                    out_hbm.at[pl.ds(c * NP + s * RPT, RPT)])


@functools.partial(
    pl.kernel,
    out_type=jax.ShapeDtypeStruct((NC, NP, DD), jnp.float32),
    mesh=_mesh,
    scratch_types=[
        pltpu.VMEM((BCH, 2, ECH), jnp.int32),
        pltpu.VMEM((BCH, 2, ECH), jnp.int32),
        pltpu.VMEM((ECH, DD), jnp.float32),
        pltpu.VMEM((ECH, DD), jnp.float32),
        pltpu.SemaphoreType.DMA,
        pltpu.SemaphoreType.DMA,
        pltpu.SemaphoreType.DMA,
        pltpu.SemaphoreType.DMA,
        pltpu.SemaphoreType.DMA,
        pltpu.SemaphoreType.DMA,
        pltpu.VMEM_SHARED((NP, DD), jnp.float32),
    ],
)
def _sc_edge_scatter(table_hbm, pairs_hbm, zeros_hbm, out_hbm,
                     set0, set1, rows0, rows1, semg0, semg1, semc0, semc1,
                     semi0, semi1, acc):
    c = lax.axis_index("c")
    s = lax.axis_index("s")
    wid = s * NC + c
    rows = (rows0, rows1)
    semg = (semg0, semg1)
    semc = (semc0, semc1)

    def stage(b, dst_set, sem):
        return pltpu.async_copy(pairs_hbm.at[wid, pl.ds(b * BCH, BCH)], dst_set, sem)

    def stage_wait(b, dst_set, sem):
        pltpu.make_async_copy(
            pairs_hbm.at[wid, pl.ds(b * BCH, BCH)], dst_set, sem).wait()

    def block(b, cur, nxt, sem_nxt, stage_next, prefetch_next, first=False):
        if stage_next:
            stage(b + 1, nxt, sem_nxt)
        for i in range(BCH):
            rb, ro = rows[i % 2], rows[(i + 1) % 2]
            sgb, sgo = semg[i % 2], semg[(i + 1) % 2]
            scb, sco = semc[i % 2], semc[(i + 1) % 2]
            pltpu.make_async_copy(table_hbm.at[cur.at[i, 0]], rb, sgb).wait()
            if i + 1 < BCH:
                pltpu.async_copy(table_hbm.at[cur.at[i + 1, 0]], ro, sgo)
            elif prefetch_next:
                stage_wait(b + 1, nxt, sem_nxt)
                pltpu.async_copy(table_hbm.at[nxt.at[0, 0]], ro, sgo)
            pltpu.sync_copy(rb, acc.at[cur.at[i, 1]], add=True)

    stage(0, set0, semi0)
    stage_wait(0, set0, semi0)
    pltpu.async_copy(table_hbm.at[set0.at[0, 0]], rows0, semg[0])
    pltpu.sync_copy(zeros_hbm.at[pl.ds(s * RPT, RPT)], acc.at[pl.ds(s * RPT, RPT)])
    plsc.subcore_barrier()

    block(0, set0, set1, semi1, True, True, first=True)

    def body(t, _):
        b = 2 * t + 1
        block(b, set1, set0, semi0, True, True)
        block(b + 1, set0, set1, semi1, True, True)
        return 0

    lax.fori_loop(0, (NB - 2) // 2, body, 0)
    block(NB - 1, set1, set0, semi0, False, False)
    plsc.subcore_barrier()
    pltpu.sync_copy(acc.at[pl.ds(s * RPT, RPT)], out_hbm.at[c, pl.ds(s * RPT, RPT)])


_BN = 1024


def _dinv_blk(d_ref):
    deg = jnp.sum(d_ref[...], axis=1, keepdims=True) + 1.0
    return lax.rsqrt(deg)


def _real_row_mask(i, shape):
    gid = i * _BN + lax.broadcasted_iota(jnp.int32, shape, 0)
    return (gid < NN).astype(jnp.float32)


def _tc_scale_mm(d_ref, x_ref, w_ref, o_ref):
    dinv = _dinv_blk(d_ref)
    h = jnp.dot(x_ref[...], w_ref[...], preferred_element_type=jnp.float32)
    o_ref[...] = h * dinv


def _tc_combine_mm(d_ref, s0_ref, s1_ref, hp_ref, b_ref, w_ref, o_ref):
    dinv = _dinv_blk(d_ref)
    h = (s0_ref[...] + s1_ref[...] + hp_ref[...]) * dinv + b_ref[...]
    h = jnp.maximum(h, 0.0)
    o = jnp.dot(h, w_ref[...], preferred_element_type=jnp.float32) * dinv
    o_ref[...] = o * _real_row_mask(pl.program_id(0), o.shape)


def _tc_cls_pool(d_ref, s0_ref, s1_ref, hp_ref, b_ref, w_ref,
                 batch_ref, bc_ref, o_ref, sums_ref, cnt_ref):
    i = pl.program_id(0)
    dinv = _dinv_blk(d_ref)
    h = (s0_ref[...] + s1_ref[...] + hp_ref[...]) * dinv + b_ref[...]
    m = _real_row_mask(i, (h.shape[0], 1))
    h = h * m
    onehot = (batch_ref[...] ==
              lax.broadcasted_iota(jnp.int32, (_BN, GG), 1)).astype(jnp.float32)
    part = lax.dot_general(onehot, h, (((0,), (0,)), ((), ())),
                           preferred_element_type=jnp.float32,
                           precision=lax.Precision.HIGHEST)
    m8 = jnp.broadcast_to(m, (m.shape[0], 8))
    partc = lax.dot_general(onehot, m8, (((0,), (0,)), ((), ())),
                            preferred_element_type=jnp.float32,
                            precision=lax.Precision.HIGHEST)

    @pl.when(i == 0)
    def _():
        sums_ref[...] = part
        cnt_ref[...] = partc

    @pl.when(i > 0)
    def _():
        sums_ref[...] += part
        cnt_ref[...] += partc

    @pl.when(i == _GRID - 1)
    def _():
        pooled = sums_ref[...] / jnp.maximum(cnt_ref[:, :1], 1.0)
        o_ref[...] = jnp.dot(pooled, w_ref[...],
                             preferred_element_type=jnp.float32) + bc_ref[...]


def _nblk(i):
    return (i, 0)


def _rep(i):
    return (0, 0)


_DW = pl.BlockSpec((_BN, NC), _nblk)
_DN = pl.BlockSpec((_BN, DD), _nblk)
_WW = pl.BlockSpec((DD, DD), _rep)
_BB = pl.BlockSpec((1, DD), _rep)
_GRID = NP // _BN


def kernel(x, edge_index, batch, W1, b1, W2, b2, Wc, bc):
    pad_idx = NN + (jnp.arange(EP - EE, dtype=jnp.int32) % (NP - NN))
    src3 = jnp.concatenate([edge_index[0], pad_idx]).reshape(NW, NCH, 1, ECH)
    dst3 = jnp.concatenate([edge_index[1], pad_idx]).reshape(NW, NCH, 1, ECH)
    pairs = jnp.concatenate([src3, dst3], axis=2)
    xp = jnp.pad(x, ((0, NP - NN), (0, 0)))
    zeros_nd = jnp.zeros((NP, DD), jnp.float32)

    degT = _sc_degree(pairs, jnp.zeros((NP,), jnp.float32))
    degT = degT.reshape(NC, NP).T

    hp1 = pl.pallas_call(
        _tc_scale_mm,
        grid=(_GRID,),
        in_specs=[_DW, _DN, _WW],
        out_specs=_DN,
        out_shape=jax.ShapeDtypeStruct((NP, DD), jnp.float32),
    )(degT, xp, W1)

    s1 = _sc_edge_scatter(hp1, pairs, zeros_nd)

    hp2 = pl.pallas_call(
        _tc_combine_mm,
        grid=(_GRID,),
        in_specs=[_DW, _DN, _DN, _DN, _BB, _WW],
        out_specs=_DN,
        out_shape=jax.ShapeDtypeStruct((NP, DD), jnp.float32),
    )(degT, s1[0], s1[1], hp1, b1.reshape(1, DD), W2)

    s2 = _sc_edge_scatter(hp2, pairs, zeros_nd)

    wc8 = jnp.pad(Wc, ((0, 0), (0, 8 - Wc.shape[1])))
    bpad = jnp.pad(batch, (0, NP - NN)).reshape(NP, 1)
    out8 = pl.pallas_call(
        _tc_cls_pool,
        grid=(_GRID,),
        in_specs=[_DW, _DN, _DN, _DN, _BB,
                  pl.BlockSpec((DD, 8), _rep),
                  pl.BlockSpec((_BN, 1), _nblk),
                  pl.BlockSpec((1, 8), _rep)],
        out_specs=pl.BlockSpec((GG, 8), _rep),
        out_shape=jax.ShapeDtypeStruct((GG, 8), jnp.float32),
        scratch_shapes=[pltpu.VMEM((GG, DD), jnp.float32),
                        pltpu.VMEM((GG, 8), jnp.float32)],
    )(degT, s2[0], s2[1], hp2, b2.reshape(1, DD), wc8, bpad,
      jnp.pad(bc, (0, 6)).reshape(1, 8))

    return out8[:, :2]

# --- scband reference (transcript-rebuilt; emitter-appended) ---
"""Pipeline reference for scband-fraud-gnn-14869176778811 (READ-ONLY COPY).

The authoritative reference and input builder live on the scoring server;
editing this copy changes nothing except your own understanding.
"""

import jax, jax.numpy as jnp
import numpy as np

N = 10000      # num nodes
E = 320000     # num edges
D = 128        # num_features
H = 128        # hidden_channels
C = 2          # num_classes
G = 512        # num graphs in batch


def setup_inputs(seed: int = 0) -> dict:
    key = jax.random.key(seed)
    ks = jax.random.split(key, 10)
    x = jax.random.normal(ks[0], (N, D), dtype=jnp.float32)
    edge_index = jax.random.randint(ks[1], (2, E), 0, N, dtype=jnp.int32)
    batch = jnp.sort(jax.random.randint(ks[2], (N,), 0, G, dtype=jnp.int32))
    # GCNConv weights (glorot-ish scale), biases zero (PyG default init for bias)
    W1 = jax.random.normal(ks[3], (D, H), dtype=jnp.float32) * (1.0 / np.sqrt(D))
    b1 = jnp.zeros((H,), dtype=jnp.float32)
    W2 = jax.random.normal(ks[4], (H, H), dtype=jnp.float32) * (1.0 / np.sqrt(H))
    b2 = jnp.zeros((H,), dtype=jnp.float32)
    Wc = jax.random.normal(ks[5], (H, C), dtype=jnp.float32) * (1.0 / np.sqrt(H))
    bc = jnp.zeros((C,), dtype=jnp.float32)
    return {"x": x, "edge_index": edge_index, "batch": batch,
            "W1": W1, "b1": b1, "W2": W2, "b2": b2, "Wc": Wc, "bc": bc}


def gcn_conv(x, edge_index, W, b):
    # PyG GCNConv: add self-loops, symmetric normalization D^-1/2 (A+I) D^-1/2, then XW + b
    src = edge_index[0]
    dst = edge_index[1]
    loop = jnp.arange(N, dtype=src.dtype)
    src = jnp.concatenate([src, loop])
    dst = jnp.concatenate([dst, loop])
    deg = jnp.zeros((N,), dtype=x.dtype).at[dst].add(1.0)
    dinv = jnp.where(deg > 0, jax.lax.rsqrt(deg), 0.0)
    norm = dinv[src] * dinv[dst]
    h = x @ W
    msg = h[src] * norm[:, None]
    out = jnp.zeros((N, h.shape[1]), dtype=h.dtype).at[dst].add(msg)
    return out + b


def global_mean_pool(x, batch):
    sums = jax.ops.segment_sum(x, batch, num_segments=G)
    counts = jax.ops.segment_sum(jnp.ones((x.shape[0], 1), dtype=x.dtype), batch, num_segments=G)
    return sums / jnp.maximum(counts, 1.0)


def reference(x, edge_index, batch, W1, b1, W2, b2, Wc, bc):
    h = gcn_conv(x, edge_index, W1, b1)
    h = jax.nn.relu(h)
    # dropout p=0.2 is identity in eval mode
    h = gcn_conv(h, edge_index, W2, b2)
    pooled = global_mean_pool(h, batch)
    return pooled @ Wc + bc

if __name__ == "__main__":
    import jax
    _d = setup_inputs()
    print(jax.jit(kernel)(*tuple(_d.values())))

</pallas_src>

<mosaic_0001>
#map = affine_map<(d0, d1) -> (0, 0, 0, 0)>
#map1 = affine_map<(d0, d1) -> (0)>
module attributes {stable_mosaic.version = 14 : i64} {
  func.func @_sc_degree(%arg0: i32, %arg1: i32, %arg2: memref<32x80x2x128xi32, #tpu.memory_space<hbm>>, %arg3: memref<10240xf32, #tpu.memory_space<hbm>>, %arg4: memref<20480xf32, #tpu.memory_space<hbm>>, %arg5: memref<80x2x128xi32, #tpu.memory_space<vmem>>, %arg6: memref<128xf32, #tpu.memory_space<vmem>>, %arg7: memref<10240xf32, #tpu.memory_space<vmem_shared>>) attributes {dimension_semantics = [#tpu.dimension_semantics<core_parallel>, #tpu.dimension_semantics<subcore_parallel>], iteration_bounds = array<i64: 2, 16>, scalar_prefetch = 0 : i64, scratch_operands = 3 : i64, tpu.core_type = #tpu.core_type<sc_vector_subcore>, window_params = [{transform_indices = #map}, {transform_indices = #map1}, {transform_indices = #map1}]} {
    %mul3A = arith.constant 2 : i32
    %mul3A_0 = arith.muli %arg1, %mul3A : i32
    %add3A = arith.addi %mul3A_0, %arg0 : i32
    "tpu.region"() ({
      %run_scoped3A = tpu.sem_alloc : memref<!tpu.dma_semaphore, #tpu.memory_space<semaphore_mem>>
      %dma_start3A = arith.constant 0 : i32
      %dma_start3A_65 = arith.constant 0 : i32
      %dma_start3A_66 = arith.constant 0 : i32
      %dma_start3A_67 = tpu.memref_slice %arg2[%add3A, %dma_start3A, %dma_start3A_65, %dma_start3A_66] : memref<32x80x2x128xi32, #tpu.memory_space<hbm>> -> memref<1x80x2x128xi32, #tpu.memory_space<hbm>>
      %dma_start3A_68 = tpu.memref_squeeze %dma_start3A_67 : memref<1x80x2x128xi32, #tpu.memory_space<hbm>> -> memref<80x2x128xi32, #tpu.memory_space<hbm>>
      %dma_start3A_69 = arith.constant 0 : i32
      %dma_start3A_70 = arith.constant 0 : i32
      %dma_start3A_71 = arith.constant 0 : i32
      %dma_start3A_72 = tpu.memref_slice %arg2[%add3A, %dma_start3A_69, %dma_start3A_70, %dma_start3A_71] : memref<32x80x2x128xi32, #tpu.memory_space<hbm>> -> memref<1x80x2x128xi32, #tpu.memory_space<hbm>>
      %dma_start3A_73 = tpu.memref_squeeze %dma_start3A_72 : memref<1x80x2x128xi32, #tpu.memory_space<hbm>> -> memref<80x2x128xi32, #tpu.memory_space<hbm>>
      tpu.enqueue_dma source(%dma_start3A_73 : memref<80x2x128xi32, #tpu.memory_space<hbm>>) target(%arg5 : memref<80x2x128xi32, #tpu.memory_space<vmem>>) target_semaphore(%run_scoped3A : memref<!tpu.dma_semaphore, #tpu.memory_space<semaphore_mem>>)
      %dma_wait3A = arith.constant 0 : i32
      %dma_wait3A_74 = arith.constant 0 : i32
      %dma_wait3A_75 = arith.constant 0 : i32
      %dma_wait3A_76 = tpu.memref_slice %arg2[%add3A, %dma_wait3A, %dma_wait3A_74, %dma_wait3A_75] : memref<32x80x2x128xi32, #tpu.memory_space<hbm>> -> memref<1x80x2x128xi32, #tpu.memory_space<hbm>>
      %dma_wait3A_77 = tpu.memref_squeeze %dma_wait3A_76 : memref<1x80x2x128xi32, #tpu.memory_space<hbm>> -> memref<80x2x128xi32, #tpu.memory_space<hbm>>
      %dma_wait3A_78 = arith.constant 0 : i32
      %dma_wait3A_79 = arith.constant 0 : i32
      %dma_wait3A_80 = arith.constant 0 : i32
      %dma_wait3A_81 = tpu.memref_slice %arg2[%add3A, %dma_wait3A_78, %dma_wait3A_79, %dma_wait3A_80] : memref<32x80x2x128xi32, #tpu.memory_space<hbm>> -> memref<1x80x2x128xi32, #tpu.memory_space<hbm>>
      %dma_wait3A_82 = tpu.memref_squeeze %dma_wait3A_81 : memref<1x80x2x128xi32, #tpu.memory_space<hbm>> -> memref<80x2x128xi32, #tpu.memory_space<hbm>>
      tpu.wait_dma2 semaphore(%run_scoped3A : memref<!tpu.dma_semaphore, #tpu.memory_space<semaphore_mem>>) src(%dma_wait3A_82 : memref<80x2x128xi32, #tpu.memory_space<hbm>>) dst(%arg5 : memref<80x2x128xi32, #tpu.memory_space<vmem>>)
      tpu.yield
    }) : () -> ()
    %broadcast_in_dim3A = arith.constant 1.000000e+00 : f32
    %broadcast_in_dim3A_1 = vector.broadcast %broadcast_in_dim3A : f32 to vector<16xf32>
    %swap3A = arith.constant 0 : index
    %swap3A_2 = tpu.vector_load %arg6[%swap3A] {strides = array<i32>} : memref<128xf32, #tpu.memory_space<vmem>>, vector<16xf32>,
    %swap3A_3 = vector.shape_cast %swap3A_2 : vector<16xf32> to vector<16xf32>
    %swap3A_4 = vector.shape_cast %broadcast_in_dim3A_1 : vector<16xf32> to vector<16xf32>
    tpu.vector_store %arg6[%swap3A], %swap3A_4 {strides = array<i32>} : memref<128xf32, #tpu.memory_space<vmem>>, vector<16xf32>,
    %broadcast_in_dim3A_5 = arith.constant 1.000000e+00 : f32
    %broadcast_in_dim3A_6 = vector.broadcast %broadcast_in_dim3A_5 : f32 to vector<16xf32>
    %swap3A_7 = arith.constant 16 : index
    %swap3A_8 = tpu.vector_load %arg6[%swap3A_7] {strides = array<i32>} : memref<128xf32, #tpu.memory_space<vmem>>, vector<16xf32>,
    %swap3A_9 = vector.shape_cast %swap3A_8 : vector<16xf32> to vector<16xf32>
    %swap3A_10 = vector.shape_cast %broadcast_in_dim3A_6 : vector<16xf32> to vector<16xf32>
    tpu.vector_store %arg6[%swap3A_7], %swap3A_10 {strides = array<i32>} : memref<128xf32, #tpu.memory_space<vmem>>, vector<16xf32>,
    %broadcast_in_dim3A_11 = arith.constant 1.000000e+00 : f32
    %broadcast_in_dim3A_12 = vector.broadcast %broadcast_in_dim3A_11 : f32 to vector<16xf32>
    %swap3A_13 = arith.constant 32 : index
    %swap3A_14 = tpu.vector_load %arg6[%swap3A_13] {strides = array<i32>} : memref<128xf32, #tpu.memory_space<vmem>>, vector<16xf32>,
    %swap3A_15 = vector.shape_cast %swap3A_14 : vector<16xf32> to vector<16xf32>
    %swap3A_16 = vector.shape_cast %broadcast_in_dim3A_12 : vector<16xf32> to vector<16xf32>
    tpu.vector_store %arg6[%swap3A_13], %swap3A_16 {strides = array<i32>} : memref<128xf32, #tpu.memory_space<vmem>>, vector<16xf32>,
    %broadcast_in_dim3A_17 = arith.constant 1.000000e+00 : f32
    %broadcast_in_dim3A_18 = vector.broadcast %broadcast_in_dim3A_17 : f32 to vector<16xf32>
    %swap3A_19 = arith.constant 48 : index
    %swap3A_20 = tpu.vector_load %arg6[%swap3A_19] {strides = array<i32>} : memref<128xf32, #tpu.memory_space<vmem>>, vector<16xf32>,
    %swap3A_21 = vector.shape_cast %swap3A_20 : vector<16xf32> to vector<16xf32>
    %swap3A_22 = vector.shape_cast %broadcast_in_dim3A_18 : vector<16xf32> to vector<16xf32>
    tpu.vector_store %arg6[%swap3A_19], %swap3A_22 {strides = array<i32>} : memref<128xf32, #tpu.memory_space<vmem>>, vector<16xf32>,
    %broadcast_in_dim3A_23 = arith.constant 1.000000e+00 : f32
    %broadcast_in_dim3A_24 = vector.broadcast %broadcast_in_dim3A_23 : f32 to vector<16xf32>
    %swap3A_25 = arith.constant 64 : index
    %swap3A_26 = tpu.vector_load %arg6[%swap3A_25] {strides = array<i32>} : memref<128xf32, #tpu.memory_space<vmem>>, vector<16xf32>,
    %swap3A_27 = vector.shape_cast %swap3A_26 : vector<16xf32> to vector<16xf32>
    %swap3A_28 = vector.shape_cast %broadcast_in_dim3A_24 : vector<16xf32> to vector<16xf32>
    tpu.vector_store %arg6[%swap3A_25], %swap3A_28 {strides = array<i32>} : memref<128xf32, #tpu.memory_space<vmem>>, vector<16xf32>,
    %broadcast_in_dim3A_29 = arith.constant 1.000000e+00 : f32
    %broadcast_in_dim3A_30 = vector.broadcast %broadcast_in_dim3A_29 : f32 to vector<16xf32>
    %swap3A_31 = arith.constant 80 : index
    %swap3A_32 = tpu.vector_load %arg6[%swap3A_31] {strides = array<i32>} : memref<128xf32, #tpu.memory_space<vmem>>, vector<16xf32>,
    %swap3A_33 = vector.shape_cast %swap3A_32 : vector<16xf32> to vector<16xf32>
    %swap3A_34 = vector.shape_cast %broadcast_in_dim3A_30 : vector<16xf32> to vector<16xf32>
    tpu.vector_store %arg6[%swap3A_31], %swap3A_34 {strides = array<i32>} : memref<128xf32, #tpu.memory_space<vmem>>, vector<16xf32>,
    %broadcast_in_dim3A_35 = arith.constant 1.000000e+00 : f32
    %broadcast_in_dim3A_36 = vector.broadcast %broadcast_in_dim3A_35 : f32 to vector<16xf32>
    %swap3A_37 = arith.constant 96 : index
    %swap3A_38 = tpu.vector_load %arg6[%swap3A_37] {strides = array<i32>} : memref<128xf32, #tpu.memory_space<vmem>>, vector<16xf32>,
    %swap3A_39 = vector.shape_cast %swap3A_38 : vector<16xf32> to vector<16xf32>
    %swap3A_40 = vector.shape_cast %broadcast_in_dim3A_36 : vector<16xf32> to vector<16xf32>
    tpu.vector_store %arg6[%swap3A_37], %swap3A_40 {strides = array<i32>} : memref<128xf32, #tpu.memory_space<vmem>>, vector<16xf32>,
    %broadcast_in_dim3A_41 = arith.constant 1.000000e+00 : f32
    %broadcast_in_dim3A_42 = vector.broadcast %broadcast_in_dim3A_41 : f32 to vector<16xf32>
    %swap3A_43 = arith.constant 112 : index
    %swap3A_44 = tpu.vector_load %arg6[%swap3A_43] {strides = array<i32>} : memref<128xf32, #tpu.memory_space<vmem>>, vector<16xf32>,
    %swap3A_45 = vector.shape_cast %swap3A_44 : vector<16xf32> to vector<16xf32>
    %swap3A_46 = vector.shape_cast %broadcast_in_dim3A_42 : vector<16xf32> to vector<16xf32>
    tpu.vector_store %arg6[%swap3A_43], %swap3A_46 {strides = array<i32>} : memref<128xf32, #tpu.memory_space<vmem>>, vector<16xf32>,
    %mul3A_47 = arith.constant 640 : i32
    %mul3A_48 = arith.muli %arg1, %mul3A_47 : i32
    %mul3A_49 = arith.constant 640 : i32
    %mul3A_50 = arith.muli %arg1, %mul3A_49 : i32
    "tpu.region"() ({
      %run_scoped3A = tpu.sem_alloc : memref<!tpu.dma_semaphore, #tpu.memory_space<semaphore_mem>>
      %dma_start3A = tpu.memref_slice %arg7[%mul3A_50] : memref<10240xf32, #tpu.memory_space<vmem_shared>> -> memref<640xf32, #tpu.memory_space<vmem_shared>>
      %dma_start3A_65 = tpu.memref_slice %arg3[%mul3A_48] : memref<10240xf32, #tpu.memory_space<hbm>> -> memref<640xf32, #tpu.memory_space<hbm>>
      tpu.enqueue_dma source(%dma_start3A_65 : memref<640xf32, #tpu.memory_space<hbm>>) target(%dma_start3A : memref<640xf32, #tpu.memory_space<vmem_shared>>) target_semaphore(%run_scoped3A : memref<!tpu.dma_semaphore, #tpu.memory_space<semaphore_mem>>)
      %dma_wait3A = tpu.memref_slice %arg7[%mul3A_50] : memref<10240xf32, #tpu.memory_space<vmem_shared>> -> memref<640xf32, #tpu.memory_space<vmem_shared>>
      %dma_wait3A_66 = tpu.memref_slice %arg3[%mul3A_48] : memref<10240xf32, #tpu.memory_space<hbm>> -> memref<640xf32, #tpu.memory_space<hbm>>
      tpu.wait_dma2 semaphore(%run_scoped3A : memref<!tpu.dma_semaphore, #tpu.memory_space<semaphore_mem>>) src(%dma_wait3A_66 : memref<640xf32, #tpu.memory_space<hbm>>) dst(%dma_wait3A : memref<640xf32, #tpu.memory_space<vmem_shared>>)
      tpu.yield
    }) : () -> ()
    %barrier3A = arith.constant 0 : index
    tpu.barrier barrier_id(%barrier3A)
    %scan3A = arith.constant 0 : i32
    %scan3A_51 = arith.constant 0 : i32
    %scan3A_52 = arith.constant 80 : i32
    %scan3A_53 = arith.addi %scan3A_51, %scan3A_52 : i32
    %scan3A_54 = arith.constant 1 : i32
    %scan3A_55 = scf.for %scan3A_65 = %scan3A_51 to %scan3A_53 step %scan3A_54 iter_args(%scan3A_66 = %scan3A) -> (i32)  : i32 {
      %run_scoped3A = arith.constant 1 : i32
      "tpu.region"() ({
        %run_scoped3A_68 = tpu.sem_alloc : memref<!tpu.dma_semaphore, #tpu.memory_space<semaphore_mem>>
        %dma_start3A = arith.constant 0 : i32
        %dma_start3A_69 = tpu.memref_slice %arg5[%scan3A_65, %run_scoped3A, %dma_start3A] : memref<80x2x128xi32, #tpu.memory_space<vmem>> -> memref<1x1x128xi32, #tpu.memory_space<vmem>>
        %dma_start3A_70 = tpu.memref_squeeze %dma_start3A_69 : memref<1x1x128xi32, #tpu.memory_space<vmem>> -> memref<128xi32, #tpu.memory_space<vmem>>
        %dma_start3A_71 = arith.constant 0 : i32
        %dma_start3A_72 = tpu.memref_slice %arg7[%dma_start3A_71] : memref<10240xf32, #tpu.memory_space<vmem_shared>> -> memref<10240xf32, #tpu.memory_space<vmem_shared>>
        tpu.enqueue_indirect_dma source(%arg6 : memref<128xf32, #tpu.memory_space<vmem>>) target(%dma_start3A_72 : memref<10240xf32, #tpu.memory_space<vmem_shared>>) offsets(%dma_start3A_70 : memref<128xi32, #tpu.memory_space<vmem>>) semaphore(%run_scoped3A_68 : memref<!tpu.dma_semaphore, #tpu.memory_space<semaphore_mem>>) {add = true}
        %dma_wait3A = arith.constant 0 : i32
        %dma_wait3A_73 = tpu.memref_slice %arg5[%scan3A_65, %run_scoped3A, %dma_wait3A] : memref<80x2x128xi32, #tpu.memory_space<vmem>> -> memref<1x1x128xi32, #tpu.memory_space<vmem>>
        %dma_wait3A_74 = tpu.memref_squeeze %dma_wait3A_73 : memref<1x1x128xi32, #tpu.memory_space<vmem>> -> memref<128xi32, #tpu.memory_space<vmem>>
        %dma_wait3A_75 = arith.constant 0 : i32
        %dma_wait3A_76 = tpu.memref_slice %arg7[%dma_wait3A_75] : memref<10240xf32, #tpu.memory_space<vmem_shared>> -> memref<10240xf32, #tpu.memory_space<vmem_shared>>
        tpu.wait_indirect_dma semaphore(%run_scoped3A_68 : memref<!tpu.dma_semaphore, #tpu.memory_space<semaphore_mem>>) src(%arg6 : memref<128xf32, #tpu.memory_space<vmem>>) dst(%dma_wait3A_76 : memref<10240xf32, #tpu.memory_space<vmem_shared>>)
        tpu.yield
      }) : () -> ()
      %scan3A_67 = arith.constant 0 : i32
      scf.yield %scan3A_67 : i32
    }
    %scan3A_56 = arith.constant 80 : i32
    %barrier3A_57 = arith.constant 0 : index
    tpu.barrier barrier_id(%barrier3A_57)
    %mul3A_58 = arith.constant 640 : i32
    %mul3A_59 = arith.muli %arg1, %mul3A_58 : i32
    %mul3A_60 = arith.constant 10240 : i32
    %mul3A_61 = arith.muli %arg0, %mul3A_60 : i32
    %mul3A_62 = arith.constant 640 : i32
    %mul3A_63 = arith.muli %arg1, %mul3A_62 : i32
    %add3A_64 = arith.addi %mul3A_61, %mul3A_63 : i32
    "tpu.region"() ({
      %run_scoped3A = tpu.sem_alloc : memref<!tpu.dma_semaphore, #tpu.memory_space<semaphore_mem>>
      %dma_start3A = tpu.memref_slice %arg4[%add3A_64] : memref<20480xf32, #tpu.memory_space<hbm>> -> memref<640xf32, #tpu.memory_space<hbm>>
      %dma_start3A_65 = tpu.memref_slice %arg7[%mul3A_59] : memref<10240xf32, #tpu.memory_space<vmem_shared>> -> memref<640xf32, #tpu.memory_space<vmem_shared>>
      tpu.enqueue_dma source(%dma_start3A_65 : memref<640xf32, #tpu.memory_space<vmem_shared>>) target(%dma_start3A : memref<640xf32, #tpu.memory_space<hbm>>) target_semaphore(%run_scoped3A : memref<!tpu.dma_semaphore, #tpu.memory_space<semaphore_mem>>)
      %dma_wait3A = tpu.memref_slice %arg4[%add3A_64] : memref<20480xf32, #tpu.memory_space<hbm>> -> memref<640xf32, #tpu.memory_space<hbm>>
      %dma_wait3A_66 = tpu.memref_slice %arg7[%mul3A_59] : memref<10240xf32, #tpu.memory_space<vmem_shared>> -> memref<640xf32, #tpu.memory_space<vmem_shared>>
      tpu.wait_dma2 semaphore(%run_scoped3A : memref<!tpu.dma_semaphore, #tpu.memory_space<semaphore_mem>>) src(%dma_wait3A_66 : memref<640xf32, #tpu.memory_space<vmem_shared>>) dst(%dma_wait3A : memref<640xf32, #tpu.memory_space<hbm>>)
      tpu.yield
    }) : () -> ()
    return
  }
}

#map = affine_map<(d0, d1) -> (0, 0)>
#map1 = affine_map<(d0, d1) -> (0, 0, 0, 0)>
#map2 = affine_map<(d0, d1) -> (0, 0, 0)>
module attributes {stable_mosaic.version = 14 : i64} {
  func.func @_sc_edge_scatter(%arg0: i32, %arg1: i32, %arg2: memref<10240x128xf32, #tpu.memory_space<hbm>>, %arg3: memref<32x80x2x128xi32, #tpu.memory_space<hbm>>, %arg4: memref<10240x128xf32, #tpu.memory_space<hbm>>, %arg5: memref<2x10240x128xf32, #tpu.memory_space<hbm>>, %arg6: memref<8x2x128xi32, #tpu.memory_space<vmem>>, %arg7: memref<8x2x128xi32, #tpu.memory_space<vmem>>, %arg8: memref<128x128xf32, #tpu.memory_space<vmem>>, %arg9: memref<128x128xf32, #tpu.memory_space<vmem>>, %arg10: memref<!tpu.dma_semaphore, #tpu.memory_space<semaphore_mem>>, %arg11: memref<!tpu.dma_semaphore, #tpu.memory_space<semaphore_mem>>, %arg12: memref<!tpu.dma_semaphore, #tpu.memory_space<semaphore_mem>>, %arg13: memref<!tpu.dma_semaphore, #tpu.memory_space<semaphore_mem>>, %arg14: memref<!tpu.dma_semaphore, #tpu.memory_space<semaphore_mem>>, %arg15: memref<!tpu.dma_semaphore, #tpu.memory_space<semaphore_mem>>, %arg16: memref<10240x128xf32, #tpu.memory_space<vmem_shared>>) attributes {dimension_semantics = [#tpu.dimension_semantics<core_parallel>, #tpu.dimension_semantics<subcore_parallel>], iteration_bounds = array<i64: 2, 16>, scalar_prefetch = 0 : i64, scratch_operands = 11 : i64, tpu.core_type = #tpu.core_type<sc_vector_subcore>, window_params = [{transform_indices = #map}, {transform_indices = #map1}, {transform_indices = #map}, {transform_indices = #map2}]} {
    %mul3A = arith.constant 2 : i32
    %mul3A_0 = arith.muli %arg1, %mul3A : i32
    %add3A = arith.addi %mul3A_0, %arg0 : i32
    %dma_start3A = arith.constant 0 : i32
    %dma_start3A_1 = arith.constant 0 : i32
    %dma_start3A_2 = arith.constant 0 : i32
    %dma_start3A_3 = tpu.memref_slice %arg3[%add3A, %dma_start3A, %dma_start3A_1, %dma_start3A_2] : memref<32x80x2x128xi32, #tpu.memory_space<hbm>> -> memref<1x8x2x128xi32, #tpu.memory_space<hbm>>
    %dma_start3A_4 = tpu.memref_squeeze %dma_start3A_3 : memref<1x8x2x128xi32, #tpu.memory_space<hbm>> -> memref<8x2x128xi32, #tpu.memory_space<hbm>>
    %dma_start3A_5 = arith.constant 0 : i32
    %dma_start3A_6 = arith.constant 0 : i32
    %dma_start3A_7 = arith.constant 0 : i32
    %dma_start3A_8 = tpu.memref_slice %arg3[%add3A, %dma_start3A_5, %dma_start3A_6, %dma_start3A_7] : memref<32x80x2x128xi32, #tpu.memory_space<hbm>> -> memref<1x8x2x128xi32, #tpu.memory_space<hbm>>
    %dma_start3A_9 = tpu.memref_squeeze %dma_start3A_8 : memref<1x8x2x128xi32, #tpu.memory_space<hbm>> -> memref<8x2x128xi32, #tpu.memory_space<hbm>>
    tpu.enqueue_dma source(%dma_start3A_9 : memref<8x2x128xi32, #tpu.memory_space<hbm>>) target(%arg6 : memref<8x2x128xi32, #tpu.memory_space<vmem>>) target_semaphore(%arg14 : memref<!tpu.dma_semaphore, #tpu.memory_space<semaphore_mem>>)
    %dma_wait3A = arith.constant 0 : i32
    %dma_wait3A_10 = arith.constant 0 : i32
    %dma_wait3A_11 = arith.constant 0 : i32
    %dma_wait3A_12 = tpu.memref_slice %arg3[%add3A, %dma_wait3A, %dma_wait3A_10, %dma_wait3A_11] : memref<32x80x2x128xi32, #tpu.memory_space<hbm>> -> memref<1x8x2x128xi32, #tpu.memory_space<hbm>>
    %dma_wait3A_13 = tpu.memref_squeeze %dma_wait3A_12 : memref<1x8x2x128xi32, #tpu.memory_space<hbm>> -> memref<8x2x128xi32, #tpu.memory_space<hbm>>
    %dma_wait3A_14 = arith.constant 0 : i32
    %dma_wait3A_15 = arith.constant 0 : i32
    %dma_wait3A_16 = arith.constant 0 : i32
    %dma_wait3A_17 = tpu.memref_slice %arg3[%add3A, %dma_wait3A_14, %dma_wait3A_15, %dma_wait3A_16] : memref<32x80x2x128xi32, #tpu.memory_space<hbm>> -> memref<1x8x2x128xi32, #tpu.memory_space<hbm>>
    %dma_wait3A_18 = tpu.memref_squeeze %dma_wait3A_17 : memref<1x8x2x128xi32, #tpu.memory_space<hbm>> -> memref<8x2x128xi32, #tpu.memory_space<hbm>>
    tpu.wait_dma2 semaphore(%arg14 : memref<!tpu.dma_semaphore, #tpu.memory_space<semaphore_mem>>) src(%dma_wait3A_18 : memref<8x2x128xi32, #tpu.memory_space<hbm>>) dst(%arg6 : memref<8x2x128xi32, #tpu.memory_space<vmem>>)
    %dma_start3A_19 = arith.constant 0 : i32
    %dma_start3A_20 = arith.constant 0 : i32
    %dma_start3A_21 = arith.constant 0 : i32
    %dma_start3A_22 = tpu.memref_slice %arg6[%dma_start3A_19, %dma_start3A_20, %dma_start3A_21] : memref<8x2x128xi32, #tpu.memory_space<vmem>> -> memref<1x1x128xi32, #tpu.memory_space<vmem>>
    %dma_start3A_23 = tpu.memref_squeeze %dma_start3A_22 : memref<1x1x128xi32, #tpu.memory_space<vmem>> -> memref<128xi32, #tpu.memory_space<vmem>>
    %dma_start3A_24 = arith.constant 0 : i32
    %dma_start3A_25 = arith.constant 0 : i32
    %dma_start3A_26 = tpu.memref_slice %arg2[%dma_start3A_24, %dma_start3A_25] : memref<10240x128xf32, #tpu.memory_space<hbm>> -> memref<10240x128xf32, #tpu.memory_space<hbm>>
    tpu.enqueue_indirect_dma source(%dma_start3A_26 : memref<10240x128xf32, #tpu.memory_space<hbm>>) target(%arg8 : memref<128x128xf32, #tpu.memory_space<vmem>>) offsets(%dma_start3A_23 : memref<128xi32, #tpu.memory_space<vmem>>) semaphore(%arg10 : memref<!tpu.dma_semaphore, #tpu.memory_space<semaphore_mem>>)
    %mul3A_27 = arith.constant 640 : i32
    %mul3A_28 = arith.muli %arg1, %mul3A_27 : i32
    %mul3A_29 = arith.constant 640 : i32
    %mul3A_30 = arith.muli %arg1, %mul3A_29 : i32
    "tpu.region"() ({
      %run_scoped3A_341 = tpu.sem_alloc : memref<!tpu.dma_semaphore, #tpu.memory_space<semaphore_mem>>
      %dma_start3A_342 = arith.constant 0 : i32
      %dma_start3A_343 = tpu.memref_slice %arg16[%mul3A_30, %dma_start3A_342] : memref<10240x128xf32, #tpu.memory_space<vmem_shared>> -> memref<640x128xf32, #tpu.memory_space<vmem_shared>>
      %dma_start3A_344 = arith.constant 0 : i32
      %dma_start3A_345 = tpu.memref_slice %arg4[%mul3A_28, %dma_start3A_344] : memref<10240x128xf32, #tpu.memory_space<hbm>> -> memref<640x128xf32, #tpu.memory_space<hbm>>
      tpu.enqueue_dma source(%dma_start3A_345 : memref<640x128xf32, #tpu.memory_space<hbm>>) target(%dma_start3A_343 : memref<640x128xf32, #tpu.memory_space<vmem_shared>>) target_semaphore(%run_scoped3A_341 : memref<!tpu.dma_semaphore, #tpu.memory_space<semaphore_mem>>)
      %dma_wait3A_346 = arith.constant 0 : i32
      %dma_wait3A_347 = tpu.memref_slice %arg16[%mul3A_30, %dma_wait3A_346] : memref<10240x128xf32, #tpu.memory_space<vmem_shared>> -> memref<640x128xf32, #tpu.memory_space<vmem_shared>>
      %dma_wait3A_348 = arith.constant 0 : i32
      %dma_wait3A_349 = tpu.memref_slice %arg4[%mul3A_28, %dma_wait3A_348] : memref<10240x128xf32, #tpu.memory_space<hbm>> -> memref<640x128xf32, #tpu.memory_space<hbm>>
      tpu.wait_dma2 semaphore(%run_scoped3A_341 : memref<!tpu.dma_semaphore, #tpu.memory_space<semaphore_mem>>) src(%dma_wait3A_349 : memref<640x128xf32, #tpu.memory_space<hbm>>) dst(%dma_wait3A_347 : memref<640x128xf32, #tpu.memory_space<vmem_shared>>)
      tpu.yield
    }) : () -> ()
    %barrier3A = arith.constant 0 : index
    tpu.barrier barrier_id(%barrier3A)
    %dma_start3A_31 = arith.constant 8 : i32
    %dma_start3A_32 = arith.constant 0 : i32
    %dma_start3A_33 = arith.constant 0 : i32
    %dma_start3A_34 = tpu.memref_slice %arg3[%add3A, %dma_start3A_31, %dma_start3A_32, %dma_start3A_33] : memref<32x80x2x128xi32, #tpu.memory_space<hbm>> -> memref<1x8x2x128xi32, #tpu.memory_space<hbm>>
    %dma_start3A_35 = tpu.memref_squeeze %dma_start3A_34 : memref<1x8x2x128xi32, #tpu.memory_space<hbm>> -> memref<8x2x128xi32, #tpu.memory_space<hbm>>
    %dma_start3A_36 = arith.constant 8 : i32
    %dma_start3A_37 = arith.constant 0 : i32
    %dma_start3A_38 = arith.constant 0 : i32
    %dma_start3A_39 = tpu.memref_slice %arg3[%add3A, %dma_start3A_36, %dma_start3A_37, %dma_start3A_38] : memref<32x80x2x128xi32, #tpu.memory_space<hbm>> -> memref<1x8x2x128xi32, #tpu.memory_space<hbm>>
    %dma_start3A_40 = tpu.memref_squeeze %dma_start3A_39 : memref<1x8x2x128xi32, #tpu.memory_space<hbm>> -> memref<8x2x128xi32, #tpu.memory_space<hbm>>
    tpu.enqueue_dma source(%dma_start3A_40 : memref<8x2x128xi32, #tpu.memory_space<hbm>>) target(%arg7 : memref<8x2x128xi32, #tpu.memory_space<vmem>>) target_semaphore(%arg15 : memref<!tpu.dma_semaphore, #tpu.memory_space<semaphore_mem>>)
    %dma_wait3A_41 = arith.constant 0 : i32
    %dma_wait3A_42 = arith.constant 0 : i32
    %dma_wait3A_43 = arith.constant 0 : i32
    %dma_wait3A_44 = tpu.memref_slice %arg6[%dma_wait3A_41, %dma_wait3A_42, %dma_wait3A_43] : memref<8x2x128xi32, #tpu.memory_space<vmem>> -> memref<1x1x128xi32, #tpu.memory_space<vmem>>
    %dma_wait3A_45 = tpu.memref_squeeze %dma_wait3A_44 : memref<1x1x128xi32, #tpu.memory_space<vmem>> -> memref<128xi32, #tpu.memory_space<vmem>>
    %dma_wait3A_46 = arith.constant 0 : i32
    %dma_wait3A_47 = arith.constant 0 : i32
    %dma_wait3A_48 = tpu.memref_slice %arg2[%dma_wait3A_46, %dma_wait3A_47] : memref<10240x128xf32, #tpu.memory_space<hbm>> -> memref<10240x128xf32, #tpu.memory_space<hbm>>
    tpu.wait_indirect_dma semaphore(%arg10 : memref<!tpu.dma_semaphore, #tpu.memory_space<semaphore_mem>>) src(%dma_wait3A_48 : memref<10240x128xf32, #tpu.memory_space<hbm>>) dst(%arg8 : memref<128x128xf32, #tpu.memory_space<vmem>>)
    %dma_start3A_49 = arith.constant 1 : i32
    %dma_start3A_50 = arith.constant 0 : i32
    %dma_start3A_51 = arith.constant 0 : i32
    %dma_start3A_52 = tpu.memref_slice %arg6[%dma_start3A_49, %dma_start3A_50, %dma_start3A_51] : memref<8x2x128xi32, #tpu.memory_space<vmem>> -> memref<1x1x128xi32, #tpu.memory_space<vmem>>
    %dma_start3A_53 = tpu.memref_squeeze %dma_start3A_52 : memref<1x1x128xi32, #tpu.memory_space<vmem>> -> memref<128xi32, #tpu.memory_space<vmem>>
    %dma_start3A_54 = arith.constant 0 : i32
    %dma_start3A_55 = arith.constant 0 : i32
    %dma_start3A_56 = tpu.memref_slice %arg2[%dma_start3A_54, %dma_start3A_55] : memref<10240x128xf32, #tpu.memory_space<hbm>> -> memref<10240x128xf32, #tpu.memory_space<hbm>>
    tpu.enqueue_indirect_dma source(%dma_start3A_56 : memref<10240x128xf32, #tpu.memory_space<hbm>>) target(%arg9 : memref<128x128xf32, #tpu.memory_space<vmem>>) offsets(%dma_start3A_53 : memref<128xi32, #tpu.memory_space<vmem>>) semaphore(%arg11 : memref<!tpu.dma_semaphore, #tpu.memory_space<semaphore_mem>>)
    %run_scoped3A = arith.constant 0 : i32
    %run_scoped3A_57 = arith.constant 1 : i32
    "tpu.region"() ({
      %run_scoped3A_341 = tpu.sem_alloc : memref<!tpu.dma_semaphore, #tpu.memory_space<semaphore_mem>>
      %dma_start3A_342 = arith.constant 0 : i32
      %dma_start3A_343 = tpu.memref_slice %arg6[%run_scoped3A, %run_scoped3A_57, %dma_start3A_342] : memref<8x2x128xi32, #tpu.memory_space<vmem>> -> memref<1x1x128xi32, #tpu.memory_space<vmem>>
      %dma_start3A_344 = tpu.memref_squeeze %dma_start3A_343 : memref<1x1x128xi32, #tpu.memory_space<vmem>> -> memref<128xi32, #tpu.memory_space<vmem>>
      %dma_start3A_345 = arith.constant 0 : i32
      %dma_start3A_346 = arith.constant 0 : i32
      %dma_start3A_347 = tpu.memref_slice %arg16[%dma_start3A_345, %dma_start3A_346] : memref<10240x128xf32, #tpu.memory_space<vmem_shared>> -> memref<10240x128xf32, #tpu.memory_space<vmem_shared>>
      tpu.enqueue_indirect_dma source(%arg8 : memref<128x128xf32, #tpu.memory_space<vmem>>) target(%dma_start3A_347 : memref<10240x128xf32, #tpu.memory_space<vmem_shared>>) offsets(%dma_start3A_344 : memref<128xi32, #tpu.memory_space<vmem>>) semaphore(%run_scoped3A_341 : memref<!tpu.dma_semaphore, #tpu.memory_space<semaphore_mem>>) {add = true}
      %dma_wait3A_348 = arith.constant 0 : i32
      %dma_wait3A_349 = tpu.memref_slice %arg6[%run_scoped3A, %run_scoped3A_57, %dma_wait3A_348] : memref<8x2x128xi32, #tpu.memory_space<vmem>> -> memref<1x1x128xi32, #tpu.memory_space<vmem>>
      %dma_wait3A_350 = tpu.memref_squeeze %dma_wait3A_349 : memref<1x1x128xi32, #tpu.memory_space<vmem>> -> memref<128xi32, #tpu.memory_space<vmem>>
      %dma_wait3A_351 = arith.constant 0 : i32
      %dma_wait3A_352 = arith.constant 0 : i32
      %dma_wait3A_353 = tpu.memref_slice %arg16[%dma_wait3A_351, %dma_wait3A_352] : memref<10240x128xf32, #tpu.memory_space<vmem_shared>> -> memref<10240x128xf32, #tpu.memory_space<vmem_shared>>
      tpu.wait_indirect_dma semaphore(%run_scoped3A_341 : memref<!tpu.dma_semaphore, #tpu.memory_space<semaphore_mem>>) src(%arg8 : memref<128x128xf32, #tpu.memory_space<vmem>>) dst(%dma_wait3A_353 : memref<10240x128xf32, #tpu.memory_space<vmem_shared>>)
      tpu.yield
    }) : () -> ()
    %dma_wait3A_58 = arith.constant 1 : i32
    %dma_wait3A_59 = arith.constant 0 : i32
    %dma_wait3A_60 = arith.constant 0 : i32
    %dma_wait3A_61 = tpu.memref_slice %arg6[%dma_wait3A_58, %dma_wait3A_59, %dma_wait3A_60] : memref<8x2x128xi32, #tpu.memory_space<vmem>> -> memref<1x1x128xi32, #tpu.memory_space<vmem>>
    %dma_wait3A_62 = tpu.memref_squeeze %dma_wait3A_61 : memref<1x1x128xi32, #tpu.memory_space<vmem>> -> memref<128xi32, #tpu.memory_space<vmem>>
    %dma_wait3A_63 = arith.constant 0 : i32
    %dma_wait3A_64 = arith.constant 0 : i32
    %dma_wait3A_65 = tpu.memref_slice %arg2[%dma_wait3A_63, %dma_wait3A_64] : memref<10240x128xf32, #tpu.memory_space<hbm>> -> memref<10240x128xf32, #tpu.memory_space<hbm>>
    tpu.wait_indirect_dma semaphore(%arg11 : memref<!tpu.dma_semaphore, #tpu.memory_space<semaphore_mem>>) src(%dma_wait3A_65 : memref<10240x128xf32, #tpu.memory_space<hbm>>) dst(%arg9 : memref<128x128xf32, #tpu.memory_space<vmem>>)
    %dma_start3A_66 = arith.constant 2 : i32
    %dma_start3A_67 = arith.constant 0 : i32
    %dma_start3A_68 = arith.constant 0 : i32
    %dma_start3A_69 = tpu.memref_slice %arg6[%dma_start3A_66, %dma_start3A_67, %dma_start3A_68] : memref<8x2x128xi32, #tpu.memory_space<vmem>> -> memref<1x1x128xi32, #tpu.memory_space<vmem>>
    %dma_start3A_70 = tpu.memref_squeeze %dma_start3A_69 : memref<1x1x128xi32, #tpu.memory_space<vmem>> -> memref<128xi32, #tpu.memory_space<vmem>>
    %dma_start3A_71 = arith.constant 0 : i32
    %dma_start3A_72 = arith.constant 0 : i32
    %dma_start3A_73 = tpu.memref_slice %arg2[%dma_start3A_71, %dma_start3A_72] : memref<10240x128xf32, #tpu.memory_space<hbm>> -> memref<10240x128xf32, #tpu.memory_space<hbm>>
    tpu.enqueue_indirect_dma source(%dma_start3A_73 : memref<10240x128xf32, #tpu.memory_space<hbm>>) target(%arg8 : memref<128x128xf32, #tpu.memory_space<vmem>>) offsets(%dma_start3A_70 : memref<128xi32, #tpu.memory_space<vmem>>) semaphore(%arg10 : memref<!tpu.dma_semaphore, #tpu.memory_space<semaphore_mem>>)
    %run_scoped3A_74 = arith.constant 1 : i32
    %run_scoped3A_75 = arith.constant 1 : i32
    "tpu.region"() ({
      %run_scoped3A_341 = tpu.sem_alloc : memref<!tpu.dma_semaphore, #tpu.memory_space<semaphore_mem>>
      %dma_start3A_342 = arith.constant 0 : i32
      %dma_start3A_343 = tpu.memref_slice %arg6[%run_scoped3A_74, %run_scoped3A_75, %dma_start3A_342] : memref<8x2x128xi32, #tpu.memory_space<vmem>> -> memref<1x1x128xi32, #tpu.memory_space<vmem>>
      %dma_start3A_344 = tpu.memref_squeeze %dma_start3A_343 : memref<1x1x128xi32, #tpu.memory_space<vmem>> -> memref<128xi32, #tpu.memory_space<vmem>>
      %dma_start3A_345 = arith.constant 0 : i32
      %dma_start3A_346 = arith.constant 0 : i32
      %dma_start3A_347 = tpu.memref_slice %arg16[%dma_start3A_345, %dma_start3A_346] : memref<10240x128xf32, #tpu.memory_space<vmem_shared>> -> memref<10240x128xf32, #tpu.memory_space<vmem_shared>>
      tpu.enqueue_indirect_dma source(%arg9 : memref<128x128xf32, #tpu.memory_space<vmem>>) target(%dma_start3A_347 : memref<10240x128xf32, #tpu.memory_space<vmem_shared>>) offsets(%dma_start3A_344 : memref<128xi32, #tpu.memory_space<vmem>>) semaphore(%run_scoped3A_341 : memref<!tpu.dma_semaphore, #tpu.memory_space<semaphore_mem>>) {add = true}
      %dma_wait3A_348 = arith.constant 0 : i32
      %dma_wait3A_349 = tpu.memref_slice %arg6[%run_scoped3A_74, %run_scoped3A_75, %dma_wait3A_348] : memref<8x2x128xi32, #tpu.memory_space<vmem>> -> memref<1x1x128xi32, #tpu.memory_space<vmem>>
      %dma_wait3A_350 = tpu.memref_squeeze %dma_wait3A_349 : memref<1x1x128xi32, #tpu.memory_space<vmem>> -> memref<128xi32, #tpu.memory_space<vmem>>
      %dma_wait3A_351 = arith.constant 0 : i32
      %dma_wait3A_352 = arith.constant 0 : i32
      %dma_wait3A_353 = tpu.memref_slice %arg16[%dma_wait3A_351, %dma_wait3A_352] : memref<10240x128xf32, #tpu.memory_space<vmem_shared>> -> memref<10240x128xf32, #tpu.memory_space<vmem_shared>>
      tpu.wait_indirect_dma semaphore(%run_scoped3A_341 : memref<!tpu.dma_semaphore, #tpu.memory_space<semaphore_mem>>) src(%arg9 : memref<128x128xf32, #tpu.memory_space<vmem>>) dst(%dma_wait3A_353 : memref<10240x128xf32, #tpu.memory_space<vmem_shared>>)
      tpu.yield
    }) : () -> ()
    %dma_wait3A_76 = arith.constant 2 : i32
    %dma_wait3A_77 = arith.constant 0 : i32
    %dma_wait3A_78 = arith.constant 0 : i32
    %dma_wait3A_79 = tpu.memref_slice %arg6[%dma_wait3A_76, %dma_wait3A_77, %dma_wait3A_78] : memref<8x2x128xi32, #tpu.memory_space<vmem>> -> memref<1x1x128xi32, #tpu.memory_space<vmem>>
    %dma_wait3A_80 = tpu.memref_squeeze %dma_wait3A_79 : memref<1x1x128xi32, #tpu.memory_space<vmem>> -> memref<128xi32, #tpu.memory_space<vmem>>
    %dma_wait3A_81 = arith.constant 0 : i32
    %dma_wait3A_82 = arith.constant 0 : i32
    %dma_wait3A_83 = tpu.memref_slice %arg2[%dma_wait3A_81, %dma_wait3A_82] : memref<10240x128xf32, #tpu.memory_space<hbm>> -> memref<10240x128xf32, #tpu.memory_space<hbm>>
    tpu.wait_indirect_dma semaphore(%arg10 : memref<!tpu.dma_semaphore, #tpu.memory_space<semaphore_mem>>) src(%dma_wait3A_83 : memref<10240x128xf32, #tpu.memory_space<hbm>>) dst(%arg8 : memref<128x128xf32, #tpu.memory_space<vmem>>)
    %dma_start3A_84 = arith.constant 3 : i32
    %dma_start3A_85 = arith.constant 0 : i32
    %dma_start3A_86 = arith.constant 0 : i32
    %dma_start3A_87 = tpu.memref_slice %arg6[%dma_start3A_84, %dma_start3A_85, %dma_start3A_86] : memref<8x2x128xi32, #tpu.memory_space<vmem>> -> memref<1x1x128xi32, #tpu.memory_space<vmem>>
    %dma_start3A_88 = tpu.memref_squeeze %dma_start3A_87 : memref<1x1x128xi32, #tpu.memory_space<vmem>> -> memref<128xi32, #tpu.memory_space<vmem>>
    %dma_start3A_89 = arith.constant 0 : i32
    %dma_start3A_90 = arith.constant 0 : i32
    %dma_start3A_91 = tpu.memref_slice %arg2[%dma_start3A_89, %dma_start3A_90] : memref<10240x128xf32, #tpu.memory_space<hbm>> -> memref<10240x128xf32, #tpu.memory_space<hbm>>
    tpu.enqueue_indirect_dma source(%dma_start3A_91 : memref<10240x128xf32, #tpu.memory_space<hbm>>) target(%arg9 : memref<128x128xf32, #tpu.memory_space<vmem>>) offsets(%dma_start3A_88 : memref<128xi32, #tpu.memory_space<vmem>>) semaphore(%arg11 : memref<!tpu.dma_semaphore, #tpu.memory_space<semaphore_mem>>)
    %run_scoped3A_92 = arith.constant 2 : i32
    %run_scoped3A_93 = arith.constant 1 : i32
    "tpu.region"() ({
      %run_scoped3A_341 = tpu.sem_alloc : memref<!tpu.dma_semaphore, #tpu.memory_space<semaphore_mem>>
      %dma_start3A_342 = arith.constant 0 : i32
      %dma_start3A_343 = tpu.memref_slice %arg6[%run_scoped3A_92, %run_scoped3A_93, %dma_start3A_342] : memref<8x2x128xi32, #tpu.memory_space<vmem>> -> memref<1x1x128xi32, #tpu.memory_space<vmem>>
      %dma_start3A_344 = tpu.memref_squeeze %dma_start3A_343 : memref<1x1x128xi32, #tpu.memory_space<vmem>> -> memref<128xi32, #tpu.memory_space<vmem>>
      %dma_start3A_345 = arith.constant 0 : i32
      %dma_start3A_346 = arith.constant 0 : i32
      %dma_start3A_347 = tpu.memref_slice %arg16[%dma_start3A_345, %dma_start3A_346] : memref<10240x128xf32, #tpu.memory_space<vmem_shared>> -> memref<10240x128xf32, #tpu.memory_space<vmem_shared>>
      tpu.enqueue_indirect_dma source(%arg8 : memref<128x128xf32, #tpu.memory_space<vmem>>) target(%dma_start3A_347 : memref<10240x128xf32, #tpu.memory_space<vmem_shared>>) offsets(%dma_start3A_344 : memref<128xi32, #tpu.memory_space<vmem>>) semaphore(%run_scoped3A_341 : memref<!tpu.dma_semaphore, #tpu.memory_space<semaphore_mem>>) {add = true}
      %dma_wait3A_348 = arith.constant 0 : i32
      %dma_wait3A_349 = tpu.memref_slice %arg6[%run_scoped3A_92, %run_scoped3A_93, %dma_wait3A_348] : memref<8x2x128xi32, #tpu.memory_space<vmem>> -> memref<1x1x128xi32, #tpu.memory_space<vmem>>
      %dma_wait3A_350 = tpu.memref_squeeze %dma_wait3A_349 : memref<1x1x128xi32, #tpu.memory_space<vmem>> -> memref<128xi32, #tpu.memory_space<vmem>>
      %dma_wait3A_351 = arith.constant 0 : i32
      %dma_wait3A_352 = arith.constant 0 : i32
      %dma_wait3A_353 = tpu.memref_slice %arg16[%dma_wait3A_351, %dma_wait3A_352] : memref<10240x128xf32, #tpu.memory_space<vmem_shared>> -> memref<10240x128xf32, #tpu.memory_space<vmem_shared>>
      tpu.wait_indirect_dma semaphore(%run_scoped3A_341 : memref<!tpu.dma_semaphore, #tpu.memory_space<semaphore_mem>>) src(%arg8 : memref<128x128xf32, #tpu.memory_space<vmem>>) dst(%dma_wait3A_353 : memref<10240x128xf32, #tpu.memory_space<vmem_shared>>)
      tpu.yield
    }) : () -> ()
    %dma_wait3A_94 = arith.constant 3 : i32
    %dma_wait3A_95 = arith.constant 0 : i32
    %dma_wait3A_96 = arith.constant 0 : i32
    %dma_wait3A_97 = tpu.memref_slice %arg6[%dma_wait3A_94, %dma_wait3A_95, %dma_wait3A_96] : memref<8x2x128xi32, #tpu.memory_space<vmem>> -> memref<1x1x128xi32, #tpu.memory_space<vmem>>
    %dma_wait3A_98 = tpu.memref_squeeze %dma_wait3A_97 : memref<1x1x128xi32, #tpu.memory_space<vmem>> -> memref<128xi32, #tpu.memory_space<vmem>>
    %dma_wait3A_99 = arith.constant 0 : i32
    %dma_wait3A_100 = arith.constant 0 : i32
    %dma_wait3A_101 = tpu.memref_slice %arg2[%dma_wait3A_99, %dma_wait3A_100] : memref<10240x128xf32, #tpu.memory_space<hbm>> -> memref<10240x128xf32, #tpu.memory_space<hbm>>
    tpu.wait_indirect_dma semaphore(%arg11 : memref<!tpu.dma_semaphore, #tpu.memory_space<semaphore_mem>>) src(%dma_wait3A_101 : memref<10240x128xf32, #tpu.memory_space<hbm>>) dst(%arg9 : memref<128x128xf32, #tpu.memory_space<vmem>>)
    %dma_start3A_102 = arith.constant 4 : i32
    %dma_start3A_103 = arith.constant 0 : i32
    %dma_start3A_104 = arith.constant 0 : i32
    %dma_start3A_105 = tpu.memref_slice %arg6[%dma_start3A_102, %dma_start3A_103, %dma_start3A_104] : memref<8x2x128xi32, #tpu.memory_space<vmem>> -> memref<1x1x128xi32, #tpu.memory_space<vmem>>
    %dma_start3A_106 = tpu.memref_squeeze %dma_start3A_105 : memref<1x1x128xi32, #tpu.memory_space<vmem>> -> memref<128xi32, #tpu.memory_space<vmem>>
    %dma_start3A_107 = arith.constant 0 : i32
    %dma_start3A_108 = arith.constant 0 : i32
    %dma_start3A_109 = tpu.memref_slice %arg2[%dma_start3A_107, %dma_start3A_108] : memref<10240x128xf32, #tpu.memory_space<hbm>> -> memref<10240x128xf32, #tpu.memory_space<hbm>>
    tpu.enqueue_indirect_dma source(%dma_start3A_109 : memref<10240x128xf32, #tpu.memory_space<hbm>>) target(%arg8 : memref<128x128xf32, #tpu.memory_space<vmem>>) offsets(%dma_start3A_106 : memref<128xi32, #tpu.memory_space<vmem>>) semaphore(%arg10 : memref<!tpu.dma_semaphore, #tpu.memory_space<semaphore_mem>>)
    %run_scoped3A_110 = arith.constant 3 : i32
    %run_scoped3A_111 = arith.constant 1 : i32
    "tpu.region"() ({
      %run_scoped3A_341 = tpu.sem_alloc : memref<!tpu.dma_semaphore, #tpu.memory_space<semaphore_mem>>
      %dma_start3A_342 = arith.constant 0 : i32
      %dma_start3A_343 = tpu.memref_slice %arg6[%run_scoped3A_110, %run_scoped3A_111, %dma_start3A_342] : memref<8x2x128xi32, #tpu.memory_space<vmem>> -> memref<1x1x128xi32, #tpu.memory_space<vmem>>
      %dma_start3A_344 = tpu.memref_squeeze %dma_start3A_343 : memref<1x1x128xi32, #tpu.memory_space<vmem>> -> memref<128xi32, #tpu.memory_space<vmem>>
      %dma_start3A_345 = arith.constant 0 : i32
      %dma_start3A_346 = arith.constant 0 : i32
      %dma_start3A_347 = tpu.memref_slice %arg16[%dma_start3A_345, %dma_start3A_346] : memref<10240x128xf32, #tpu.memory_space<vmem_shared>> -> memref<10240x128xf32, #tpu.memory_space<vmem_shared>>
      tpu.enqueue_indirect_dma source(%arg9 : memref<128x128xf32, #tpu.memory_space<vmem>>) target(%dma_start3A_347 : memref<10240x128xf32, #tpu.memory_space<vmem_shared>>) offsets(%dma_start3A_344 : memref<128xi32, #tpu.memory_space<vmem>>) semaphore(%run_scoped3A_341 : memref<!tpu.dma_semaphore, #tpu.memory_space<semaphore_mem>>) {add = true}
      %dma_wait3A_348 = arith.constant 0 : i32
      %dma_wait3A_349 = tpu.memref_slice %arg6[%run_scoped3A_110, %run_scoped3A_111, %dma_wait3A_348] : memref<8x2x128xi32, #tpu.memory_space<vmem>> -> memref<1x1x128xi32, #tpu.memory_space<vmem>>
      %dma_wait3A_350 = tpu.memref_squeeze %dma_wait3A_349 : memref<1x1x128xi32, #tpu.memory_space<vmem>> -> memref<128xi32, #tpu.memory_space<vmem>>
      %dma_wait3A_351 = arith.constant 0 : i32
      %dma_wait3A_352 = arith.constant 0 : i32
      %dma_wait3A_353 = tpu.memref_slice %arg16[%dma_wait3A_351, %dma_wait3A_352] : memref<10240x128xf32, #tpu.memory_space<vmem_shared>> -> memref<10240x128xf32, #tpu.memory_space<vmem_shared>>
      tpu.wait_indirect_dma semaphore(%run_scoped3A_341 : memref<!tpu.dma_semaphore, #tpu.memory_space<semaphore_mem>>) src(%arg9 : memref<128x128xf32, #tpu.memory_space<vmem>>) dst(%dma_wait3A_353 : memref<10240x128xf32, #tpu.memory_space<vmem_shared>>)
      tpu.yield
    }) : () -> ()
    %dma_wait3A_112 = arith.constant 4 : i32
    %dma_wait3A_113 = arith.constant 0 : i32
    %dma_wait3A_114 = arith.constant 0 : i32
    %dma_wait3A_115 = tpu.memref_slice %arg6[%dma_wait3A_112, %dma_wait3A_113, %dma_wait3A_114] : memref<8x2x128xi32, #tpu.memory_space<vmem>> -> memref<1x1x128xi32, #tpu.memory_space<vmem>>
    %dma_wait3A_116 = tpu.memref_squeeze %dma_wait3A_115 : memref<1x1x128xi32, #tpu.memory_space<vmem>> -> memref<128xi32, #tpu.memory_space<vmem>>
    %dma_wait3A_117 = arith.constant 0 : i32
    %dma_wait3A_118 = arith.constant 0 : i32
    %dma_wait3A_119 = tpu.memref_slice %arg2[%dma_wait3A_117, %dma_wait3A_118] : memref<10240x128xf32, #tpu.memory_space<hbm>> -> memref<10240x128xf32, #tpu.memory_space<hbm>>
    tpu.wait_indirect_dma semaphore(%arg10 : memref<!tpu.dma_semaphore, #tpu.memory_space<semaphore_mem>>) src(%dma_wait3A_119 : memref<10240x128xf32, #tpu.memory_space<hbm>>) dst(%arg8 : memref<128x128xf32, #tpu.memory_space<vmem>>)
    %dma_start3A_120 = arith.constant 5 : i32
    %dma_start3A_121 = arith.constant 0 : i32
    %dma_start3A_122 = arith.constant 0 : i32
    %dma_start3A_123 = tpu.memref_slice %arg6[%dma_start3A_120, %dma_start3A_121, %dma_start3A_122] : memref<8x2x128xi32, #tpu.memory_space<vmem>> -> memref<1x1x128xi32, #tpu.memory_space<vmem>>
    %dma_start3A_124 = tpu.memref_squeeze %dma_start3A_123 : memref<1x1x128xi32, #tpu.memory_space<vmem>> -> memref<128xi32, #tpu.memory_space<vmem>>
    %dma_start3A_125 = arith.constant 0 : i32
    %dma_start3A_126 = arith.constant 0 : i32
    %dma_start3A_127 = tpu.memref_slice %arg2[%dma_start3A_125, %dma_start3A_126] : memref<10240x128xf32, #tpu.memory_space<hbm>> -> memref<10240x128xf32, #tpu.memory_space<hbm>>
    tpu.enqueue_indirect_dma source(%dma_start3A_127 : memref<10240x128xf32, #tpu.memory_space<hbm>>) target(%arg9 : memref<128x128xf32, #tpu.memory_space<vmem>>) offsets(%dma_start3A_124 : memref<128xi32, #tpu.memory_space<vmem>>) semaphore(%arg11 : memref<!tpu.dma_semaphore, #tpu.memory_space<semaphore_mem>>)
    %run_scoped3A_128 = arith.constant 4 : i32
    %run_scoped3A_129 = arith.constant 1 : i32
    "tpu.region"() ({
      %run_scoped3A_341 = tpu.sem_alloc : memref<!tpu.dma_semaphore, #tpu.memory_space<semaphore_mem>>
      %dma_start3A_342 = arith.constant 0 : i32
      %dma_start3A_343 = tpu.memref_slice %arg6[%run_scoped3A_128, %run_scoped3A_129, %dma_start3A_342] : memref<8x2x128xi32, #tpu.memory_space<vmem>> -> memref<1x1x128xi32, #tpu.memory_space<vmem>>
      %dma_start3A_344 = tpu.memref_squeeze %dma_start3A_343 : memref<1x1x128xi32, #tpu.memory_space<vmem>> -> memref<128xi32, #tpu.memory_space<vmem>>
      %dma_start3A_345 = arith.constant 0 : i32
      %dma_start3A_346 = arith.constant 0 : i32
      %dma_start3A_347 = tpu.memref_slice %arg16[%dma_start3A_345, %dma_start3A_346] : memref<10240x128xf32, #tpu.memory_space<vmem_shared>> -> memref<10240x128xf32, #tpu.memory_space<vmem_shared>>
      tpu.enqueue_indirect_dma source(%arg8 : memref<128x128xf32, #tpu.memory_space<vmem>>) target(%dma_start3A_347 : memref<10240x128xf32, #tpu.memory_space<vmem_shared>>) offsets(%dma_start3A_344 : memref<128xi32, #tpu.memory_space<vmem>>) semaphore(%run_scoped3A_341 : memref<!tpu.dma_semaphore, #tpu.memory_space<semaphore_mem>>) {add = true}
      %dma_wait3A_348 = arith.constant 0 : i32
      %dma_wait3A_349 = tpu.memref_slice %arg6[%run_scoped3A_128, %run_scoped3A_129, %dma_wait3A_348] : memref<8x2x128xi32, #tpu.memory_space<vmem>> -> memref<1x1x128xi32, #tpu.memory_space<vmem>>
      %dma_wait3A_350 = tpu.memref_squeeze %dma_wait3A_349 : memref<1x1x128xi32, #tpu.memory_space<vmem>> -> memref<128xi32, #tpu.memory_space<vmem>>
      %dma_wait3A_351 = arith.constant 0 : i32
      %dma_wait3A_352 = arith.constant 0 : i32
      %dma_wait3A_353 = tpu.memref_slice %arg16[%dma_wait3A_351, %dma_wait3A_352] : memref<10240x128xf32, #tpu.memory_space<vmem_shared>> -> memref<10240x128xf32, #tpu.memory_space<vmem_shared>>
      tpu.wait_indirect_dma semaphore(%run_scoped3A_341 : memref<!tpu.dma_semaphore, #tpu.memory_space<semaphore_mem>>) src(%arg8 : memref<128x128xf32, #tpu.memory_space<vmem>>) dst(%dma_wait3A_353 : memref<10240x128xf32, #tpu.memory_space<vmem_shared>>)
      tpu.yield
    }) : () -> ()
    %dma_wait3A_130 = arith.constant 5 : i32
    %dma_wait3A_131 = arith.constant 0 : i32
    %dma_wait3A_132 = arith.constant 0 : i32
    %dma_wait3A_133 = tpu.memref_slice %arg6[%dma_wait3A_130, %dma_wait3A_131, %dma_wait3A_132] : memref<8x2x128xi32, #tpu.memory_space<vmem>> -> memref<1x1x128xi32, #tpu.memory_space<vmem>>
    %dma_wait3A_134 = tpu.memref_squeeze %dma_wait3A_133 : memref<1x1x128xi32, #tpu.memory_space<vmem>> -> memref<128xi32, #tpu.memory_space<vmem>>
    %dma_wait3A_135 = arith.constant 0 : i32
    %dma_wait3A_136 = arith.constant 0 : i32
    %dma_wait3A_137 = tpu.memref_slice %arg2[%dma_wait3A_135, %dma_wait3A_136] : memref<10240x128xf32, #tpu.memory_space<hbm>> -> memref<10240x128xf32, #tpu.memory_space<hbm>>
    tpu.wait_indirect_dma semaphore(%arg11 : memref<!tpu.dma_semaphore, #tpu.memory_space<semaphore_mem>>) src(%dma_wait3A_137 : memref<10240x128xf32, #tpu.memory_space<hbm>>) dst(%arg9 : memref<128x128xf32, #tpu.memory_space<vmem>>)
    %dma_start3A_138 = arith.constant 6 : i32
    %dma_start3A_139 = arith.constant 0 : i32
    %dma_start3A_140 = arith.constant 0 : i32
    %dma_start3A_141 = tpu.memref_slice %arg6[%dma_start3A_138, %dma_start3A_139, %dma_start3A_140] : memref<8x2x128xi32, #tpu.memory_space<vmem>> -> memref<1x1x128xi32, #tpu.memory_space<vmem>>
    %dma_start3A_142 = tpu.memref_squeeze %dma_start3A_141 : memref<1x1x128xi32, #tpu.memory_space<vmem>> -> memref<128xi32, #tpu.memory_space<vmem>>
    %dma_start3A_143 = arith.constant 0 : i32
    %dma_start3A_144 = arith.constant 0 : i32
    %dma_start3A_145 = tpu.memref_slice %arg2[%dma_start3A_143, %dma_start3A_144] : memref<10240x128xf32, #tpu.memory_space<hbm>> -> memref<10240x128xf32, #tpu.memory_space<hbm>>
    tpu.enqueue_indirect_dma source(%dma_start3A_145 : memref<10240x128xf32, #tpu.memory_space<hbm>>) target(%arg8 : memref<128x128xf32, #tpu.memory_space<vmem>>) offsets(%dma_start3A_142 : memref<128xi32, #tpu.memory_space<vmem>>) semaphore(%arg10 : memref<!tpu.dma_semaphore, #tpu.memory_space<semaphore_mem>>)
    %run_scoped3A_146 = arith.constant 5 : i32
    %run_scoped3A_147 = arith.constant 1 : i32
    "tpu.region"() ({
      %run_scoped3A_341 = tpu.sem_alloc : memref<!tpu.dma_semaphore, #tpu.memory_space<semaphore_mem>>
      %dma_start3A_342 = arith.constant 0 : i32
      %dma_start3A_343 = tpu.memref_slice %arg6[%run_scoped3A_146, %run_scoped3A_147, %dma_start3A_342] : memref<8x2x128xi32, #tpu.memory_space<vmem>> -> memref<1x1x128xi32, #tpu.memory_space<vmem>>
      %dma_start3A_344 = tpu.memref_squeeze %dma_start3A_343 : memref<1x1x128xi32, #tpu.memory_space<vmem>> -> memref<128xi32, #tpu.memory_space<vmem>>
      %dma_start3A_345 = arith.constant 0 : i32
      %dma_start3A_346 = arith.constant 0 : i32
      %dma_start3A_347 = tpu.memref_slice %arg16[%dma_start3A_345, %dma_start3A_346] : memref<10240x128xf32, #tpu.memory_space<vmem_shared>> -> memref<10240x128xf32, #tpu.memory_space<vmem_shared>>
      tpu.enqueue_indirect_dma source(%arg9 : memref<128x128xf32, #tpu.memory_space<vmem>>) target(%dma_start3A_347 : memref<10240x128xf32, #tpu.memory_space<vmem_shared>>) offsets(%dma_start3A_344 : memref<128xi32, #tpu.memory_space<vmem>>) semaphore(%run_scoped3A_341 : memref<!tpu.dma_semaphore, #tpu.memory_space<semaphore_mem>>) {add = true}
      %dma_wait3A_348 = arith.constant 0 : i32
      %dma_wait3A_349 = tpu.memref_slice %arg6[%run_scoped3A_146, %run_scoped3A_147, %dma_wait3A_348] : memref<8x2x128xi32, #tpu.memory_space<vmem>> -> memref<1x1x128xi32, #tpu.memory_space<vmem>>
      %dma_wait3A_350 = tpu.memref_squeeze %dma_wait3A_349 : memref<1x1x128xi32, #tpu.memory_space<vmem>> -> memref<128xi32, #tpu.memory_space<vmem>>
      %dma_wait3A_351 = arith.constant 0 : i32
      %dma_wait3A_352 = arith.constant 0 : i32
      %dma_wait3A_353 = tpu.memref_slice %arg16[%dma_wait3A_351, %dma_wait3A_352] : memref<10240x128xf32, #tpu.memory_space<vmem_shared>> -> memref<10240x128xf32, #tpu.memory_space<vmem_shared>>
      tpu.wait_indirect_dma semaphore(%run_scoped3A_341 : memref<!tpu.dma_semaphore, #tpu.memory_space<semaphore_mem>>) src(%arg9 : memref<128x128xf32, #tpu.memory_space<vmem>>) dst(%dma_wait3A_353 : memref<10240x128xf32, #tpu.memory_space<vmem_shared>>)
      tpu.yield
    }) : () -> ()
    %dma_wait3A_148 = arith.constant 6 : i32
    %dma_wait3A_149 = arith.constant 0 : i32
    %dma_wait3A_150 = arith.constant 0 : i32
    %dma_wait3A_151 = tpu.memref_slice %arg6[%dma_wait3A_148, %dma_wait3A_149, %dma_wait3A_150] : memref<8x2x128xi32, #tpu.memory_space<vmem>> -> memref<1x1x128xi32, #tpu.memory_space<vmem>>
    %dma_wait3A_152 = tpu.memref_squeeze %dma_wait3A_151 : memref<1x1x128xi32, #tpu.memory_space<vmem>> -> memref<128xi32, #tpu.memory_space<vmem>>
    %dma_wait3A_153 = arith.constant 0 : i32
    %dma_wait3A_154 = arith.constant 0 : i32
    %dma_wait3A_155 = tpu.memref_slice %arg2[%dma_wait3A_153, %dma_wait3A_154] : memref<10240x128xf32, #tpu.memory_space<hbm>> -> memref<10240x128xf32, #tpu.memory_space<hbm>>
    tpu.wait_indirect_dma semaphore(%arg10 : memref<!tpu.dma_semaphore, #tpu.memory_space<semaphore_mem>>) src(%dma_wait3A_155 : memref<10240x128xf32, #tpu.memory_space<hbm>>) dst(%arg8 : memref<128x128xf32, #tpu.memory_space<vmem>>)
    %dma_start3A_156 = arith.constant 7 : i32
    %dma_start3A_157 = arith.constant 0 : i32
    %dma_start3A_158 = arith.constant 0 : i32
    %dma_start3A_159 = tpu.memref_slice %arg6[%dma_start3A_156, %dma_start3A_157, %dma_start3A_158] : memref<8x2x128xi32, #tpu.memory_space<vmem>> -> memref<1x1x128xi32, #tpu.memory_space<vmem>>
    %dma_start3A_160 = tpu.memref_squeeze %dma_start3A_159 : memref<1x1x128xi32, #tpu.memory_space<vmem>> -> memref<128xi32, #tpu.memory_space<vmem>>
    %dma_start3A_161 = arith.constant 0 : i32
    %dma_start3A_162 = arith.constant 0 : i32
    %dma_start3A_163 = tpu.memref_slice %arg2[%dma_start3A_161, %dma_start3A_162] : memref<10240x128xf32, #tpu.memory_space<hbm>> -> memref<10240x128xf32, #tpu.memory_space<hbm>>
    tpu.enqueue_indirect_dma source(%dma_start3A_163 : memref<10240x128xf32, #tpu.memory_space<hbm>>) target(%arg9 : memref<128x128xf32, #tpu.memory_space<vmem>>) offsets(%dma_start3A_160 : memref<128xi32, #tpu.memory_space<vmem>>) semaphore(%arg11 : memref<!tpu.dma_semaphore, #tpu.memory_space<semaphore_mem>>)
    %run_scoped3A_164 = arith.constant 6 : i32
    %run_scoped3A_165 = arith.constant 1 : i32
    "tpu.region"() ({
      %run_scoped3A_341 = tpu.sem_alloc : memref<!tpu.dma_semaphore, #tpu.memory_space<semaphore_mem>>
      %dma_start3A_342 = arith.constant 0 : i32
      %dma_start3A_343 = tpu.memref_slice %arg6[%run_scoped3A_164, %run_scoped3A_165, %dma_start3A_342] : memref<8x2x128xi32, #tpu.memory_space<vmem>> -> memref<1x1x128xi32, #tpu.memory_space<vmem>>
      %dma_start3A_344 = tpu.memref_squeeze %dma_start3A_343 : memref<1x1x128xi32, #tpu.memory_space<vmem>> -> memref<128xi32, #tpu.memory_space<vmem>>
      %dma_start3A_345 = arith.constant 0 : i32
      %dma_start3A_346 = arith.constant 0 : i32
      %dma_start3A_347 = tpu.memref_slice %arg16[%dma_start3A_345, %dma_start3A_346] : memref<10240x128xf32, #tpu.memory_space<vmem_shared>> -> memref<10240x128xf32, #tpu.memory_space<vmem_shared>>
      tpu.enqueue_indirect_dma source(%arg8 : memref<128x128xf32, #tpu.memory_space<vmem>>) target(%dma_start3A_347 : memref<10240x128xf32, #tpu.memory_space<vmem_shared>>) offsets(%dma_start3A_344 : memref<128xi32, #tpu.memory_space<vmem>>) semaphore(%run_scoped3A_341 : memref<!tpu.dma_semaphore, #tpu.memory_space<semaphore_mem>>) {add = true}
      %dma_wait3A_348 = arith.constant 0 : i32
      %dma_wait3A_349 = tpu.memref_slice %arg6[%run_scoped3A_164, %run_scoped3A_165, %dma_wait3A_348] : memref<8x2x128xi32, #tpu.memory_space<vmem>> -> memref<1x1x128xi32, #tpu.memory_space<vmem>>
      %dma_wait3A_350 = tpu.memref_squeeze %dma_wait3A_349 : memref<1x1x128xi32, #tpu.memory_space<vmem>> -> memref<128xi32, #tpu.memory_space<vmem>>
      %dma_wait3A_351 = arith.constant 0 : i32
      %dma_wait3A_352 = arith.constant 0 : i32
      %dma_wait3A_353 = tpu.memref_slice %arg16[%dma_wait3A_351, %dma_wait3A_352] : memref<10240x128xf32, #tpu.memory_space<vmem_shared>> -> memref<10240x128xf32, #tpu.memory_space<vmem_shared>>
      tpu.wait_indirect_dma semaphore(%run_scoped3A_341 : memref<!tpu.dma_semaphore, #tpu.memory_space<semaphore_mem>>) src(%arg8 : memref<128x128xf32, #tpu.memory_space<vmem>>) dst(%dma_wait3A_353 : memref<10240x128xf32, #tpu.memory_space<vmem_shared>>)
      tpu.yield
    }) : () -> ()
    %dma_wait3A_166 = arith.constant 7 : i32
    %dma_wait3A_167 = arith.constant 0 : i32
    %dma_wait3A_168 = arith.constant 0 : i32
    %dma_wait3A_169 = tpu.memref_slice %arg6[%dma_wait3A_166, %dma_wait3A_167, %dma_wait3A_168] : memref<8x2x128xi32, #tpu.memory_space<vmem>> -> memref<1x1x128xi32, #tpu.memory_space<vmem>>
    %dma_wait3A_170 = tpu.memref_squeeze %dma_wait3A_169 : memref<1x1x128xi32, #tpu.memory_space<vmem>> -> memref<128xi32, #tpu.memory_space<vmem>>
    %dma_wait3A_171 = arith.constant 0 : i32
    %dma_wait3A_172 = arith.constant 0 : i32
    %dma_wait3A_173 = tpu.memref_slice %arg2[%dma_wait3A_171, %dma_wait3A_172] : memref<10240x128xf32, #tpu.memory_space<hbm>> -> memref<10240x128xf32, #tpu.memory_space<hbm>>
    tpu.wait_indirect_dma semaphore(%arg11 : memref<!tpu.dma_semaphore, #tpu.memory_space<semaphore_mem>>) src(%dma_wait3A_173 : memref<10240x128xf32, #tpu.memory_space<hbm>>) dst(%arg9 : memref<128x128xf32, #tpu.memory_space<vmem>>)
    %dma_wait3A_174 = arith.constant 8 : i32
    %dma_wait3A_175 = arith.constant 0 : i32
    %dma_wait3A_176 = arith.constant 0 : i32
    %dma_wait3A_177 = tpu.memref_slice %arg3[%add3A, %dma_wait3A_174, %dma_wait3A_175, %dma_wait3A_176] : memref<32x80x2x128xi32, #tpu.memory_space<hbm>> -> memref<1x8x2x128xi32, #tpu.memory_space<hbm>>
    %dma_wait3A_178 = tpu.memref_squeeze %dma_wait3A_177 : memref<1x8x2x128xi32, #tpu.memory_space<hbm>> -> memref<8x2x128xi32, #tpu.memory_space<hbm>>
    %dma_wait3A_179 = arith.constant 8 : i32
    %dma_wait3A_180 = arith.constant 0 : i32
    %dma_wait3A_181 = arith.constant 0 : i32
    %dma_wait3A_182 = tpu.memref_slice %arg3[%add3A, %dma_wait3A_179, %dma_wait3A_180, %dma_wait3A_181] : memref<32x80x2x128xi32, #tpu.memory_space<hbm>> -> memref<1x8x2x128xi32, #tpu.memory_space<hbm>>
    %dma_wait3A_183 = tpu.memref_squeeze %dma_wait3A_182 : memref<1x8x2x128xi32, #tpu.memory_space<hbm>> -> memref<8x2x128xi32, #tpu.memory_space<hbm>>
    tpu.wait_dma2 semaphore(%arg15 : memref<!tpu.dma_semaphore, #tpu.memory_space<semaphore_mem>>) src(%dma_wait3A_183 : memref<8x2x128xi32, #tpu.memory_space<hbm>>) dst(%arg7 : memref<8x2x128xi32, #tpu.memory_space<vmem>>)
    %dma_start3A_184 = arith.constant 0 : i32
    %dma_start3A_185 = arith.constant 0 : i32
    %dma_start3A_186 = arith.constant 0 : i32
    %dma_start3A_187 = tpu.memref_slice %arg7[%dma_start3A_184, %dma_start3A_185, %dma_start3A_186] : memref<8x2x128xi32, #tpu.memory_space<vmem>> -> memref<1x1x128xi32, #tpu.memory_space<vmem>>
    %dma_start3A_188 = tpu.memref_squeeze %dma_start3A_187 : memref<1x1x128xi32, #tpu.memory_space<vmem>> -> memref<128xi32, #tpu.memory_space<vmem>>
    %dma_start3A_189 = arith.constant 0 : i32
    %dma_start3A_190 = arith.constant 0 : i32
    %dma_start3A_191 = tpu.memref_slice %arg2[%dma_start3A_189, %dma_start3A_190] : memref<10240x128xf32, #tpu.memory_space<hbm>> -> memref<10240x128xf32, #tpu.memory_space<hbm>>
    tpu.enqueue_indirect_dma source(%dma_start3A_191 : memref<10240x128xf32, #tpu.memory_space<hbm>>) target(%arg8 : memref<128x128xf32, #tpu.memory_space<vmem>>) offsets(%dma_start3A_188 : memref<128xi32, #tpu.memory_space<vmem>>) semaphore(%arg10 : memref<!tpu.dma_semaphore, #tpu.memory_space<semaphore_mem>>)
    %run_scoped3A_192 = arith.constant 7 : i32
    %run_scoped3A_193 = arith.constant 1 : i32
    "tpu.region"() ({
      %run_scoped3A_341 = tpu.sem_alloc : memref<!tpu.dma_semaphore, #tpu.memory_space<semaphore_mem>>
      %dma_start3A_342 = arith.constant 0 : i32
      %dma_start3A_343 = tpu.memref_slice %arg6[%run_scoped3A_192, %run_scoped3A_193, %dma_start3A_342] : memref<8x2x128xi32, #tpu.memory_space<vmem>> -> memref<1x1x128xi32, #tpu.memory_space<vmem>>
      %dma_start3A_344 = tpu.memref_squeeze %dma_start3A_343 : memref<1x1x128xi32, #tpu.memory_space<vmem>> -> memref<128xi32, #tpu.memory_space<vmem>>
      %dma_start3A_345 = arith.constant 0 : i32
      %dma_start3A_346 = arith.constant 0 : i32
      %dma_start3A_347 = tpu.memref_slice %arg16[%dma_start3A_345, %dma_start3A_346] : memref<10240x128xf32, #tpu.memory_space<vmem_shared>> -> memref<10240x128xf32, #tpu.memory_space<vmem_shared>>
      tpu.enqueue_indirect_dma source(%arg9 : memref<128x128xf32, #tpu.memory_space<vmem>>) target(%dma_start3A_347 : memref<10240x128xf32, #tpu.memory_space<vmem_shared>>) offsets(%dma_start3A_344 : memref<128xi32, #tpu.memory_space<vmem>>) semaphore(%run_scoped3A_341 : memref<!tpu.dma_semaphore, #tpu.memory_space<semaphore_mem>>) {add = true}
      %dma_wait3A_348 = arith.constant 0 : i32
      %dma_wait3A_349 = tpu.memref_slice %arg6[%run_scoped3A_192, %run_scoped3A_193, %dma_wait3A_348] : memref<8x2x128xi32, #tpu.memory_space<vmem>> -> memref<1x1x128xi32, #tpu.memory_space<vmem>>
      %dma_wait3A_350 = tpu.memref_squeeze %dma_wait3A_349 : memref<1x1x128xi32, #tpu.memory_space<vmem>> -> memref<128xi32, #tpu.memory_space<vmem>>
      %dma_wait3A_351 = arith.constant 0 : i32
      %dma_wait3A_352 = arith.constant 0 : i32
      %dma_wait3A_353 = tpu.memref_slice %arg16[%dma_wait3A_351, %dma_wait3A_352] : memref<10240x128xf32, #tpu.memory_space<vmem_shared>> -> memref<10240x128xf32, #tpu.memory_space<vmem_shared>>
      tpu.wait_indirect_dma semaphore(%run_scoped3A_341 : memref<!tpu.dma_semaphore, #tpu.memory_space<semaphore_mem>>) src(%arg9 : memref<128x128xf32, #tpu.memory_space<vmem>>) dst(%dma_wait3A_353 : memref<10240x128xf32, #tpu.memory_space<vmem_shared>>)
      tpu.yield
    }) : () -> ()
    %scan3A = arith.constant 0 : i32
    %scan3A_194 = arith.constant 0 : i32
    %scan3A_195 = arith.constant 4 : i32
    %scan3A_196 = arith.addi %scan3A_194, %scan3A_195 : i32
    %scan3A_197 = arith.constant 1 : i32
    %scan3A_198 = scf.for %scan3A_341 = %scan3A_194 to %scan3A_196 step %scan3A_197 iter_args(%scan3A_342 = %scan3A) -> (i32)  : i32 {
      %mul3A_343 = arith.constant 2 : i32
      %mul3A_344 = arith.muli %mul3A_343, %scan3A_341 : i32
      %add3A_345 = arith.constant 1 : i32
      %add3A_346 = arith.addi %mul3A_344, %add3A_345 : i32
      %add3A_347 = arith.constant 1 : i32
      %add3A_348 = arith.addi %add3A_346, %add3A_347 : i32
      %mul3A_349 = arith.constant 8 : i32
      %mul3A_350 = arith.muli %add3A_348, %mul3A_349 : i32
      %dma_start3A_351 = arith.constant 0 : i32
      %dma_start3A_352 = arith.constant 0 : i32
      %dma_start3A_353 = tpu.memref_slice %arg3[%add3A, %mul3A_350, %dma_start3A_351, %dma_start3A_352] : memref<32x80x2x128xi32, #tpu.memory_space<hbm>> -> memref<1x8x2x128xi32, #tpu.memory_space<hbm>>
      %dma_start3A_354 = tpu.memref_squeeze %dma_start3A_353 : memref<1x8x2x128xi32, #tpu.memory_space<hbm>> -> memref<8x2x128xi32, #tpu.memory_space<hbm>>
      %dma_start3A_355 = arith.constant 0 : i32
      %dma_start3A_356 = arith.constant 0 : i32
      %dma_start3A_357 = tpu.memref_slice %arg3[%add3A, %mul3A_350, %dma_start3A_355, %dma_start3A_356] : memref<32x80x2x128xi32, #tpu.memory_space<hbm>> -> memref<1x8x2x128xi32, #tpu.memory_space<hbm>>
      %dma_start3A_358 = tpu.memref_squeeze %dma_start3A_357 : memref<1x8x2x128xi32, #tpu.memory_space<hbm>> -> memref<8x2x128xi32, #tpu.memory_space<hbm>>
      tpu.enqueue_dma source(%dma_start3A_358 : memref<8x2x128xi32, #tpu.memory_space<hbm>>) target(%arg6 : memref<8x2x128xi32, #tpu.memory_space<vmem>>) target_semaphore(%arg14 : memref<!tpu.dma_semaphore, #tpu.memory_space<semaphore_mem>>)
      %dma_wait3A_359 = arith.constant 0 : i32
      %dma_wait3A_360 = arith.constant 0 : i32
      %dma_wait3A_361 = arith.constant 0 : i32
      %dma_wait3A_362 = tpu.memref_slice %arg7[%dma_wait3A_359, %dma_wait3A_360, %dma_wait3A_361] : memref<8x2x128xi32, #tpu.memory_space<vmem>> -> memref<1x1x128xi32, #tpu.memory_space<vmem>>
      %dma_wait3A_363 = tpu.memref_squeeze %dma_wait3A_362 : memref<1x1x128xi32, #tpu.memory_space<vmem>> -> memref<128xi32, #tpu.memory_space<vmem>>
      %dma_wait3A_364 = arith.constant 0 : i32
      %dma_wait3A_365 = arith.constant 0 : i32
      %dma_wait3A_366 = tpu.memref_slice %arg2[%dma_wait3A_364, %dma_wait3A_365] : memref<10240x128xf32, #tpu.memory_space<hbm>> -> memref<10240x128xf32, #tpu.memory_space<hbm>>
      tpu.wait_indirect_dma semaphore(%arg10 : memref<!tpu.dma_semaphore, #tpu.memory_space<semaphore_mem>>) src(%dma_wait3A_366 : memref<10240x128xf32, #tpu.memory_space<hbm>>) dst(%arg8 : memref<128x128xf32, #tpu.memory_space<vmem>>)
      %dma_start3A_367 = arith.constant 1 : i32
      %dma_start3A_368 = arith.constant 0 : i32
      %dma_start3A_369 = arith.constant 0 : i32
      %dma_start3A_370 = tpu.memref_slice %arg7[%dma_start3A_367, %dma_start3A_368, %dma_start3A_369] : memref<8x2x128xi32, #tpu.memory_space<vmem>> -> memref<1x1x128xi32, #tpu.memory_space<vmem>>
      %dma_start3A_371 = tpu.memref_squeeze %dma_start3A_370 : memref<1x1x128xi32, #tpu.memory_space<vmem>> -> memref<128xi32, #tpu.memory_space<vmem>>
      %dma_start3A_372 = arith.constant 0 : i32
      %dma_start3A_373 = arith.constant 0 : i32
      %dma_start3A_374 = tpu.memref_slice %arg2[%dma_start3A_372, %dma_start3A_373] : memref<10240x128xf32, #tpu.memory_space<hbm>> -> memref<10240x128xf32, #tpu.memory_space<hbm>>
      tpu.enqueue_indirect_dma source(%dma_start3A_374 : memref<10240x128xf32, #tpu.memory_space<hbm>>) target(%arg9 : memref<128x128xf32, #tpu.memory_space<vmem>>) offsets(%dma_start3A_371 : memref<128xi32, #tpu.memory_space<vmem>>) semaphore(%arg11 : memref<!tpu.dma_semaphore, #tpu.memory_space<semaphore_mem>>)
      %run_scoped3A_375 = arith.constant 0 : i32
      %run_scoped3A_376 = arith.constant 1 : i32
      "tpu.region"() ({
        %run_scoped3A_686 = tpu.sem_alloc : memref<!tpu.dma_semaphore, #tpu.memory_space<semaphore_mem>>
        %dma_start3A_687 = arith.constant 0 : i32
        %dma_start3A_688 = tpu.memref_slice %arg7[%run_scoped3A_375, %run_scoped3A_376, %dma_start3A_687] : memref<8x2x128xi32, #tpu.memory_space<vmem>> -> memref<1x1x128xi32, #tpu.memory_space<vmem>>
        %dma_start3A_689 = tpu.memref_squeeze %dma_start3A_688 : memref<1x1x128xi32, #tpu.memory_space<vmem>> -> memref<128xi32, #tpu.memory_space<vmem>>
        %dma_start3A_690 = arith.constant 0 : i32
        %dma_start3A_691 = arith.constant 0 : i32
        %dma_start3A_692 = tpu.memref_slice %arg16[%dma_start3A_690, %dma_start3A_691] : memref<10240x128xf32, #tpu.memory_space<vmem_shared>> -> memref<10240x128xf32, #tpu.memory_space<vmem_shared>>
        tpu.enqueue_indirect_dma source(%arg8 : memref<128x128xf32, #tpu.memory_space<vmem>>) target(%dma_start3A_692 : memref<10240x128xf32, #tpu.memory_space<vmem_shared>>) offsets(%dma_start3A_689 : memref<128xi32, #tpu.memory_space<vmem>>) semaphore(%run_scoped3A_686 : memref<!tpu.dma_semaphore, #tpu.memory_space<semaphore_mem>>) {add = true}
        %dma_wait3A_693 = arith.constant 0 : i32
        %dma_wait3A_694 = tpu.memref_slice %arg7[%run_scoped3A_375, %run_scoped3A_376, %dma_wait3A_693] : memref<8x2x128xi32, #tpu.memory_space<vmem>> -> memref<1x1x128xi32, #tpu.memory_space<vmem>>
        %dma_wait3A_695 = tpu.memref_squeeze %dma_wait3A_694 : memref<1x1x128xi32, #tpu.memory_space<vmem>> -> memref<128xi32, #tpu.memory_space<vmem>>
        %dma_wait3A_696 = arith.constant 0 : i32
        %dma_wait3A_697 = arith.constant 0 : i32
        %dma_wait3A_698 = tpu.memref_slice %arg16[%dma_wait3A_696, %dma_wait3A_697] : memref<10240x128xf32, #tpu.memory_space<vmem_shared>> -> memref<10240x128xf32, #tpu.memory_space<vmem_shared>>
        tpu.wait_indirect_dma semaphore(%run_scoped3A_686 : memref<!tpu.dma_semaphore, #tpu.memory_space<semaphore_mem>>) src(%arg8 : memref<128x128xf32, #tpu.memory_space<vmem>>) dst(%dma_wait3A_698 : memref<10240x128xf32, #tpu.memory_space<vmem_shared>>)
        tpu.yield
      }) : () -> ()
      %dma_wait3A_377 = arith.constant 1 : i32
      %dma_wait3A_378 = arith.constant 0 : i32
      %dma_wait3A_379 = arith.constant 0 : i32
      %dma_wait3A_380 = tpu.memref_slice %arg7[%dma_wait3A_377, %dma_wait3A_378, %dma_wait3A_379] : memref<8x2x128xi32, #tpu.memory_space<vmem>> -> memref<1x1x128xi32, #tpu.memory_space<vmem>>
      %dma_wait3A_381 = tpu.memref_squeeze %dma_wait3A_380 : memref<1x1x128xi32, #tpu.memory_space<vmem>> -> memref<128xi32, #tpu.memory_space<vmem>>
      %dma_wait3A_382 = arith.constant 0 : i32
      %dma_wait3A_383 = arith.constant 0 : i32
      %dma_wait3A_384 = tpu.memref_slice %arg2[%dma_wait3A_382, %dma_wait3A_383] : memref<10240x128xf32, #tpu.memory_space<hbm>> -> memref<10240x128xf32, #tpu.memory_space<hbm>>
      tpu.wait_indirect_dma semaphore(%arg11 : memref<!tpu.dma_semaphore, #tpu.memory_space<semaphore_mem>>) src(%dma_wait3A_384 : memref<10240x128xf32, #tpu.memory_space<hbm>>) dst(%arg9 : memref<128x128xf32, #tpu.memory_space<vmem>>)
      %dma_start3A_385 = arith.constant 2 : i32
      %dma_start3A_386 = arith.constant 0 : i32
      %dma_start3A_387 = arith.constant 0 : i32
      %dma_start3A_388 = tpu.memref_slice %arg7[%dma_start3A_385, %dma_start3A_386, %dma_start3A_387] : memref<8x2x128xi32, #tpu.memory_space<vmem>> -> memref<1x1x128xi32, #tpu.memory_space<vmem>>
      %dma_start3A_389 = tpu.memref_squeeze %dma_start3A_388 : memref<1x1x128xi32, #tpu.memory_space<vmem>> -> memref<128xi32, #tpu.memory_space<vmem>>
      %dma_start3A_390 = arith.constant 0 : i32
      %dma_start3A_391 = arith.constant 0 : i32
      %dma_start3A_392 = tpu.memref_slice %arg2[%dma_start3A_390, %dma_start3A_391] : memref<10240x128xf32, #tpu.memory_space<hbm>> -> memref<10240x128xf32, #tpu.memory_space<hbm>>
      tpu.enqueue_indirect_dma source(%dma_start3A_392 : memref<10240x128xf32, #tpu.memory_space<hbm>>) target(%arg8 : memref<128x128xf32, #tpu.memory_space<vmem>>) offsets(%dma_start3A_389 : memref<128xi32, #tpu.memory_space<vmem>>) semaphore(%arg10 : memref<!tpu.dma_semaphore, #tpu.memory_space<semaphore_mem>>)
      %run_scoped3A_393 = arith.constant 1 : i32
      %run_scoped3A_394 = arith.constant 1 : i32
      "tpu.region"() ({
        %run_scoped3A_686 = tpu.sem_alloc : memref<!tpu.dma_semaphore, #tpu.memory_space<semaphore_mem>>
        %dma_start3A_687 = arith.constant 0 : i32
        %dma_start3A_688 = tpu.memref_slice %arg7[%run_scoped3A_393, %run_scoped3A_394, %dma_start3A_687] : memref<8x2x128xi32, #tpu.memory_space<vmem>> -> memref<1x1x128xi32, #tpu.memory_space<vmem>>
        %dma_start3A_689 = tpu.memref_squeeze %dma_start3A_688 : memref<1x1x128xi32, #tpu.memory_space<vmem>> -> memref<128xi32, #tpu.memory_space<vmem>>
        %dma_start3A_690 = arith.constant 0 : i32
        %dma_start3A_691 = arith.constant 0 : i32
        %dma_start3A_692 = tpu.memref_slice %arg16[%dma_start3A_690, %dma_start3A_691] : memref<10240x128xf32, #tpu.memory_space<vmem_shared>> -> memref<10240x128xf32, #tpu.memory_space<vmem_shared>>
        tpu.enqueue_indirect_dma source(%arg9 : memref<128x128xf32, #tpu.memory_space<vmem>>) target(%dma_start3A_692 : memref<10240x128xf32, #tpu.memory_space<vmem_shared>>) offsets(%dma_start3A_689 : memref<128xi32, #tpu.memory_space<vmem>>) semaphore(%run_scoped3A_686 : memref<!tpu.dma_semaphore, #tpu.memory_space<semaphore_mem>>) {add = true}
        %dma_wait3A_693 = arith.constant 0 : i32
        %dma_wait3A_694 = tpu.memref_slice %arg7[%run_scoped3A_393, %run_scoped3A_394, %dma_wait3A_693] : memref<8x2x128xi32, #tpu.memory_space<vmem>> -> memref<1x1x128xi32, #tpu.memory_space<vmem>>
        %dma_wait3A_695 = tpu.memref_squeeze %dma_wait3A_694 : memref<1x1x128xi32, #tpu.memory_space<vmem>> -> memref<128xi32, #tpu.memory_space<vmem>>
        %dma_wait3A_696 = arith.constant 0 : i32
        %dma_wait3A_697 = arith.constant 0 : i32
        %dma_wait3A_698 = tpu.memref_slice %arg16[%dma_wait3A_696, %dma_wait3A_697] : memref<10240x128xf32, #tpu.memory_space<vmem_shared>> -> memref<10240x128xf32, #tpu.memory_space<vmem_shared>>
        tpu.wait_indirect_dma semaphore(%run_scoped3A_686 : memref<!tpu.dma_semaphore, #tpu.memory_space<semaphore_mem>>) src(%arg9 : memref<128x128xf32, #tpu.memory_space<vmem>>) dst(%dma_wait3A_698 : memref<10240x128xf32, #tpu.memory_space<vmem_shared>>)
        tpu.yield
      }) : () -> ()
      %dma_wait3A_395 = arith.constant 2 : i32
      %dma_wait3A_396 = arith.constant 0 : i32
      %dma_wait3A_397 = arith.constant 0 : i32
      %dma_wait3A_398 = tpu.memref_slice %arg7[%dma_wait3A_395, %dma_wait3A_396, %dma_wait3A_397] : memref<8x2x128xi32, #tpu.memory_space<vmem>> -> memref<1x1x128xi32, #tpu.memory_space<vmem>>
      %dma_wait3A_399 = tpu.memref_squeeze %dma_wait3A_398 : memref<1x1x128xi32, #tpu.memory_space<vmem>> -> memref<128xi32, #tpu.memory_space<vmem>>
      %dma_wait3A_400 = arith.constant 0 : i32
      %dma_wait3A_401 = arith.constant 0 : i32
      %dma_wait3A_402 = tpu.memref_slice %arg2[%dma_wait3A_400, %dma_wait3A_401] : memref<10240x128xf32, #tpu.memory_space<hbm>> -> memref<10240x128xf32, #tpu.memory_space<hbm>>
      tpu.wait_indirect_dma semaphore(%arg10 : memref<!tpu.dma_semaphore, #tpu.memory_space<semaphore_mem>>) src(%dma_wait3A_402 : memref<10240x128xf32, #tpu.memory_space<hbm>>) dst(%arg8 : memref<128x128xf32, #tpu.memory_space<vmem>>)
      %dma_start3A_403 = arith.constant 3 : i32
      %dma_start3A_404 = arith.constant 0 : i32
      %dma_start3A_405 = arith.constant 0 : i32
      %dma_start3A_406 = tpu.memref_slice %arg7[%dma_start3A_403, %dma_start3A_404, %dma_start3A_405] : memref<8x2x128xi32, #tpu.memory_space<vmem>> -> memref<1x1x128xi32, #tpu.memory_space<vmem>>
      %dma_start3A_407 = tpu.memref_squeeze %dma_start3A_406 : memref<1x1x128xi32, #tpu.memory_space<vmem>> -> memref<128xi32, #tpu.memory_space<vmem>>
      %dma_start3A_408 = arith.constant 0 : i32
      %dma_start3A_409 = arith.constant 0 : i32
      %dma_start3A_410 = tpu.memref_slice %arg2[%dma_start3A_408, %dma_start3A_409] : memref<10240x128xf32, #tpu.memory_space<hbm>> -> memref<10240x128xf32, #tpu.memory_space<hbm>>
      tpu.enqueue_indirect_dma source(%dma_start3A_410 : memref<10240x128xf32, #tpu.memory_space<hbm>>) target(%arg9 : memref<128x128xf32, #tpu.memory_space<vmem>>) offsets(%dma_start3A_407 : memref<128xi32, #tpu.memory_space<vmem>>) semaphore(%arg11 : memref<!tpu.dma_semaphore, #tpu.memory_space<semaphore_mem>>)
      %run_scoped3A_411 = arith.constant 2 : i32
      %run_scoped3A_412 = arith.constant 1 : i32
      "tpu.region"() ({
        %run_scoped3A_686 = tpu.sem_alloc : memref<!tpu.dma_semaphore, #tpu.memory_space<semaphore_mem>>
        %dma_start3A_687 = arith.constant 0 : i32
        %dma_start3A_688 = tpu.memref_slice %arg7[%run_scoped3A_411, %run_scoped3A_412, %dma_start3A_687] : memref<8x2x128xi32, #tpu.memory_space<vmem>> -> memref<1x1x128xi32, #tpu.memory_space<vmem>>
        %dma_start3A_689 = tpu.memref_squeeze %dma_start3A_688 : memref<1x1x128xi32, #tpu.memory_space<vmem>> -> memref<128xi32, #tpu.memory_space<vmem>>
        %dma_start3A_690 = arith.constant 0 : i32
        %dma_start3A_691 = arith.constant 0 : i32
        %dma_start3A_692 = tpu.memref_slice %arg16[%dma_start3A_690, %dma_start3A_691] : memref<10240x128xf32, #tpu.memory_space<vmem_shared>> -> memref<10240x128xf32, #tpu.memory_space<vmem_shared>>
        tpu.enqueue_indirect_dma source(%arg8 : memref<128x128xf32, #tpu.memory_space<vmem>>) target(%dma_start3A_692 : memref<10240x128xf32, #tpu.memory_space<vmem_shared>>) offsets(%dma_start3A_689 : memref<128xi32, #tpu.memory_space<vmem>>) semaphore(%run_scoped3A_686 : memref<!tpu.dma_semaphore, #tpu.memory_space<semaphore_mem>>) {add = true}
        %dma_wait3A_693 = arith.constant 0 : i32
        %dma_wait3A_694 = tpu.memref_slice %arg7[%run_scoped3A_411, %run_scoped3A_412, %dma_wait3A_693] : memref<8x2x128xi32, #tpu.memory_space<vmem>> -> memref<1x1x128xi32, #tpu.memory_space<vmem>>
        %dma_wait3A_695 = tpu.memref_squeeze %dma_wait3A_694 : memref<1x1x128xi32, #tpu.memory_space<vmem>> -> memref<128xi32, #tpu.memory_space<vmem>>
        %dma_wait3A_696 = arith.constant 0 : i32
        %dma_wait3A_697 = arith.constant 0 : i32
        %dma_wait3A_698 = tpu.memref_slice %arg16[%dma_wait3A_696, %dma_wait3A_697] : memref<10240x128xf32, #tpu.memory_space<vmem_shared>> -> memref<10240x128xf32, #tpu.memory_space<vmem_shared>>
        tpu.wait_indirect_dma semaphore(%run_scoped3A_686 : memref<!tpu.dma_semaphore, #tpu.memory_space<semaphore_mem>>) src(%arg8 : memref<128x128xf32, #tpu.memory_space<vmem>>) dst(%dma_wait3A_698 : memref<10240x128xf32, #tpu.memory_space<vmem_shared>>)
        tpu.yield
      }) : () -> ()
      %dma_wait3A_413 = arith.constant 3 : i32
      %dma_wait3A_414 = arith.constant 0 : i32
      %dma_wait3A_415 = arith.constant 0 : i32
      %dma_wait3A_416 = tpu.memref_slice %arg7[%dma_wait3A_413, %dma_wait3A_414, %dma_wait3A_415] : memref<8x2x128xi32, #tpu.memory_space<vmem>> -> memref<1x1x128xi32, #tpu.memory_space<vmem>>
      %dma_wait3A_417 = tpu.memref_squeeze %dma_wait3A_416 : memref<1x1x128xi32, #tpu.memory_space<vmem>> -> memref<128xi32, #tpu.memory_space<vmem>>
      %dma_wait3A_418 = arith.constant 0 : i32
      %dma_wait3A_419 = arith.constant 0 : i32
      %dma_wait3A_420 = tpu.memref_slice %arg2[%dma_wait3A_418, %dma_wait3A_419] : memref<10240x128xf32, #tpu.memory_space<hbm>> -> memref<10240x128xf32, #tpu.memory_space<hbm>>
      tpu.wait_indirect_dma semaphore(%arg11 : memref<!tpu.dma_semaphore, #tpu.memory_space<semaphore_mem>>) src(%dma_wait3A_420 : memref<10240x128xf32, #tpu.memory_space<hbm>>) dst(%arg9 : memref<128x128xf32, #tpu.memory_space<vmem>>)
      %dma_start3A_421 = arith.constant 4 : i32
      %dma_start3A_422 = arith.constant 0 : i32
      %dma_start3A_423 = arith.constant 0 : i32
      %dma_start3A_424 = tpu.memref_slice %arg7[%dma_start3A_421, %dma_start3A_422, %dma_start3A_423] : memref<8x2x128xi32, #tpu.memory_space<vmem>> -> memref<1x1x128xi32, #tpu.memory_space<vmem>>
      %dma_start3A_425 = tpu.memref_squeeze %dma_start3A_424 : memref<1x1x128xi32, #tpu.memory_space<vmem>> -> memref<128xi32, #tpu.memory_space<vmem>>
      %dma_start3A_426 = arith.constant 0 : i32
      %dma_start3A_427 = arith.constant 0 : i32
      %dma_start3A_428 = tpu.memref_slice %arg2[%dma_start3A_426, %dma_start3A_427] : memref<10240x128xf32, #tpu.memory_space<hbm>> -> memref<10240x128xf32, #tpu.memory_space<hbm>>
      tpu.enqueue_indirect_dma source(%dma_start3A_428 : memref<10240x128xf32, #tpu.memory_space<hbm>>) target(%arg8 : memref<128x128xf32, #tpu.memory_space<vmem>>) offsets(%dma_start3A_425 : memref<128xi32, #tpu.memory_space<vmem>>) semaphore(%arg10 : memref<!tpu.dma_semaphore, #tpu.memory_space<semaphore_mem>>)
      %run_scoped3A_429 = arith.constant 3 : i32
      %run_scoped3A_430 = arith.constant 1 : i32
      "tpu.region"() ({
        %run_scoped3A_686 = tpu.sem_alloc : memref<!tpu.dma_semaphore, #tpu.memory_space<semaphore_mem>>
        %dma_start3A_687 = arith.constant 0 : i32
        %dma_start3A_688 = tpu.memref_slice %arg7[%run_scoped3A_429, %run_scoped3A_430, %dma_start3A_687] : memref<8x2x128xi32, #tpu.memory_space<vmem>> -> memref<1x1x128xi32, #tpu.memory_space<vmem>>
        %dma_start3A_689 = tpu.memref_squeeze %dma_start3A_688 : memref<1x1x128xi32, #tpu.memory_space<vmem>> -> memref<128xi32, #tpu.memory_space<vmem>>
        %dma_start3A_690 = arith.constant 0 : i32
        %dma_start3A_691 = arith.constant 0 : i32
        %dma_start3A_692 = tpu.memref_slice %arg16[%dma_start3A_690, %dma_start3A_691] : memref<10240x128xf32, #tpu.memory_space<vmem_shared>> -> memref<10240x128xf32, #tpu.memory_space<vmem_shared>>
        tpu.enqueue_indirect_dma source(%arg9 : memref<128x128xf32, #tpu.memory_space<vmem>>) target(%dma_start3A_692 : memref<10240x128xf32, #tpu.memory_space<vmem_shared>>) offsets(%dma_start3A_689 : memref<128xi32, #tpu.memory_space<vmem>>) semaphore(%run_scoped3A_686 : memref<!tpu.dma_semaphore, #tpu.memory_space<semaphore_mem>>) {add = true}
        %dma_wait3A_693 = arith.constant 0 : i32
        %dma_wait3A_694 = tpu.memref_slice %arg7[%run_scoped3A_429, %run_scoped3A_430, %dma_wait3A_693] : memref<8x2x128xi32, #tpu.memory_space<vmem>> -> memref<1x1x128xi32, #tpu.memory_space<vmem>>
        %dma_wait3A_695 = tpu.memref_squeeze %dma_wait3A_694 : memref<1x1x128xi32, #tpu.memory_space<vmem>> -> memref<128xi32, #tpu.memory_space<vmem>>
        %dma_wait3A_696 = arith.constant 0 : i32
        %dma_wait3A_697 = arith.constant 0 : i32
        %dma_wait3A_698 = tpu.memref_slice %arg16[%dma_wait3A_696, %dma_wait3A_697] : memref<10240x128xf32, #tpu.memory_space<vmem_shared>> -> memref<10240x128xf32, #tpu.memory_space<vmem_shared>>
        tpu.wait_indirect_dma semaphore(%run_scoped3A_686 : memref<!tpu.dma_semaphore, #tpu.memory_space<semaphore_mem>>) src(%arg9 : memref<128x128xf32, #tpu.memory_space<vmem>>) dst(%dma_wait3A_698 : memref<10240x128xf32, #tpu.memory_space<vmem_shared>>)
        tpu.yield
      }) : () -> ()
      %dma_wait3A_431 = arith.constant 4 : i32
      %dma_wait3A_432 = arith.constant 0 : i32
      %dma_wait3A_433 = arith.constant 0 : i32
      %dma_wait3A_434 = tpu.memref_slice %arg7[%dma_wait3A_431, %dma_wait3A_432, %dma_wait3A_433] : memref<8x2x128xi32, #tpu.memory_space<vmem>> -> memref<1x1x128xi32, #tpu.memory_space<vmem>>
      %dma_wait3A_435 = tpu.memref_squeeze %dma_wait3A_434 : memref<1x1x128xi32, #tpu.memory_space<vmem>> -> memref<128xi32, #tpu.memory_space<vmem>>
      %dma_wait3A_436 = arith.constant 0 : i32
      %dma_wait3A_437 = arith.constant 0 : i32
      %dma_wait3A_438 = tpu.memref_slice %arg2[%dma_wait3A_436, %dma_wait3A_437] : memref<10240x128xf32, #tpu.memory_space<hbm>> -> memref<10240x128xf32, #tpu.memory_space<hbm>>
      tpu.wait_indirect_dma semaphore(%arg10 : memref<!tpu.dma_semaphore, #tpu.memory_space<semaphore_mem>>) src(%dma_wait3A_438 : memref<10240x128xf32, #tpu.memory_space<hbm>>) dst(%arg8 : memref<128x128xf32, #tpu.memory_space<vmem>>)
      %dma_start3A_439 = arith.constant 5 : i32
      %dma_start3A_440 = arith.constant 0 : i32
      %dma_start3A_441 = arith.constant 0 : i32
      %dma_start3A_442 = tpu.memref_slice %arg7[%dma_start3A_439, %dma_start3A_440, %dma_start3A_441] : memref<8x2x128xi32, #tpu.memory_space<vmem>> -> memref<1x1x128xi32, #tpu.memory_space<vmem>>
      %dma_start3A_443 = tpu.memref_squeeze %dma_start3A_442 : memref<1x1x128xi32, #tpu.memory_space<vmem>> -> memref<128xi32, #tpu.memory_space<vmem>>
      %dma_start3A_444 = arith.constant 0 : i32
      %dma_start3A_445 = arith.constant 0 : i32
      %dma_start3A_446 = tpu.memref_slice %arg2[%dma_start3A_444, %dma_start3A_445] : memref<10240x128xf32, #tpu.memory_space<hbm>> -> memref<10240x128xf32, #tpu.memory_space<hbm>>
      tpu.enqueue_indirect_dma source(%dma_start3A_446 : memref<10240x128xf32, #tpu.memory_space<hbm>>) target(%arg9 : memref<128x128xf32, #tpu.memory_space<vmem>>) offsets(%dma_start3A_443 : memref<128xi32, #tpu.memory_space<vmem>>) semaphore(%arg11 : memref<!tpu.dma_semaphore, #tpu.memory_space<semaphore_mem>>)
      %run_scoped3A_447 = arith.constant 4 : i32
      %run_scoped3A_448 = arith.constant 1 : i32
      "tpu.region"() ({
        %run_scoped3A_686 = tpu.sem_alloc : memref<!tpu.dma_semaphore, #tpu.memory_space<semaphore_mem>>
        %dma_start3A_687 = arith.constant 0 : i32
        %dma_start3A_688 = tpu.memref_slice %arg7[%run_scoped3A_447, %run_scoped3A_448, %dma_start3A_687] : memref<8x2x128xi32, #tpu.memory_space<vmem>> -> memref<1x1x128xi32, #tpu.memory_space<vmem>>
        %dma_start3A_689 = tpu.memref_squeeze %dma_start3A_688 : memref<1x1x128xi32, #tpu.memory_space<vmem>> -> memref<128xi32, #tpu.memory_space<vmem>>
        %dma_start3A_690 = arith.constant 0 : i32
        %dma_start3A_691 = arith.constant 0 : i32
        %dma_start3A_692 = tpu.memref_slice %arg16[%dma_start3A_690, %dma_start3A_691] : memref<10240x128xf32, #tpu.memory_space<vmem_shared>> -> memref<10240x128xf32, #tpu.memory_space<vmem_shared>>
        tpu.enqueue_indirect_dma source(%arg8 : memref<128x128xf32, #tpu.memory_space<vmem>>) target(%dma_start3A_692 : memref<10240x128xf32, #tpu.memory_space<vmem_shared>>) offsets(%dma_start3A_689 : memref<128xi32, #tpu.memory_space<vmem>>) semaphore(%run_scoped3A_686 : memref<!tpu.dma_semaphore, #tpu.memory_space<semaphore_mem>>) {add = true}
        %dma_wait3A_693 = arith.constant 0 : i32
        %dma_wait3A_694 = tpu.memref_slice %arg7[%run_scoped3A_447, %run_scoped3A_448, %dma_wait3A_693] : memref<8x2x128xi32, #tpu.memory_space<vmem>> -> memref<1x1x128xi32, #tpu.memory_space<vmem>>
        %dma_wait3A_695 = tpu.memref_squeeze %dma_wait3A_694 : memref<1x1x128xi32, #tpu.memory_space<vmem>> -> memref<128xi32, #tpu.memory_space<vmem>>
        %dma_wait3A_696 = arith.constant 0 : i32
        %dma_wait3A_697 = arith.constant 0 : i32
        %dma_wait3A_698 = tpu.memref_slice %arg16[%dma_wait3A_696, %dma_wait3A_697] : memref<10240x128xf32, #tpu.memory_space<vmem_shared>> -> memref<10240x128xf32, #tpu.memory_space<vmem_shared>>
        tpu.wait_indirect_dma semaphore(%run_scoped3A_686 : memref<!tpu.dma_semaphore, #tpu.memory_space<semaphore_mem>>) src(%arg8 : memref<128x128xf32, #tpu.memory_space<vmem>>) dst(%dma_wait3A_698 : memref<10240x128xf32, #tpu.memory_space<vmem_shared>>)
        tpu.yield
      }) : () -> ()
      %dma_wait3A_449 = arith.constant 5 : i32
      %dma_wait3A_450 = arith.constant 0 : i32
      %dma_wait3A_451 = arith.constant 0 : i32
      %dma_wait3A_452 = tpu.memref_slice %arg7[%dma_wait3A_449, %dma_wait3A_450, %dma_wait3A_451] : memref<8x2x128xi32, #tpu.memory_space<vmem>> -> memref<1x1x128xi32, #tpu.memory_space<vmem>>
      %dma_wait3A_453 = tpu.memref_squeeze %dma_wait3A_452 : memref<1x1x128xi32, #tpu.memory_space<vmem>> -> memref<128xi32, #tpu.memory_space<vmem>>
      %dma_wait3A_454 = arith.constant 0 : i32
      %dma_wait3A_455 = arith.constant 0 : i32
      %dma_wait3A_456 = tpu.memref_slice %arg2[%dma_wait3A_454, %dma_wait3A_455] : memref<10240x128xf32, #tpu.memory_space<hbm>> -> memref<10240x128xf32, #tpu.memory_space<hbm>>
      tpu.wait_indirect_dma semaphore(%arg11 : memref<!tpu.dma_semaphore, #tpu.memory_space<semaphore_mem>>) src(%dma_wait3A_456 : memref<10240x128xf32, #tpu.memory_space<hbm>>) dst(%arg9 : memref<128x128xf32, #tpu.memory_space<vmem>>)
      %dma_start3A_457 = arith.constant 6 : i32
      %dma_start3A_458 = arith.constant 0 : i32
      %dma_start3A_459 = arith.constant 0 : i32
      %dma_start3A_460 = tpu.memref_slice %arg7[%dma_start3A_457, %dma_start3A_458, %dma_start3A_459] : memref<8x2x128xi32, #tpu.memory_space<vmem>> -> memref<1x1x128xi32, #tpu.memory_space<vmem>>
      %dma_start3A_461 = tpu.memref_squeeze %dma_start3A_460 : memref<1x1x128xi32, #tpu.memory_space<vmem>> -> memref<128xi32, #tpu.memory_space<vmem>>
      %dma_start3A_462 = arith.constant 0 : i32
      %dma_start3A_463 = arith.constant 0 : i32
      %dma_start3A_464 = tpu.memref_slice %arg2[%dma_start3A_462, %dma_start3A_463] : memref<10240x128xf32, #tpu.memory_space<hbm>> -> memref<10240x128xf32, #tpu.memory_space<hbm>>
      tpu.enqueue_indirect_dma source(%dma_start3A_464 : memref<10240x128xf32, #tpu.memory_space<hbm>>) target(%arg8 : memref<128x128xf32, #tpu.memory_space<vmem>>) offsets(%dma_start3A_461 : memref<128xi32, #tpu.memory_space<vmem>>) semaphore(%arg10 : memref<!tpu.dma_semaphore, #tpu.memory_space<semaphore_mem>>)
      %run_scoped3A_465 = arith.constant 5 : i32
      %run_scoped3A_466 = arith.constant 1 : i32
      "tpu.region"() ({
        %run_scoped3A_686 = tpu.sem_alloc : memref<!tpu.dma_semaphore, #tpu.memory_space<semaphore_mem>>
        %dma_start3A_687 = arith.constant 0 : i32
        %dma_start3A_688 = tpu.memref_slice %arg7[%run_scoped3A_465, %run_scoped3A_466, %dma_start3A_687] : memref<8x2x128xi32, #tpu.memory_space<vmem>> -> memref<1x1x128xi32, #tpu.memory_space<vmem>>
        %dma_start3A_689 = tpu.memref_squeeze %dma_start3A_688 : memref<1x1x128xi32, #tpu.memory_space<vmem>> -> memref<128xi32, #tpu.memory_space<vmem>>
        %dma_start3A_690 = arith.constant 0 : i32
        %dma_start3A_691 = arith.constant 0 : i32
        %dma_start3A_692 = tpu.memref_slice %arg16[%dma_start3A_690, %dma_start3A_691] : memref<10240x128xf32, #tpu.memory_space<vmem_shared>> -> memref<10240x128xf32, #tpu.memory_space<vmem_shared>>
        tpu.enqueue_indirect_dma source(%arg9 : memref<128x128xf32, #tpu.memory_space<vmem>>) target(%dma_start3A_692 : memref<10240x128xf32, #tpu.memory_space<vmem_shared>>) offsets(%dma_start3A_689 : memref<128xi32, #tpu.memory_space<vmem>>) semaphore(%run_scoped3A_686 : memref<!tpu.dma_semaphore, #tpu.memory_space<semaphore_mem>>) {add = true}
        %dma_wait3A_693 = arith.constant 0 : i32
        %dma_wait3A_694 = tpu.memref_slice %arg7[%run_scoped3A_465, %run_scoped3A_466, %dma_wait3A_693] : memref<8x2x128xi32, #tpu.memory_space<vmem>> -> memref<1x1x128xi32, #tpu.memory_space<vmem>>
        %dma_wait3A_695 = tpu.memref_squeeze %dma_wait3A_694 : memref<1x1x128xi32, #tpu.memory_space<vmem>> -> memref<128xi32, #tpu.memory_space<vmem>>
        %dma_wait3A_696 = arith.constant 0 : i32
        %dma_wait3A_697 = arith.constant 0 : i32
        %dma_wait3A_698 = tpu.memref_slice %arg16[%dma_wait3A_696, %dma_wait3A_697] : memref<10240x128xf32, #tpu.memory_space<vmem_shared>> -> memref<10240x128xf32, #tpu.memory_space<vmem_shared>>
        tpu.wait_indirect_dma semaphore(%run_scoped3A_686 : memref<!tpu.dma_semaphore, #tpu.memory_space<semaphore_mem>>) src(%arg9 : memref<128x128xf32, #tpu.memory_space<vmem>>) dst(%dma_wait3A_698 : memref<10240x128xf32, #tpu.memory_space<vmem_shared>>)
        tpu.yield
      }) : () -> ()
      %dma_wait3A_467 = arith.constant 6 : i32
      %dma_wait3A_468 = arith.constant 0 : i32
      %dma_wait3A_469 = arith.constant 0 : i32
      %dma_wait3A_470 = tpu.memref_slice %arg7[%dma_wait3A_467, %dma_wait3A_468, %dma_wait3A_469] : memref<8x2x128xi32, #tpu.memory_space<vmem>> -> memref<1x1x128xi32, #tpu.memory_space<vmem>>
      %dma_wait3A_471 = tpu.memref_squeeze %dma_wait3A_470 : memref<1x1x128xi32, #tpu.memory_space<vmem>> -> memref<128xi32, #tpu.memory_space<vmem>>
      %dma_wait3A_472 = arith.constant 0 : i32
      %dma_wait3A_473 = arith.constant 0 : i32
      %dma_wait3A_474 = tpu.memref_slice %arg2[%dma_wait3A_472, %dma_wait3A_473] : memref<10240x128xf32, #tpu.memory_space<hbm>> -> memref<10240x128xf32, #tpu.memory_space<hbm>>
      tpu.wait_indirect_dma semaphore(%arg10 : memref<!tpu.dma_semaphore, #tpu.memory_space<semaphore_mem>>) src(%dma_wait3A_474 : memref<10240x128xf32, #tpu.memory_space<hbm>>) dst(%arg8 : memref<128x128xf32, #tpu.memory_space<vmem>>)
      %dma_start3A_475 = arith.constant 7 : i32
      %dma_start3A_476 = arith.constant 0 : i32
      %dma_start3A_477 = arith.constant 0 : i32
      %dma_start3A_478 = tpu.memref_slice %arg7[%dma_start3A_475, %dma_start3A_476, %dma_start3A_477] : memref<8x2x128xi32, #tpu.memory_space<vmem>> -> memref<1x1x128xi32, #tpu.memory_space<vmem>>
      %dma_start3A_479 = tpu.memref_squeeze %dma_start3A_478 : memref<1x1x128xi32, #tpu.memory_space<vmem>> -> memref<128xi32, #tpu.memory_space<vmem>>
      %dma_start3A_480 = arith.constant 0 : i32
      %dma_start3A_481 = arith.constant 0 : i32
      %dma_start3A_482 = tpu.memref_slice %arg2[%dma_start3A_480, %dma_start3A_481] : memref<10240x128xf32, #tpu.memory_space<hbm>> -> memref<10240x128xf32, #tpu.memory_space<hbm>>
      tpu.enqueue_indirect_dma source(%dma_start3A_482 : memref<10240x128xf32, #tpu.memory_space<hbm>>) target(%arg9 : memref<128x128xf32, #tpu.memory_space<vmem>>) offsets(%dma_start3A_479 : memref<128xi32, #tpu.memory_space<vmem>>) semaphore(%arg11 : memref<!tpu.dma_semaphore, #tpu.memory_space<semaphore_mem>>)
      %run_scoped3A_483 = arith.constant 6 : i32
      %run_scoped3A_484 = arith.constant 1 : i32
      "tpu.region"() ({
        %run_scoped3A_686 = tpu.sem_alloc : memref<!tpu.dma_semaphore, #tpu.memory_space<semaphore_mem>>
        %dma_start3A_687 = arith.constant 0 : i32
        %dma_start3A_688 = tpu.memref_slice %arg7[%run_scoped3A_483, %run_scoped3A_484, %dma_start3A_687] : memref<8x2x128xi32, #tpu.memory_space<vmem>> -> memref<1x1x128xi32, #tpu.memory_space<vmem>>
        %dma_start3A_689 = tpu.memref_squeeze %dma_start3A_688 : memref<1x1x128xi32, #tpu.memory_space<vmem>> -> memref<128xi32, #tpu.memory_space<vmem>>
        %dma_start3A_690 = arith.constant 0 : i32
        %dma_start3A_691 = arith.constant 0 : i32
        %dma_start3A_692 = tpu.memref_slice %arg16[%dma_start3A_690, %dma_start3A_691] : memref<10240x128xf32, #tpu.memory_space<vmem_shared>> -> memref<10240x128xf32, #tpu.memory_space<vmem_shared>>
        tpu.enqueue_indirect_dma source(%arg8 : memref<128x128xf32, #tpu.memory_space<vmem>>) target(%dma_start3A_692 : memref<10240x128xf32, #tpu.memory_space<vmem_shared>>) offsets(%dma_start3A_689 : memref<128xi32, #tpu.memory_space<vmem>>) semaphore(%run_scoped3A_686 : memref<!tpu.dma_semaphore, #tpu.memory_space<semaphore_mem>>) {add = true}
        %dma_wait3A_693 = arith.constant 0 : i32
        %dma_wait3A_694 = tpu.memref_slice %arg7[%run_scoped3A_483, %run_scoped3A_484, %dma_wait3A_693] : memref<8x2x128xi32, #tpu.memory_space<vmem>> -> memref<1x1x128xi32, #tpu.memory_space<vmem>>
        %dma_wait3A_695 = tpu.memref_squeeze %dma_wait3A_694 : memref<1x1x128xi32, #tpu.memory_space<vmem>> -> memref<128xi32, #tpu.memory_space<vmem>>
        %dma_wait3A_696 = arith.constant 0 : i32
        %dma_wait3A_697 = arith.constant 0 : i32
        %dma_wait3A_698 = tpu.memref_slice %arg16[%dma_wait3A_696, %dma_wait3A_697] : memref<10240x128xf32, #tpu.memory_space<vmem_shared>> -> memref<10240x128xf32, #tpu.memory_space<vmem_shared>>
        tpu.wait_indirect_dma semaphore(%run_scoped3A_686 : memref<!tpu.dma_semaphore, #tpu.memory_space<semaphore_mem>>) src(%arg8 : memref<128x128xf32, #tpu.memory_space<vmem>>) dst(%dma_wait3A_698 : memref<10240x128xf32, #tpu.memory_space<vmem_shared>>)
        tpu.yield
      }) : () -> ()
      %dma_wait3A_485 = arith.constant 7 : i32
      %dma_wait3A_486 = arith.constant 0 : i32
      %dma_wait3A_487 = arith.constant 0 : i32
      %dma_wait3A_488 = tpu.memref_slice %arg7[%dma_wait3A_485, %dma_wait3A_486, %dma_wait3A_487] : memref<8x2x128xi32, #tpu.memory_space<vmem>> -> memref<1x1x128xi32, #tpu.memory_space<vmem>>
      %dma_wait3A_489 = tpu.memref_squeeze %dma_wait3A_488 : memref<1x1x128xi32, #tpu.memory_space<vmem>> -> memref<128xi32, #tpu.memory_space<vmem>>
      %dma_wait3A_490 = arith.constant 0 : i32
      %dma_wait3A_491 = arith.constant 0 : i32
      %dma_wait3A_492 = tpu.memref_slice %arg2[%dma_wait3A_490, %dma_wait3A_491] : memref<10240x128xf32, #tpu.memory_space<hbm>> -> memref<10240x128xf32, #tpu.memory_space<hbm>>
      tpu.wait_indirect_dma semaphore(%arg11 : memref<!tpu.dma_semaphore, #tpu.memory_space<semaphore_mem>>) src(%dma_wait3A_492 : memref<10240x128xf32, #tpu.memory_space<hbm>>) dst(%arg9 : memref<128x128xf32, #tpu.memory_space<vmem>>)
      %add3A_493 = arith.constant 1 : i32
      %add3A_494 = arith.addi %add3A_346, %add3A_493 : i32
      %mul3A_495 = arith.constant 8 : i32
      %mul3A_496 = arith.muli %add3A_494, %mul3A_495 : i32
      %dma_wait3A_497 = arith.constant 0 : i32
      %dma_wait3A_498 = arith.constant 0 : i32
      %dma_wait3A_499 = tpu.memref_slice %arg3[%add3A, %mul3A_496, %dma_wait3A_497, %dma_wait3A_498] : memref<32x80x2x128xi32, #tpu.memory_space<hbm>> -> memref<1x8x2x128xi32, #tpu.memory_space<hbm>>
      %dma_wait3A_500 = tpu.memref_squeeze %dma_wait3A_499 : memref<1x8x2x128xi32, #tpu.memory_space<hbm>> -> memref<8x2x128xi32, #tpu.memory_space<hbm>>
      %dma_wait3A_501 = arith.constant 0 : i32
      %dma_wait3A_502 = arith.constant 0 : i32
      %dma_wait3A_503 = tpu.memref_slice %arg3[%add3A, %mul3A_496, %dma_wait3A_501, %dma_wait3A_502] : memref<32x80x2x128xi32, #tpu.memory_space<hbm>> -> memref<1x8x2x128xi32, #tpu.memory_space<hbm>>
      %dma_wait3A_504 = tpu.memref_squeeze %dma_wait3A_503 : memref<1x8x2x128xi32, #tpu.memory_space<hbm>> -> memref<8x2x128xi32, #tpu.memory_space<hbm>>
      tpu.wait_dma2 semaphore(%arg14 : memref<!tpu.dma_semaphore, #tpu.memory_space<semaphore_mem>>) src(%dma_wait3A_504 : memref<8x2x128xi32, #tpu.memory_space<hbm>>) dst(%arg6 : memref<8x2x128xi32, #tpu.memory_space<vmem>>)
      %dma_start3A_505 = arith.constant 0 : i32
      %dma_start3A_506 = arith.constant 0 : i32
      %dma_start3A_507 = arith.constant 0 : i32
      %dma_start3A_508 = tpu.memref_slice %arg6[%dma_start3A_505, %dma_start3A_506, %dma_start3A_507] : memref<8x2x128xi32, #tpu.memory_space<vmem>> -> memref<1x1x128xi32, #tpu.memory_space<vmem>>
      %dma_start3A_509 = tpu.memref_squeeze %dma_start3A_508 : memref<1x1x128xi32, #tpu.memory_space<vmem>> -> memref<128xi32, #tpu.memory_space<vmem>>
      %dma_start3A_510 = arith.constant 0 : i32
      %dma_start3A_511 = arith.constant 0 : i32
      %dma_start3A_512 = tpu.memref_slice %arg2[%dma_start3A_510, %dma_start3A_511] : memref<10240x128xf32, #tpu.memory_space<hbm>> -> memref<10240x128xf32, #tpu.memory_space<hbm>>
      tpu.enqueue_indirect_dma source(%dma_start3A_512 : memref<10240x128xf32, #tpu.memory_space<hbm>>) target(%arg8 : memref<128x128xf32, #tpu.memory_space<vmem>>) offsets(%dma_start3A_509 : memref<128xi32, #tpu.memory_space<vmem>>) semaphore(%arg10 : memref<!tpu.dma_semaphore, #tpu.memory_space<semaphore_mem>>)
      %run_scoped3A_513 = arith.constant 7 : i32
      %run_scoped3A_514 = arith.constant 1 : i32
      "tpu.region"() ({
        %run_scoped3A_686 = tpu.sem_alloc : memref<!tpu.dma_semaphore, #tpu.memory_space<semaphore_mem>>
        %dma_start3A_687 = arith.constant 0 : i32
        %dma_start3A_688 = tpu.memref_slice %arg7[%run_scoped3A_513, %run_scoped3A_514, %dma_start3A_687] : memref<8x2x128xi32, #tpu.memory_space<vmem>> -> memref<1x1x128xi32, #tpu.memory_space<vmem>>
        %dma_start3A_689 = tpu.memref_squeeze %dma_start3A_688 : memref<1x1x128xi32, #tpu.memory_space<vmem>> -> memref<128xi32, #tpu.memory_space<vmem>>
        %dma_start3A_690 = arith.constant 0 : i32
        %dma_start3A_691 = arith.constant 0 : i32
        %dma_start3A_692 = tpu.memref_slice %arg16[%dma_start3A_690, %dma_start3A_691] : memref<10240x128xf32, #tpu.memory_space<vmem_shared>> -> memref<10240x128xf32, #tpu.memory_space<vmem_shared>>
        tpu.enqueue_indirect_dma source(%arg9 : memref<128x128xf32, #tpu.memory_space<vmem>>) target(%dma_start3A_692 : memref<10240x128xf32, #tpu.memory_space<vmem_shared>>) offsets(%dma_start3A_689 : memref<128xi32, #tpu.memory_space<vmem>>) semaphore(%run_scoped3A_686 : memref<!tpu.dma_semaphore, #tpu.memory_space<semaphore_mem>>) {add = true}
        %dma_wait3A_693 = arith.constant 0 : i32
        %dma_wait3A_694 = tpu.memref_slice %arg7[%run_scoped3A_513, %run_scoped3A_514, %dma_wait3A_693] : memref<8x2x128xi32, #tpu.memory_space<vmem>> -> memref<1x1x128xi32, #tpu.memory_space<vmem>>
        %dma_wait3A_695 = tpu.memref_squeeze %dma_wait3A_694 : memref<1x1x128xi32, #tpu.memory_space<vmem>> -> memref<128xi32, #tpu.memory_space<vmem>>
        %dma_wait3A_696 = arith.constant 0 : i32
        %dma_wait3A_697 = arith.constant 0 : i32
        %dma_wait3A_698 = tpu.memref_slice %arg16[%dma_wait3A_696, %dma_wait3A_697] : memref<10240x128xf32, #tpu.memory_space<vmem_shared>> -> memref<10240x128xf32, #tpu.memory_space<vmem_shared>>
        tpu.wait_indirect_dma semaphore(%run_scoped3A_686 : memref<!tpu.dma_semaphore, #tpu.memory_space<semaphore_mem>>) src(%arg9 : memref<128x128xf32, #tpu.memory_space<vmem>>) dst(%dma_wait3A_698 : memref<10240x128xf32, #tpu.memory_space<vmem_shared>>)
        tpu.yield
      }) : () -> ()
      %add3A_515 = arith.constant 1 : i32
      %add3A_516 = arith.addi %add3A_346, %add3A_515 : i32
      %add3A_517 = arith.constant 1 : i32
      %add3A_518 = arith.addi %add3A_516, %add3A_517 : i32
      %mul3A_519 = arith.constant 8 : i32
      %mul3A_520 = arith.muli %add3A_518, %mul3A_519 : i32
      %dma_start3A_521 = arith.constant 0 : i32
      %dma_start3A_522 = arith.constant 0 : i32
      %dma_start3A_523 = tpu.memref_slice %arg3[%add3A, %mul3A_520, %dma_start3A_521, %dma_start3A_522] : memref<32x80x2x128xi32, #tpu.memory_space<hbm>> -> memref<1x8x2x128xi32, #tpu.memory_space<hbm>>
      %dma_start3A_524 = tpu.memref_squeeze %dma_start3A_523 : memref<1x8x2x128xi32, #tpu.memory_space<hbm>> -> memref<8x2x128xi32, #tpu.memory_space<hbm>>
      %dma_start3A_525 = arith.constant 0 : i32
      %dma_start3A_526 = arith.constant 0 : i32
      %dma_start3A_527 = tpu.memref_slice %arg3[%add3A, %mul3A_520, %dma_start3A_525, %dma_start3A_526] : memref<32x80x2x128xi32, #tpu.memory_space<hbm>> -> memref<1x8x2x128xi32, #tpu.memory_space<hbm>>
      %dma_start3A_528 = tpu.memref_squeeze %dma_start3A_527 : memref<1x8x2x128xi32, #tpu.memory_space<hbm>> -> memref<8x2x128xi32, #tpu.memory_space<hbm>>
      tpu.enqueue_dma source(%dma_start3A_528 : memref<8x2x128xi32, #tpu.memory_space<hbm>>) target(%arg7 : memref<8x2x128xi32, #tpu.memory_space<vmem>>) target_semaphore(%arg15 : memref<!tpu.dma_semaphore, #tpu.memory_space<semaphore_mem>>)
      %dma_wait3A_529 = arith.constant 0 : i32
      %dma_wait3A_530 = arith.constant 0 : i32
      %dma_wait3A_531 = arith.constant 0 : i32
      %dma_wait3A_532 = tpu.memref_slice %arg6[%dma_wait3A_529, %dma_wait3A_530, %dma_wait3A_531] : memref<8x2x128xi32, #tpu.memory_space<vmem>> -> memref<1x1x128xi32, #tpu.memory_space<vmem>>
      %dma_wait3A_533 = tpu.memref_squeeze %dma_wait3A_532 : memref<1x1x128xi32, #tpu.memory_space<vmem>> -> memref<128xi32, #tpu.memory_space<vmem>>
      %dma_wait3A_534 = arith.constant 0 : i32
      %dma_wait3A_535 = arith.constant 0 : i32
      %dma_wait3A_536 = tpu.memref_slice %arg2[%dma_wait3A_534, %dma_wait3A_535] : memref<10240x128xf32, #tpu.memory_space<hbm>> -> memref<10240x128xf32, #tpu.memory_space<hbm>>
      tpu.wait_indirect_dma semaphore(%arg10 : memref<!tpu.dma_semaphore, #tpu.memory_space<semaphore_mem>>) src(%dma_wait3A_536 : memref<10240x128xf32, #tpu.memory_space<hbm>>) dst(%arg8 : memref<128x128xf32, #tpu.memory_space<vmem>>)
      %dma_start3A_537 = arith.constant 1 : i32
      %dma_start3A_538 = arith.constant 0 : i32
      %dma_start3A_539 = arith.constant 0 : i32
      %dma_start3A_540 = tpu.memref_slice %arg6[%dma_start3A_537, %dma_start3A_538, %dma_start3A_539] : memref<8x2x128xi32, #tpu.memory_space<vmem>> -> memref<1x1x128xi32, #tpu.memory_space<vmem>>
      %dma_start3A_541 = tpu.memref_squeeze %dma_start3A_540 : memref<1x1x128xi32, #tpu.memory_space<vmem>> -> memref<128xi32, #tpu.memory_space<vmem>>
      %dma_start3A_542 = arith.constant 0 : i32
      %dma_start3A_543 = arith.constant 0 : i32
      %dma_start3A_544 = tpu.memref_slice %arg2[%dma_start3A_542, %dma_start3A_543] : memref<10240x128xf32, #tpu.memory_space<hbm>> -> memref<10240x128xf32, #tpu.memory_space<hbm>>
      tpu.enqueue_indirect_dma source(%dma_start3A_544 : memref<10240x128xf32, #tpu.memory_space<hbm>>) target(%arg9 : memref<128x128xf32, #tpu.memory_space<vmem>>) offsets(%dma_start3A_541 : memref<128xi32, #tpu.memory_space<vmem>>) semaphore(%arg11 : memref<!tpu.dma_semaphore, #tpu.memory_space<semaphore_mem>>)
      %run_scoped3A_545 = arith.constant 0 : i32
      %run_scoped3A_546 = arith.constant 1 : i32
      "tpu.region"() ({
        %run_scoped3A_686 = tpu.sem_alloc : memref<!tpu.dma_semaphore, #tpu.memory_space<semaphore_mem>>
        %dma_start3A_687 = arith.constant 0 : i32
        %dma_start3A_688 = tpu.memref_slice %arg6[%run_scoped3A_545, %run_scoped3A_546, %dma_start3A_687] : memref<8x2x128xi32, #tpu.memory_space<vmem>> -> memref<1x1x128xi32, #tpu.memory_space<vmem>>
        %dma_start3A_689 = tpu.memref_squeeze %dma_start3A_688 : memref<1x1x128xi32, #tpu.memory_space<vmem>> -> memref<128xi32, #tpu.memory_space<vmem>>
        %dma_start3A_690 = arith.constant 0 : i32
        %dma_start3A_691 = arith.constant 0 : i32
        %dma_start3A_692 = tpu.memref_slice %arg16[%dma_start3A_690, %dma_start3A_691] : memref<10240x128xf32, #tpu.memory_space<vmem_shared>> -> memref<10240x128xf32, #tpu.memory_space<vmem_shared>>
        tpu.enqueue_indirect_dma source(%arg8 : memref<128x128xf32, #tpu.memory_space<vmem>>) target(%dma_start3A_692 : memref<10240x128xf32, #tpu.memory_space<vmem_shared>>) offsets(%dma_start3A_689 : memref<128xi32, #tpu.memory_space<vmem>>) semaphore(%run_scoped3A_686 : memref<!tpu.dma_semaphore, #tpu.memory_space<semaphore_mem>>) {add = true}
        %dma_wait3A_693 = arith.constant 0 : i32
        %dma_wait3A_694 = tpu.memref_slice %arg6[%run_scoped3A_545, %run_scoped3A_546, %dma_wait3A_693] : memref<8x2x128xi32, #tpu.memory_space<vmem>> -> memref<1x1x128xi32, #tpu.memory_space<vmem>>
        %dma_wait3A_695 = tpu.memref_squeeze %dma_wait3A_694 : memref<1x1x128xi32, #tpu.memory_space<vmem>> -> memref<128xi32, #tpu.memory_space<vmem>>
        %dma_wait3A_696 = arith.constant 0 : i32
        %dma_wait3A_697 = arith.constant 0 : i32
        %dma_wait3A_698 = tpu.memref_slice %arg16[%dma_wait3A_696, %dma_wait3A_697] : memref<10240x128xf32, #tpu.memory_space<vmem_shared>> -> memref<10240x128xf32, #tpu.memory_space<vmem_shared>>
        tpu.wait_indirect_dma semaphore(%run_scoped3A_686 : memref<!tpu.dma_semaphore, #tpu.memory_space<semaphore_mem>>) src(%arg8 : memref<128x128xf32, #tpu.memory_space<vmem>>) dst(%dma_wait3A_698 : memref<10240x128xf32, #tpu.memory_space<vmem_shared>>)
        tpu.yield
      }) : () -> ()
      %dma_wait3A_547 = arith.constant 1 : i32
      %dma_wait3A_548 = arith.constant 0 : i32
      %dma_wait3A_549 = arith.constant 0 : i32
      %dma_wait3A_550 = tpu.memref_slice %arg6[%dma_wait3A_547, %dma_wait3A_548, %dma_wait3A_549] : memref<8x2x128xi32, #tpu.memory_space<vmem>> -> memref<1x1x128xi32, #tpu.memory_space<vmem>>
      %dma_wait3A_551 = tpu.memref_squeeze %dma_wait3A_550 : memref<1x1x128xi32, #tpu.memory_space<vmem>> -> memref<128xi32, #tpu.memory_space<vmem>>
      %dma_wait3A_552 = arith.constant 0 : i32
      %dma_wait3A_553 = arith.constant 0 : i32
      %dma_wait3A_554 = tpu.memref_slice %arg2[%dma_wait3A_552, %dma_wait3A_553] : memref<10240x128xf32, #tpu.memory_space<hbm>> -> memref<10240x128xf32, #tpu.memory_space<hbm>>
      tpu.wait_indirect_dma semaphore(%arg11 : memref<!tpu.dma_semaphore, #tpu.memory_space<semaphore_mem>>) src(%dma_wait3A_554 : memref<10240x128xf32, #tpu.memory_space<hbm>>) dst(%arg9 : memref<128x128xf32, #tpu.memory_space<vmem>>)
      %dma_start3A_555 = arith.constant 2 : i32
      %dma_start3A_556 = arith.constant 0 : i32
      %dma_start3A_557 = arith.constant 0 : i32
      %dma_start3A_558 = tpu.memref_slice %arg6[%dma_start3A_555, %dma_start3A_556, %dma_start3A_557] : memref<8x2x128xi32, #tpu.memory_space<vmem>> -> memref<1x1x128xi32, #tpu.memory_space<vmem>>
      %dma_start3A_559 = tpu.memref_squeeze %dma_start3A_558 : memref<1x1x128xi32, #tpu.memory_space<vmem>> -> memref<128xi32, #tpu.memory_space<vmem>>
      %dma_start3A_560 = arith.constant 0 : i32
      %dma_start3A_561 = arith.constant 0 : i32
      %dma_start3A_562 = tpu.memref_slice %arg2[%dma_start3A_560, %dma_start3A_561] : memref<10240x128xf32, #tpu.memory_space<hbm>> -> memref<10240x128xf32, #tpu.memory_space<hbm>>
      tpu.enqueue_indirect_dma source(%dma_start3A_562 : memref<10240x128xf32, #tpu.memory_space<hbm>>) target(%arg8 : memref<128x128xf32, #tpu.memory_space<vmem>>) offsets(%dma_start3A_559 : memref<128xi32, #tpu.memory_space<vmem>>) semaphore(%arg10 : memref<!tpu.dma_semaphore, #tpu.memory_space<semaphore_mem>>)
      %run_scoped3A_563 = arith.constant 1 : i32
      %run_scoped3A_564 = arith.constant 1 : i32
      "tpu.region"() ({
        %run_scoped3A_686 = tpu.sem_alloc : memref<!tpu.dma_semaphore, #tpu.memory_space<semaphore_mem>>
        %dma_start3A_687 = arith.constant 0 : i32
        %dma_start3A_688 = tpu.memref_slice %arg6[%run_scoped3A_563, %run_scoped3A_564, %dma_start3A_687] : memref<8x2x128xi32, #tpu.memory_space<vmem>> -> memref<1x1x128xi32, #tpu.memory_space<vmem>>
        %dma_start3A_689 = tpu.memref_squeeze %dma_start3A_688 : memref<1x1x128xi32, #tpu.memory_space<vmem>> -> memref<128xi32, #tpu.memory_space<vmem>>
        %dma_start3A_690 = arith.constant 0 : i32
        %dma_start3A_691 = arith.constant 0 : i32
        %dma_start3A_692 = tpu.memref_slice %arg16[%dma_start3A_690, %dma_start3A_691] : memref<10240x128xf32, #tpu.memory_space<vmem_shared>> -> memref<10240x128xf32, #tpu.memory_space<vmem_shared>>
        tpu.enqueue_indirect_dma source(%arg9 : memref<128x128xf32, #tpu.memory_space<vmem>>) target(%dma_start3A_692 : memref<10240x128xf32, #tpu.memory_space<vmem_shared>>) offsets(%dma_start3A_689 : memref<128xi32, #tpu.memory_space<vmem>>) semaphore(%run_scoped3A_686 : memref<!tpu.dma_semaphore, #tpu.memory_space<semaphore_mem>>) {add = true}
        %dma_wait3A_693 = arith.constant 0 : i32
        %dma_wait3A_694 = tpu.memref_slice %arg6[%run_scoped3A_563, %run_scoped3A_564, %dma_wait3A_693] : memref<8x2x128xi32, #tpu.memory_space<vmem>> -> memref<1x1x128xi32, #tpu.memory_space<vmem>>
        %dma_wait3A_695 = tpu.memref_squeeze %dma_wait3A_694 : memref<1x1x128xi32, #tpu.memory_space<vmem>> -> memref<128xi32, #tpu.memory_space<vmem>>
        %dma_wait3A_696 = arith.constant 0 : i32
        %dma_wait3A_697 = arith.constant 0 : i32
        %dma_wait3A_698 = tpu.memref_slice %arg16[%dma_wait3A_696, %dma_wait3A_697] : memref<10240x128xf32, #tpu.memory_space<vmem_shared>> -> memref<10240x128xf32, #tpu.memory_space<vmem_shared>>
        tpu.wait_indirect_dma semaphore(%run_scoped3A_686 : memref<!tpu.dma_semaphore, #tpu.memory_space<semaphore_mem>>) src(%arg9 : memref<128x128xf32, #tpu.memory_space<vmem>>) dst(%dma_wait3A_698 : memref<10240x128xf32, #tpu.memory_space<vmem_shared>>)
        tpu.yield
      }) : () -> ()
      %dma_wait3A_565 = arith.constant 2 : i32
      %dma_wait3A_566 = arith.constant 0 : i32
      %dma_wait3A_567 = arith.constant 0 : i32
      %dma_wait3A_568 = tpu.memref_slice %arg6[%dma_wait3A_565, %dma_wait3A_566, %dma_wait3A_567] : memref<8x2x128xi32, #tpu.memory_space<vmem>> -> memref<1x1x128xi32, #tpu.memory_space<vmem>>
      %dma_wait3A_569 = tpu.memref_squeeze %dma_wait3A_568 : memref<1x1x128xi32, #tpu.memory_space<vmem>> -> memref<128xi32, #tpu.memory_space<vmem>>
      %dma_wait3A_570 = arith.constant 0 : i32
      %dma_wait3A_571 = arith.constant 0 : i32
      %dma_wait3A_572 = tpu.memref_slice %arg2[%dma_wait3A_570, %dma_wait3A_571] : memref<10240x128xf32, #tpu.memory_space<hbm>> -> memref<10240x128xf32, #tpu.memory_space<hbm>>
      tpu.wait_indirect_dma semaphore(%arg10 : memref<!tpu.dma_semaphore, #tpu.memory_space<semaphore_mem>>) src(%dma_wait3A_572 : memref<10240x128xf32, #tpu.memory_space<hbm>>) dst(%arg8 : memref<128x128xf32, #tpu.memory_space<vmem>>)
      %dma_start3A_573 = arith.constant 3 : i32
      %dma_start3A_574 = arith.constant 0 : i32
      %dma_start3A_575 = arith.constant 0 : i32
      %dma_start3A_576 = tpu.memref_slice %arg6[%dma_start3A_573, %dma_start3A_574, %dma_start3A_575] : memref<8x2x128xi32, #tpu.memory_space<vmem>> -> memref<1x1x128xi32, #tpu.memory_space<vmem>>
      %dma_start3A_577 = tpu.memref_squeeze %dma_start3A_576 : memref<1x1x128xi32, #tpu.memory_space<vmem>> -> memref<128xi32, #tpu.memory_space<vmem>>
      %dma_start3A_578 = arith.constant 0 : i32
      %dma_start3A_579 = arith.constant 0 : i32
      %dma_start3A_580 = tpu.memref_slice %arg2[%dma_start3A_578, %dma_start3A_579] : memref<10240x128xf32, #tpu.memory_space<hbm>> -> memref<10240x128xf32, #tpu.memory_space<hbm>>
      tpu.enqueue_indirect_dma source(%dma_start3A_580 : memref<10240x128xf32, #tpu.memory_space<hbm>>) target(%arg9 : memref<128x128xf32, #tpu.memory_space<vmem>>) offsets(%dma_start3A_577 : memref<128xi32, #tpu.memory_space<vmem>>) semaphore(%arg11 : memref<!tpu.dma_semaphore, #tpu.memory_space<semaphore_mem>>)
      %run_scoped3A_581 = arith.constant 2 : i32
      %run_scoped3A_582 = arith.constant 1 : i32
      "tpu.region"() ({
        %run_scoped3A_686 = tpu.sem_alloc : memref<!tpu.dma_semaphore, #tpu.memory_space<semaphore_mem>>
        %dma_start3A_687 = arith.constant 0 : i32
        %dma_start3A_688 = tpu.memref_slice %arg6[%run_scoped3A_581, %run_scoped3A_582, %dma_start3A_687] : memref<8x2x128xi32, #tpu.memory_space<vmem>> -> memref<1x1x128xi32, #tpu.memory_space<vmem>>
        %dma_start3A_689 = tpu.memref_squeeze %dma_start3A_688 : memref<1x1x128xi32, #tpu.memory_space<vmem>> -> memref<128xi32, #tpu.memory_space<vmem>>
        %dma_start3A_690 = arith.constant 0 : i32
        %dma_start3A_691 = arith.constant 0 : i32
        %dma_start3A_692 = tpu.memref_slice %arg16[%dma_start3A_690, %dma_start3A_691] : memref<10240x128xf32, #tpu.memory_space<vmem_shared>> -> memref<10240x128xf32, #tpu.memory_space<vmem_shared>>
        tpu.enqueue_indirect_dma source(%arg8 : memref<128x128xf32, #tpu.memory_space<vmem>>) target(%dma_start3A_692 : memref<10240x128xf32, #tpu.memory_space<vmem_shared>>) offsets(%dma_start3A_689 : memref<128xi32, #tpu.memory_space<vmem>>) semaphore(%run_scoped3A_686 : memref<!tpu.dma_semaphore, #tpu.memory_space<semaphore_mem>>) {add = true}
        %dma_wait3A_693 = arith.constant 0 : i32
        %dma_wait3A_694 = tpu.memref_slice %arg6[%run_scoped3A_581, %run_scoped3A_582, %dma_wait3A_693] : memref<8x2x128xi32, #tpu.memory_space<vmem>> -> memref<1x1x128xi32, #tpu.memory_space<vmem>>
        %dma_wait3A_695 = tpu.memref_squeeze %dma_wait3A_694 : memref<1x1x128xi32, #tpu.memory_space<vmem>> -> memref<128xi32, #tpu.memory_space<vmem>>
        %dma_wait3A_696 = arith.constant 0 : i32
        %dma_wait3A_697 = arith.constant 0 : i32
        %dma_wait3A_698 = tpu.memref_slice %arg16[%dma_wait3A_696, %dma_wait3A_697] : memref<10240x128xf32, #tpu.memory_space<vmem_shared>> -> memref<10240x128xf32, #tpu.memory_space<vmem_shared>>
        tpu.wait_indirect_dma semaphore(%run_scoped3A_686 : memref<!tpu.dma_semaphore, #tpu.memory_space<semaphore_mem>>) src(%arg8 : memref<128x128xf32, #tpu.memory_space<vmem>>) dst(%dma_wait3A_698 : memref<10240x128xf32, #tpu.memory_space<vmem_shared>>)
        tpu.yield
      }) : () -> ()
      %dma_wait3A_583 = arith.constant 3 : i32
      %dma_wait3A_584 = arith.constant 0 : i32
      %dma_wait3A_585 = arith.constant 0 : i32
      %dma_wait3A_586 = tpu.memref_slice %arg6[%dma_wait3A_583, %dma_wait3A_584, %dma_wait3A_585] : memref<8x2x128xi32, #tpu.memory_space<vmem>> -> memref<1x1x128xi32, #tpu.memory_space<vmem>>
      %dma_wait3A_587 = tpu.memref_squeeze %dma_wait3A_586 : memref<1x1x128xi32, #tpu.memory_space<vmem>> -> memref<128xi32, #tpu.memory_space<vmem>>
      %dma_wait3A_588 = arith.constant 0 : i32
      %dma_wait3A_589 = arith.constant 0 : i32
      %dma_wait3A_590 = tpu.memref_slice %arg2[%dma_wait3A_588, %dma_wait3A_589] : memref<10240x128xf32, #tpu.memory_space<hbm>> -> memref<10240x128xf32, #tpu.memory_space<hbm>>
      tpu.wait_indirect_dma semaphore(%arg11 : memref<!tpu.dma_semaphore, #tpu.memory_space<semaphore_mem>>) src(%dma_wait3A_590 : memref<10240x128xf32, #tpu.memory_space<hbm>>) dst(%arg9 : memref<128x128xf32, #tpu.memory_space<vmem>>)
      %dma_start3A_591 = arith.constant 4 : i32
      %dma_start3A_592 = arith.constant 0 : i32
      %dma_start3A_593 = arith.constant 0 : i32
      %dma_start3A_594 = tpu.memref_slice %arg6[%dma_start3A_591, %dma_start3A_592, %dma_start3A_593] : memref<8x2x128xi32, #tpu.memory_space<vmem>> -> memref<1x1x128xi32, #tpu.memory_space<vmem>>
      %dma_start3A_595 = tpu.memref_squeeze %dma_start3A_594 : memref<1x1x128xi32, #tpu.memory_space<vmem>> -> memref<128xi32, #tpu.memory_space<vmem>>
      %dma_start3A_596 = arith.constant 0 : i32
      %dma_start3A_597 = arith.constant 0 : i32
      %dma_start3A_598 = tpu.memref_slice %arg2[%dma_start3A_596, %dma_start3A_597] : memref<10240x128xf32, #tpu.memory_space<hbm>> -> memref<10240x128xf32, #tpu.memory_space<hbm>>
      tpu.enqueue_indirect_dma source(%dma_start3A_598 : memref<10240x128xf32, #tpu.memory_space<hbm>>) target(%arg8 : memref<128x128xf32, #tpu.memory_space<vmem>>) offsets(%dma_start3A_595 : memref<128xi32, #tpu.memory_space<vmem>>) semaphore(%arg10 : memref<!tpu.dma_semaphore, #tpu.memory_space<semaphore_mem>>)
      %run_scoped3A_599 = arith.constant 3 : i32
      %run_scoped3A_600 = arith.constant 1 : i32
      "tpu.region"() ({
        %run_scoped3A_686 = tpu.sem_alloc : memref<!tpu.dma_semaphore, #tpu.memory_space<semaphore_mem>>
        %dma_start3A_687 = arith.constant 0 : i32
        %dma_start3A_688 = tpu.memref_slice %arg6[%run_scoped3A_599, %run_scoped3A_600, %dma_start3A_687] : memref<8x2x128xi32, #tpu.memory_space<vmem>> -> memref<1x1x128xi32, #tpu.memory_space<vmem>>
        %dma_start3A_689 = tpu.memref_squeeze %dma_start3A_688 : memref<1x1x128xi32, #tpu.memory_space<vmem>> -> memref<128xi32, #tpu.memory_space<vmem>>
        %dma_start3A_690 = arith.constant 0 : i32
        %dma_start3A_691 = arith.constant 0 : i32
        %dma_start3A_692 = tpu.memref_slice %arg16[%dma_start3A_690, %dma_start3A_691] : memref<10240x128xf32, #tpu.memory_space<vmem_shared>> -> memref<10240x128xf32, #tpu.memory_space<vmem_shared>>
        tpu.enqueue_indirect_dma source(%arg9 : memref<128x128xf32, #tpu.memory_space<vmem>>) target(%dma_start3A_692 : memref<10240x128xf32, #tpu.memory_space<vmem_shared>>) offsets(%dma_start3A_689 : memref<128xi32, #tpu.memory_space<vmem>>) semaphore(%run_scoped3A_686 : memref<!tpu.dma_semaphore, #tpu.memory_space<semaphore_mem>>) {add = true}
        %dma_wait3A_693 = arith.constant 0 : i32
        %dma_wait3A_694 = tpu.memref_slice %arg6[%run_scoped3A_599, %run_scoped3A_600, %dma_wait3A_693] : memref<8x2x128xi32, #tpu.memory_space<vmem>> -> memref<1x1x128xi32, #tpu.memory_space<vmem>>
        %dma_wait3A_695 = tpu.memref_squeeze %dma_wait3A_694 : memref<1x1x128xi32, #tpu.memory_space<vmem>> -> memref<128xi32, #tpu.memory_space<vmem>>
        %dma_wait3A_696 = arith.constant 0 : i32
        %dma_wait3A_697 = arith.constant 0 : i32
        %dma_wait3A_698 = tpu.memref_slice %arg16[%dma_wait3A_696, %dma_wait3A_697] : memref<10240x128xf32, #tpu.memory_space<vmem_shared>> -> memref<10240x128xf32, #tpu.memory_space<vmem_shared>>
        tpu.wait_indirect_dma semaphore(%run_scoped3A_686 : memref<!tpu.dma_semaphore, #tpu.memory_space<semaphore_mem>>) src(%arg9 : memref<128x128xf32, #tpu.memory_space<vmem>>) dst(%dma_wait3A_698 : memref<10240x128xf32, #tpu.memory_space<vmem_shared>>)
        tpu.yield
      }) : () -> ()
      %dma_wait3A_601 = arith.constant 4 : i32
      %dma_wait3A_602 = arith.constant 0 : i32
      %dma_wait3A_603 = arith.constant 0 : i32
      %dma_wait3A_604 = tpu.memref_slice %arg6[%dma_wait3A_601, %dma_wait3A_602, %dma_wait3A_603] : memref<8x2x128xi32, #tpu.memory_space<vmem>> -> memref<1x1x128xi32, #tpu.memory_space<vmem>>
      %dma_wait3A_605 = tpu.memref_squeeze %dma_wait3A_604 : memref<1x1x128xi32, #tpu.memory_space<vmem>> -> memref<128xi32, #tpu.memory_space<vmem>>
      %dma_wait3A_606 = arith.constant 0 : i32
      %dma_wait3A_607 = arith.constant 0 : i32
      %dma_wait3A_608 = tpu.memref_slice %arg2[%dma_wait3A_606, %dma_wait3A_607] : memref<10240x128xf32, #tpu.memory_space<hbm>> -> memref<10240x128xf32, #tpu.memory_space<hbm>>
      tpu.wait_indirect_dma semaphore(%arg10 : memref<!tpu.dma_semaphore, #tpu.memory_space<semaphore_mem>>) src(%dma_wait3A_608 : memref<10240x128xf32, #tpu.memory_space<hbm>>) dst(%arg8 : memref<128x128xf32, #tpu.memory_space<vmem>>)
      %dma_start3A_609 = arith.constant 5 : i32
      %dma_start3A_610 = arith.constant 0 : i32
      %dma_start3A_611 = arith.constant 0 : i32
      %dma_start3A_612 = tpu.memref_slice %arg6[%dma_start3A_609, %dma_start3A_610, %dma_start3A_611] : memref<8x2x128xi32, #tpu.memory_space<vmem>> -> memref<1x1x128xi32, #tpu.memory_space<vmem>>
      %dma_start3A_613 = tpu.memref_squeeze %dma_start3A_612 : memref<1x1x128xi32, #tpu.memory_space<vmem>> -> memref<128xi32, #tpu.memory_space<vmem>>
      %dma_start3A_614 = arith.constant 0 : i32
      %dma_start3A_615 = arith.constant 0 : i32
      %dma_start3A_616 = tpu.memref_slice %arg2[%dma_start3A_614, %dma_start3A_615] : memref<10240x128xf32, #tpu.memory_space<hbm>> -> memref<10240x128xf32, #tpu.memory_space<hbm>>
      tpu.enqueue_indirect_dma source(%dma_start3A_616 : memref<10240x128xf32, #tpu.memory_space<hbm>>) target(%arg9 : memref<128x128xf32, #tpu.memory_space<vmem>>) offsets(%dma_start3A_613 : memref<128xi32, #tpu.memory_space<vmem>>) semaphore(%arg11 : memref<!tpu.dma_semaphore, #tpu.memory_space<semaphore_mem>>)
      %run_scoped3A_617 = arith.constant 4 : i32
      %run_scoped3A_618 = arith.constant 1 : i32
      "tpu.region"() ({
        %run_scoped3A_686 = tpu.sem_alloc : memref<!tpu.dma_semaphore, #tpu.memory_space<semaphore_mem>>
        %dma_start3A_687 = arith.constant 0 : i32
        %dma_start3A_688 = tpu.memref_slice %arg6[%run_scoped3A_617, %run_scoped3A_618, %dma_start3A_687] : memref<8x2x128xi32, #tpu.memory_space<vmem>> -> memref<1x1x128xi32, #tpu.memory_space<vmem>>
        %dma_start3A_689 = tpu.memref_squeeze %dma_start3A_688 : memref<1x1x128xi32, #tpu.memory_space<vmem>> -> memref<128xi32, #tpu.memory_space<vmem>>
        %dma_start3A_690 = arith.constant 0 : i32
        %dma_start3A_691 = arith.constant 0 : i32
        %dma_start3A_692 = tpu.memref_slice %arg16[%dma_start3A_690, %dma_start3A_691] : memref<10240x128xf32, #tpu.memory_space<vmem_shared>> -> memref<10240x128xf32, #tpu.memory_space<vmem_shared>>
        tpu.enqueue_indirect_dma source(%arg8 : memref<128x128xf32, #tpu.memory_space<vmem>>) target(%dma_start3A_692 : memref<10240x128xf32, #tpu.memory_space<vmem_shared>>) offsets(%dma_start3A_689 : memref<128xi32, #tpu.memory_space<vmem>>) semaphore(%run_scoped3A_686 : memref<!tpu.dma_semaphore, #tpu.memory_space<semaphore_mem>>) {add = true}
        %dma_wait3A_693 = arith.constant 0 : i32
        %dma_wait3A_694 = tpu.memref_slice %arg6[%run_scoped3A_617, %run_scoped3A_618, %dma_wait3A_693] : memref<8x2x128xi32, #tpu.memory_space<vmem>> -> memref<1x1x128xi32, #tpu.memory_space<vmem>>
        %dma_wait3A_695 = tpu.memref_squeeze %dma_wait3A_694 : memref<1x1x128xi32, #tpu.memory_space<vmem>> -> memref<128xi32, #tpu.memory_space<vmem>>
        %dma_wait3A_696 = arith.constant 0 : i32
        %dma_wait3A_697 = arith.constant 0 : i32
        %dma_wait3A_698 = tpu.memref_slice %arg16[%dma_wait3A_696, %dma_wait3A_697] : memref<10240x128xf32, #tpu.memory_space<vmem_shared>> -> memref<10240x128xf32, #tpu.memory_space<vmem_shared>>
        tpu.wait_indirect_dma semaphore(%run_scoped3A_686 : memref<!tpu.dma_semaphore, #tpu.memory_space<semaphore_mem>>) src(%arg8 : memref<128x128xf32, #tpu.memory_space<vmem>>) dst(%dma_wait3A_698 : memref<10240x128xf32, #tpu.memory_space<vmem_shared>>)
        tpu.yield
      }) : () -> ()
      %dma_wait3A_619 = arith.constant 5 : i32
      %dma_wait3A_620 = arith.constant 0 : i32
      %dma_wait3A_621 = arith.constant 0 : i32
      %dma_wait3A_622 = tpu.memref_slice %arg6[%dma_wait3A_619, %dma_wait3A_620, %dma_wait3A_621] : memref<8x2x128xi32, #tpu.memory_space<vmem>> -> memref<1x1x128xi32, #tpu.memory_space<vmem>>
      %dma_wait3A_623 = tpu.memref_squeeze %dma_wait3A_622 : memref<1x1x128xi32, #tpu.memory_space<vmem>> -> memref<128xi32, #tpu.memory_space<vmem>>
      %dma_wait3A_624 = arith.constant 0 : i32
      %dma_wait3A_625 = arith.constant 0 : i32
      %dma_wait3A_626 = tpu.memref_slice %arg2[%dma_wait3A_624, %dma_wait3A_625] : memref<10240x128xf32, #tpu.memory_space<hbm>> -> memref<10240x128xf32, #tpu.memory_space<hbm>>
      tpu.wait_indirect_dma semaphore(%arg11 : memref<!tpu.dma_semaphore, #tpu.memory_space<semaphore_mem>>) src(%dma_wait3A_626 : memref<10240x128xf32, #tpu.memory_space<hbm>>) dst(%arg9 : memref<128x128xf32, #tpu.memory_space<vmem>>)
      %dma_start3A_627 = arith.constant 6 : i32
      %dma_start3A_628 = arith.constant 0 : i32
      %dma_start3A_629 = arith.constant 0 : i32
      %dma_start3A_630 = tpu.memref_slice %arg6[%dma_start3A_627, %dma_start3A_628, %dma_start3A_629] : memref<8x2x128xi32, #tpu.memory_space<vmem>> -> memref<1x1x128xi32, #tpu.memory_space<vmem>>
      %dma_start3A_631 = tpu.memref_squeeze %dma_start3A_630 : memref<1x1x128xi32, #tpu.memory_space<vmem>> -> memref<128xi32, #tpu.memory_space<vmem>>
      %dma_start3A_632 = arith.constant 0 : i32
      %dma_start3A_633 = arith.constant 0 : i32
      %dma_start3A_634 = tpu.memref_slice %arg2[%dma_start3A_632, %dma_start3A_633] : memref<10240x128xf32, #tpu.memory_space<hbm>> -> memref<10240x128xf32, #tpu.memory_space<hbm>>
      tpu.enqueue_indirect_dma source(%dma_start3A_634 : memref<10240x128xf32, #tpu.memory_space<hbm>>) target(%arg8 : memref<128x128xf32, #tpu.memory_space<vmem>>) offsets(%dma_start3A_631 : memref<128xi32, #tpu.memory_space<vmem>>) semaphore(%arg10 : memref<!tpu.dma_semaphore, #tpu.memory_space<semaphore_mem>>)
      %run_scoped3A_635 = arith.constant 5 : i32
      %run_scoped3A_636 = arith.constant 1 : i32
      "tpu.region"() ({
        %run_scoped3A_686 = tpu.sem_alloc : memref<!tpu.dma_semaphore, #tpu.memory_space<semaphore_mem>>
        %dma_start3A_687 = arith.constant 0 : i32
        %dma_start3A_688 = tpu.memref_slice %arg6[%run_scoped3A_635, %run_scoped3A_636, %dma_start3A_687] : memref<8x2x128xi32, #tpu.memory_space<vmem>> -> memref<1x1x128xi32, #tpu.memory_space<vmem>>
        %dma_start3A_689 = tpu.memref_squeeze %dma_start3A_688 : memref<1x1x128xi32, #tpu.memory_space<vmem>> -> memref<128xi32, #tpu.memory_space<vmem>>
        %dma_start3A_690 = arith.constant 0 : i32
        %dma_start3A_691 = arith.constant 0 : i32
        %dma_start3A_692 = tpu.memref_slice %arg16[%dma_start3A_690, %dma_start3A_691] : memref<10240x128xf32, #tpu.memory_space<vmem_shared>> -> memref<10240x128xf32, #tpu.memory_space<vmem_shared>>
        tpu.enqueue_indirect_dma source(%arg9 : memref<128x128xf32, #tpu.memory_space<vmem>>) target(%dma_start3A_692 : memref<10240x128xf32, #tpu.memory_space<vmem_shared>>) offsets(%dma_start3A_689 : memref<128xi32, #tpu.memory_space<vmem>>) semaphore(%run_scoped3A_686 : memref<!tpu.dma_semaphore, #tpu.memory_space<semaphore_mem>>) {add = true}
        %dma_wait3A_693 = arith.constant 0 : i32
        %dma_wait3A_694 = tpu.memref_slice %arg6[%run_scoped3A_635, %run_scoped3A_636, %dma_wait3A_693] : memref<8x2x128xi32, #tpu.memory_space<vmem>> -> memref<1x1x128xi32, #tpu.memory_space<vmem>>
        %dma_wait3A_695 = tpu.memref_squeeze %dma_wait3A_694 : memref<1x1x128xi32, #tpu.memory_space<vmem>> -> memref<128xi32, #tpu.memory_space<vmem>>
        %dma_wait3A_696 = arith.constant 0 : i32
        %dma_wait3A_697 = arith.constant 0 : i32
        %dma_wait3A_698 = tpu.memref_slice %arg16[%dma_wait3A_696, %dma_wait3A_697] : memref<10240x128xf32, #tpu.memory_space<vmem_shared>> -> memref<10240x128xf32, #tpu.memory_space<vmem_shared>>
        tpu.wait_indirect_dma semaphore(%run_scoped3A_686 : memref<!tpu.dma_semaphore, #tpu.memory_space<semaphore_mem>>) src(%arg9 : memref<128x128xf32, #tpu.memory_space<vmem>>) dst(%dma_wait3A_698 : memref<10240x128xf32, #tpu.memory_space<vmem_shared>>)
        tpu.yield
      }) : () -> ()
      %dma_wait3A_637 = arith.constant 6 : i32
      %dma_wait3A_638 = arith.constant 0 : i32
      %dma_wait3A_639 = arith.constant 0 : i32
      %dma_wait3A_640 = tpu.memref_slice %arg6[%dma_wait3A_637, %dma_wait3A_638, %dma_wait3A_639] : memref<8x2x128xi32, #tpu.memory_space<vmem>> -> memref<1x1x128xi32, #tpu.memory_space<vmem>>
      %dma_wait3A_641 = tpu.memref_squeeze %dma_wait3A_640 : memref<1x1x128xi32, #tpu.memory_space<vmem>> -> memref<128xi32, #tpu.memory_space<vmem>>
      %dma_wait3A_642 = arith.constant 0 : i32
      %dma_wait3A_643 = arith.constant 0 : i32
      %dma_wait3A_644 = tpu.memref_slice %arg2[%dma_wait3A_642, %dma_wait3A_643] : memref<10240x128xf32, #tpu.memory_space<hbm>> -> memref<10240x128xf32, #tpu.memory_space<hbm>>
      tpu.wait_indirect_dma semaphore(%arg10 : memref<!tpu.dma_semaphore, #tpu.memory_space<semaphore_mem>>) src(%dma_wait3A_644 : memref<10240x128xf32, #tpu.memory_space<hbm>>) dst(%arg8 : memref<128x128xf32, #tpu.memory_space<vmem>>)
      %dma_start3A_645 = arith.constant 7 : i32
      %dma_start3A_646 = arith.constant 0 : i32
      %dma_start3A_647 = arith.constant 0 : i32
      %dma_start3A_648 = tpu.memref_slice %arg6[%dma_start3A_645, %dma_start3A_646, %dma_start3A_647] : memref<8x2x128xi32, #tpu.memory_space<vmem>> -> memref<1x1x128xi32, #tpu.memory_space<vmem>>
      %dma_start3A_649 = tpu.memref_squeeze %dma_start3A_648 : memref<1x1x128xi32, #tpu.memory_space<vmem>> -> memref<128xi32, #tpu.memory_space<vmem>>
      %dma_start3A_650 = arith.constant 0 : i32
      %dma_start3A_651 = arith.constant 0 : i32
      %dma_start3A_652 = tpu.memref_slice %arg2[%dma_start3A_650, %dma_start3A_651] : memref<10240x128xf32, #tpu.memory_space<hbm>> -> memref<10240x128xf32, #tpu.memory_space<hbm>>
      tpu.enqueue_indirect_dma source(%dma_start3A_652 : memref<10240x128xf32, #tpu.memory_space<hbm>>) target(%arg9 : memref<128x128xf32, #tpu.memory_space<vmem>>) offsets(%dma_start3A_649 : memref<128xi32, #tpu.memory_space<vmem>>) semaphore(%arg11 : memref<!tpu.dma_semaphore, #tpu.memory_space<semaphore_mem>>)
      %run_scoped3A_653 = arith.constant 6 : i32
      %run_scoped3A_654 = arith.constant 1 : i32
      "tpu.region"() ({
        %run_scoped3A_686 = tpu.sem_alloc : memref<!tpu.dma_semaphore, #tpu.memory_space<semaphore_mem>>
        %dma_start3A_687 = arith.constant 0 : i32
        %dma_start3A_688 = tpu.memref_slice %arg6[%run_scoped3A_653, %run_scoped3A_654, %dma_start3A_687] : memref<8x2x128xi32, #tpu.memory_space<vmem>> -> memref<1x1x128xi32, #tpu.memory_space<vmem>>
        %dma_start3A_689 = tpu.memref_squeeze %dma_start3A_688 : memref<1x1x128xi32, #tpu.memory_space<vmem>> -> memref<128xi32, #tpu.memory_space<vmem>>
        %dma_start3A_690 = arith.constant 0 : i32
        %dma_start3A_691 = arith.constant 0 : i32
        %dma_start3A_692 = tpu.memref_slice %arg16[%dma_start3A_690, %dma_start3A_691] : memref<10240x128xf32, #tpu.memory_space<vmem_shared>> -> memref<10240x128xf32, #tpu.memory_space<vmem_shared>>
        tpu.enqueue_indirect_dma source(%arg8 : memref<128x128xf32, #tpu.memory_space<vmem>>) target(%dma_start3A_692 : memref<10240x128xf32, #tpu.memory_space<vmem_shared>>) offsets(%dma_start3A_689 : memref<128xi32, #tpu.memory_space<vmem>>) semaphore(%run_scoped3A_686 : memref<!tpu.dma_semaphore, #tpu.memory_space<semaphore_mem>>) {add = true}
        %dma_wait3A_693 = arith.constant 0 : i32
        %dma_wait3A_694 = tpu.memref_slice %arg6[%run_scoped3A_653, %run_scoped3A_654, %dma_wait3A_693] : memref<8x2x128xi32, #tpu.memory_space<vmem>> -> memref<1x1x128xi32, #tpu.memory_space<vmem>>
        %dma_wait3A_695 = tpu.memref_squeeze %dma_wait3A_694 : memref<1x1x128xi32, #tpu.memory_space<vmem>> -> memref<128xi32, #tpu.memory_space<vmem>>
        %dma_wait3A_696 = arith.constant 0 : i32
        %dma_wait3A_697 = arith.constant 0 : i32
        %dma_wait3A_698 = tpu.memref_slice %arg16[%dma_wait3A_696, %dma_wait3A_697] : memref<10240x128xf32, #tpu.memory_space<vmem_shared>> -> memref<10240x128xf32, #tpu.memory_space<vmem_shared>>
        tpu.wait_indirect_dma semaphore(%run_scoped3A_686 : memref<!tpu.dma_semaphore, #tpu.memory_space<semaphore_mem>>) src(%arg8 : memref<128x128xf32, #tpu.memory_space<vmem>>) dst(%dma_wait3A_698 : memref<10240x128xf32, #tpu.memory_space<vmem_shared>>)
        tpu.yield
      }) : () -> ()
      %dma_wait3A_655 = arith.constant 7 : i32
      %dma_wait3A_656 = arith.constant 0 : i32
      %dma_wait3A_657 = arith.constant 0 : i32
      %dma_wait3A_658 = tpu.memref_slice %arg6[%dma_wait3A_655, %dma_wait3A_656, %dma_wait3A_657] : memref<8x2x128xi32, #tpu.memory_space<vmem>> -> memref<1x1x128xi32, #tpu.memory_space<vmem>>
      %dma_wait3A_659 = tpu.memref_squeeze %dma_wait3A_658 : memref<1x1x128xi32, #tpu.memory_space<vmem>> -> memref<128xi32, #tpu.memory_space<vmem>>
      %dma_wait3A_660 = arith.constant 0 : i32
      %dma_wait3A_661 = arith.constant 0 : i32
      %dma_wait3A_662 = tpu.memref_slice %arg2[%dma_wait3A_660, %dma_wait3A_661] : memref<10240x128xf32, #tpu.memory_space<hbm>> -> memref<10240x128xf32, #tpu.memory_space<hbm>>
      tpu.wait_indirect_dma semaphore(%arg11 : memref<!tpu.dma_semaphore, #tpu.memory_space<semaphore_mem>>) src(%dma_wait3A_662 : memref<10240x128xf32, #tpu.memory_space<hbm>>) dst(%arg9 : memref<128x128xf32, #tpu.memory_space<vmem>>)
      %add3A_663 = arith.constant 1 : i32
      %add3A_664 = arith.addi %add3A_516, %add3A_663 : i32
      %mul3A_665 = arith.constant 8 : i32
      %mul3A_666 = arith.muli %add3A_664, %mul3A_665 : i32
      %dma_wait3A_667 = arith.constant 0 : i32
      %dma_wait3A_668 = arith.constant 0 : i32
      %dma_wait3A_669 = tpu.memref_slice %arg3[%add3A, %mul3A_666, %dma_wait3A_667, %dma_wait3A_668] : memref<32x80x2x128xi32, #tpu.memory_space<hbm>> -> memref<1x8x2x128xi32, #tpu.memory_space<hbm>>
      %dma_wait3A_670 = tpu.memref_squeeze %dma_wait3A_669 : memref<1x8x2x128xi32, #tpu.memory_space<hbm>> -> memref<8x2x128xi32, #tpu.memory_space<hbm>>
      %dma_wait3A_671 = arith.constant 0 : i32
      %dma_wait3A_672 = arith.constant 0 : i32
      %dma_wait3A_673 = tpu.memref_slice %arg3[%add3A, %mul3A_666, %dma_wait3A_671, %dma_wait3A_672] : memref<32x80x2x128xi32, #tpu.memory_space<hbm>> -> memref<1x8x2x128xi32, #tpu.memory_space<hbm>>
      %dma_wait3A_674 = tpu.memref_squeeze %dma_wait3A_673 : memref<1x8x2x128xi32, #tpu.memory_space<hbm>> -> memref<8x2x128xi32, #tpu.memory_space<hbm>>
      tpu.wait_dma2 semaphore(%arg15 : memref<!tpu.dma_semaphore, #tpu.memory_space<semaphore_mem>>) src(%dma_wait3A_674 : memref<8x2x128xi32, #tpu.memory_space<hbm>>) dst(%arg7 : memref<8x2x128xi32, #tpu.memory_space<vmem>>)
      %dma_start3A_675 = arith.constant 0 : i32
      %dma_start3A_676 = arith.constant 0 : i32
      %dma_start3A_677 = arith.constant 0 : i32
      %dma_start3A_678 = tpu.memref_slice %arg7[%dma_start3A_675, %dma_start3A_676, %dma_start3A_677] : memref<8x2x128xi32, #tpu.memory_space<vmem>> -> memref<1x1x128xi32, #tpu.memory_space<vmem>>
      %dma_start3A_679 = tpu.memref_squeeze %dma_start3A_678 : memref<1x1x128xi32, #tpu.memory_space<vmem>> -> memref<128xi32, #tpu.memory_space<vmem>>
      %dma_start3A_680 = arith.constant 0 : i32
      %dma_start3A_681 = arith.constant 0 : i32
      %dma_start3A_682 = tpu.memref_slice %arg2[%dma_start3A_680, %dma_start3A_681] : memref<10240x128xf32, #tpu.memory_space<hbm>> -> memref<10240x128xf32, #tpu.memory_space<hbm>>
      tpu.enqueue_indirect_dma source(%dma_start3A_682 : memref<10240x128xf32, #tpu.memory_space<hbm>>) target(%arg8 : memref<128x128xf32, #tpu.memory_space<vmem>>) offsets(%dma_start3A_679 : memref<128xi32, #tpu.memory_space<vmem>>) semaphore(%arg10 : memref<!tpu.dma_semaphore, #tpu.memory_space<semaphore_mem>>)
      %run_scoped3A_683 = arith.constant 7 : i32
      %run_scoped3A_684 = arith.constant 1 : i32
      "tpu.region"() ({
        %run_scoped3A_686 = tpu.sem_alloc : memref<!tpu.dma_semaphore, #tpu.memory_space<semaphore_mem>>
        %dma_start3A_687 = arith.constant 0 : i32
        %dma_start3A_688 = tpu.memref_slice %arg6[%run_scoped3A_683, %run_scoped3A_684, %dma_start3A_687] : memref<8x2x128xi32, #tpu.memory_space<vmem>> -> memref<1x1x128xi32, #tpu.memory_space<vmem>>
        %dma_start3A_689 = tpu.memref_squeeze %dma_start3A_688 : memref<1x1x128xi32, #tpu.memory_space<vmem>> -> memref<128xi32, #tpu.memory_space<vmem>>
        %dma_start3A_690 = arith.constant 0 : i32
        %dma_start3A_691 = arith.constant 0 : i32
        %dma_start3A_692 = tpu.memref_slice %arg16[%dma_start3A_690, %dma_start3A_691] : memref<10240x128xf32, #tpu.memory_space<vmem_shared>> -> memref<10240x128xf32, #tpu.memory_space<vmem_shared>>
        tpu.enqueue_indirect_dma source(%arg9 : memref<128x128xf32, #tpu.memory_space<vmem>>) target(%dma_start3A_692 : memref<10240x128xf32, #tpu.memory_space<vmem_shared>>) offsets(%dma_start3A_689 : memref<128xi32, #tpu.memory_space<vmem>>) semaphore(%run_scoped3A_686 : memref<!tpu.dma_semaphore, #tpu.memory_space<semaphore_mem>>) {add = true}
        %dma_wait3A_693 = arith.constant 0 : i32
        %dma_wait3A_694 = tpu.memref_slice %arg6[%run_scoped3A_683, %run_scoped3A_684, %dma_wait3A_693] : memref<8x2x128xi32, #tpu.memory_space<vmem>> -> memref<1x1x128xi32, #tpu.memory_space<vmem>>
        %dma_wait3A_695 = tpu.memref_squeeze %dma_wait3A_694 : memref<1x1x128xi32, #tpu.memory_space<vmem>> -> memref<128xi32, #tpu.memory_space<vmem>>
        %dma_wait3A_696 = arith.constant 0 : i32
        %dma_wait3A_697 = arith.constant 0 : i32
        %dma_wait3A_698 = tpu.memref_slice %arg16[%dma_wait3A_696, %dma_wait3A_697] : memref<10240x128xf32, #tpu.memory_space<vmem_shared>> -> memref<10240x128xf32, #tpu.memory_space<vmem_shared>>
        tpu.wait_indirect_dma semaphore(%run_scoped3A_686 : memref<!tpu.dma_semaphore, #tpu.memory_space<semaphore_mem>>) src(%arg9 : memref<128x128xf32, #tpu.memory_space<vmem>>) dst(%dma_wait3A_698 : memref<10240x128xf32, #tpu.memory_space<vmem_shared>>)
        tpu.yield
      }) : () -> ()
      %scan3A_685 = arith.constant 0 : i32
      scf.yield %scan3A_685 : i32
    }
    %scan3A_199 = arith.constant 4 : i32
    %dma_wait3A_200 = arith.constant 0 : i32
    %dma_wait3A_201 = arith.constant 0 : i32
    %dma_wait3A_202 = arith.constant 0 : i32
    %dma_wait3A_203 = tpu.memref_slice %arg7[%dma_wait3A_200, %dma_wait3A_201, %dma_wait3A_202] : memref<8x2x128xi32, #tpu.memory_space<vmem>> -> memref<1x1x128xi32, #tpu.memory_space<vmem>>
    %dma_wait3A_204 = tpu.memref_squeeze %dma_wait3A_203 : memref<1x1x128xi32, #tpu.memory_space<vmem>> -> memref<128xi32, #tpu.memory_space<vmem>>
    %dma_wait3A_205 = arith.constant 0 : i32
    %dma_wait3A_206 = arith.constant 0 : i32
    %dma_wait3A_207 = tpu.memref_slice %arg2[%dma_wait3A_205, %dma_wait3A_206] : memref<10240x128xf32, #tpu.memory_space<hbm>> -> memref<10240x128xf32, #tpu.memory_space<hbm>>
    tpu.wait_indirect_dma semaphore(%arg10 : memref<!tpu.dma_semaphore, #tpu.memory_space<semaphore_mem>>) src(%dma_wait3A_207 : memref<10240x128xf32, #tpu.memory_space<hbm>>) dst(%arg8 : memref<128x128xf32, #tpu.memory_space<vmem>>)
    %dma_start3A_208 = arith.constant 1 : i32
    %dma_start3A_209 = arith.constant 0 : i32
    %dma_start3A_210 = arith.constant 0 : i32
    %dma_start3A_211 = tpu.memref_slice %arg7[%dma_start3A_208, %dma_start3A_209, %dma_start3A_210] : memref<8x2x128xi32, #tpu.memory_space<vmem>> -> memref<1x1x128xi32, #tpu.memory_space<vmem>>
    %dma_start3A_212 = tpu.memref_squeeze %dma_start3A_211 : memref<1x1x128xi32, #tpu.memory_space<vmem>> -> memref<128xi32, #tpu.memory_space<vmem>>
    %dma_start3A_213 = arith.constant 0 : i32
    %dma_start3A_214 = arith.constant 0 : i32
    %dma_start3A_215 = tpu.memref_slice %arg2[%dma_start3A_213, %dma_start3A_214] : memref<10240x128xf32, #tpu.memory_space<hbm>> -> memref<10240x128xf32, #tpu.memory_space<hbm>>
    tpu.enqueue_indirect_dma source(%dma_start3A_215 : memref<10240x128xf32, #tpu.memory_space<hbm>>) target(%arg9 : memref<128x128xf32, #tpu.memory_space<vmem>>) offsets(%dma_start3A_212 : memref<128xi32, #tpu.memory_space<vmem>>) semaphore(%arg11 : memref<!tpu.dma_semaphore, #tpu.memory_space<semaphore_mem>>)
    %run_scoped3A_216 = arith.constant 0 : i32
    %run_scoped3A_217 = arith.constant 1 : i32
    "tpu.region"() ({
      %run_scoped3A_341 = tpu.sem_alloc : memref<!tpu.dma_semaphore, #tpu.memory_space<semaphore_mem>>
      %dma_start3A_342 = arith.constant 0 : i32
      %dma_start3A_343 = tpu.memref_slice %arg7[%run_scoped3A_216, %run_scoped3A_217, %dma_start3A_342] : memref<8x2x128xi32, #tpu.memory_space<vmem>> -> memref<1x1x128xi32, #tpu.memory_space<vmem>>
      %dma_start3A_344 = tpu.memref_squeeze %dma_start3A_343 : memref<1x1x128xi32, #tpu.memory_space<vmem>> -> memref<128xi32, #tpu.memory_space<vmem>>
      %dma_start3A_345 = arith.constant 0 : i32
      %dma_start3A_346 = arith.constant 0 : i32
      %dma_start3A_347 = tpu.memref_slice %arg16[%dma_start3A_345, %dma_start3A_346] : memref<10240x128xf32, #tpu.memory_space<vmem_shared>> -> memref<10240x128xf32, #tpu.memory_space<vmem_shared>>
      tpu.enqueue_indirect_dma source(%arg8 : memref<128x128xf32, #tpu.memory_space<vmem>>) target(%dma_start3A_347 : memref<10240x128xf32, #tpu.memory_space<vmem_shared>>) offsets(%dma_start3A_344 : memref<128xi32, #tpu.memory_space<vmem>>) semaphore(%run_scoped3A_341 : memref<!tpu.dma_semaphore, #tpu.memory_space<semaphore_mem>>) {add = true}
      %dma_wait3A_348 = arith.constant 0 : i32
      %dma_wait3A_349 = tpu.memref_slice %arg7[%run_scoped3A_216, %run_scoped3A_217, %dma_wait3A_348] : memref<8x2x128xi32, #tpu.memory_space<vmem>> -> memref<1x1x128xi32, #tpu.memory_space<vmem>>
      %dma_wait3A_350 = tpu.memref_squeeze %dma_wait3A_349 : memref<1x1x128xi32, #tpu.memory_space<vmem>> -> memref<128xi32, #tpu.memory_space<vmem>>
      %dma_wait3A_351 = arith.constant 0 : i32
      %dma_wait3A_352 = arith.constant 0 : i32
      %dma_wait3A_353 = tpu.memref_slice %arg16[%dma_wait3A_351, %dma_wait3A_352] : memref<10240x128xf32, #tpu.memory_space<vmem_shared>> -> memref<10240x128xf32, #tpu.memory_space<vmem_shared>>
      tpu.wait_indirect_dma semaphore(%run_scoped3A_341 : memref<!tpu.dma_semaphore, #tpu.memory_space<semaphore_mem>>) src(%arg8 : memref<128x128xf32, #tpu.memory_space<vmem>>) dst(%dma_wait3A_353 : memref<10240x128xf32, #tpu.memory_space<vmem_shared>>)
      tpu.yield
    }) : () -> ()
    %dma_wait3A_218 = arith.constant 1 : i32
    %dma_wait3A_219 = arith.constant 0 : i32
    %dma_wait3A_220 = arith.constant 0 : i32
    %dma_wait3A_221 = tpu.memref_slice %arg7[%dma_wait3A_218, %dma_wait3A_219, %dma_wait3A_220] : memref<8x2x128xi32, #tpu.memory_space<vmem>> -> memref<1x1x128xi32, #tpu.memory_space<vmem>>
    %dma_wait3A_222 = tpu.memref_squeeze %dma_wait3A_221 : memref<1x1x128xi32, #tpu.memory_space<vmem>> -> memref<128xi32, #tpu.memory_space<vmem>>
    %dma_wait3A_223 = arith.constant 0 : i32
    %dma_wait3A_224 = arith.constant 0 : i32
    %dma_wait3A_225 = tpu.memref_slice %arg2[%dma_wait3A_223, %dma_wait3A_224] : memref<10240x128xf32, #tpu.memory_space<hbm>> -> memref<10240x128xf32, #tpu.memory_space<hbm>>
    tpu.wait_indirect_dma semaphore(%arg11 : memref<!tpu.dma_semaphore, #tpu.memory_space<semaphore_mem>>) src(%dma_wait3A_225 : memref<10240x128xf32, #tpu.memory_space<hbm>>) dst(%arg9 : memref<128x128xf32, #tpu.memory_space<vmem>>)
    %dma_start3A_226 = arith.constant 2 : i32
    %dma_start3A_227 = arith.constant 0 : i32
    %dma_start3A_228 = arith.constant 0 : i32
    %dma_start3A_229 = tpu.memref_slice %arg7[%dma_start3A_226, %dma_start3A_227, %dma_start3A_228] : memref<8x2x128xi32, #tpu.memory_space<vmem>> -> memref<1x1x128xi32, #tpu.memory_space<vmem>>
    %dma_start3A_230 = tpu.memref_squeeze %dma_start3A_229 : memref<1x1x128xi32, #tpu.memory_space<vmem>> -> memref<128xi32, #tpu.memory_space<vmem>>
    %dma_start3A_231 = arith.constant 0 : i32
    %dma_start3A_232 = arith.constant 0 : i32
    %dma_start3A_233 = tpu.memref_slice %arg2[%dma_start3A_231, %dma_start3A_232] : memref<10240x128xf32, #tpu.memory_space<hbm>> -> memref<10240x128xf32, #tpu.memory_space<hbm>>
    tpu.enqueue_indirect_dma source(%dma_start3A_233 : memref<10240x128xf32, #tpu.memory_space<hbm>>) target(%arg8 : memref<128x128xf32, #tpu.memory_space<vmem>>) offsets(%dma_start3A_230 : memref<128xi32, #tpu.memory_space<vmem>>) semaphore(%arg10 : memref<!tpu.dma_semaphore, #tpu.memory_space<semaphore_mem>>)
    %run_scoped3A_234 = arith.constant 1 : i32
    %run_scoped3A_235 = arith.constant 1 : i32
    "tpu.region"() ({
      %run_scoped3A_341 = tpu.sem_alloc : memref<!tpu.dma_semaphore, #tpu.memory_space<semaphore_mem>>
      %dma_start3A_342 = arith.constant 0 : i32
      %dma_start3A_343 = tpu.memref_slice %arg7[%run_scoped3A_234, %run_scoped3A_235, %dma_start3A_342] : memref<8x2x128xi32, #tpu.memory_space<vmem>> -> memref<1x1x128xi32, #tpu.memory_space<vmem>>
      %dma_start3A_344 = tpu.memref_squeeze %dma_start3A_343 : memref<1x1x128xi32, #tpu.memory_space<vmem>> -> memref<128xi32, #tpu.memory_space<vmem>>
      %dma_start3A_345 = arith.constant 0 : i32
      %dma_start3A_346 = arith.constant 0 : i32
      %dma_start3A_347 = tpu.memref_slice %arg16[%dma_start3A_345, %dma_start3A_346] : memref<10240x128xf32, #tpu.memory_space<vmem_shared>> -> memref<10240x128xf32, #tpu.memory_space<vmem_shared>>
      tpu.enqueue_indirect_dma source(%arg9 : memref<128x128xf32, #tpu.memory_space<vmem>>) target(%dma_start3A_347 : memref<10240x128xf32, #tpu.memory_space<vmem_shared>>) offsets(%dma_start3A_344 : memref<128xi32, #tpu.memory_space<vmem>>) semaphore(%run_scoped3A_341 : memref<!tpu.dma_semaphore, #tpu.memory_space<semaphore_mem>>) {add = true}
      %dma_wait3A_348 = arith.constant 0 : i32
      %dma_wait3A_349 = tpu.memref_slice %arg7[%run_scoped3A_234, %run_scoped3A_235, %dma_wait3A_348] : memref<8x2x128xi32, #tpu.memory_space<vmem>> -> memref<1x1x128xi32, #tpu.memory_space<vmem>>
      %dma_wait3A_350 = tpu.memref_squeeze %dma_wait3A_349 : memref<1x1x128xi32, #tpu.memory_space<vmem>> -> memref<128xi32, #tpu.memory_space<vmem>>
      %dma_wait3A_351 = arith.constant 0 : i32
      %dma_wait3A_352 = arith.constant 0 : i32
      %dma_wait3A_353 = tpu.memref_slice %arg16[%dma_wait3A_351, %dma_wait3A_352] : memref<10240x128xf32, #tpu.memory_space<vmem_shared>> -> memref<10240x128xf32, #tpu.memory_space<vmem_shared>>
      tpu.wait_indirect_dma semaphore(%run_scoped3A_341 : memref<!tpu.dma_semaphore, #tpu.memory_space<semaphore_mem>>) src(%arg9 : memref<128x128xf32, #tpu.memory_space<vmem>>) dst(%dma_wait3A_353 : memref<10240x128xf32, #tpu.memory_space<vmem_shared>>)
      tpu.yield
    }) : () -> ()
    %dma_wait3A_236 = arith.constant 2 : i32
    %dma_wait3A_237 = arith.constant 0 : i32
    %dma_wait3A_238 = arith.constant 0 : i32
    %dma_wait3A_239 = tpu.memref_slice %arg7[%dma_wait3A_236, %dma_wait3A_237, %dma_wait3A_238] : memref<8x2x128xi32, #tpu.memory_space<vmem>> -> memref<1x1x128xi32, #tpu.memory_space<vmem>>
    %dma_wait3A_240 = tpu.memref_squeeze %dma_wait3A_239 : memref<1x1x128xi32, #tpu.memory_space<vmem>> -> memref<128xi32, #tpu.memory_space<vmem>>
    %dma_wait3A_241 = arith.constant 0 : i32
    %dma_wait3A_242 = arith.constant 0 : i32
    %dma_wait3A_243 = tpu.memref_slice %arg2[%dma_wait3A_241, %dma_wait3A_242] : memref<10240x128xf32, #tpu.memory_space<hbm>> -> memref<10240x128xf32, #tpu.memory_space<hbm>>
    tpu.wait_indirect_dma semaphore(%arg10 : memref<!tpu.dma_semaphore, #tpu.memory_space<semaphore_mem>>) src(%dma_wait3A_243 : memref<10240x128xf32, #tpu.memory_space<hbm>>) dst(%arg8 : memref<128x128xf32, #tpu.memory_space<vmem>>)
    %dma_start3A_244 = arith.constant 3 : i32
    %dma_start3A_245 = arith.constant 0 : i32
    %dma_start3A_246 = arith.constant 0 : i32
    %dma_start3A_247 = tpu.memref_slice %arg7[%dma_start3A_244, %dma_start3A_245, %dma_start3A_246] : memref<8x2x128xi32, #tpu.memory_space<vmem>> -> memref<1x1x128xi32, #tpu.memory_space<vmem>>
    %dma_start3A_248 = tpu.memref_squeeze %dma_start3A_247 : memref<1x1x128xi32, #tpu.memory_space<vmem>> -> memref<128xi32, #tpu.memory_space<vmem>>
    %dma_start3A_249 = arith.constant 0 : i32
    %dma_start3A_250 = arith.constant 0 : i32
    %dma_start3A_251 = tpu.memref_slice %arg2[%dma_start3A_249, %dma_start3A_250] : memref<10240x128xf32, #tpu.memory_space<hbm>> -> memref<10240x128xf32, #tpu.memory_space<hbm>>
    tpu.enqueue_indirect_dma source(%dma_start3A_251 : memref<10240x128xf32, #tpu.memory_space<hbm>>) target(%arg9 : memref<128x128xf32, #tpu.memory_space<vmem>>) offsets(%dma_start3A_248 : memref<128xi32, #tpu.memory_space<vmem>>) semaphore(%arg11 : memref<!tpu.dma_semaphore, #tpu.memory_space<semaphore_mem>>)
    %run_scoped3A_252 = arith.constant 2 : i32
    %run_scoped3A_253 = arith.constant 1 : i32
    "tpu.region"() ({
      %run_scoped3A_341 = tpu.sem_alloc : memref<!tpu.dma_semaphore, #tpu.memory_space<semaphore_mem>>
      %dma_start3A_342 = arith.constant 0 : i32
      %dma_start3A_343 = tpu.memref_slice %arg7[%run_scoped3A_252, %run_scoped3A_253, %dma_start3A_342] : memref<8x2x128xi32, #tpu.memory_space<vmem>> -> memref<1x1x128xi32, #tpu.memory_space<vmem>>
      %dma_start3A_344 = tpu.memref_squeeze %dma_start3A_343 : memref<1x1x128xi32, #tpu.memory_space<vmem>> -> memref<128xi32, #tpu.memory_space<vmem>>
      %dma_start3A_345 = arith.constant 0 : i32
      %dma_start3A_346 = arith.constant 0 : i32
      %dma_start3A_347 = tpu.memref_slice %arg16[%dma_start3A_345, %dma_start3A_346] : memref<10240x128xf32, #tpu.memory_space<vmem_shared>> -> memref<10240x128xf32, #tpu.memory_space<vmem_shared>>
      tpu.enqueue_indirect_dma source(%arg8 : memref<128x128xf32, #tpu.memory_space<vmem>>) target(%dma_start3A_347 : memref<10240x128xf32, #tpu.memory_space<vmem_shared>>) offsets(%dma_start3A_344 : memref<128xi32, #tpu.memory_space<vmem>>) semaphore(%run_scoped3A_341 : memref<!tpu.dma_semaphore, #tpu.memory_space<semaphore_mem>>) {add = true}
      %dma_wait3A_348 = arith.constant 0 : i32
      %dma_wait3A_349 = tpu.memref_slice %arg7[%run_scoped3A_252, %run_scoped3A_253, %dma_wait3A_348] : memref<8x2x128xi32, #tpu.memory_space<vmem>> -> memref<1x1x128xi32, #tpu.memory_space<vmem>>
      %dma_wait3A_350 = tpu.memref_squeeze %dma_wait3A_349 : memref<1x1x128xi32, #tpu.memory_space<vmem>> -> memref<128xi32, #tpu.memory_space<vmem>>
      %dma_wait3A_351 = arith.constant 0 : i32
      %dma_wait3A_352 = arith.constant 0 : i32
      %dma_wait3A_353 = tpu.memref_slice %arg16[%dma_wait3A_351, %dma_wait3A_352] : memref<10240x128xf32, #tpu.memory_space<vmem_shared>> -> memref<10240x128xf32, #tpu.memory_space<vmem_shared>>
      tpu.wait_indirect_dma semaphore(%run_scoped3A_341 : memref<!tpu.dma_semaphore, #tpu.memory_space<semaphore_mem>>) src(%arg8 : memref<128x128xf32, #tpu.memory_space<vmem>>) dst(%dma_wait3A_353 : memref<10240x128xf32, #tpu.memory_space<vmem_shared>>)
      tpu.yield
    }) : () -> ()
    %dma_wait3A_254 = arith.constant 3 : i32
    %dma_wait3A_255 = arith.constant 0 : i32
    %dma_wait3A_256 = arith.constant 0 : i32
    %dma_wait3A_257 = tpu.memref_slice %arg7[%dma_wait3A_254, %dma_wait3A_255, %dma_wait3A_256] : memref<8x2x128xi32, #tpu.memory_space<vmem>> -> memref<1x1x128xi32, #tpu.memory_space<vmem>>
    %dma_wait3A_258 = tpu.memref_squeeze %dma_wait3A_257 : memref<1x1x128xi32, #tpu.memory_space<vmem>> -> memref<128xi32, #tpu.memory_space<vmem>>
    %dma_wait3A_259 = arith.constant 0 : i32
    %dma_wait3A_260 = arith.constant 0 : i32
    %dma_wait3A_261 = tpu.memref_slice %arg2[%dma_wait3A_259, %dma_wait3A_260] : memref<10240x128xf32, #tpu.memory_space<hbm>> -> memref<10240x128xf32, #tpu.memory_space<hbm>>
    tpu.wait_indirect_dma semaphore(%arg11 : memref<!tpu.dma_semaphore, #tpu.memory_space<semaphore_mem>>) src(%dma_wait3A_261 : memref<10240x128xf32, #tpu.memory_space<hbm>>) dst(%arg9 : memref<128x128xf32, #tpu.memory_space<vmem>>)
    %dma_start3A_262 = arith.constant 4 : i32
    %dma_start3A_263 = arith.constant 0 : i32
    %dma_start3A_264 = arith.constant 0 : i32
    %dma_start3A_265 = tpu.memref_slice %arg7[%dma_start3A_262, %dma_start3A_263, %dma_start3A_264] : memref<8x2x128xi32, #tpu.memory_space<vmem>> -> memref<1x1x128xi32, #tpu.memory_space<vmem>>
    %dma_start3A_266 = tpu.memref_squeeze %dma_start3A_265 : memref<1x1x128xi32, #tpu.memory_space<vmem>> -> memref<128xi32, #tpu.memory_space<vmem>>
    %dma_start3A_267 = arith.constant 0 : i32
    %dma_start3A_268 = arith.constant 0 : i32
    %dma_start3A_269 = tpu.memref_slice %arg2[%dma_start3A_267, %dma_start3A_268] : memref<10240x128xf32, #tpu.memory_space<hbm>> -> memref<10240x128xf32, #tpu.memory_space<hbm>>
    tpu.enqueue_indirect_dma source(%dma_start3A_269 : memref<10240x128xf32, #tpu.memory_space<hbm>>) target(%arg8 : memref<128x128xf32, #tpu.memory_space<vmem>>) offsets(%dma_start3A_266 : memref<128xi32, #tpu.memory_space<vmem>>) semaphore(%arg10 : memref<!tpu.dma_semaphore, #tpu.memory_space<semaphore_mem>>)
    %run_scoped3A_270 = arith.constant 3 : i32
    %run_scoped3A_271 = arith.constant 1 : i32
    "tpu.region"() ({
      %run_scoped3A_341 = tpu.sem_alloc : memref<!tpu.dma_semaphore, #tpu.memory_space<semaphore_mem>>
      %dma_start3A_342 = arith.constant 0 : i32
      %dma_start3A_343 = tpu.memref_slice %arg7[%run_scoped3A_270, %run_scoped3A_271, %dma_start3A_342] : memref<8x2x128xi32, #tpu.memory_space<vmem>> -> memref<1x1x128xi32, #tpu.memory_space<vmem>>
      %dma_start3A_344 = tpu.memref_squeeze %dma_start3A_343 : memref<1x1x128xi32, #tpu.memory_space<vmem>> -> memref<128xi32, #tpu.memory_space<vmem>>
      %dma_start3A_345 = arith.constant 0 : i32
      %dma_start3A_346 = arith.constant 0 : i32
      %dma_start3A_347 = tpu.memref_slice %arg16[%dma_start3A_345, %dma_start3A_346] : memref<10240x128xf32, #tpu.memory_space<vmem_shared>> -> memref<10240x128xf32, #tpu.memory_space<vmem_shared>>
      tpu.enqueue_indirect_dma source(%arg9 : memref<128x128xf32, #tpu.memory_space<vmem>>) target(%dma_start3A_347 : memref<10240x128xf32, #tpu.memory_space<vmem_shared>>) offsets(%dma_start3A_344 : memref<128xi32, #tpu.memory_space<vmem>>) semaphore(%run_scoped3A_341 : memref<!tpu.dma_semaphore, #tpu.memory_space<semaphore_mem>>) {add = true}
      %dma_wait3A_348 = arith.constant 0 : i32
      %dma_wait3A_349 = tpu.memref_slice %arg7[%run_scoped3A_270, %run_scoped3A_271, %dma_wait3A_348] : memref<8x2x128xi32, #tpu.memory_space<vmem>> -> memref<1x1x128xi32, #tpu.memory_space<vmem>>
      %dma_wait3A_350 = tpu.memref_squeeze %dma_wait3A_349 : memref<1x1x128xi32, #tpu.memory_space<vmem>> -> memref<128xi32, #tpu.memory_space<vmem>>
      %dma_wait3A_351 = arith.constant 0 : i32
      %dma_wait3A_352 = arith.constant 0 : i32
      %dma_wait3A_353 = tpu.memref_slice %arg16[%dma_wait3A_351, %dma_wait3A_352] : memref<10240x128xf32, #tpu.memory_space<vmem_shared>> -> memref<10240x128xf32, #tpu.memory_space<vmem_shared>>
      tpu.wait_indirect_dma semaphore(%run_scoped3A_341 : memref<!tpu.dma_semaphore, #tpu.memory_space<semaphore_mem>>) src(%arg9 : memref<128x128xf32, #tpu.memory_space<vmem>>) dst(%dma_wait3A_353 : memref<10240x128xf32, #tpu.memory_space<vmem_shared>>)
      tpu.yield
    }) : () -> ()
    %dma_wait3A_272 = arith.constant 4 : i32
    %dma_wait3A_273 = arith.constant 0 : i32
    %dma_wait3A_274 = arith.constant 0 : i32
    %dma_wait3A_275 = tpu.memref_slice %arg7[%dma_wait3A_272, %dma_wait3A_273, %dma_wait3A_274] : memref<8x2x128xi32, #tpu.memory_space<vmem>> -> memref<1x1x128xi32, #tpu.memory_space<vmem>>
    %dma_wait3A_276 = tpu.memref_squeeze %dma_wait3A_275 : memref<1x1x128xi32, #tpu.memory_space<vmem>> -> memref<128xi32, #tpu.memory_space<vmem>>
    %dma_wait3A_277 = arith.constant 0 : i32
    %dma_wait3A_278 = arith.constant 0 : i32
    %dma_wait3A_279 = tpu.memref_slice %arg2[%dma_wait3A_277, %dma_wait3A_278] : memref<10240x128xf32, #tpu.memory_space<hbm>> -> memref<10240x128xf32, #tpu.memory_space<hbm>>
    tpu.wait_indirect_dma semaphore(%arg10 : memref<!tpu.dma_semaphore, #tpu.memory_space<semaphore_mem>>) src(%dma_wait3A_279 : memref<10240x128xf32, #tpu.memory_space<hbm>>) dst(%arg8 : memref<128x128xf32, #tpu.memory_space<vmem>>)
    %dma_start3A_280 = arith.constant 5 : i32
    %dma_start3A_281 = arith.constant 0 : i32
    %dma_start3A_282 = arith.constant 0 : i32
    %dma_start3A_283 = tpu.memref_slice %arg7[%dma_start3A_280, %dma_start3A_281, %dma_start3A_282] : memref<8x2x128xi32, #tpu.memory_space<vmem>> -> memref<1x1x128xi32, #tpu.memory_space<vmem>>
    %dma_start3A_284 = tpu.memref_squeeze %dma_start3A_283 : memref<1x1x128xi32, #tpu.memory_space<vmem>> -> memref<128xi32, #tpu.memory_space<vmem>>
    %dma_start3A_285 = arith.constant 0 : i32
    %dma_start3A_286 = arith.constant 0 : i32
    %dma_start3A_287 = tpu.memref_slice %arg2[%dma_start3A_285, %dma_start3A_286] : memref<10240x128xf32, #tpu.memory_space<hbm>> -> memref<10240x128xf32, #tpu.memory_space<hbm>>
    tpu.enqueue_indirect_dma source(%dma_start3A_287 : memref<10240x128xf32, #tpu.memory_space<hbm>>) target(%arg9 : memref<128x128xf32, #tpu.memory_space<vmem>>) offsets(%dma_start3A_284 : memref<128xi32, #tpu.memory_space<vmem>>) semaphore(%arg11 : memref<!tpu.dma_semaphore, #tpu.memory_space<semaphore_mem>>)
    %run_scoped3A_288 = arith.constant 4 : i32
    %run_scoped3A_289 = arith.constant 1 : i32
    "tpu.region"() ({
      %run_scoped3A_341 = tpu.sem_alloc : memref<!tpu.dma_semaphore, #tpu.memory_space<semaphore_mem>>
      %dma_start3A_342 = arith.constant 0 : i32
      %dma_start3A_343 = tpu.memref_slice %arg7[%run_scoped3A_288, %run_scoped3A_289, %dma_start3A_342] : memref<8x2x128xi32, #tpu.memory_space<vmem>> -> memref<1x1x128xi32, #tpu.memory_space<vmem>>
      %dma_start3A_344 = tpu.memref_squeeze %dma_start3A_343 : memref<1x1x128xi32, #tpu.memory_space<vmem>> -> memref<128xi32, #tpu.memory_space<vmem>>
      %dma_start3A_345 = arith.constant 0 : i32
      %dma_start3A_346 = arith.constant 0 : i32
      %dma_start3A_347 = tpu.memref_slice %arg16[%dma_start3A_345, %dma_start3A_346] : memref<10240x128xf32, #tpu.memory_space<vmem_shared>> -> memref<10240x128xf32, #tpu.memory_space<vmem_shared>>
      tpu.enqueue_indirect_dma source(%arg8 : memref<128x128xf32, #tpu.memory_space<vmem>>) target(%dma_start3A_347 : memref<10240x128xf32, #tpu.memory_space<vmem_shared>>) offsets(%dma_start3A_344 : memref<128xi32, #tpu.memory_space<vmem>>) semaphore(%run_scoped3A_341 : memref<!tpu.dma_semaphore, #tpu.memory_space<semaphore_mem>>) {add = true}
      %dma_wait3A_348 = arith.constant 0 : i32
      %dma_wait3A_349 = tpu.memref_slice %arg7[%run_scoped3A_288, %run_scoped3A_289, %dma_wait3A_348] : memref<8x2x128xi32, #tpu.memory_space<vmem>> -> memref<1x1x128xi32, #tpu.memory_space<vmem>>
      %dma_wait3A_350 = tpu.memref_squeeze %dma_wait3A_349 : memref<1x1x128xi32, #tpu.memory_space<vmem>> -> memref<128xi32, #tpu.memory_space<vmem>>
      %dma_wait3A_351 = arith.constant 0 : i32
      %dma_wait3A_352 = arith.constant 0 : i32
      %dma_wait3A_353 = tpu.memref_slice %arg16[%dma_wait3A_351, %dma_wait3A_352] : memref<10240x128xf32, #tpu.memory_space<vmem_shared>> -> memref<10240x128xf32, #tpu.memory_space<vmem_shared>>
      tpu.wait_indirect_dma semaphore(%run_scoped3A_341 : memref<!tpu.dma_semaphore, #tpu.memory_space<semaphore_mem>>) src(%arg8 : memref<128x128xf32, #tpu.memory_space<vmem>>) dst(%dma_wait3A_353 : memref<10240x128xf32, #tpu.memory_space<vmem_shared>>)
      tpu.yield
    }) : () -> ()
    %dma_wait3A_290 = arith.constant 5 : i32
    %dma_wait3A_291 = arith.constant 0 : i32
    %dma_wait3A_292 = arith.constant 0 : i32
    %dma_wait3A_293 = tpu.memref_slice %arg7[%dma_wait3A_290, %dma_wait3A_291, %dma_wait3A_292] : memref<8x2x128xi32, #tpu.memory_space<vmem>> -> memref<1x1x128xi32, #tpu.memory_space<vmem>>
    %dma_wait3A_294 = tpu.memref_squeeze %dma_wait3A_293 : memref<1x1x128xi32, #tpu.memory_space<vmem>> -> memref<128xi32, #tpu.memory_space<vmem>>
    %dma_wait3A_295 = arith.constant 0 : i32
    %dma_wait3A_296 = arith.constant 0 : i32
    %dma_wait3A_297 = tpu.memref_slice %arg2[%dma_wait3A_295, %dma_wait3A_296] : memref<10240x128xf32, #tpu.memory_space<hbm>> -> memref<10240x128xf32, #tpu.memory_space<hbm>>
    tpu.wait_indirect_dma semaphore(%arg11 : memref<!tpu.dma_semaphore, #tpu.memory_space<semaphore_mem>>) src(%dma_wait3A_297 : memref<10240x128xf32, #tpu.memory_space<hbm>>) dst(%arg9 : memref<128x128xf32, #tpu.memory_space<vmem>>)
    %dma_start3A_298 = arith.constant 6 : i32
    %dma_start3A_299 = arith.constant 0 : i32
    %dma_start3A_300 = arith.constant 0 : i32
    %dma_start3A_301 = tpu.memref_slice %arg7[%dma_start3A_298, %dma_start3A_299, %dma_start3A_300] : memref<8x2x128xi32, #tpu.memory_space<vmem>> -> memref<1x1x128xi32, #tpu.memory_space<vmem>>
    %dma_start3A_302 = tpu.memref_squeeze %dma_start3A_301 : memref<1x1x128xi32, #tpu.memory_space<vmem>> -> memref<128xi32, #tpu.memory_space<vmem>>
    %dma_start3A_303 = arith.constant 0 : i32
    %dma_start3A_304 = arith.constant 0 : i32
    %dma_start3A_305 = tpu.memref_slice %arg2[%dma_start3A_303, %dma_start3A_304] : memref<10240x128xf32, #tpu.memory_space<hbm>> -> memref<10240x128xf32, #tpu.memory_space<hbm>>
    tpu.enqueue_indirect_dma source(%dma_start3A_305 : memref<10240x128xf32, #tpu.memory_space<hbm>>) target(%arg8 : memref<128x128xf32, #tpu.memory_space<vmem>>) offsets(%dma_start3A_302 : memref<128xi32, #tpu.memory_space<vmem>>) semaphore(%arg10 : memref<!tpu.dma_semaphore, #tpu.memory_space<semaphore_mem>>)
    %run_scoped3A_306 = arith.constant 5 : i32
    %run_scoped3A_307 = arith.constant 1 : i32
    "tpu.region"() ({
      %run_scoped3A_341 = tpu.sem_alloc : memref<!tpu.dma_semaphore, #tpu.memory_space<semaphore_mem>>
      %dma_start3A_342 = arith.constant 0 : i32
      %dma_start3A_343 = tpu.memref_slice %arg7[%run_scoped3A_306, %run_scoped3A_307, %dma_start3A_342] : memref<8x2x128xi32, #tpu.memory_space<vmem>> -> memref<1x1x128xi32, #tpu.memory_space<vmem>>
      %dma_start3A_344 = tpu.memref_squeeze %dma_start3A_343 : memref<1x1x128xi32, #tpu.memory_space<vmem>> -> memref<128xi32, #tpu.memory_space<vmem>>
      %dma_start3A_345 = arith.constant 0 : i32
      %dma_start3A_346 = arith.constant 0 : i32
      %dma_start3A_347 = tpu.memref_slice %arg16[%dma_start3A_345, %dma_start3A_346] : memref<10240x128xf32, #tpu.memory_space<vmem_shared>> -> memref<10240x128xf32, #tpu.memory_space<vmem_shared>>
      tpu.enqueue_indirect_dma source(%arg9 : memref<128x128xf32, #tpu.memory_space<vmem>>) target(%dma_start3A_347 : memref<10240x128xf32, #tpu.memory_space<vmem_shared>>) offsets(%dma_start3A_344 : memref<128xi32, #tpu.memory_space<vmem>>) semaphore(%run_scoped3A_341 : memref<!tpu.dma_semaphore, #tpu.memory_space<semaphore_mem>>) {add = true}
      %dma_wait3A_348 = arith.constant 0 : i32
      %dma_wait3A_349 = tpu.memref_slice %arg7[%run_scoped3A_306, %run_scoped3A_307, %dma_wait3A_348] : memref<8x2x128xi32, #tpu.memory_space<vmem>> -> memref<1x1x128xi32, #tpu.memory_space<vmem>>
      %dma_wait3A_350 = tpu.memref_squeeze %dma_wait3A_349 : memref<1x1x128xi32, #tpu.memory_space<vmem>> -> memref<128xi32, #tpu.memory_space<vmem>>
      %dma_wait3A_351 = arith.constant 0 : i32
      %dma_wait3A_352 = arith.constant 0 : i32
      %dma_wait3A_353 = tpu.memref_slice %arg16[%dma_wait3A_351, %dma_wait3A_352] : memref<10240x128xf32, #tpu.memory_space<vmem_shared>> -> memref<10240x128xf32, #tpu.memory_space<vmem_shared>>
      tpu.wait_indirect_dma semaphore(%run_scoped3A_341 : memref<!tpu.dma_semaphore, #tpu.memory_space<semaphore_mem>>) src(%arg9 : memref<128x128xf32, #tpu.memory_space<vmem>>) dst(%dma_wait3A_353 : memref<10240x128xf32, #tpu.memory_space<vmem_shared>>)
      tpu.yield
    }) : () -> ()
    %dma_wait3A_308 = arith.constant 6 : i32
    %dma_wait3A_309 = arith.constant 0 : i32
    %dma_wait3A_310 = arith.constant 0 : i32
    %dma_wait3A_311 = tpu.memref_slice %arg7[%dma_wait3A_308, %dma_wait3A_309, %dma_wait3A_310] : memref<8x2x128xi32, #tpu.memory_space<vmem>> -> memref<1x1x128xi32, #tpu.memory_space<vmem>>
    %dma_wait3A_312 = tpu.memref_squeeze %dma_wait3A_311 : memref<1x1x128xi32, #tpu.memory_space<vmem>> -> memref<128xi32, #tpu.memory_space<vmem>>
    %dma_wait3A_313 = arith.constant 0 : i32
    %dma_wait3A_314 = arith.constant 0 : i32
    %dma_wait3A_315 = tpu.memref_slice %arg2[%dma_wait3A_313, %dma_wait3A_314] : memref<10240x128xf32, #tpu.memory_space<hbm>> -> memref<10240x128xf32, #tpu.memory_space<hbm>>
    tpu.wait_indirect_dma semaphore(%arg10 : memref<!tpu.dma_semaphore, #tpu.memory_space<semaphore_mem>>) src(%dma_wait3A_315 : memref<10240x128xf32, #tpu.memory_space<hbm>>) dst(%arg8 : memref<128x128xf32, #tpu.memory_space<vmem>>)
    %dma_start3A_316 = arith.constant 7 : i32
    %dma_start3A_317 = arith.constant 0 : i32
    %dma_start3A_318 = arith.constant 0 : i32
    %dma_start3A_319 = tpu.memref_slice %arg7[%dma_start3A_316, %dma_start3A_317, %dma_start3A_318] : memref<8x2x128xi32, #tpu.memory_space<vmem>> -> memref<1x1x128xi32, #tpu.memory_space<vmem>>
    %dma_start3A_320 = tpu.memref_squeeze %dma_start3A_319 : memref<1x1x128xi32, #tpu.memory_space<vmem>> -> memref<128xi32, #tpu.memory_space<vmem>>
    %dma_start3A_321 = arith.constant 0 : i32
    %dma_start3A_322 = arith.constant 0 : i32
    %dma_start3A_323 = tpu.memref_slice %arg2[%dma_start3A_321, %dma_start3A_322] : memref<10240x128xf32, #tpu.memory_space<hbm>> -> memref<10240x128xf32, #tpu.memory_space<hbm>>
    tpu.enqueue_indirect_dma source(%dma_start3A_323 : memref<10240x128xf32, #tpu.memory_space<hbm>>) target(%arg9 : memref<128x128xf32, #tpu.memory_space<vmem>>) offsets(%dma_start3A_320 : memref<128xi32, #tpu.memory_space<vmem>>) semaphore(%arg11 : memref<!tpu.dma_semaphore, #tpu.memory_space<semaphore_mem>>)
    %run_scoped3A_324 = arith.constant 6 : i32
    %run_scoped3A_325 = arith.constant 1 : i32
    "tpu.region"() ({
      %run_scoped3A_341 = tpu.sem_alloc : memref<!tpu.dma_semaphore, #tpu.memory_space<semaphore_mem>>
      %dma_start3A_342 = arith.constant 0 : i32
      %dma_start3A_343 = tpu.memref_slice %arg7[%run_scoped3A_324, %run_scoped3A_325, %dma_start3A_342] : memref<8x2x128xi32, #tpu.memory_space<vmem>> -> memref<1x1x128xi32, #tpu.memory_space<vmem>>
      %dma_start3A_344 = tpu.memref_squeeze %dma_start3A_343 : memref<1x1x128xi32, #tpu.memory_space<vmem>> -> memref<128xi32, #tpu.memory_space<vmem>>
      %dma_start3A_345 = arith.constant 0 : i32
      %dma_start3A_346 = arith.constant 0 : i32
      %dma_start3A_347 = tpu.memref_slice %arg16[%dma_start3A_345, %dma_start3A_346] : memref<10240x128xf32, #tpu.memory_space<vmem_shared>> -> memref<10240x128xf32, #tpu.memory_space<vmem_shared>>
      tpu.enqueue_indirect_dma source(%arg8 : memref<128x128xf32, #tpu.memory_space<vmem>>) target(%dma_start3A_347 : memref<10240x128xf32, #tpu.memory_space<vmem_shared>>) offsets(%dma_start3A_344 : memref<128xi32, #tpu.memory_space<vmem>>) semaphore(%run_scoped3A_341 : memref<!tpu.dma_semaphore, #tpu.memory_space<semaphore_mem>>) {add = true}
      %dma_wait3A_348 = arith.constant 0 : i32
      %dma_wait3A_349 = tpu.memref_slice %arg7[%run_scoped3A_324, %run_scoped3A_325, %dma_wait3A_348] : memref<8x2x128xi32, #tpu.memory_space<vmem>> -> memref<1x1x128xi32, #tpu.memory_space<vmem>>
      %dma_wait3A_350 = tpu.memref_squeeze %dma_wait3A_349 : memref<1x1x128xi32, #tpu.memory_space<vmem>> -> memref<128xi32, #tpu.memory_space<vmem>>
      %dma_wait3A_351 = arith.constant 0 : i32
      %dma_wait3A_352 = arith.constant 0 : i32
      %dma_wait3A_353 = tpu.memref_slice %arg16[%dma_wait3A_351, %dma_wait3A_352] : memref<10240x128xf32, #tpu.memory_space<vmem_shared>> -> memref<10240x128xf32, #tpu.memory_space<vmem_shared>>
      tpu.wait_indirect_dma semaphore(%run_scoped3A_341 : memref<!tpu.dma_semaphore, #tpu.memory_space<semaphore_mem>>) src(%arg8 : memref<128x128xf32, #tpu.memory_space<vmem>>) dst(%dma_wait3A_353 : memref<10240x128xf32, #tpu.memory_space<vmem_shared>>)
      tpu.yield
    }) : () -> ()
    %dma_wait3A_326 = arith.constant 7 : i32
    %dma_wait3A_327 = arith.constant 0 : i32
    %dma_wait3A_328 = arith.constant 0 : i32
    %dma_wait3A_329 = tpu.memref_slice %arg7[%dma_wait3A_326, %dma_wait3A_327, %dma_wait3A_328] : memref<8x2x128xi32, #tpu.memory_space<vmem>> -> memref<1x1x128xi32, #tpu.memory_space<vmem>>
    %dma_wait3A_330 = tpu.memref_squeeze %dma_wait3A_329 : memref<1x1x128xi32, #tpu.memory_space<vmem>> -> memref<128xi32, #tpu.memory_space<vmem>>
    %dma_wait3A_331 = arith.constant 0 : i32
    %dma_wait3A_332 = arith.constant 0 : i32
    %dma_wait3A_333 = tpu.memref_slice %arg2[%dma_wait3A_331, %dma_wait3A_332] : memref<10240x128xf32, #tpu.memory_space<hbm>> -> memref<10240x128xf32, #tpu.memory_space<hbm>>
    tpu.wait_indirect_dma semaphore(%arg11 : memref<!tpu.dma_semaphore, #tpu.memory_space<semaphore_mem>>) src(%dma_wait3A_333 : memref<10240x128xf32, #tpu.memory_space<hbm>>) dst(%arg9 : memref<128x128xf32, #tpu.memory_space<vmem>>)
    %run_scoped3A_334 = arith.constant 7 : i32
    %run_scoped3A_335 = arith.constant 1 : i32
    "tpu.region"() ({
      %run_scoped3A_341 = tpu.sem_alloc : memref<!tpu.dma_semaphore, #tpu.memory_space<semaphore_mem>>
      %dma_start3A_342 = arith.constant 0 : i32
      %dma_start3A_343 = tpu.memref_slice %arg7[%run_scoped3A_334, %run_scoped3A_335, %dma_start3A_342] : memref<8x2x128xi32, #tpu.memory_space<vmem>> -> memref<1x1x128xi32, #tpu.memory_space<vmem>>
      %dma_start3A_344 = tpu.memref_squeeze %dma_start3A_343 : memref<1x1x128xi32, #tpu.memory_space<vmem>> -> memref<128xi32, #tpu.memory_space<vmem>>
      %dma_start3A_345 = arith.constant 0 : i32
      %dma_start3A_346 = arith.constant 0 : i32
      %dma_start3A_347 = tpu.memref_slice %arg16[%dma_start3A_345, %dma_start3A_346] : memref<10240x128xf32, #tpu.memory_space<vmem_shared>> -> memref<10240x128xf32, #tpu.memory_space<vmem_shared>>
      tpu.enqueue_indirect_dma source(%arg9 : memref<128x128xf32, #tpu.memory_space<vmem>>) target(%dma_start3A_347 : memref<10240x128xf32, #tpu.memory_space<vmem_shared>>) offsets(%dma_start3A_344 : memref<128xi32, #tpu.memory_space<vmem>>) semaphore(%run_scoped3A_341 : memref<!tpu.dma_semaphore, #tpu.memory_space<semaphore_mem>>) {add = true}
      %dma_wait3A_348 = arith.constant 0 : i32
      %dma_wait3A_349 = tpu.memref_slice %arg7[%run_scoped3A_334, %run_scoped3A_335, %dma_wait3A_348] : memref<8x2x128xi32, #tpu.memory_space<vmem>> -> memref<1x1x128xi32, #tpu.memory_space<vmem>>
      %dma_wait3A_350 = tpu.memref_squeeze %dma_wait3A_349 : memref<1x1x128xi32, #tpu.memory_space<vmem>> -> memref<128xi32, #tpu.memory_space<vmem>>
      %dma_wait3A_351 = arith.constant 0 : i32
      %dma_wait3A_352 = arith.constant 0 : i32
      %dma_wait3A_353 = tpu.memref_slice %arg16[%dma_wait3A_351, %dma_wait3A_352] : memref<10240x128xf32, #tpu.memory_space<vmem_shared>> -> memref<10240x128xf32, #tpu.memory_space<vmem_shared>>
      tpu.wait_indirect_dma semaphore(%run_scoped3A_341 : memref<!tpu.dma_semaphore, #tpu.memory_space<semaphore_mem>>) src(%arg9 : memref<128x128xf32, #tpu.memory_space<vmem>>) dst(%dma_wait3A_353 : memref<10240x128xf32, #tpu.memory_space<vmem_shared>>)
      tpu.yield
    }) : () -> ()
    %barrier3A_336 = arith.constant 0 : index
    tpu.barrier barrier_id(%barrier3A_336)
    %mul3A_337 = arith.constant 640 : i32
    %mul3A_338 = arith.muli %arg1, %mul3A_337 : i32
    %mul3A_339 = arith.constant 640 : i32
    %mul3A_340 = arith.muli %arg1, %mul3A_339 : i32
    "tpu.region"() ({
      %run_scoped3A_341 = tpu.sem_alloc : memref<!tpu.dma_semaphore, #tpu.memory_space<semaphore_mem>>
      %dma_start3A_342 = arith.constant 0 : i32
      %dma_start3A_343 = tpu.memref_slice %arg5[%arg0, %mul3A_340, %dma_start3A_342] : memref<2x10240x128xf32, #tpu.memory_space<hbm>> -> memref<1x640x128xf32, #tpu.memory_space<hbm>>
      %dma_start3A_344 = tpu.memref_squeeze %dma_start3A_343 : memref<1x640x128xf32, #tpu.memory_space<hbm>> -> memref<640x128xf32, #tpu.memory_space<hbm>>
      %dma_start3A_345 = arith.constant 0 : i32
      %dma_start3A_346 = tpu.memref_slice %arg16[%mul3A_338, %dma_start3A_345] : memref<10240x128xf32, #tpu.memory_space<vmem_shared>> -> memref<640x128xf32, #tpu.memory_space<vmem_shared>>
      tpu.enqueue_dma source(%dma_start3A_346 : memref<640x128xf32, #tpu.memory_space<vmem_shared>>) target(%dma_start3A_344 : memref<640x128xf32, #tpu.memory_space<hbm>>) target_semaphore(%run_scoped3A_341 : memref<!tpu.dma_semaphore, #tpu.memory_space<semaphore_mem>>)
      %dma_wait3A_347 = arith.constant 0 : i32
      %dma_wait3A_348 = tpu.memref_slice %arg5[%arg0, %mul3A_340, %dma_wait3A_347] : memref<2x10240x128xf32, #tpu.memory_space<hbm>> -> memref<1x640x128xf32, #tpu.memory_space<hbm>>
      %dma_wait3A_349 = tpu.memref_squeeze %dma_wait3A_348 : memref<1x640x128xf32, #tpu.memory_space<hbm>> -> memref<640x128xf32, #tpu.memory_space<hbm>>
      %dma_wait3A_350 = arith.constant 0 : i32
      %dma_wait3A_351 = tpu.memref_slice %arg16[%mul3A_338, %dma_wait3A_350] : memref<10240x128xf32, #tpu.memory_space<vmem_shared>> -> memref<640x128xf32, #tpu.memory_space<vmem_shared>>
      tpu.wait_dma2 semaphore(%run_scoped3A_341 : memref<!tpu.dma_semaphore, #tpu.memory_space<semaphore_mem>>) src(%dma_wait3A_351 : memref<640x128xf32, #tpu.memory_space<vmem_shared>>) dst(%dma_wait3A_349 : memref<640x128xf32, #tpu.memory_space<hbm>>)
      tpu.yield
    }) : () -> ()
    return
  }
}

#map = affine_map<(d0, d1) -> (0, 0)>
#map1 = affine_map<(d0, d1) -> (0, 0, 0, 0)>
#map2 = affine_map<(d0, d1) -> (0, 0, 0)>
module attributes {stable_mosaic.version = 14 : i64} {
  func.func @_sc_edge_scatter(%arg0: i32, %arg1: i32, %arg2: memref<10240x128xf32, #tpu.memory_space<hbm>>, %arg3: memref<32x80x2x128xi32, #tpu.memory_space<hbm>>, %arg4: memref<10240x128xf32, #tpu.memory_space<hbm>>, %arg5: memref<2x10240x128xf32, #tpu.memory_space<hbm>>, %arg6: memref<8x2x128xi32, #tpu.memory_space<vmem>>, %arg7: memref<8x2x128xi32, #tpu.memory_space<vmem>>, %arg8: memref<128x128xf32, #tpu.memory_space<vmem>>, %arg9: memref<128x128xf32, #tpu.memory_space<vmem>>, %arg10: memref<!tpu.dma_semaphore, #tpu.memory_space<semaphore_mem>>, %arg11: memref<!tpu.dma_semaphore, #tpu.memory_space<semaphore_mem>>, %arg12: memref<!tpu.dma_semaphore, #tpu.memory_space<semaphore_mem>>, %arg13: memref<!tpu.dma_semaphore, #tpu.memory_space<semaphore_mem>>, %arg14: memref<!tpu.dma_semaphore, #tpu.memory_space<semaphore_mem>>, %arg15: memref<!tpu.dma_semaphore, #tpu.memory_space<semaphore_mem>>, %arg16: memref<10240x128xf32, #tpu.memory_space<vmem_shared>>) attributes {dimension_semantics = [#tpu.dimension_semantics<core_parallel>, #tpu.dimension_semantics<subcore_parallel>], iteration_bounds = array<i64: 2, 16>, scalar_prefetch = 0 : i64, scratch_operands = 11 : i64, tpu.core_type = #tpu.core_type<sc_vector_subcore>, window_params = [{transform_indices = #map}, {transform_indices = #map1}, {transform_indices = #map}, {transform_indices = #map2}]} {
    %mul3A = arith.constant 2 : i32
    %mul3A_0 = arith.muli %arg1, %mul3A : i32
    %add3A = arith.addi %mul3A_0, %arg0 : i32
    %dma_start3A = arith.constant 0 : i32
    %dma_start3A_1 = arith.constant 0 : i32
    %dma_start3A_2 = arith.constant 0 : i32
    %dma_start3A_3 = tpu.memref_slice %arg3[%add3A, %dma_start3A, %dma_start3A_1, %dma_start3A_2] : memref<32x80x2x128xi32, #tpu.memory_space<hbm>> -> memref<1x8x2x128xi32, #tpu.memory_space<hbm>>
    %dma_start3A_4 = tpu.memref_squeeze %dma_start3A_3 : memref<1x8x2x128xi32, #tpu.memory_space<hbm>> -> memref<8x2x128xi32, #tpu.memory_space<hbm>>
    %dma_start3A_5 = arith.constant 0 : i32
    %dma_start3A_6 = arith.constant 0 : i32
    %dma_start3A_7 = arith.constant 0 : i32
    %dma_start3A_8 = tpu.memref_slice %arg3[%add3A, %dma_start3A_5, %dma_start3A_6, %dma_start3A_7] : memref<32x80x2x128xi32, #tpu.memory_space<hbm>> -> memref<1x8x2x128xi32, #tpu.memory_space<hbm>>
    %dma_start3A_9 = tpu.memref_squeeze %dma_start3A_8 : memref<1x8x2x128xi32, #tpu.memory_space<hbm>> -> memref<8x2x128xi32, #tpu.memory_space<hbm>>
    tpu.enqueue_dma source(%dma_start3A_9 : memref<8x2x128xi32, #tpu.memory_space<hbm>>) target(%arg6 : memref<8x2x128xi32, #tpu.memory_space<vmem>>) target_semaphore(%arg14 : memref<!tpu.dma_semaphore, #tpu.memory_space<semaphore_mem>>)
    %dma_wait3A = arith.constant 0 : i32
    %dma_wait3A_10 = arith.constant 0 : i32
    %dma_wait3A_11 = arith.constant 0 : i32
    %dma_wait3A_12 = tpu.memref_slice %arg3[%add3A, %dma_wait3A, %dma_wait3A_10, %dma_wait3A_11] : memref<32x80x2x128xi32, #tpu.memory_space<hbm>> -> memref<1x8x2x128xi32, #tpu.memory_space<hbm>>
    %dma_wait3A_13 = tpu.memref_squeeze %dma_wait3A_12 : memref<1x8x2x128xi32, #tpu.memory_space<hbm>> -> memref<8x2x128xi32, #tpu.memory_space<hbm>>
    %dma_wait3A_14 = arith.constant 0 : i32
    %dma_wait3A_15 = arith.constant 0 : i32
    %dma_wait3A_16 = arith.constant 0 : i32
    %dma_wait3A_17 = tpu.memref_slice %arg3[%add3A, %dma_wait3A_14, %dma_wait3A_15, %dma_wait3A_16] : memref<32x80x2x128xi32, #tpu.memory_space<hbm>> -> memref<1x8x2x128xi32, #tpu.memory_space<hbm>>
    %dma_wait3A_18 = tpu.memref_squeeze %dma_wait3A_17 : memref<1x8x2x128xi32, #tpu.memory_space<hbm>> -> memref<8x2x128xi32, #tpu.memory_space<hbm>>
    tpu.wait_dma2 semaphore(%arg14 : memref<!tpu.dma_semaphore, #tpu.memory_space<semaphore_mem>>) src(%dma_wait3A_18 : memref<8x2x128xi32, #tpu.memory_space<hbm>>) dst(%arg6 : memref<8x2x128xi32, #tpu.memory_space<vmem>>)
    %dma_start3A_19 = arith.constant 0 : i32
    %dma_start3A_20 = arith.constant 0 : i32
    %dma_start3A_21 = arith.constant 0 : i32
    %dma_start3A_22 = tpu.memref_slice %arg6[%dma_start3A_19, %dma_start3A_20, %dma_start3A_21] : memref<8x2x128xi32, #tpu.memory_space<vmem>> -> memref<1x1x128xi32, #tpu.memory_space<vmem>>
    %dma_start3A_23 = tpu.memref_squeeze %dma_start3A_22 : memref<1x1x128xi32, #tpu.memory_space<vmem>> -> memref<128xi32, #tpu.memory_space<vmem>>
    %dma_start3A_24 = arith.constant 0 : i32
    %dma_start3A_25 = arith.constant 0 : i32
    %dma_start3A_26 = tpu.memref_slice %arg2[%dma_start3A_24, %dma_start3A_25] : memref<10240x128xf32, #tpu.memory_space<hbm>> -> memref<10240x128xf32, #tpu.memory_space<hbm>>
    tpu.enqueue_indirect_dma source(%dma_start3A_26 : memref<10240x128xf32, #tpu.memory_space<hbm>>) target(%arg8 : memref<128x128xf32, #tpu.memory_space<vmem>>) offsets(%dma_start3A_23 : memref<128xi32, #tpu.memory_space<vmem>>) semaphore(%arg10 : memref<!tpu.dma_semaphore, #tpu.memory_space<semaphore_mem>>)
    %mul3A_27 = arith.constant 640 : i32
    %mul3A_28 = arith.muli %arg1, %mul3A_27 : i32
    %mul3A_29 = arith.constant 640 : i32
    %mul3A_30 = arith.muli %arg1, %mul3A_29 : i32
    "tpu.region"() ({
      %run_scoped3A_341 = tpu.sem_alloc : memref<!tpu.dma_semaphore, #tpu.memory_space<semaphore_mem>>
      %dma_start3A_342 = arith.constant 0 : i32
      %dma_start3A_343 = tpu.memref_slice %arg16[%mul3A_30, %dma_start3A_342] : memref<10240x128xf32, #tpu.memory_space<vmem_shared>> -> memref<640x128xf32, #tpu.memory_space<vmem_shared>>
      %dma_start3A_344 = arith.constant 0 : i32
      %dma_start3A_345 = tpu.memref_slice %arg4[%mul3A_28, %dma_start3A_344] : memref<10240x128xf32, #tpu.memory_space<hbm>> -> memref<640x128xf32, #tpu.memory_space<hbm>>
      tpu.enqueue_dma source(%dma_start3A_345 : memref<640x128xf32, #tpu.memory_space<hbm>>) target(%dma_start3A_343 : memref<640x128xf32, #tpu.memory_space<vmem_shared>>) target_semaphore(%run_scoped3A_341 : memref<!tpu.dma_semaphore, #tpu.memory_space<semaphore_mem>>)
      %dma_wait3A_346 = arith.constant 0 : i32
      %dma_wait3A_347 = tpu.memref_slice %arg16[%mul3A_30, %dma_wait3A_346] : memref<10240x128xf32, #tpu.memory_space<vmem_shared>> -> memref<640x128xf32, #tpu.memory_space<vmem_shared>>
      %dma_wait3A_348 = arith.constant 0 : i32
      %dma_wait3A_349 = tpu.memref_slice %arg4[%mul3A_28, %dma_wait3A_348] : memref<10240x128xf32, #tpu.memory_space<hbm>> -> memref<640x128xf32, #tpu.memory_space<hbm>>
      tpu.wait_dma2 semaphore(%run_scoped3A_341 : memref<!tpu.dma_semaphore, #tpu.memory_space<semaphore_mem>>) src(%dma_wait3A_349 : memref<640x128xf32, #tpu.memory_space<hbm>>) dst(%dma_wait3A_347 : memref<640x128xf32, #tpu.memory_space<vmem_shared>>)
      tpu.yield
    }) : () -> ()
    %barrier3A = arith.constant 0 : index
    tpu.barrier barrier_id(%barrier3A)
    %dma_start3A_31 = arith.constant 8 : i32
    %dma_start3A_32 = arith.constant 0 : i32
    %dma_start3A_33 = arith.constant 0 : i32
    %dma_start3A_34 = tpu.memref_slice %arg3[%add3A, %dma_start3A_31, %dma_start3A_32, %dma_start3A_33] : memref<32x80x2x128xi32, #tpu.memory_space<hbm>> -> memref<1x8x2x128xi32, #tpu.memory_space<hbm>>
    %dma_start3A_35 = tpu.memref_squeeze %dma_start3A_34 : memref<1x8x2x128xi32, #tpu.memory_space<hbm>> -> memref<8x2x128xi32, #tpu.memory_space<hbm>>
    %dma_start3A_36 = arith.constant 8 : i32
    %dma_start3A_37 = arith.constant 0 : i32
    %dma_start3A_38 = arith.constant 0 : i32
    %dma_start3A_39 = tpu.memref_slice %arg3[%add3A, %dma_start3A_36, %dma_start3A_37, %dma_start3A_38] : memref<32x80x2x128xi32, #tpu.memory_space<hbm>> -> memref<1x8x2x128xi32, #tpu.memory_space<hbm>>
    %dma_start3A_40 = tpu.memref_squeeze %dma_start3A_39 : memref<1x8x2x128xi32, #tpu.memory_space<hbm>> -> memref<8x2x128xi32, #tpu.memory_space<hbm>>
    tpu.enqueue_dma source(%dma_start3A_40 : memref<8x2x128xi32, #tpu.memory_space<hbm>>) target(%arg7 : memref<8x2x128xi32, #tpu.memory_space<vmem>>) target_semaphore(%arg15 : memref<!tpu.dma_semaphore, #tpu.memory_space<semaphore_mem>>)
    %dma_wait3A_41 = arith.constant 0 : i32
    %dma_wait3A_42 = arith.constant 0 : i32
    %dma_wait3A_43 = arith.constant 0 : i32
    %dma_wait3A_44 = tpu.memref_slice %arg6[%dma_wait3A_41, %dma_wait3A_42, %dma_wait3A_43] : memref<8x2x128xi32, #tpu.memory_space<vmem>> -> memref<1x1x128xi32, #tpu.memory_space<vmem>>
    %dma_wait3A_45 = tpu.memref_squeeze %dma_wait3A_44 : memref<1x1x128xi32, #tpu.memory_space<vmem>> -> memref<128xi32, #tpu.memory_space<vmem>>
    %dma_wait3A_46 = arith.constant 0 : i32
    %dma_wait3A_47 = arith.constant 0 : i32
    %dma_wait3A_48 = tpu.memref_slice %arg2[%dma_wait3A_46, %dma_wait3A_47] : memref<10240x128xf32, #tpu.memory_space<hbm>> -> memref<10240x128xf32, #tpu.memory_space<hbm>>
    tpu.wait_indirect_dma semaphore(%arg10 : memref<!tpu.dma_semaphore, #tpu.memory_space<semaphore_mem>>) src(%dma_wait3A_48 : memref<10240x128xf32, #tpu.memory_space<hbm>>) dst(%arg8 : memref<128x128xf32, #tpu.memory_space<vmem>>)
    %dma_start3A_49 = arith.constant 1 : i32
    %dma_start3A_50 = arith.constant 0 : i32
    %dma_start3A_51 = arith.constant 0 : i32
    %dma_start3A_52 = tpu.memref_slice %arg6[%dma_start3A_49, %dma_start3A_50, %dma_start3A_51] : memref<8x2x128xi32, #tpu.memory_space<vmem>> -> memref<1x1x128xi32, #tpu.memory_space<vmem>>
    %dma_start3A_53 = tpu.memref_squeeze %dma_start3A_52 : memref<1x1x128xi32, #tpu.memory_space<vmem>> -> memref<128xi32, #tpu.memory_space<vmem>>
    %dma_start3A_54 = arith.constant 0 : i32
    %dma_start3A_55 = arith.constant 0 : i32
    %dma_start3A_56 = tpu.memref_slice %arg2[%dma_start3A_54, %dma_start3A_55] : memref<10240x128xf32, #tpu.memory_space<hbm>> -> memref<10240x128xf32, #tpu.memory_space<hbm>>
    tpu.enqueue_indirect_dma source(%dma_start3A_56 : memref<10240x128xf32, #tpu.memory_space<hbm>>) target(%arg9 : memref<128x128xf32, #tpu.memory_space<vmem>>) offsets(%dma_start3A_53 : memref<128xi32, #tpu.memory_space<vmem>>) semaphore(%arg11 : memref<!tpu.dma_semaphore, #tpu.memory_space<semaphore_mem>>)
    %run_scoped3A = arith.constant 0 : i32
    %run_scoped3A_57 = arith.constant 1 : i32
    "tpu.region"() ({
      %run_scoped3A_341 = tpu.sem_alloc : memref<!tpu.dma_semaphore, #tpu.memory_space<semaphore_mem>>
      %dma_start3A_342 = arith.constant 0 : i32
      %dma_start3A_343 = tpu.memref_slice %arg6[%run_scoped3A, %run_scoped3A_57, %dma_start3A_342] : memref<8x2x128xi32, #tpu.memory_space<vmem>> -> memref<1x1x128xi32, #tpu.memory_space<vmem>>
      %dma_start3A_344 = tpu.memref_squeeze %dma_start3A_343 : memref<1x1x128xi32, #tpu.memory_space<vmem>> -> memref<128xi32, #tpu.memory_space<vmem>>
      %dma_start3A_345 = arith.constant 0 : i32
      %dma_start3A_346 = arith.constant 0 : i32
      %dma_start3A_347 = tpu.memref_slice %arg16[%dma_start3A_345, %dma_start3A_346] : memref<10240x128xf32, #tpu.memory_space<vmem_shared>> -> memref<10240x128xf32, #tpu.memory_space<vmem_shared>>
      tpu.enqueue_indirect_dma source(%arg8 : memref<128x128xf32, #tpu.memory_space<vmem>>) target(%dma_start3A_347 : memref<10240x128xf32, #tpu.memory_space<vmem_shared>>) offsets(%dma_start3A_344 : memref<128xi32, #tpu.memory_space<vmem>>) semaphore(%run_scoped3A_341 : memref<!tpu.dma_semaphore, #tpu.memory_space<semaphore_mem>>) {add = true}
      %dma_wait3A_348 = arith.constant 0 : i32
      %dma_wait3A_349 = tpu.memref_slice %arg6[%run_scoped3A, %run_scoped3A_57, %dma_wait3A_348] : memref<8x2x128xi32, #tpu.memory_space<vmem>> -> memref<1x1x128xi32, #tpu.memory_space<vmem>>
      %dma_wait3A_350 = tpu.memref_squeeze %dma_wait3A_349 : memref<1x1x128xi32, #tpu.memory_space<vmem>> -> memref<128xi32, #tpu.memory_space<vmem>>
      %dma_wait3A_351 = arith.constant 0 : i32
      %dma_wait3A_352 = arith.constant 0 : i32
      %dma_wait3A_353 = tpu.memref_slice %arg16[%dma_wait3A_351, %dma_wait3A_352] : memref<10240x128xf32, #tpu.memory_space<vmem_shared>> -> memref<10240x128xf32, #tpu.memory_space<vmem_shared>>
      tpu.wait_indirect_dma semaphore(%run_scoped3A_341 : memref<!tpu.dma_semaphore, #tpu.memory_space<semaphore_mem>>) src(%arg8 : memref<128x128xf32, #tpu.memory_space<vmem>>) dst(%dma_wait3A_353 : memref<10240x128xf32, #tpu.memory_space<vmem_shared>>)
      tpu.yield
    }) : () -> ()
    %dma_wait3A_58 = arith.constant 1 : i32
    %dma_wait3A_59 = arith.constant 0 : i32
    %dma_wait3A_60 = arith.constant 0 : i32
    %dma_wait3A_61 = tpu.memref_slice %arg6[%dma_wait3A_58, %dma_wait3A_59, %dma_wait3A_60] : memref<8x2x128xi32, #tpu.memory_space<vmem>> -> memref<1x1x128xi32, #tpu.memory_space<vmem>>
    %dma_wait3A_62 = tpu.memref_squeeze %dma_wait3A_61 : memref<1x1x128xi32, #tpu.memory_space<vmem>> -> memref<128xi32, #tpu.memory_space<vmem>>
    %dma_wait3A_63 = arith.constant 0 : i32
    %dma_wait3A_64 = arith.constant 0 : i32
    %dma_wait3A_65 = tpu.memref_slice %arg2[%dma_wait3A_63, %dma_wait3A_64] : memref<10240x128xf32, #tpu.memory_space<hbm>> -> memref<10240x128xf32, #tpu.memory_space<hbm>>
    tpu.wait_indirect_dma semaphore(%arg11 : memref<!tpu.dma_semaphore, #tpu.memory_space<semaphore_mem>>) src(%dma_wait3A_65 : memref<10240x128xf32, #tpu.memory_space<hbm>>) dst(%arg9 : memref<128x128xf32, #tpu.memory_space<vmem>>)
    %dma_start3A_66 = arith.constant 2 : i32
    %dma_start3A_67 = arith.constant 0 : i32
    %dma_start3A_68 = arith.constant 0 : i32
    %dma_start3A_69 = tpu.memref_slice %arg6[%dma_start3A_66, %dma_start3A_67, %dma_start3A_68] : memref<8x2x128xi32, #tpu.memory_space<vmem>> -> memref<1x1x128xi32, #tpu.memory_space<vmem>>
    %dma_start3A_70 = tpu.memref_squeeze %dma_start3A_69 : memref<1x1x128xi32, #tpu.memory_space<vmem>> -> memref<128xi32, #tpu.memory_space<vmem>>
    %dma_start3A_71 = arith.constant 0 : i32
    %dma_start3A_72 = arith.constant 0 : i32
    %dma_start3A_73 = tpu.memref_slice %arg2[%dma_start3A_71, %dma_start3A_72] : memref<10240x128xf32, #tpu.memory_space<hbm>> -> memref<10240x128xf32, #tpu.memory_space<hbm>>
    tpu.enqueue_indirect_dma source(%dma_start3A_73 : memref<10240x128xf32, #tpu.memory_space<hbm>>) target(%arg8 : memref<128x128xf32, #tpu.memory_space<vmem>>) offsets(%dma_start3A_70 : memref<128xi32, #tpu.memory_space<vmem>>) semaphore(%arg10 : memref<!tpu.dma_semaphore, #tpu.memory_space<semaphore_mem>>)
    %run_scoped3A_74 = arith.constant 1 : i32
    %run_scoped3A_75 = arith.constant 1 : i32
    "tpu.region"() ({
      %run_scoped3A_341 = tpu.sem_alloc : memref<!tpu.dma_semaphore, #tpu.memory_space<semaphore_mem>>
      %dma_start3A_342 = arith.constant 0 : i32
      %dma_start3A_343 = tpu.memref_slice %arg6[%run_scoped3A_74, %run_scoped3A_75, %dma_start3A_342] : memref<8x2x128xi32, #tpu.memory_space<vmem>> -> memref<1x1x128xi32, #tpu.memory_space<vmem>>
      %dma_start3A_344 = tpu.memref_squeeze %dma_start3A_343 : memref<1x1x128xi32, #tpu.memory_space<vmem>> -> memref<128xi32, #tpu.memory_space<vmem>>
      %dma_start3A_345 = arith.constant 0 : i32
      %dma_start3A_346 = arith.constant 0 : i32
      %dma_start3A_347 = tpu.memref_slice %arg16[%dma_start3A_345, %dma_start3A_346] : memref<10240x128xf32, #tpu.memory_space<vmem_shared>> -> memref<10240x128xf32, #tpu.memory_space<vmem_shared>>
      tpu.enqueue_indirect_dma source(%arg9 : memref<128x128xf32, #tpu.memory_space<vmem>>) target(%dma_start3A_347 : memref<10240x128xf32, #tpu.memory_space<vmem_shared>>) offsets(%dma_start3A_344 : memref<128xi32, #tpu.memory_space<vmem>>) semaphore(%run_scoped3A_341 : memref<!tpu.dma_semaphore, #tpu.memory_space<semaphore_mem>>) {add = true}
      %dma_wait3A_348 = arith.constant 0 : i32
      %dma_wait3A_349 = tpu.memref_slice %arg6[%run_scoped3A_74, %run_scoped3A_75, %dma_wait3A_348] : memref<8x2x128xi32, #tpu.memory_space<vmem>> -> memref<1x1x128xi32, #tpu.memory_space<vmem>>
      %dma_wait3A_350 = tpu.memref_squeeze %dma_wait3A_349 : memref<1x1x128xi32, #tpu.memory_space<vmem>> -> memref<128xi32, #tpu.memory_space<vmem>>
      %dma_wait3A_351 = arith.constant 0 : i32
      %dma_wait3A_352 = arith.constant 0 : i32
      %dma_wait3A_353 = tpu.memref_slice %arg16[%dma_wait3A_351, %dma_wait3A_352] : memref<10240x128xf32, #tpu.memory_space<vmem_shared>> -> memref<10240x128xf32, #tpu.memory_space<vmem_shared>>
      tpu.wait_indirect_dma semaphore(%run_scoped3A_341 : memref<!tpu.dma_semaphore, #tpu.memory_space<semaphore_mem>>) src(%arg9 : memref<128x128xf32, #tpu.memory_space<vmem>>) dst(%dma_wait3A_353 : memref<10240x128xf32, #tpu.memory_space<vmem_shared>>)
      tpu.yield
    }) : () -> ()
    %dma_wait3A_76 = arith.constant 2 : i32
    %dma_wait3A_77 = arith.constant 0 : i32
    %dma_wait3A_78 = arith.constant 0 : i32
    %dma_wait3A_79 = tpu.memref_slice %arg6[%dma_wait3A_76, %dma_wait3A_77, %dma_wait3A_78] : memref<8x2x128xi32, #tpu.memory_space<vmem>> -> memref<1x1x128xi32, #tpu.memory_space<vmem>>
    %dma_wait3A_80 = tpu.memref_squeeze %dma_wait3A_79 : memref<1x1x128xi32, #tpu.memory_space<vmem>> -> memref<128xi32, #tpu.memory_space<vmem>>
    %dma_wait3A_81 = arith.constant 0 : i32
    %dma_wait3A_82 = arith.constant 0 : i32
    %dma_wait3A_83 = tpu.memref_slice %arg2[%dma_wait3A_81, %dma_wait3A_82] : memref<10240x128xf32, #tpu.memory_space<hbm>> -> memref<10240x128xf32, #tpu.memory_space<hbm>>
    tpu.wait_indirect_dma semaphore(%arg10 : memref<!tpu.dma_semaphore, #tpu.memory_space<semaphore_mem>>) src(%dma_wait3A_83 : memref<10240x128xf32, #tpu.memory_space<hbm>>) dst(%arg8 : memref<128x128xf32, #tpu.memory_space<vmem>>)
    %dma_start3A_84 = arith.constant 3 : i32
    %dma_start3A_85 = arith.constant 0 : i32
    %dma_start3A_86 = arith.constant 0 : i32
    %dma_start3A_87 = tpu.memref_slice %arg6[%dma_start3A_84, %dma_start3A_85, %dma_start3A_86] : memref<8x2x128xi32, #tpu.memory_space<vmem>> -> memref<1x1x128xi32, #tpu.memory_space<vmem>>
    %dma_start3A_88 = tpu.memref_squeeze %dma_start3A_87 : memref<1x1x128xi32, #tpu.memory_space<vmem>> -> memref<128xi32, #tpu.memory_space<vmem>>
    %dma_start3A_89 = arith.constant 0 : i32
    %dma_start3A_90 = arith.constant 0 : i32
    %dma_start3A_91 = tpu.memref_slice %arg2[%dma_start3A_89, %dma_start3A_90] : memref<10240x128xf32, #tpu.memory_space<hbm>> -> memref<10240x128xf32, #tpu.memory_space<hbm>>
    tpu.enqueue_indirect_dma source(%dma_start3A_91 : memref<10240x128xf32, #tpu.memory_space<hbm>>) target(%arg9 : memref<128x128xf32, #tpu.memory_space<vmem>>) offsets(%dma_start3A_88 : memref<128xi32, #tpu.memory_space<vmem>>) semaphore(%arg11 : memref<!tpu.dma_semaphore, #tpu.memory_space<semaphore_mem>>)
    %run_scoped3A_92 = arith.constant 2 : i32
    %run_scoped3A_93 = arith.constant 1 : i32
    "tpu.region"() ({
      %run_scoped3A_341 = tpu.sem_alloc : memref<!tpu.dma_semaphore, #tpu.memory_space<semaphore_mem>>
      %dma_start3A_342 = arith.constant 0 : i32
      %dma_start3A_343 = tpu.memref_slice %arg6[%run_scoped3A_92, %run_scoped3A_93, %dma_start3A_342] : memref<8x2x128xi32, #tpu.memory_space<vmem>> -> memref<1x1x128xi32, #tpu.memory_space<vmem>>
      %dma_start3A_344 = tpu.memref_squeeze %dma_start3A_343 : memref<1x1x128xi32, #tpu.memory_space<vmem>> -> memref<128xi32, #tpu.memory_space<vmem>>
      %dma_start3A_345 = arith.constant 0 : i32
      %dma_start3A_346 = arith.constant 0 : i32
      %dma_start3A_347 = tpu.memref_slice %arg16[%dma_start3A_345, %dma_start3A_346] : memref<10240x128xf32, #tpu.memory_space<vmem_shared>> -> memref<10240x128xf32, #tpu.memory_space<vmem_shared>>
      tpu.enqueue_indirect_dma source(%arg8 : memref<128x128xf32, #tpu.memory_space<vmem>>) target(%dma_start3A_347 : memref<10240x128xf32, #tpu.memory_space<vmem_shared>>) offsets(%dma_start3A_344 : memref<128xi32, #tpu.memory_space<vmem>>) semaphore(%run_scoped3A_341 : memref<!tpu.dma_semaphore, #tpu.memory_space<semaphore_mem>>) {add = true}
      %dma_wait3A_348 = arith.constant 0 : i32
      %dma_wait3A_349 = tpu.memref_slice %arg6[%run_scoped3A_92, %run_scoped3A_93, %dma_wait3A_348] : memref<8x2x128xi32, #tpu.memory_space<vmem>> -> memref<1x1x128xi32, #tpu.memory_space<vmem>>
      %dma_wait3A_350 = tpu.memref_squeeze %dma_wait3A_349 : memref<1x1x128xi32, #tpu.memory_space<vmem>> -> memref<128xi32, #tpu.memory_space<vmem>>
      %dma_wait3A_351 = arith.constant 0 : i32
      %dma_wait3A_352 = arith.constant 0 : i32
      %dma_wait3A_353 = tpu.memref_slice %arg16[%dma_wait3A_351, %dma_wait3A_352] : memref<10240x128xf32, #tpu.memory_space<vmem_shared>> -> memref<10240x128xf32, #tpu.memory_space<vmem_shared>>
      tpu.wait_indirect_dma semaphore(%run_scoped3A_341 : memref<!tpu.dma_semaphore, #tpu.memory_space<semaphore_mem>>) src(%arg8 : memref<128x128xf32, #tpu.memory_space<vmem>>) dst(%dma_wait3A_353 : memref<10240x128xf32, #tpu.memory_space<vmem_shared>>)
      tpu.yield
    }) : () -> ()
    %dma_wait3A_94 = arith.constant 3 : i32
    %dma_wait3A_95 = arith.constant 0 : i32
    %dma_wait3A_96 = arith.constant 0 : i32
    %dma_wait3A_97 = tpu.memref_slice %arg6[%dma_wait3A_94, %dma_wait3A_95, %dma_wait3A_96] : memref<8x2x128xi32, #tpu.memory_space<vmem>> -> memref<1x1x128xi32, #tpu.memory_space<vmem>>
    %dma_wait3A_98 = tpu.memref_squeeze %dma_wait3A_97 : memref<1x1x128xi32, #tpu.memory_space<vmem>> -> memref<128xi32, #tpu.memory_space<vmem>>
    %dma_wait3A_99 = arith.constant 0 : i32
    %dma_wait3A_100 = arith.constant 0 : i32
    %dma_wait3A_101 = tpu.memref_slice %arg2[%dma_wait3A_99, %dma_wait3A_100] : memref<10240x128xf32, #tpu.memory_space<hbm>> -> memref<10240x128xf32, #tpu.memory_space<hbm>>
    tpu.wait_indirect_dma semaphore(%arg11 : memref<!tpu.dma_semaphore, #tpu.memory_space<semaphore_mem>>) src(%dma_wait3A_101 : memref<10240x128xf32, #tpu.memory_space<hbm>>) dst(%arg9 : memref<128x128xf32, #tpu.memory_space<vmem>>)
    %dma_start3A_102 = arith.constant 4 : i32
    %dma_start3A_103 = arith.constant 0 : i32
    %dma_start3A_104 = arith.constant 0 : i32
    %dma_start3A_105 = tpu.memref_slice %arg6[%dma_start3A_102, %dma_start3A_103, %dma_start3A_104] : memref<8x2x128xi32, #tpu.memory_space<vmem>> -> memref<1x1x128xi32, #tpu.memory_space<vmem>>
    %dma_start3A_106 = tpu.memref_squeeze %dma_start3A_105 : memref<1x1x128xi32, #tpu.memory_space<vmem>> -> memref<128xi32, #tpu.memory_space<vmem>>
    %dma_start3A_107 = arith.constant 0 : i32
    %dma_start3A_108 = arith.constant 0 : i32
    %dma_start3A_109 = tpu.memref_slice %arg2[%dma_start3A_107, %dma_start3A_108] : memref<10240x128xf32, #tpu.memory_space<hbm>> -> memref<10240x128xf32, #tpu.memory_space<hbm>>
    tpu.enqueue_indirect_dma source(%dma_start3A_109 : memref<10240x128xf32, #tpu.memory_space<hbm>>) target(%arg8 : memref<128x128xf32, #tpu.memory_space<vmem>>) offsets(%dma_start3A_106 : memref<128xi32, #tpu.memory_space<vmem>>) semaphore(%arg10 : memref<!tpu.dma_semaphore, #tpu.memory_space<semaphore_mem>>)
    %run_scoped3A_110 = arith.constant 3 : i32
    %run_scoped3A_111 = arith.constant 1 : i32
    "tpu.region"() ({
      %run_scoped3A_341 = tpu.sem_alloc : memref<!tpu.dma_semaphore, #tpu.memory_space<semaphore_mem>>
      %dma_start3A_342 = arith.constant 0 : i32
      %dma_start3A_343 = tpu.memref_slice %arg6[%run_scoped3A_110, %run_scoped3A_111, %dma_start3A_342] : memref<8x2x128xi32, #tpu.memory_space<vmem>> -> memref<1x1x128xi32, #tpu.memory_space<vmem>>
      %dma_start3A_344 = tpu.memref_squeeze %dma_start3A_343 : memref<1x1x128xi32, #tpu.memory_space<vmem>> -> memref<128xi32, #tpu.memory_space<vmem>>
      %dma_start3A_345 = arith.constant 0 : i32
      %dma_start3A_346 = arith.constant 0 : i32
      %dma_start3A_347 = tpu.memref_slice %arg16[%dma_start3A_345, %dma_start3A_346] : memref<10240x128xf32, #tpu.memory_space<vmem_shared>> -> memref<10240x128xf32, #tpu.memory_space<vmem_shared>>
      tpu.enqueue_indirect_dma source(%arg9 : memref<128x128xf32, #tpu.memory_space<vmem>>) target(%dma_start3A_347 : memref<10240x128xf32, #tpu.memory_space<vmem_shared>>) offsets(%dma_start3A_344 : memref<128xi32, #tpu.memory_space<vmem>>) semaphore(%run_scoped3A_341 : memref<!tpu.dma_semaphore, #tpu.memory_space<semaphore_mem>>) {add = true}
      %dma_wait3A_348 = arith.constant 0 : i32
      %dma_wait3A_349 = tpu.memref_slice %arg6[%run_scoped3A_110, %run_scoped3A_111, %dma_wait3A_348] : memref<8x2x128xi32, #tpu.memory_space<vmem>> -> memref<1x1x128xi32, #tpu.memory_space<vmem>>
      %dma_wait3A_350 = tpu.memref_squeeze %dma_wait3A_349 : memref<1x1x128xi32, #tpu.memory_space<vmem>> -> memref<128xi32, #tpu.memory_space<vmem>>
      %dma_wait3A_351 = arith.constant 0 : i32
      %dma_wait3A_352 = arith.constant 0 : i32
      %dma_wait3A_353 = tpu.memref_slice %arg16[%dma_wait3A_351, %dma_wait3A_352] : memref<10240x128xf32, #tpu.memory_space<vmem_shared>> -> memref<10240x128xf32, #tpu.memory_space<vmem_shared>>
      tpu.wait_indirect_dma semaphore(%run_scoped3A_341 : memref<!tpu.dma_semaphore, #tpu.memory_space<semaphore_mem>>) src(%arg9 : memref<128x128xf32, #tpu.memory_space<vmem>>) dst(%dma_wait3A_353 : memref<10240x128xf32, #tpu.memory_space<vmem_shared>>)
      tpu.yield
    }) : () -> ()
    %dma_wait3A_112 = arith.constant 4 : i32
    %dma_wait3A_113 = arith.constant 0 : i32
    %dma_wait3A_114 = arith.constant 0 : i32
    %dma_wait3A_115 = tpu.memref_slice %arg6[%dma_wait3A_112, %dma_wait3A_113, %dma_wait3A_114] : memref<8x2x128xi32, #tpu.memory_space<vmem>> -> memref<1x1x128xi32, #tpu.memory_space<vmem>>
    %dma_wait3A_116 = tpu.memref_squeeze %dma_wait3A_115 : memref<1x1x128xi32, #tpu.memory_space<vmem>> -> memref<128xi32, #tpu.memory_space<vmem>>
    %dma_wait3A_117 = arith.constant 0 : i32
    %dma_wait3A_118 = arith.constant 0 : i32
    %dma_wait3A_119 = tpu.memref_slice %arg2[%dma_wait3A_117, %dma_wait3A_118] : memref<10240x128xf32, #tpu.memory_space<hbm>> -> memref<10240x128xf32, #tpu.memory_space<hbm>>
    tpu.wait_indirect_dma semaphore(%arg10 : memref<!tpu.dma_semaphore, #tpu.memory_space<semaphore_mem>>) src(%dma_wait3A_119 : memref<10240x128xf32, #tpu.memory_space<hbm>>) dst(%arg8 : memref<128x128xf32, #tpu.memory_space<vmem>>)
    %dma_start3A_120 = arith.constant 5 : i32
    %dma_start3A_121 = arith.constant 0 : i32
    %dma_start3A_122 = arith.constant 0 : i32
    %dma_start3A_123 = tpu.memref_slice %arg6[%dma_start3A_120, %dma_start3A_121, %dma_start3A_122] : memref<8x2x128xi32, #tpu.memory_space<vmem>> -> memref<1x1x128xi32, #tpu.memory_space<vmem>>
    %dma_start3A_124 = tpu.memref_squeeze %dma_start3A_123 : memref<1x1x128xi32, #tpu.memory_space<vmem>> -> memref<128xi32, #tpu.memory_space<vmem>>
    %dma_start3A_125 = arith.constant 0 : i32
    %dma_start3A_126 = arith.constant 0 : i32
    %dma_start3A_127 = tpu.memref_slice %arg2[%dma_start3A_125, %dma_start3A_126] : memref<10240x128xf32, #tpu.memory_space<hbm>> -> memref<10240x128xf32, #tpu.memory_space<hbm>>
    tpu.enqueue_indirect_dma source(%dma_start3A_127 : memref<10240x128xf32, #tpu.memory_space<hbm>>) target(%arg9 : memref<128x128xf32, #tpu.memory_space<vmem>>) offsets(%dma_start3A_124 : memref<128xi32, #tpu.memory_space<vmem>>) semaphore(%arg11 : memref<!tpu.dma_semaphore, #tpu.memory_space<semaphore_mem>>)
    %run_scoped3A_128 = arith.constant 4 : i32
    %run_scoped3A_129 = arith.constant 1 : i32
    "tpu.region"() ({
      %run_scoped3A_341 = tpu.sem_alloc : memref<!tpu.dma_semaphore, #tpu.memory_space<semaphore_mem>>
      %dma_start3A_342 = arith.constant 0 : i32
      %dma_start3A_343 = tpu.memref_slice %arg6[%run_scoped3A_128, %run_scoped3A_129, %dma_start3A_342] : memref<8x2x128xi32, #tpu.memory_space<vmem>> -> memref<1x1x128xi32, #tpu.memory_space<vmem>>
      %dma_start3A_344 = tpu.memref_squeeze %dma_start3A_343 : memref<1x1x128xi32, #tpu.memory_space<vmem>> -> memref<128xi32, #tpu.memory_space<vmem>>
      %dma_start3A_345 = arith.constant 0 : i32
      %dma_start3A_346 = arith.constant 0 : i32
      %dma_start3A_347 = tpu.memref_slice %arg16[%dma_start3A_345, %dma_start3A_346] : memref<10240x128xf32, #tpu.memory_space<vmem_shared>> -> memref<10240x128xf32, #tpu.memory_space<vmem_shared>>
      tpu.enqueue_indirect_dma source(%arg8 : memref<128x128xf32, #tpu.memory_space<vmem>>) target(%dma_start3A_347 : memref<10240x128xf32, #tpu.memory_space<vmem_shared>>) offsets(%dma_start3A_344 : memref<128xi32, #tpu.memory_space<vmem>>) semaphore(%run_scoped3A_341 : memref<!tpu.dma_semaphore, #tpu.memory_space<semaphore_mem>>) {add = true}
      %dma_wait3A_348 = arith.constant 0 : i32
      %dma_wait3A_349 = tpu.memref_slice %arg6[%run_scoped3A_128, %run_scoped3A_129, %dma_wait3A_348] : memref<8x2x128xi32, #tpu.memory_space<vmem>> -> memref<1x1x128xi32, #tpu.memory_space<vmem>>
      %dma_wait3A_350 = tpu.memref_squeeze %dma_wait3A_349 : memref<1x1x128xi32, #tpu.memory_space<vmem>> -> memref<128xi32, #tpu.memory_space<vmem>>
      %dma_wait3A_351 = arith.constant 0 : i32
      %dma_wait3A_352 = arith.constant 0 : i32
      %dma_wait3A_353 = tpu.memref_slice %arg16[%dma_wait3A_351, %dma_wait3A_352] : memref<10240x128xf32, #tpu.memory_space<vmem_shared>> -> memref<10240x128xf32, #tpu.memory_space<vmem_shared>>
      tpu.wait_indirect_dma semaphore(%run_scoped3A_341 : memref<!tpu.dma_semaphore, #tpu.memory_space<semaphore_mem>>) src(%arg8 : memref<128x128xf32, #tpu.memory_space<vmem>>) dst(%dma_wait3A_353 : memref<10240x128xf32, #tpu.memory_space<vmem_shared>>)
      tpu.yield
    }) : () -> ()
    %dma_wait3A_130 = arith.constant 5 : i32
    %dma_wait3A_131 = arith.constant 0 : i32
    %dma_wait3A_132 = arith.constant 0 : i32
    %dma_wait3A_133 = tpu.memref_slice %arg6[%dma_wait3A_130, %dma_wait3A_131, %dma_wait3A_132] : memref<8x2x128xi32, #tpu.memory_space<vmem>> -> memref<1x1x128xi32, #tpu.memory_space<vmem>>
    %dma_wait3A_134 = tpu.memref_squeeze %dma_wait3A_133 : memref<1x1x128xi32, #tpu.memory_space<vmem>> -> memref<128xi32, #tpu.memory_space<vmem>>
    %dma_wait3A_135 = arith.constant 0 : i32
    %dma_wait3A_136 = arith.constant 0 : i32
    %dma_wait3A_137 = tpu.memref_slice %arg2[%dma_wait3A_135, %dma_wait3A_136] : memref<10240x128xf32, #tpu.memory_space<hbm>> -> memref<10240x128xf32, #tpu.memory_space<hbm>>
    tpu.wait_indirect_dma semaphore(%arg11 : memref<!tpu.dma_semaphore, #tpu.memory_space<semaphore_mem>>) src(%dma_wait3A_137 : memref<10240x128xf32, #tpu.memory_space<hbm>>) dst(%arg9 : memref<128x128xf32, #tpu.memory_space<vmem>>)
    %dma_start3A_138 = arith.constant 6 : i32
    %dma_start3A_139 = arith.constant 0 : i32
    %dma_start3A_140 = arith.constant 0 : i32
    %dma_start3A_141 = tpu.memref_slice %arg6[%dma_start3A_138, %dma_start3A_139, %dma_start3A_140] : memref<8x2x128xi32, #tpu.memory_space<vmem>> -> memref<1x1x128xi32, #tpu.memory_space<vmem>>
    %dma_start3A_142 = tpu.memref_squeeze %dma_start3A_141 : memref<1x1x128xi32, #tpu.memory_space<vmem>> -> memref<128xi32, #tpu.memory_space<vmem>>
    %dma_start3A_143 = arith.constant 0 : i32
    %dma_start3A_144 = arith.constant 0 : i32
    %dma_start3A_145 = tpu.memref_slice %arg2[%dma_start3A_143, %dma_start3A_144] : memref<10240x128xf32, #tpu.memory_space<hbm>> -> memref<10240x128xf32, #tpu.memory_space<hbm>>
    tpu.enqueue_indirect_dma source(%dma_start3A_145 : memref<10240x128xf32, #tpu.memory_space<hbm>>) target(%arg8 : memref<128x128xf32, #tpu.memory_space<vmem>>) offsets(%dma_start3A_142 : memref<128xi32, #tpu.memory_space<vmem>>) semaphore(%arg10 : memref<!tpu.dma_semaphore, #tpu.memory_space<semaphore_mem>>)
    %run_scoped3A_146 = arith.constant 5 : i32
    %run_scoped3A_147 = arith.constant 1 : i32
    "tpu.region"() ({
      %run_scoped3A_341 = tpu.sem_alloc : memref<!tpu.dma_semaphore, #tpu.memory_space<semaphore_mem>>
      %dma_start3A_342 = arith.constant 0 : i32
      %dma_start3A_343 = tpu.memref_slice %arg6[%run_scoped3A_146, %run_scoped3A_147, %dma_start3A_342] : memref<8x2x128xi32, #tpu.memory_space<vmem>> -> memref<1x1x128xi32, #tpu.memory_space<vmem>>
      %dma_start3A_344 = tpu.memref_squeeze %dma_start3A_343 : memref<1x1x128xi32, #tpu.memory_space<vmem>> -> memref<128xi32, #tpu.memory_space<vmem>>
      %dma_start3A_345 = arith.constant 0 : i32
      %dma_start3A_346 = arith.constant 0 : i32
      %dma_start3A_347 = tpu.memref_slice %arg16[%dma_start3A_345, %dma_start3A_346] : memref<10240x128xf32, #tpu.memory_space<vmem_shared>> -> memref<10240x128xf32, #tpu.memory_space<vmem_shared>>
      tpu.enqueue_indirect_dma source(%arg9 : memref<128x128xf32, #tpu.memory_space<vmem>>) target(%dma_start3A_347 : memref<10240x128xf32, #tpu.memory_space<vmem_shared>>) offsets(%dma_start3A_344 : memref<128xi32, #tpu.memory_space<vmem>>) semaphore(%run_scoped3A_341 : memref<!tpu.dma_semaphore, #tpu.memory_space<semaphore_mem>>) {add = true}
      %dma_wait3A_348 = arith.constant 0 : i32
      %dma_wait3A_349 = tpu.memref_slice %arg6[%run_scoped3A_146, %run_scoped3A_147, %dma_wait3A_348] : memref<8x2x128xi32, #tpu.memory_space<vmem>> -> memref<1x1x128xi32, #tpu.memory_space<vmem>>
      %dma_wait3A_350 = tpu.memref_squeeze %dma_wait3A_349 : memref<1x1x128xi32, #tpu.memory_space<vmem>> -> memref<128xi32, #tpu.memory_space<vmem>>
      %dma_wait3A_351 = arith.constant 0 : i32
      %dma_wait3A_352 = arith.constant 0 : i32
      %dma_wait3A_353 = tpu.memref_slice %arg16[%dma_wait3A_351, %dma_wait3A_352] : memref<10240x128xf32, #tpu.memory_space<vmem_shared>> -> memref<10240x128xf32, #tpu.memory_space<vmem_shared>>
      tpu.wait_indirect_dma semaphore(%run_scoped3A_341 : memref<!tpu.dma_semaphore, #tpu.memory_space<semaphore_mem>>) src(%arg9 : memref<128x128xf32, #tpu.memory_space<vmem>>) dst(%dma_wait3A_353 : memref<10240x128xf32, #tpu.memory_space<vmem_shared>>)
      tpu.yield
    }) : () -> ()
    %dma_wait3A_148 = arith.constant 6 : i32
    %dma_wait3A_149 = arith.constant 0 : i32
    %dma_wait3A_150 = arith.constant 0 : i32
    %dma_wait3A_151 = tpu.memref_slice %arg6[%dma_wait3A_148, %dma_wait3A_149, %dma_wait3A_150] : memref<8x2x128xi32, #tpu.memory_space<vmem>> -> memref<1x1x128xi32, #tpu.memory_space<vmem>>
    %dma_wait3A_152 = tpu.memref_squeeze %dma_wait3A_151 : memref<1x1x128xi32, #tpu.memory_space<vmem>> -> memref<128xi32, #tpu.memory_space<vmem>>
    %dma_wait3A_153 = arith.constant 0 : i32
    %dma_wait3A_154 = arith.constant 0 : i32
    %dma_wait3A_155 = tpu.memref_slice %arg2[%dma_wait3A_153, %dma_wait3A_154] : memref<10240x128xf32, #tpu.memory_space<hbm>> -> memref<10240x128xf32, #tpu.memory_space<hbm>>
    tpu.wait_indirect_dma semaphore(%arg10 : memref<!tpu.dma_semaphore, #tpu.memory_space<semaphore_mem>>) src(%dma_wait3A_155 : memref<10240x128xf32, #tpu.memory_space<hbm>>) dst(%arg8 : memref<128x128xf32, #tpu.memory_space<vmem>>)
    %dma_start3A_156 = arith.constant 7 : i32
    %dma_start3A_157 = arith.constant 0 : i32
    %dma_start3A_158 = arith.constant 0 : i32
    %dma_start3A_159 = tpu.memref_slice %arg6[%dma_start3A_156, %dma_start3A_157, %dma_start3A_158] : memref<8x2x128xi32, #tpu.memory_space<vmem>> -> memref<1x1x128xi32, #tpu.memory_space<vmem>>
    %dma_start3A_160 = tpu.memref_squeeze %dma_start3A_159 : memref<1x1x128xi32, #tpu.memory_space<vmem>> -> memref<128xi32, #tpu.memory_space<vmem>>
    %dma_start3A_161 = arith.constant 0 : i32
    %dma_start3A_162 = arith.constant 0 : i32
    %dma_start3A_163 = tpu.memref_slice %arg2[%dma_start3A_161, %dma_start3A_162] : memref<10240x128xf32, #tpu.memory_space<hbm>> -> memref<10240x128xf32, #tpu.memory_space<hbm>>
    tpu.enqueue_indirect_dma source(%dma_start3A_163 : memref<10240x128xf32, #tpu.memory_space<hbm>>) target(%arg9 : memref<128x128xf32, #tpu.memory_space<vmem>>) offsets(%dma_start3A_160 : memref<128xi32, #tpu.memory_space<vmem>>) semaphore(%arg11 : memref<!tpu.dma_semaphore, #tpu.memory_space<semaphore_mem>>)
    %run_scoped3A_164 = arith.constant 6 : i32
    %run_scoped3A_165 = arith.constant 1 : i32
    "tpu.region"() ({
      %run_scoped3A_341 = tpu.sem_alloc : memref<!tpu.dma_semaphore, #tpu.memory_space<semaphore_mem>>
      %dma_start3A_342 = arith.constant 0 : i32
      %dma_start3A_343 = tpu.memref_slice %arg6[%run_scoped3A_164, %run_scoped3A_165, %dma_start3A_342] : memref<8x2x128xi32, #tpu.memory_space<vmem>> -> memref<1x1x128xi32, #tpu.memory_space<vmem>>
      %dma_start3A_344 = tpu.memref_squeeze %dma_start3A_343 : memref<1x1x128xi32, #tpu.memory_space<vmem>> -> memref<128xi32, #tpu.memory_space<vmem>>
      %dma_start3A_345 = arith.constant 0 : i32
      %dma_start3A_346 = arith.constant 0 : i32
      %dma_start3A_347 = tpu.memref_slice %arg16[%dma_start3A_345, %dma_start3A_346] : memref<10240x128xf32, #tpu.memory_space<vmem_shared>> -> memref<10240x128xf32, #tpu.memory_space<vmem_shared>>
      tpu.enqueue_indirect_dma source(%arg8 : memref<128x128xf32, #tpu.memory_space<vmem>>) target(%dma_start3A_347 : memref<10240x128xf32, #tpu.memory_space<vmem_shared>>) offsets(%dma_start3A_344 : memref<128xi32, #tpu.memory_space<vmem>>) semaphore(%run_scoped3A_341 : memref<!tpu.dma_semaphore, #tpu.memory_space<semaphore_mem>>) {add = true}
      %dma_wait3A_348 = arith.constant 0 : i32
      %dma_wait3A_349 = tpu.memref_slice %arg6[%run_scoped3A_164, %run_scoped3A_165, %dma_wait3A_348] : memref<8x2x128xi32, #tpu.memory_space<vmem>> -> memref<1x1x128xi32, #tpu.memory_space<vmem>>
      %dma_wait3A_350 = tpu.memref_squeeze %dma_wait3A_349 : memref<1x1x128xi32, #tpu.memory_space<vmem>> -> memref<128xi32, #tpu.memory_space<vmem>>
      %dma_wait3A_351 = arith.constant 0 : i32
      %dma_wait3A_352 = arith.constant 0 : i32
      %dma_wait3A_353 = tpu.memref_slice %arg16[%dma_wait3A_351, %dma_wait3A_352] : memref<10240x128xf32, #tpu.memory_space<vmem_shared>> -> memref<10240x128xf32, #tpu.memory_space<vmem_shared>>
      tpu.wait_indirect_dma semaphore(%run_scoped3A_341 : memref<!tpu.dma_semaphore, #tpu.memory_space<semaphore_mem>>) src(%arg8 : memref<128x128xf32, #tpu.memory_space<vmem>>) dst(%dma_wait3A_353 : memref<10240x128xf32, #tpu.memory_space<vmem_shared>>)
      tpu.yield
    }) : () -> ()
    %dma_wait3A_166 = arith.constant 7 : i32
    %dma_wait3A_167 = arith.constant 0 : i32
    %dma_wait3A_168 = arith.constant 0 : i32
    %dma_wait3A_169 = tpu.memref_slice %arg6[%dma_wait3A_166, %dma_wait3A_167, %dma_wait3A_168] : memref<8x2x128xi32, #tpu.memory_space<vmem>> -> memref<1x1x128xi32, #tpu.memory_space<vmem>>
    %dma_wait3A_170 = tpu.memref_squeeze %dma_wait3A_169 : memref<1x1x128xi32, #tpu.memory_space<vmem>> -> memref<128xi32, #tpu.memory_space<vmem>>
    %dma_wait3A_171 = arith.constant 0 : i32
    %dma_wait3A_172 = arith.constant 0 : i32
    %dma_wait3A_173 = tpu.memref_slice %arg2[%dma_wait3A_171, %dma_wait3A_172] : memref<10240x128xf32, #tpu.memory_space<hbm>> -> memref<10240x128xf32, #tpu.memory_space<hbm>>
    tpu.wait_indirect_dma semaphore(%arg11 : memref<!tpu.dma_semaphore, #tpu.memory_space<semaphore_mem>>) src(%dma_wait3A_173 : memref<10240x128xf32, #tpu.memory_space<hbm>>) dst(%arg9 : memref<128x128xf32, #tpu.memory_space<vmem>>)
    %dma_wait3A_174 = arith.constant 8 : i32
    %dma_wait3A_175 = arith.constant 0 : i32
    %dma_wait3A_176 = arith.constant 0 : i32
    %dma_wait3A_177 = tpu.memref_slice %arg3[%add3A, %dma_wait3A_174, %dma_wait3A_175, %dma_wait3A_176] : memref<32x80x2x128xi32, #tpu.memory_space<hbm>> -> memref<1x8x2x128xi32, #tpu.memory_space<hbm>>
    %dma_wait3A_178 = tpu.memref_squeeze %dma_wait3A_177 : memref<1x8x2x128xi32, #tpu.memory_space<hbm>> -> memref<8x2x128xi32, #tpu.memory_space<hbm>>
    %dma_wait3A_179 = arith.constant 8 : i32
    %dma_wait3A_180 = arith.constant 0 : i32
    %dma_wait3A_181 = arith.constant 0 : i32
    %dma_wait3A_182 = tpu.memref_slice %arg3[%add3A, %dma_wait3A_179, %dma_wait3A_180, %dma_wait3A_181] : memref<32x80x2x128xi32, #tpu.memory_space<hbm>> -> memref<1x8x2x128xi32, #tpu.memory_space<hbm>>
    %dma_wait3A_183 = tpu.memref_squeeze %dma_wait3A_182 : memref<1x8x2x128xi32, #tpu.memory_space<hbm>> -> memref<8x2x128xi32, #tpu.memory_space<hbm>>
    tpu.wait_dma2 semaphore(%arg15 : memref<!tpu.dma_semaphore, #tpu.memory_space<semaphore_mem>>) src(%dma_wait3A_183 : memref<8x2x128xi32, #tpu.memory_space<hbm>>) dst(%arg7 : memref<8x2x128xi32, #tpu.memory_space<vmem>>)
    %dma_start3A_184 = arith.constant 0 : i32
    %dma_start3A_185 = arith.constant 0 : i32
    %dma_start3A_186 = arith.constant 0 : i32
    %dma_start3A_187 = tpu.memref_slice %arg7[%dma_start3A_184, %dma_start3A_185, %dma_start3A_186] : memref<8x2x128xi32, #tpu.memory_space<vmem>> -> memref<1x1x128xi32, #tpu.memory_space<vmem>>
    %dma_start3A_188 = tpu.memref_squeeze %dma_start3A_187 : memref<1x1x128xi32, #tpu.memory_space<vmem>> -> memref<128xi32, #tpu.memory_space<vmem>>
    %dma_start3A_189 = arith.constant 0 : i32
    %dma_start3A_190 = arith.constant 0 : i32
    %dma_start3A_191 = tpu.memref_slice %arg2[%dma_start3A_189, %dma_start3A_190] : memref<10240x128xf32, #tpu.memory_space<hbm>> -> memref<10240x128xf32, #tpu.memory_space<hbm>>
    tpu.enqueue_indirect_dma source(%dma_start3A_191 : memref<10240x128xf32, #tpu.memory_space<hbm>>) target(%arg8 : memref<128x128xf32, #tpu.memory_space<vmem>>) offsets(%dma_start3A_188 : memref<128xi32, #tpu.memory_space<vmem>>) semaphore(%arg10 : memref<!tpu.dma_semaphore, #tpu.memory_space<semaphore_mem>>)
    %run_scoped3A_192 = arith.constant 7 : i32
    %run_scoped3A_193 = arith.constant 1 : i32
    "tpu.region"() ({
      %run_scoped3A_341 = tpu.sem_alloc : memref<!tpu.dma_semaphore, #tpu.memory_space<semaphore_mem>>
      %dma_start3A_342 = arith.constant 0 : i32
      %dma_start3A_343 = tpu.memref_slice %arg6[%run_scoped3A_192, %run_scoped3A_193, %dma_start3A_342] : memref<8x2x128xi32, #tpu.memory_space<vmem>> -> memref<1x1x128xi32, #tpu.memory_space<vmem>>
      %dma_start3A_344 = tpu.memref_squeeze %dma_start3A_343 : memref<1x1x128xi32, #tpu.memory_space<vmem>> -> memref<128xi32, #tpu.memory_space<vmem>>
      %dma_start3A_345 = arith.constant 0 : i32
      %dma_start3A_346 = arith.constant 0 : i32
      %dma_start3A_347 = tpu.memref_slice %arg16[%dma_start3A_345, %dma_start3A_346] : memref<10240x128xf32, #tpu.memory_space<vmem_shared>> -> memref<10240x128xf32, #tpu.memory_space<vmem_shared>>
      tpu.enqueue_indirect_dma source(%arg9 : memref<128x128xf32, #tpu.memory_space<vmem>>) target(%dma_start3A_347 : memref<10240x128xf32, #tpu.memory_space<vmem_shared>>) offsets(%dma_start3A_344 : memref<128xi32, #tpu.memory_space<vmem>>) semaphore(%run_scoped3A_341 : memref<!tpu.dma_semaphore, #tpu.memory_space<semaphore_mem>>) {add = true}
      %dma_wait3A_348 = arith.constant 0 : i32
      %dma_wait3A_349 = tpu.memref_slice %arg6[%run_scoped3A_192, %run_scoped3A_193, %dma_wait3A_348] : memref<8x2x128xi32, #tpu.memory_space<vmem>> -> memref<1x1x128xi32, #tpu.memory_space<vmem>>
      %dma_wait3A_350 = tpu.memref_squeeze %dma_wait3A_349 : memref<1x1x128xi32, #tpu.memory_space<vmem>> -> memref<128xi32, #tpu.memory_space<vmem>>
      %dma_wait3A_351 = arith.constant 0 : i32
      %dma_wait3A_352 = arith.constant 0 : i32
      %dma_wait3A_353 = tpu.memref_slice %arg16[%dma_wait3A_351, %dma_wait3A_352] : memref<10240x128xf32, #tpu.memory_space<vmem_shared>> -> memref<10240x128xf32, #tpu.memory_space<vmem_shared>>
      tpu.wait_indirect_dma semaphore(%run_scoped3A_341 : memref<!tpu.dma_semaphore, #tpu.memory_space<semaphore_mem>>) src(%arg9 : memref<128x128xf32, #tpu.memory_space<vmem>>) dst(%dma_wait3A_353 : memref<10240x128xf32, #tpu.memory_space<vmem_shared>>)
      tpu.yield
    }) : () -> ()
    %scan3A = arith.constant 0 : i32
    %scan3A_194 = arith.constant 0 : i32
    %scan3A_195 = arith.constant 4 : i32
    %scan3A_196 = arith.addi %scan3A_194, %scan3A_195 : i32
    %scan3A_197 = arith.constant 1 : i32
    %scan3A_198 = scf.for %scan3A_341 = %scan3A_194 to %scan3A_196 step %scan3A_197 iter_args(%scan3A_342 = %scan3A) -> (i32)  : i32 {
      %mul3A_343 = arith.constant 2 : i32
      %mul3A_344 = arith.muli %mul3A_343, %scan3A_341 : i32
      %add3A_345 = arith.constant 1 : i32
      %add3A_346 = arith.addi %mul3A_344, %add3A_345 : i32
      %add3A_347 = arith.constant 1 : i32
      %add3A_348 = arith.addi %add3A_346, %add3A_347 : i32
      %mul3A_349 = arith.constant 8 : i32
      %mul3A_350 = arith.muli %add3A_348, %mul3A_349 : i32
      %dma_start3A_351 = arith.constant 0 : i32
      %dma_start3A_352 = arith.constant 0 : i32
      %dma_start3A_353 = tpu.memref_slice %arg3[%add3A, %mul3A_350, %dma_start3A_351, %dma_start3A_352] : memref<32x80x2x128xi32, #tpu.memory_space<hbm>> -> memref<1x8x2x128xi32, #tpu.memory_space<hbm>>
      %dma_start3A_354 = tpu.memref_squeeze %dma_start3A_353 : memref<1x8x2x128xi32, #tpu.memory_space<hbm>> -> memref<8x2x128xi32, #tpu.memory_space<hbm>>
      %dma_start3A_355 = arith.constant 0 : i32
      %dma_start3A_356 = arith.constant 0 : i32
      %dma_start3A_357 = tpu.memref_slice %arg3[%add3A, %mul3A_350, %dma_start3A_355, %dma_start3A_356] : memref<32x80x2x128xi32, #tpu.memory_space<hbm>> -> memref<1x8x2x128xi32, #tpu.memory_space<hbm>>
      %dma_start3A_358 = tpu.memref_squeeze %dma_start3A_357 : memref<1x8x2x128xi32, #tpu.memory_space<hbm>> -> memref<8x2x128xi32, #tpu.memory_space<hbm>>
      tpu.enqueue_dma source(%dma_start3A_358 : memref<8x2x128xi32, #tpu.memory_space<hbm>>) target(%arg6 : memref<8x2x128xi32, #tpu.memory_space<vmem>>) target_semaphore(%arg14 : memref<!tpu.dma_semaphore, #tpu.memory_space<semaphore_mem>>)
      %dma_wait3A_359 = arith.constant 0 : i32
      %dma_wait3A_360 = arith.constant 0 : i32
      %dma_wait3A_361 = arith.constant 0 : i32
      %dma_wait3A_362 = tpu.memref_slice %arg7[%dma_wait3A_359, %dma_wait3A_360, %dma_wait3A_361] : memref<8x2x128xi32, #tpu.memory_space<vmem>> -> memref<1x1x128xi32, #tpu.memory_space<vmem>>
      %dma_wait3A_363 = tpu.memref_squeeze %dma_wait3A_362 : memref<1x1x128xi32, #tpu.memory_space<vmem>> -> memref<128xi32, #tpu.memory_space<vmem>>
      %dma_wait3A_364 = arith.constant 0 : i32
      %dma_wait3A_365 = arith.constant 0 : i32
      %dma_wait3A_366 = tpu.memref_slice %arg2[%dma_wait3A_364, %dma_wait3A_365] : memref<10240x128xf32, #tpu.memory_space<hbm>> -> memref<10240x128xf32, #tpu.memory_space<hbm>>
      tpu.wait_indirect_dma semaphore(%arg10 : memref<!tpu.dma_semaphore, #tpu.memory_space<semaphore_mem>>) src(%dma_wait3A_366 : memref<10240x128xf32, #tpu.memory_space<hbm>>) dst(%arg8 : memref<128x128xf32, #tpu.memory_space<vmem>>)
      %dma_start3A_367 = arith.constant 1 : i32
      %dma_start3A_368 = arith.constant 0 : i32
      %dma_start3A_369 = arith.constant 0 : i32
      %dma_start3A_370 = tpu.memref_slice %arg7[%dma_start3A_367, %dma_start3A_368, %dma_start3A_369] : memref<8x2x128xi32, #tpu.memory_space<vmem>> -> memref<1x1x128xi32, #tpu.memory_space<vmem>>
      %dma_start3A_371 = tpu.memref_squeeze %dma_start3A_370 : memref<1x1x128xi32, #tpu.memory_space<vmem>> -> memref<128xi32, #tpu.memory_space<vmem>>
      %dma_start3A_372 = arith.constant 0 : i32
      %dma_start3A_373 = arith.constant 0 : i32
      %dma_start3A_374 = tpu.memref_slice %arg2[%dma_start3A_372, %dma_start3A_373] : memref<10240x128xf32, #tpu.memory_space<hbm>> -> memref<10240x128xf32, #tpu.memory_space<hbm>>
      tpu.enqueue_indirect_dma source(%dma_start3A_374 : memref<10240x128xf32, #tpu.memory_space<hbm>>) target(%arg9 : memref<128x128xf32, #tpu.memory_space<vmem>>) offsets(%dma_start3A_371 : memref<128xi32, #tpu.memory_space<vmem>>) semaphore(%arg11 : memref<!tpu.dma_semaphore, #tpu.memory_space<semaphore_mem>>)
      %run_scoped3A_375 = arith.constant 0 : i32
      %run_scoped3A_376 = arith.constant 1 : i32
      "tpu.region"() ({
        %run_scoped3A_686 = tpu.sem_alloc : memref<!tpu.dma_semaphore, #tpu.memory_space<semaphore_mem>>
        %dma_start3A_687 = arith.constant 0 : i32
        %dma_start3A_688 = tpu.memref_slice %arg7[%run_scoped3A_375, %run_scoped3A_376, %dma_start3A_687] : memref<8x2x128xi32, #tpu.memory_space<vmem>> -> memref<1x1x128xi32, #tpu.memory_space<vmem>>
        %dma_start3A_689 = tpu.memref_squeeze %dma_start3A_688 : memref<1x1x128xi32, #tpu.memory_space<vmem>> -> memref<128xi32, #tpu.memory_space<vmem>>
        %dma_start3A_690 = arith.constant 0 : i32
        %dma_start3A_691 = arith.constant 0 : i32
        %dma_start3A_692 = tpu.memref_slice %arg16[%dma_start3A_690, %dma_start3A_691] : memref<10240x128xf32, #tpu.memory_space<vmem_shared>> -> memref<10240x128xf32, #tpu.memory_space<vmem_shared>>
        tpu.enqueue_indirect_dma source(%arg8 : memref<128x128xf32, #tpu.memory_space<vmem>>) target(%dma_start3A_692 : memref<10240x128xf32, #tpu.memory_space<vmem_shared>>) offsets(%dma_start3A_689 : memref<128xi32, #tpu.memory_space<vmem>>) semaphore(%run_scoped3A_686 : memref<!tpu.dma_semaphore, #tpu.memory_space<semaphore_mem>>) {add = true}
        %dma_wait3A_693 = arith.constant 0 : i32
        %dma_wait3A_694 = tpu.memref_slice %arg7[%run_scoped3A_375, %run_scoped3A_376, %dma_wait3A_693] : memref<8x2x128xi32, #tpu.memory_space<vmem>> -> memref<1x1x128xi32, #tpu.memory_space<vmem>>
        %dma_wait3A_695 = tpu.memref_squeeze %dma_wait3A_694 : memref<1x1x128xi32, #tpu.memory_space<vmem>> -> memref<128xi32, #tpu.memory_space<vmem>>
        %dma_wait3A_696 = arith.constant 0 : i32
        %dma_wait3A_697 = arith.constant 0 : i32
        %dma_wait3A_698 = tpu.memref_slice %arg16[%dma_wait3A_696, %dma_wait3A_697] : memref<10240x128xf32, #tpu.memory_space<vmem_shared>> -> memref<10240x128xf32, #tpu.memory_space<vmem_shared>>
        tpu.wait_indirect_dma semaphore(%run_scoped3A_686 : memref<!tpu.dma_semaphore, #tpu.memory_space<semaphore_mem>>) src(%arg8 : memref<128x128xf32, #tpu.memory_space<vmem>>) dst(%dma_wait3A_698 : memref<10240x128xf32, #tpu.memory_space<vmem_shared>>)
        tpu.yield
      }) : () -> ()
      %dma_wait3A_377 = arith.constant 1 : i32
      %dma_wait3A_378 = arith.constant 0 : i32
      %dma_wait3A_379 = arith.constant 0 : i32
      %dma_wait3A_380 = tpu.memref_slice %arg7[%dma_wait3A_377, %dma_wait3A_378, %dma_wait3A_379] : memref<8x2x128xi32, #tpu.memory_space<vmem>> -> memref<1x1x128xi32, #tpu.memory_space<vmem>>
      %dma_wait3A_381 = tpu.memref_squeeze %dma_wait3A_380 : memref<1x1x128xi32, #tpu.memory_space<vmem>> -> memref<128xi32, #tpu.memory_space<vmem>>
      %dma_wait3A_382 = arith.constant 0 : i32
      %dma_wait3A_383 = arith.constant 0 : i32
      %dma_wait3A_384 = tpu.memref_slice %arg2[%dma_wait3A_382, %dma_wait3A_383] : memref<10240x128xf32, #tpu.memory_space<hbm>> -> memref<10240x128xf32, #tpu.memory_space<hbm>>
      tpu.wait_indirect_dma semaphore(%arg11 : memref<!tpu.dma_semaphore, #tpu.memory_space<semaphore_mem>>) src(%dma_wait3A_384 : memref<10240x128xf32, #tpu.memory_space<hbm>>) dst(%arg9 : memref<128x128xf32, #tpu.memory_space<vmem>>)
      %dma_start3A_385 = arith.constant 2 : i32
      %dma_start3A_386 = arith.constant 0 : i32
      %dma_start3A_387 = arith.constant 0 : i32
      %dma_start3A_388 = tpu.memref_slice %arg7[%dma_start3A_385, %dma_start3A_386, %dma_start3A_387] : memref<8x2x128xi32, #tpu.memory_space<vmem>> -> memref<1x1x128xi32, #tpu.memory_space<vmem>>
      %dma_start3A_389 = tpu.memref_squeeze %dma_start3A_388 : memref<1x1x128xi32, #tpu.memory_space<vmem>> -> memref<128xi32, #tpu.memory_space<vmem>>
      %dma_start3A_390 = arith.constant 0 : i32
      %dma_start3A_391 = arith.constant 0 : i32
      %dma_start3A_392 = tpu.memref_slice %arg2[%dma_start3A_390, %dma_start3A_391] : memref<10240x128xf32, #tpu.memory_space<hbm>> -> memref<10240x128xf32, #tpu.memory_space<hbm>>
      tpu.enqueue_indirect_dma source(%dma_start3A_392 : memref<10240x128xf32, #tpu.memory_space<hbm>>) target(%arg8 : memref<128x128xf32, #tpu.memory_space<vmem>>) offsets(%dma_start3A_389 : memref<128xi32, #tpu.memory_space<vmem>>) semaphore(%arg10 : memref<!tpu.dma_semaphore, #tpu.memory_space<semaphore_mem>>)
      %run_scoped3A_393 = arith.constant 1 : i32
      %run_scoped3A_394 = arith.constant 1 : i32
      "tpu.region"() ({
        %run_scoped3A_686 = tpu.sem_alloc : memref<!tpu.dma_semaphore, #tpu.memory_space<semaphore_mem>>
        %dma_start3A_687 = arith.constant 0 : i32
        %dma_start3A_688 = tpu.memref_slice %arg7[%run_scoped3A_393, %run_scoped3A_394, %dma_start3A_687] : memref<8x2x128xi32, #tpu.memory_space<vmem>> -> memref<1x1x128xi32, #tpu.memory_space<vmem>>
        %dma_start3A_689 = tpu.memref_squeeze %dma_start3A_688 : memref<1x1x128xi32, #tpu.memory_space<vmem>> -> memref<128xi32, #tpu.memory_space<vmem>>
        %dma_start3A_690 = arith.constant 0 : i32
        %dma_start3A_691 = arith.constant 0 : i32
        %dma_start3A_692 = tpu.memref_slice %arg16[%dma_start3A_690, %dma_start3A_691] : memref<10240x128xf32, #tpu.memory_space<vmem_shared>> -> memref<10240x128xf32, #tpu.memory_space<vmem_shared>>
        tpu.enqueue_indirect_dma source(%arg9 : memref<128x128xf32, #tpu.memory_space<vmem>>) target(%dma_start3A_692 : memref<10240x128xf32, #tpu.memory_space<vmem_shared>>) offsets(%dma_start3A_689 : memref<128xi32, #tpu.memory_space<vmem>>) semaphore(%run_scoped3A_686 : memref<!tpu.dma_semaphore, #tpu.memory_space<semaphore_mem>>) {add = true}
        %dma_wait3A_693 = arith.constant 0 : i32
        %dma_wait3A_694 = tpu.memref_slice %arg7[%run_scoped3A_393, %run_scoped3A_394, %dma_wait3A_693] : memref<8x2x128xi32, #tpu.memory_space<vmem>> -> memref<1x1x128xi32, #tpu.memory_space<vmem>>
        %dma_wait3A_695 = tpu.memref_squeeze %dma_wait3A_694 : memref<1x1x128xi32, #tpu.memory_space<vmem>> -> memref<128xi32, #tpu.memory_space<vmem>>
        %dma_wait3A_696 = arith.constant 0 : i32
        %dma_wait3A_697 = arith.constant 0 : i32
        %dma_wait3A_698 = tpu.memref_slice %arg16[%dma_wait3A_696, %dma_wait3A_697] : memref<10240x128xf32, #tpu.memory_space<vmem_shared>> -> memref<10240x128xf32, #tpu.memory_space<vmem_shared>>
        tpu.wait_indirect_dma semaphore(%run_scoped3A_686 : memref<!tpu.dma_semaphore, #tpu.memory_space<semaphore_mem>>) src(%arg9 : memref<128x128xf32, #tpu.memory_space<vmem>>) dst(%dma_wait3A_698 : memref<10240x128xf32, #tpu.memory_space<vmem_shared>>)
        tpu.yield
      }) : () -> ()
      %dma_wait3A_395 = arith.constant 2 : i32
      %dma_wait3A_396 = arith.constant 0 : i32
      %dma_wait3A_397 = arith.constant 0 : i32
      %dma_wait3A_398 = tpu.memref_slice %arg7[%dma_wait3A_395, %dma_wait3A_396, %dma_wait3A_397] : memref<8x2x128xi32, #tpu.memory_space<vmem>> -> memref<1x1x128xi32, #tpu.memory_space<vmem>>
      %dma_wait3A_399 = tpu.memref_squeeze %dma_wait3A_398 : memref<1x1x128xi32, #tpu.memory_space<vmem>> -> memref<128xi32, #tpu.memory_space<vmem>>
      %dma_wait3A_400 = arith.constant 0 : i32
      %dma_wait3A_401 = arith.constant 0 : i32
      %dma_wait3A_402 = tpu.memref_slice %arg2[%dma_wait3A_400, %dma_wait3A_401] : memref<10240x128xf32, #tpu.memory_space<hbm>> -> memref<10240x128xf32, #tpu.memory_space<hbm>>
      tpu.wait_indirect_dma semaphore(%arg10 : memref<!tpu.dma_semaphore, #tpu.memory_space<semaphore_mem>>) src(%dma_wait3A_402 : memref<10240x128xf32, #tpu.memory_space<hbm>>) dst(%arg8 : memref<128x128xf32, #tpu.memory_space<vmem>>)
      %dma_start3A_403 = arith.constant 3 : i32
      %dma_start3A_404 = arith.constant 0 : i32
      %dma_start3A_405 = arith.constant 0 : i32
      %dma_start3A_406 = tpu.memref_slice %arg7[%dma_start3A_403, %dma_start3A_404, %dma_start3A_405] : memref<8x2x128xi32, #tpu.memory_space<vmem>> -> memref<1x1x128xi32, #tpu.memory_space<vmem>>
      %dma_start3A_407 = tpu.memref_squeeze %dma_start3A_406 : memref<1x1x128xi32, #tpu.memory_space<vmem>> -> memref<128xi32, #tpu.memory_space<vmem>>
      %dma_start3A_408 = arith.constant 0 : i32
      %dma_start3A_409 = arith.constant 0 : i32
      %dma_start3A_410 = tpu.memref_slice %arg2[%dma_start3A_408, %dma_start3A_409] : memref<10240x128xf32, #tpu.memory_space<hbm>> -> memref<10240x128xf32, #tpu.memory_space<hbm>>
      tpu.enqueue_indirect_dma source(%dma_start3A_410 : memref<10240x128xf32, #tpu.memory_space<hbm>>) target(%arg9 : memref<128x128xf32, #tpu.memory_space<vmem>>) offsets(%dma_start3A_407 : memref<128xi32, #tpu.memory_space<vmem>>) semaphore(%arg11 : memref<!tpu.dma_semaphore, #tpu.memory_space<semaphore_mem>>)
      %run_scoped3A_411 = arith.constant 2 : i32
      %run_scoped3A_412 = arith.constant 1 : i32
      "tpu.region"() ({
        %run_scoped3A_686 = tpu.sem_alloc : memref<!tpu.dma_semaphore, #tpu.memory_space<semaphore_mem>>
        %dma_start3A_687 = arith.constant 0 : i32
        %dma_start3A_688 = tpu.memref_slice %arg7[%run_scoped3A_411, %run_scoped3A_412, %dma_start3A_687] : memref<8x2x128xi32, #tpu.memory_space<vmem>> -> memref<1x1x128xi32, #tpu.memory_space<vmem>>
        %dma_start3A_689 = tpu.memref_squeeze %dma_start3A_688 : memref<1x1x128xi32, #tpu.memory_space<vmem>> -> memref<128xi32, #tpu.memory_space<vmem>>
        %dma_start3A_690 = arith.constant 0 : i32
        %dma_start3A_691 = arith.constant 0 : i32
        %dma_start3A_692 = tpu.memref_slice %arg16[%dma_start3A_690, %dma_start3A_691] : memref<10240x128xf32, #tpu.memory_space<vmem_shared>> -> memref<10240x128xf32, #tpu.memory_space<vmem_shared>>
        tpu.enqueue_indirect_dma source(%arg8 : memref<128x128xf32, #tpu.memory_space<vmem>>) target(%dma_start3A_692 : memref<10240x128xf32, #tpu.memory_space<vmem_shared>>) offsets(%dma_start3A_689 : memref<128xi32, #tpu.memory_space<vmem>>) semaphore(%run_scoped3A_686 : memref<!tpu.dma_semaphore, #tpu.memory_space<semaphore_mem>>) {add = true}
        %dma_wait3A_693 = arith.constant 0 : i32
        %dma_wait3A_694 = tpu.memref_slice %arg7[%run_scoped3A_411, %run_scoped3A_412, %dma_wait3A_693] : memref<8x2x128xi32, #tpu.memory_space<vmem>> -> memref<1x1x128xi32, #tpu.memory_space<vmem>>
        %dma_wait3A_695 = tpu.memref_squeeze %dma_wait3A_694 : memref<1x1x128xi32, #tpu.memory_space<vmem>> -> memref<128xi32, #tpu.memory_space<vmem>>
        %dma_wait3A_696 = arith.constant 0 : i32
        %dma_wait3A_697 = arith.constant 0 : i32
        %dma_wait3A_698 = tpu.memref_slice %arg16[%dma_wait3A_696, %dma_wait3A_697] : memref<10240x128xf32, #tpu.memory_space<vmem_shared>> -> memref<10240x128xf32, #tpu.memory_space<vmem_shared>>
        tpu.wait_indirect_dma semaphore(%run_scoped3A_686 : memref<!tpu.dma_semaphore, #tpu.memory_space<semaphore_mem>>) src(%arg8 : memref<128x128xf32, #tpu.memory_space<vmem>>) dst(%dma_wait3A_698 : memref<10240x128xf32, #tpu.memory_space<vmem_shared>>)
        tpu.yield
      }) : () -> ()
      %dma_wait3A_413 = arith.constant 3 : i32
      %dma_wait3A_414 = arith.constant 0 : i32
      %dma_wait3A_415 = arith.constant 0 : i32
      %dma_wait3A_416 = tpu.memref_slice %arg7[%dma_wait3A_413, %dma_wait3A_414, %dma_wait3A_415] : memref<8x2x128xi32, #tpu.memory_space<vmem>> -> memref<1x1x128xi32, #tpu.memory_space<vmem>>
      %dma_wait3A_417 = tpu.memref_squeeze %dma_wait3A_416 : memref<1x1x128xi32, #tpu.memory_space<vmem>> -> memref<128xi32, #tpu.memory_space<vmem>>
      %dma_wait3A_418 = arith.constant 0 : i32
      %dma_wait3A_419 = arith.constant 0 : i32
      %dma_wait3A_420 = tpu.memref_slice %arg2[%dma_wait3A_418, %dma_wait3A_419] : memref<10240x128xf32, #tpu.memory_space<hbm>> -> memref<10240x128xf32, #tpu.memory_space<hbm>>
      tpu.wait_indirect_dma semaphore(%arg11 : memref<!tpu.dma_semaphore, #tpu.memory_space<semaphore_mem>>) src(%dma_wait3A_420 : memref<10240x128xf32, #tpu.memory_space<hbm>>) dst(%arg9 : memref<128x128xf32, #tpu.memory_space<vmem>>)
      %dma_start3A_421 = arith.constant 4 : i32
      %dma_start3A_422 = arith.constant 0 : i32
      %dma_start3A_423 = arith.constant 0 : i32
      %dma_start3A_424 = tpu.memref_slice %arg7[%dma_start3A_421, %dma_start3A_422, %dma_start3A_423] : memref<8x2x128xi32, #tpu.memory_space<vmem>> -> memref<1x1x128xi32, #tpu.memory_space<vmem>>
      %dma_start3A_425 = tpu.memref_squeeze %dma_start3A_424 : memref<1x1x128xi32, #tpu.memory_space<vmem>> -> memref<128xi32, #tpu.memory_space<vmem>>
      %dma_start3A_426 = arith.constant 0 : i32
      %dma_start3A_427 = arith.constant 0 : i32
      %dma_start3A_428 = tpu.memref_slice %arg2[%dma_start3A_426, %dma_start3A_427] : memref<10240x128xf32, #tpu.memory_space<hbm>> -> memref<10240x128xf32, #tpu.memory_space<hbm>>
      tpu.enqueue_indirect_dma source(%dma_start3A_428 : memref<10240x128xf32, #tpu.memory_space<hbm>>) target(%arg8 : memref<128x128xf32, #tpu.memory_space<vmem>>) offsets(%dma_start3A_425 : memref<128xi32, #tpu.memory_space<vmem>>) semaphore(%arg10 : memref<!tpu.dma_semaphore, #tpu.memory_space<semaphore_mem>>)
      %run_scoped3A_429 = arith.constant 3 : i32
      %run_scoped3A_430 = arith.constant 1 : i32
      "tpu.region"() ({
        %run_scoped3A_686 = tpu.sem_alloc : memref<!tpu.dma_semaphore, #tpu.memory_space<semaphore_mem>>
        %dma_start3A_687 = arith.constant 0 : i32
        %dma_start3A_688 = tpu.memref_slice %arg7[%run_scoped3A_429, %run_scoped3A_430, %dma_start3A_687] : memref<8x2x128xi32, #tpu.memory_space<vmem>> -> memref<1x1x128xi32, #tpu.memory_space<vmem>>
        %dma_start3A_689 = tpu.memref_squeeze %dma_start3A_688 : memref<1x1x128xi32, #tpu.memory_space<vmem>> -> memref<128xi32, #tpu.memory_space<vmem>>
        %dma_start3A_690 = arith.constant 0 : i32
        %dma_start3A_691 = arith.constant 0 : i32
        %dma_start3A_692 = tpu.memref_slice %arg16[%dma_start3A_690, %dma_start3A_691] : memref<10240x128xf32, #tpu.memory_space<vmem_shared>> -> memref<10240x128xf32, #tpu.memory_space<vmem_shared>>
        tpu.enqueue_indirect_dma source(%arg9 : memref<128x128xf32, #tpu.memory_space<vmem>>) target(%dma_start3A_692 : memref<10240x128xf32, #tpu.memory_space<vmem_shared>>) offsets(%dma_start3A_689 : memref<128xi32, #tpu.memory_space<vmem>>) semaphore(%run_scoped3A_686 : memref<!tpu.dma_semaphore, #tpu.memory_space<semaphore_mem>>) {add = true}
        %dma_wait3A_693 = arith.constant 0 : i32
        %dma_wait3A_694 = tpu.memref_slice %arg7[%run_scoped3A_429, %run_scoped3A_430, %dma_wait3A_693] : memref<8x2x128xi32, #tpu.memory_space<vmem>> -> memref<1x1x128xi32, #tpu.memory_space<vmem>>
        %dma_wait3A_695 = tpu.memref_squeeze %dma_wait3A_694 : memref<1x1x128xi32, #tpu.memory_space<vmem>> -> memref<128xi32, #tpu.memory_space<vmem>>
        %dma_wait3A_696 = arith.constant 0 : i32
        %dma_wait3A_697 = arith.constant 0 : i32
        %dma_wait3A_698 = tpu.memref_slice %arg16[%dma_wait3A_696, %dma_wait3A_697] : memref<10240x128xf32, #tpu.memory_space<vmem_shared>> -> memref<10240x128xf32, #tpu.memory_space<vmem_shared>>
        tpu.wait_indirect_dma semaphore(%run_scoped3A_686 : memref<!tpu.dma_semaphore, #tpu.memory_space<semaphore_mem>>) src(%arg9 : memref<128x128xf32, #tpu.memory_space<vmem>>) dst(%dma_wait3A_698 : memref<10240x128xf32, #tpu.memory_space<vmem_shared>>)
        tpu.yield
      }) : () -> ()
      %dma_wait3A_431 = arith.constant 4 : i32
      %dma_wait3A_432 = arith.constant 0 : i32
      %dma_wait3A_433 = arith.constant 0 : i32
      %dma_wait3A_434 = tpu.memref_slice %arg7[%dma_wait3A_431, %dma_wait3A_432, %dma_wait3A_433] : memref<8x2x128xi32, #tpu.memory_space<vmem>> -> memref<1x1x128xi32, #tpu.memory_space<vmem>>
      %dma_wait3A_435 = tpu.memref_squeeze %dma_wait3A_434 : memref<1x1x128xi32, #tpu.memory_space<vmem>> -> memref<128xi32, #tpu.memory_space<vmem>>
      %dma_wait3A_436 = arith.constant 0 : i32
      %dma_wait3A_437 = arith.constant 0 : i32
      %dma_wait3A_438 = tpu.memref_slice %arg2[%dma_wait3A_436, %dma_wait3A_437] : memref<10240x128xf32, #tpu.memory_space<hbm>> -> memref<10240x128xf32, #tpu.memory_space<hbm>>
      tpu.wait_indirect_dma semaphore(%arg10 : memref<!tpu.dma_semaphore, #tpu.memory_space<semaphore_mem>>) src(%dma_wait3A_438 : memref<10240x128xf32, #tpu.memory_space<hbm>>) dst(%arg8 : memref<128x128xf32, #tpu.memory_space<vmem>>)
      %dma_start3A_439 = arith.constant 5 : i32
      %dma_start3A_440 = arith.constant 0 : i32
      %dma_start3A_441 = arith.constant 0 : i32
      %dma_start3A_442 = tpu.memref_slice %arg7[%dma_start3A_439, %dma_start3A_440, %dma_start3A_441] : memref<8x2x128xi32, #tpu.memory_space<vmem>> -> memref<1x1x128xi32, #tpu.memory_space<vmem>>
      %dma_start3A_443 = tpu.memref_squeeze %dma_start3A_442 : memref<1x1x128xi32, #tpu.memory_space<vmem>> -> memref<128xi32, #tpu.memory_space<vmem>>
      %dma_start3A_444 = arith.constant 0 : i32
      %dma_start3A_445 = arith.constant 0 : i32
      %dma_start3A_446 = tpu.memref_slice %arg2[%dma_start3A_444, %dma_start3A_445] : memref<10240x128xf32, #tpu.memory_space<hbm>> -> memref<10240x128xf32, #tpu.memory_space<hbm>>
      tpu.enqueue_indirect_dma source(%dma_start3A_446 : memref<10240x128xf32, #tpu.memory_space<hbm>>) target(%arg9 : memref<128x128xf32, #tpu.memory_space<vmem>>) offsets(%dma_start3A_443 : memref<128xi32, #tpu.memory_space<vmem>>) semaphore(%arg11 : memref<!tpu.dma_semaphore, #tpu.memory_space<semaphore_mem>>)
      %run_scoped3A_447 = arith.constant 4 : i32
      %run_scoped3A_448 = arith.constant 1 : i32
      "tpu.region"() ({
        %run_scoped3A_686 = tpu.sem_alloc : memref<!tpu.dma_semaphore, #tpu.memory_space<semaphore_mem>>
        %dma_start3A_687 = arith.constant 0 : i32
        %dma_start3A_688 = tpu.memref_slice %arg7[%run_scoped3A_447, %run_scoped3A_448, %dma_start3A_687] : memref<8x2x128xi32, #tpu.memory_space<vmem>> -> memref<1x1x128xi32, #tpu.memory_space<vmem>>
        %dma_start3A_689 = tpu.memref_squeeze %dma_start3A_688 : memref<1x1x128xi32, #tpu.memory_space<vmem>> -> memref<128xi32, #tpu.memory_space<vmem>>
        %dma_start3A_690 = arith.constant 0 : i32
        %dma_start3A_691 = arith.constant 0 : i32
        %dma_start3A_692 = tpu.memref_slice %arg16[%dma_start3A_690, %dma_start3A_691] : memref<10240x128xf32, #tpu.memory_space<vmem_shared>> -> memref<10240x128xf32, #tpu.memory_space<vmem_shared>>
        tpu.enqueue_indirect_dma source(%arg8 : memref<128x128xf32, #tpu.memory_space<vmem>>) target(%dma_start3A_692 : memref<10240x128xf32, #tpu.memory_space<vmem_shared>>) offsets(%dma_start3A_689 : memref<128xi32, #tpu.memory_space<vmem>>) semaphore(%run_scoped3A_686 : memref<!tpu.dma_semaphore, #tpu.memory_space<semaphore_mem>>) {add = true}
        %dma_wait3A_693 = arith.constant 0 : i32
        %dma_wait3A_694 = tpu.memref_slice %arg7[%run_scoped3A_447, %run_scoped3A_448, %dma_wait3A_693] : memref<8x2x128xi32, #tpu.memory_space<vmem>> -> memref<1x1x128xi32, #tpu.memory_space<vmem>>
        %dma_wait3A_695 = tpu.memref_squeeze %dma_wait3A_694 : memref<1x1x128xi32, #tpu.memory_space<vmem>> -> memref<128xi32, #tpu.memory_space<vmem>>
        %dma_wait3A_696 = arith.constant 0 : i32
        %dma_wait3A_697 = arith.constant 0 : i32
        %dma_wait3A_698 = tpu.memref_slice %arg16[%dma_wait3A_696, %dma_wait3A_697] : memref<10240x128xf32, #tpu.memory_space<vmem_shared>> -> memref<10240x128xf32, #tpu.memory_space<vmem_shared>>
        tpu.wait_indirect_dma semaphore(%run_scoped3A_686 : memref<!tpu.dma_semaphore, #tpu.memory_space<semaphore_mem>>) src(%arg8 : memref<128x128xf32, #tpu.memory_space<vmem>>) dst(%dma_wait3A_698 : memref<10240x128xf32, #tpu.memory_space<vmem_shared>>)
        tpu.yield
      }) : () -> ()
      %dma_wait3A_449 = arith.constant 5 : i32
      %dma_wait3A_450 = arith.constant 0 : i32
      %dma_wait3A_451 = arith.constant 0 : i32
      %dma_wait3A_452 = tpu.memref_slice %arg7[%dma_wait3A_449, %dma_wait3A_450, %dma_wait3A_451] : memref<8x2x128xi32, #tpu.memory_space<vmem>> -> memref<1x1x128xi32, #tpu.memory_space<vmem>>
      %dma_wait3A_453 = tpu.memref_squeeze %dma_wait3A_452 : memref<1x1x128xi32, #tpu.memory_space<vmem>> -> memref<128xi32, #tpu.memory_space<vmem>>
      %dma_wait3A_454 = arith.constant 0 : i32
      %dma_wait3A_455 = arith.constant 0 : i32
      %dma_wait3A_456 = tpu.memref_slice %arg2[%dma_wait3A_454, %dma_wait3A_455] : memref<10240x128xf32, #tpu.memory_space<hbm>> -> memref<10240x128xf32, #tpu.memory_space<hbm>>
      tpu.wait_indirect_dma semaphore(%arg11 : memref<!tpu.dma_semaphore, #tpu.memory_space<semaphore_mem>>) src(%dma_wait3A_456 : memref<10240x128xf32, #tpu.memory_space<hbm>>) dst(%arg9 : memref<128x128xf32, #tpu.memory_space<vmem>>)
      %dma_start3A_457 = arith.constant 6 : i32
      %dma_start3A_458 = arith.constant 0 : i32
      %dma_start3A_459 = arith.constant 0 : i32
      %dma_start3A_460 = tpu.memref_slice %arg7[%dma_start3A_457, %dma_start3A_458, %dma_start3A_459] : memref<8x2x128xi32, #tpu.memory_space<vmem>> -> memref<1x1x128xi32, #tpu.memory_space<vmem>>
      %dma_start3A_461 = tpu.memref_squeeze %dma_start3A_460 : memref<1x1x128xi32, #tpu.memory_space<vmem>> -> memref<128xi32, #tpu.memory_space<vmem>>
      %dma_start3A_462 = arith.constant 0 : i32
      %dma_start3A_463 = arith.constant 0 : i32
      %dma_start3A_464 = tpu.memref_slice %arg2[%dma_start3A_462, %dma_start3A_463] : memref<10240x128xf32, #tpu.memory_space<hbm>> -> memref<10240x128xf32, #tpu.memory_space<hbm>>
      tpu.enqueue_indirect_dma source(%dma_start3A_464 : memref<10240x128xf32, #tpu.memory_space<hbm>>) target(%arg8 : memref<128x128xf32, #tpu.memory_space<vmem>>) offsets(%dma_start3A_461 : memref<128xi32, #tpu.memory_space<vmem>>) semaphore(%arg10 : memref<!tpu.dma_semaphore, #tpu.memory_space<semaphore_mem>>)
      %run_scoped3A_465 = arith.constant 5 : i32
      %run_scoped3A_466 = arith.constant 1 : i32
      "tpu.region"() ({
        %run_scoped3A_686 = tpu.sem_alloc : memref<!tpu.dma_semaphore, #tpu.memory_space<semaphore_mem>>
        %dma_start3A_687 = arith.constant 0 : i32
        %dma_start3A_688 = tpu.memref_slice %arg7[%run_scoped3A_465, %run_scoped3A_466, %dma_start3A_687] : memref<8x2x128xi32, #tpu.memory_space<vmem>> -> memref<1x1x128xi32, #tpu.memory_space<vmem>>
        %dma_start3A_689 = tpu.memref_squeeze %dma_start3A_688 : memref<1x1x128xi32, #tpu.memory_space<vmem>> -> memref<128xi32, #tpu.memory_space<vmem>>
        %dma_start3A_690 = arith.constant 0 : i32
        %dma_start3A_691 = arith.constant 0 : i32
        %dma_start3A_692 = tpu.memref_slice %arg16[%dma_start3A_690, %dma_start3A_691] : memref<10240x128xf32, #tpu.memory_space<vmem_shared>> -> memref<10240x128xf32, #tpu.memory_space<vmem_shared>>
        tpu.enqueue_indirect_dma source(%arg9 : memref<128x128xf32, #tpu.memory_space<vmem>>) target(%dma_start3A_692 : memref<10240x128xf32, #tpu.memory_space<vmem_shared>>) offsets(%dma_start3A_689 : memref<128xi32, #tpu.memory_space<vmem>>) semaphore(%run_scoped3A_686 : memref<!tpu.dma_semaphore, #tpu.memory_space<semaphore_mem>>) {add = true}
        %dma_wait3A_693 = arith.constant 0 : i32
        %dma_wait3A_694 = tpu.memref_slice %arg7[%run_scoped3A_465, %run_scoped3A_466, %dma_wait3A_693] : memref<8x2x128xi32, #tpu.memory_space<vmem>> -> memref<1x1x128xi32, #tpu.memory_space<vmem>>
        %dma_wait3A_695 = tpu.memref_squeeze %dma_wait3A_694 : memref<1x1x128xi32, #tpu.memory_space<vmem>> -> memref<128xi32, #tpu.memory_space<vmem>>
        %dma_wait3A_696 = arith.constant 0 : i32
        %dma_wait3A_697 = arith.constant 0 : i32
        %dma_wait3A_698 = tpu.memref_slice %arg16[%dma_wait3A_696, %dma_wait3A_697] : memref<10240x128xf32, #tpu.memory_space<vmem_shared>> -> memref<10240x128xf32, #tpu.memory_space<vmem_shared>>
        tpu.wait_indirect_dma semaphore(%run_scoped3A_686 : memref<!tpu.dma_semaphore, #tpu.memory_space<semaphore_mem>>) src(%arg9 : memref<128x128xf32, #tpu.memory_space<vmem>>) dst(%dma_wait3A_698 : memref<10240x128xf32, #tpu.memory_space<vmem_shared>>)
        tpu.yield
      }) : () -> ()
      %dma_wait3A_467 = arith.constant 6 : i32
      %dma_wait3A_468 = arith.constant 0 : i32
      %dma_wait3A_469 = arith.constant 0 : i32
      %dma_wait3A_470 = tpu.memref_slice %arg7[%dma_wait3A_467, %dma_wait3A_468, %dma_wait3A_469] : memref<8x2x128xi32, #tpu.memory_space<vmem>> -> memref<1x1x128xi32, #tpu.memory_space<vmem>>
      %dma_wait3A_471 = tpu.memref_squeeze %dma_wait3A_470 : memref<1x1x128xi32, #tpu.memory_space<vmem>> -> memref<128xi32, #tpu.memory_space<vmem>>
      %dma_wait3A_472 = arith.constant 0 : i32
      %dma_wait3A_473 = arith.constant 0 : i32
      %dma_wait3A_474 = tpu.memref_slice %arg2[%dma_wait3A_472, %dma_wait3A_473] : memref<10240x128xf32, #tpu.memory_space<hbm>> -> memref<10240x128xf32, #tpu.memory_space<hbm>>
      tpu.wait_indirect_dma semaphore(%arg10 : memref<!tpu.dma_semaphore, #tpu.memory_space<semaphore_mem>>) src(%dma_wait3A_474 : memref<10240x128xf32, #tpu.memory_space<hbm>>) dst(%arg8 : memref<128x128xf32, #tpu.memory_space<vmem>>)
      %dma_start3A_475 = arith.constant 7 : i32
      %dma_start3A_476 = arith.constant 0 : i32
      %dma_start3A_477 = arith.constant 0 : i32
      %dma_start3A_478 = tpu.memref_slice %arg7[%dma_start3A_475, %dma_start3A_476, %dma_start3A_477] : memref<8x2x128xi32, #tpu.memory_space<vmem>> -> memref<1x1x128xi32, #tpu.memory_space<vmem>>
      %dma_start3A_479 = tpu.memref_squeeze %dma_start3A_478 : memref<1x1x128xi32, #tpu.memory_space<vmem>> -> memref<128xi32, #tpu.memory_space<vmem>>
      %dma_start3A_480 = arith.constant 0 : i32
      %dma_start3A_481 = arith.constant 0 : i32
      %dma_start3A_482 = tpu.memref_slice %arg2[%dma_start3A_480, %dma_start3A_481] : memref<10240x128xf32, #tpu.memory_space<hbm>> -> memref<10240x128xf32, #tpu.memory_space<hbm>>
      tpu.enqueue_indirect_dma source(%dma_start3A_482 : memref<10240x128xf32, #tpu.memory_space<hbm>>) target(%arg9 : memref<128x128xf32, #tpu.memory_space<vmem>>) offsets(%dma_start3A_479 : memref<128xi32, #tpu.memory_space<vmem>>) semaphore(%arg11 : memref<!tpu.dma_semaphore, #tpu.memory_space<semaphore_mem>>)
      %run_scoped3A_483 = arith.constant 6 : i32
      %run_scoped3A_484 = arith.constant 1 : i32
      "tpu.region"() ({
        %run_scoped3A_686 = tpu.sem_alloc : memref<!tpu.dma_semaphore, #tpu.memory_space<semaphore_mem>>
        %dma_start3A_687 = arith.constant 0 : i32
        %dma_start3A_688 = tpu.memref_slice %arg7[%run_scoped3A_483, %run_scoped3A_484, %dma_start3A_687] : memref<8x2x128xi32, #tpu.memory_space<vmem>> -> memref<1x1x128xi32, #tpu.memory_space<vmem>>
        %dma_start3A_689 = tpu.memref_squeeze %dma_start3A_688 : memref<1x1x128xi32, #tpu.memory_space<vmem>> -> memref<128xi32, #tpu.memory_space<vmem>>
        %dma_start3A_690 = arith.constant 0 : i32
        %dma_start3A_691 = arith.constant 0 : i32
        %dma_start3A_692 = tpu.memref_slice %arg16[%dma_start3A_690, %dma_start3A_691] : memref<10240x128xf32, #tpu.memory_space<vmem_shared>> -> memref<10240x128xf32, #tpu.memory_space<vmem_shared>>
        tpu.enqueue_indirect_dma source(%arg8 : memref<128x128xf32, #tpu.memory_space<vmem>>) target(%dma_start3A_692 : memref<10240x128xf32, #tpu.memory_space<vmem_shared>>) offsets(%dma_start3A_689 : memref<128xi32, #tpu.memory_space<vmem>>) semaphore(%run_scoped3A_686 : memref<!tpu.dma_semaphore, #tpu.memory_space<semaphore_mem>>) {add = true}
        %dma_wait3A_693 = arith.constant 0 : i32
        %dma_wait3A_694 = tpu.memref_slice %arg7[%run_scoped3A_483, %run_scoped3A_484, %dma_wait3A_693] : memref<8x2x128xi32, #tpu.memory_space<vmem>> -> memref<1x1x128xi32, #tpu.memory_space<vmem>>
        %dma_wait3A_695 = tpu.memref_squeeze %dma_wait3A_694 : memref<1x1x128xi32, #tpu.memory_space<vmem>> -> memref<128xi32, #tpu.memory_space<vmem>>
        %dma_wait3A_696 = arith.constant 0 : i32
        %dma_wait3A_697 = arith.constant 0 : i32
        %dma_wait3A_698 = tpu.memref_slice %arg16[%dma_wait3A_696, %dma_wait3A_697] : memref<10240x128xf32, #tpu.memory_space<vmem_shared>> -> memref<10240x128xf32, #tpu.memory_space<vmem_shared>>
        tpu.wait_indirect_dma semaphore(%run_scoped3A_686 : memref<!tpu.dma_semaphore, #tpu.memory_space<semaphore_mem>>) src(%arg8 : memref<128x128xf32, #tpu.memory_space<vmem>>) dst(%dma_wait3A_698 : memref<10240x128xf32, #tpu.memory_space<vmem_shared>>)
        tpu.yield
      }) : () -> ()
      %dma_wait3A_485 = arith.constant 7 : i32
      %dma_wait3A_486 = arith.constant 0 : i32
      %dma_wait3A_487 = arith.constant 0 : i32
      %dma_wait3A_488 = tpu.memref_slice %arg7[%dma_wait3A_485, %dma_wait3A_486, %dma_wait3A_487] : memref<8x2x128xi32, #tpu.memory_space<vmem>> -> memref<1x1x128xi32, #tpu.memory_space<vmem>>
      %dma_wait3A_489 = tpu.memref_squeeze %dma_wait3A_488 : memref<1x1x128xi32, #tpu.memory_space<vmem>> -> memref<128xi32, #tpu.memory_space<vmem>>
      %dma_wait3A_490 = arith.constant 0 : i32
      %dma_wait3A_491 = arith.constant 0 : i32
      %dma_wait3A_492 = tpu.memref_slice %arg2[%dma_wait3A_490, %dma_wait3A_491] : memref<10240x128xf32, #tpu.memory_space<hbm>> -> memref<10240x128xf32, #tpu.memory_space<hbm>>
      tpu.wait_indirect_dma semaphore(%arg11 : memref<!tpu.dma_semaphore, #tpu.memory_space<semaphore_mem>>) src(%dma_wait3A_492 : memref<10240x128xf32, #tpu.memory_space<hbm>>) dst(%arg9 : memref<128x128xf32, #tpu.memory_space<vmem>>)
      %add3A_493 = arith.constant 1 : i32
      %add3A_494 = arith.addi %add3A_346, %add3A_493 : i32
      %mul3A_495 = arith.constant 8 : i32
      %mul3A_496 = arith.muli %add3A_494, %mul3A_495 : i32
      %dma_wait3A_497 = arith.constant 0 : i32
      %dma_wait3A_498 = arith.constant 0 : i32
      %dma_wait3A_499 = tpu.memref_slice %arg3[%add3A, %mul3A_496, %dma_wait3A_497, %dma_wait3A_498] : memref<32x80x2x128xi32, #tpu.memory_space<hbm>> -> memref<1x8x2x128xi32, #tpu.memory_space<hbm>>
      %dma_wait3A_500 = tpu.memref_squeeze %dma_wait3A_499 : memref<1x8x2x128xi32, #tpu.memory_space<hbm>> -> memref<8x2x128xi32, #tpu.memory_space<hbm>>
      %dma_wait3A_501 = arith.constant 0 : i32
      %dma_wait3A_502 = arith.constant 0 : i32
      %dma_wait3A_503 = tpu.memref_slice %arg3[%add3A, %mul3A_496, %dma_wait3A_501, %dma_wait3A_502] : memref<32x80x2x128xi32, #tpu.memory_space<hbm>> -> memref<1x8x2x128xi32, #tpu.memory_space<hbm>>
      %dma_wait3A_504 = tpu.memref_squeeze %dma_wait3A_503 : memref<1x8x2x128xi32, #tpu.memory_space<hbm>> -> memref<8x2x128xi32, #tpu.memory_space<hbm>>
      tpu.wait_dma2 semaphore(%arg14 : memref<!tpu.dma_semaphore, #tpu.memory_space<semaphore_mem>>) src(%dma_wait3A_504 : memref<8x2x128xi32, #tpu.memory_space<hbm>>) dst(%arg6 : memref<8x2x128xi32, #tpu.memory_space<vmem>>)
      %dma_start3A_505 = arith.constant 0 : i32
      %dma_start3A_506 = arith.constant 0 : i32
      %dma_start3A_507 = arith.constant 0 : i32
      %dma_start3A_508 = tpu.memref_slice %arg6[%dma_start3A_505, %dma_start3A_506, %dma_start3A_507] : memref<8x2x128xi32, #tpu.memory_space<vmem>> -> memref<1x1x128xi32, #tpu.memory_space<vmem>>
      %dma_start3A_509 = tpu.memref_squeeze %dma_start3A_508 : memref<1x1x128xi32, #tpu.memory_space<vmem>> -> memref<128xi32, #tpu.memory_space<vmem>>
      %dma_start3A_510 = arith.constant 0 : i32
      %dma_start3A_511 = arith.constant 0 : i32
      %dma_start3A_512 = tpu.memref_slice %arg2[%dma_start3A_510, %dma_start3A_511] : memref<10240x128xf32, #tpu.memory_space<hbm>> -> memref<10240x128xf32, #tpu.memory_space<hbm>>
      tpu.enqueue_indirect_dma source(%dma_start3A_512 : memref<10240x128xf32, #tpu.memory_space<hbm>>) target(%arg8 : memref<128x128xf32, #tpu.memory_space<vmem>>) offsets(%dma_start3A_509 : memref<128xi32, #tpu.memory_space<vmem>>) semaphore(%arg10 : memref<!tpu.dma_semaphore, #tpu.memory_space<semaphore_mem>>)
      %run_scoped3A_513 = arith.constant 7 : i32
      %run_scoped3A_514 = arith.constant 1 : i32
      "tpu.region"() ({
        %run_scoped3A_686 = tpu.sem_alloc : memref<!tpu.dma_semaphore, #tpu.memory_space<semaphore_mem>>
        %dma_start3A_687 = arith.constant 0 : i32
        %dma_start3A_688 = tpu.memref_slice %arg7[%run_scoped3A_513, %run_scoped3A_514, %dma_start3A_687] : memref<8x2x128xi32, #tpu.memory_space<vmem>> -> memref<1x1x128xi32, #tpu.memory_space<vmem>>
        %dma_start3A_689 = tpu.memref_squeeze %dma_start3A_688 : memref<1x1x128xi32, #tpu.memory_space<vmem>> -> memref<128xi32, #tpu.memory_space<vmem>>
        %dma_start3A_690 = arith.constant 0 : i32
        %dma_start3A_691 = arith.constant 0 : i32
        %dma_start3A_692 = tpu.memref_slice %arg16[%dma_start3A_690, %dma_start3A_691] : memref<10240x128xf32, #tpu.memory_space<vmem_shared>> -> memref<10240x128xf32, #tpu.memory_space<vmem_shared>>
        tpu.enqueue_indirect_dma source(%arg9 : memref<128x128xf32, #tpu.memory_space<vmem>>) target(%dma_start3A_692 : memref<10240x128xf32, #tpu.memory_space<vmem_shared>>) offsets(%dma_start3A_689 : memref<128xi32, #tpu.memory_space<vmem>>) semaphore(%run_scoped3A_686 : memref<!tpu.dma_semaphore, #tpu.memory_space<semaphore_mem>>) {add = true}
        %dma_wait3A_693 = arith.constant 0 : i32
        %dma_wait3A_694 = tpu.memref_slice %arg7[%run_scoped3A_513, %run_scoped3A_514, %dma_wait3A_693] : memref<8x2x128xi32, #tpu.memory_space<vmem>> -> memref<1x1x128xi32, #tpu.memory_space<vmem>>
        %dma_wait3A_695 = tpu.memref_squeeze %dma_wait3A_694 : memref<1x1x128xi32, #tpu.memory_space<vmem>> -> memref<128xi32, #tpu.memory_space<vmem>>
        %dma_wait3A_696 = arith.constant 0 : i32
        %dma_wait3A_697 = arith.constant 0 : i32
        %dma_wait3A_698 = tpu.memref_slice %arg16[%dma_wait3A_696, %dma_wait3A_697] : memref<10240x128xf32, #tpu.memory_space<vmem_shared>> -> memref<10240x128xf32, #tpu.memory_space<vmem_shared>>
        tpu.wait_indirect_dma semaphore(%run_scoped3A_686 : memref<!tpu.dma_semaphore, #tpu.memory_space<semaphore_mem>>) src(%arg9 : memref<128x128xf32, #tpu.memory_space<vmem>>) dst(%dma_wait3A_698 : memref<10240x128xf32, #tpu.memory_space<vmem_shared>>)
        tpu.yield
      }) : () -> ()
      %add3A_515 = arith.constant 1 : i32
      %add3A_516 = arith.addi %add3A_346, %add3A_515 : i32
      %add3A_517 = arith.constant 1 : i32
      %add3A_518 = arith.addi %add3A_516, %add3A_517 : i32
      %mul3A_519 = arith.constant 8 : i32
      %mul3A_520 = arith.muli %add3A_518, %mul3A_519 : i32
      %dma_start3A_521 = arith.constant 0 : i32
      %dma_start3A_522 = arith.constant 0 : i32
      %dma_start3A_523 = tpu.memref_slice %arg3[%add3A, %mul3A_520, %dma_start3A_521, %dma_start3A_522] : memref<32x80x2x128xi32, #tpu.memory_space<hbm>> -> memref<1x8x2x128xi32, #tpu.memory_space<hbm>>
      %dma_start3A_524 = tpu.memref_squeeze %dma_start3A_523 : memref<1x8x2x128xi32, #tpu.memory_space<hbm>> -> memref<8x2x128xi32, #tpu.memory_space<hbm>>
      %dma_start3A_525 = arith.constant 0 : i32
      %dma_start3A_526 = arith.constant 0 : i32
      %dma_start3A_527 = tpu.memref_slice %arg3[%add3A, %mul3A_520, %dma_start3A_525, %dma_start3A_526] : memref<32x80x2x128xi32, #tpu.memory_space<hbm>> -> memref<1x8x2x128xi32, #tpu.memory_space<hbm>>
      %dma_start3A_528 = tpu.memref_squeeze %dma_start3A_527 : memref<1x8x2x128xi32, #tpu.memory_space<hbm>> -> memref<8x2x128xi32, #tpu.memory_space<hbm>>
      tpu.enqueue_dma source(%dma_start3A_528 : memref<8x2x128xi32, #tpu.memory_space<hbm>>) target(%arg7 : memref<8x2x128xi32, #tpu.memory_space<vmem>>) target_semaphore(%arg15 : memref<!tpu.dma_semaphore, #tpu.memory_space<semaphore_mem>>)
      %dma_wait3A_529 = arith.constant 0 : i32
      %dma_wait3A_530 = arith.constant 0 : i32
      %dma_wait3A_531 = arith.constant 0 : i32
      %dma_wait3A_532 = tpu.memref_slice %arg6[%dma_wait3A_529, %dma_wait3A_530, %dma_wait3A_531] : memref<8x2x128xi32, #tpu.memory_space<vmem>> -> memref<1x1x128xi32, #tpu.memory_space<vmem>>
      %dma_wait3A_533 = tpu.memref_squeeze %dma_wait3A_532 : memref<1x1x128xi32, #tpu.memory_space<vmem>> -> memref<128xi32, #tpu.memory_space<vmem>>
      %dma_wait3A_534 = arith.constant 0 : i32
      %dma_wait3A_535 = arith.constant 0 : i32
      %dma_wait3A_536 = tpu.memref_slice %arg2[%dma_wait3A_534, %dma_wait3A_535] : memref<10240x128xf32, #tpu.memory_space<hbm>> -> memref<10240x128xf32, #tpu.memory_space<hbm>>
      tpu.wait_indirect_dma semaphore(%arg10 : memref<!tpu.dma_semaphore, #tpu.memory_space<semaphore_mem>>) src(%dma_wait3A_536 : memref<10240x128xf32, #tpu.memory_space<hbm>>) dst(%arg8 : memref<128x128xf32, #tpu.memory_space<vmem>>)
      %dma_start3A_537 = arith.constant 1 : i32
      %dma_start3A_538 = arith.constant 0 : i32
      %dma_start3A_539 = arith.constant 0 : i32
      %dma_start3A_540 = tpu.memref_slice %arg6[%dma_start3A_537, %dma_start3A_538, %dma_start3A_539] : memref<8x2x128xi32, #tpu.memory_space<vmem>> -> memref<1x1x128xi32, #tpu.memory_space<vmem>>
      %dma_start3A_541 = tpu.memref_squeeze %dma_start3A_540 : memref<1x1x128xi32, #tpu.memory_space<vmem>> -> memref<128xi32, #tpu.memory_space<vmem>>
      %dma_start3A_542 = arith.constant 0 : i32
      %dma_start3A_543 = arith.constant 0 : i32
      %dma_start3A_544 = tpu.memref_slice %arg2[%dma_start3A_542, %dma_start3A_543] : memref<10240x128xf32, #tpu.memory_space<hbm>> -> memref<10240x128xf32, #tpu.memory_space<hbm>>
      tpu.enqueue_indirect_dma source(%dma_start3A_544 : memref<10240x128xf32, #tpu.memory_space<hbm>>) target(%arg9 : memref<128x128xf32, #tpu.memory_space<vmem>>) offsets(%dma_start3A_541 : memref<128xi32, #tpu.memory_space<vmem>>) semaphore(%arg11 : memref<!tpu.dma_semaphore, #tpu.memory_space<semaphore_mem>>)
      %run_scoped3A_545 = arith.constant 0 : i32
      %run_scoped3A_546 = arith.constant 1 : i32
      "tpu.region"() ({
        %run_scoped3A_686 = tpu.sem_alloc : memref<!tpu.dma_semaphore, #tpu.memory_space<semaphore_mem>>
        %dma_start3A_687 = arith.constant 0 : i32
        %dma_start3A_688 = tpu.memref_slice %arg6[%run_scoped3A_545, %run_scoped3A_546, %dma_start3A_687] : memref<8x2x128xi32, #tpu.memory_space<vmem>> -> memref<1x1x128xi32, #tpu.memory_space<vmem>>
        %dma_start3A_689 = tpu.memref_squeeze %dma_start3A_688 : memref<1x1x128xi32, #tpu.memory_space<vmem>> -> memref<128xi32, #tpu.memory_space<vmem>>
        %dma_start3A_690 = arith.constant 0 : i32
        %dma_start3A_691 = arith.constant 0 : i32
        %dma_start3A_692 = tpu.memref_slice %arg16[%dma_start3A_690, %dma_start3A_691] : memref<10240x128xf32, #tpu.memory_space<vmem_shared>> -> memref<10240x128xf32, #tpu.memory_space<vmem_shared>>
        tpu.enqueue_indirect_dma source(%arg8 : memref<128x128xf32, #tpu.memory_space<vmem>>) target(%dma_start3A_692 : memref<10240x128xf32, #tpu.memory_space<vmem_shared>>) offsets(%dma_start3A_689 : memref<128xi32, #tpu.memory_space<vmem>>) semaphore(%run_scoped3A_686 : memref<!tpu.dma_semaphore, #tpu.memory_space<semaphore_mem>>) {add = true}
        %dma_wait3A_693 = arith.constant 0 : i32
        %dma_wait3A_694 = tpu.memref_slice %arg6[%run_scoped3A_545, %run_scoped3A_546, %dma_wait3A_693] : memref<8x2x128xi32, #tpu.memory_space<vmem>> -> memref<1x1x128xi32, #tpu.memory_space<vmem>>
        %dma_wait3A_695 = tpu.memref_squeeze %dma_wait3A_694 : memref<1x1x128xi32, #tpu.memory_space<vmem>> -> memref<128xi32, #tpu.memory_space<vmem>>
        %dma_wait3A_696 = arith.constant 0 : i32
        %dma_wait3A_697 = arith.constant 0 : i32
        %dma_wait3A_698 = tpu.memref_slice %arg16[%dma_wait3A_696, %dma_wait3A_697] : memref<10240x128xf32, #tpu.memory_space<vmem_shared>> -> memref<10240x128xf32, #tpu.memory_space<vmem_shared>>
        tpu.wait_indirect_dma semaphore(%run_scoped3A_686 : memref<!tpu.dma_semaphore, #tpu.memory_space<semaphore_mem>>) src(%arg8 : memref<128x128xf32, #tpu.memory_space<vmem>>) dst(%dma_wait3A_698 : memref<10240x128xf32, #tpu.memory_space<vmem_shared>>)
        tpu.yield
      }) : () -> ()
      %dma_wait3A_547 = arith.constant 1 : i32
      %dma_wait3A_548 = arith.constant 0 : i32
      %dma_wait3A_549 = arith.constant 0 : i32
      %dma_wait3A_550 = tpu.memref_slice %arg6[%dma_wait3A_547, %dma_wait3A_548, %dma_wait3A_549] : memref<8x2x128xi32, #tpu.memory_space<vmem>> -> memref<1x1x128xi32, #tpu.memory_space<vmem>>
      %dma_wait3A_551 = tpu.memref_squeeze %dma_wait3A_550 : memref<1x1x128xi32, #tpu.memory_space<vmem>> -> memref<128xi32, #tpu.memory_space<vmem>>
      %dma_wait3A_552 = arith.constant 0 : i32
      %dma_wait3A_553 = arith.constant 0 : i32
      %dma_wait3A_554 = tpu.memref_slice %arg2[%dma_wait3A_552, %dma_wait3A_553] : memref<10240x128xf32, #tpu.memory_space<hbm>> -> memref<10240x128xf32, #tpu.memory_space<hbm>>
      tpu.wait_indirect_dma semaphore(%arg11 : memref<!tpu.dma_semaphore, #tpu.memory_space<semaphore_mem>>) src(%dma_wait3A_554 : memref<10240x128xf32, #tpu.memory_space<hbm>>) dst(%arg9 : memref<128x128xf32, #tpu.memory_space<vmem>>)
      %dma_start3A_555 = arith.constant 2 : i32
      %dma_start3A_556 = arith.constant 0 : i32
      %dma_start3A_557 = arith.constant 0 : i32
      %dma_start3A_558 = tpu.memref_slice %arg6[%dma_start3A_555, %dma_start3A_556, %dma_start3A_557] : memref<8x2x128xi32, #tpu.memory_space<vmem>> -> memref<1x1x128xi32, #tpu.memory_space<vmem>>
      %dma_start3A_559 = tpu.memref_squeeze %dma_start3A_558 : memref<1x1x128xi32, #tpu.memory_space<vmem>> -> memref<128xi32, #tpu.memory_space<vmem>>
      %dma_start3A_560 = arith.constant 0 : i32
      %dma_start3A_561 = arith.constant 0 : i32
      %dma_start3A_562 = tpu.memref_slice %arg2[%dma_start3A_560, %dma_start3A_561] : memref<10240x128xf32, #tpu.memory_space<hbm>> -> memref<10240x128xf32, #tpu.memory_space<hbm>>
      tpu.enqueue_indirect_dma source(%dma_start3A_562 : memref<10240x128xf32, #tpu.memory_space<hbm>>) target(%arg8 : memref<128x128xf32, #tpu.memory_space<vmem>>) offsets(%dma_start3A_559 : memref<128xi32, #tpu.memory_space<vmem>>) semaphore(%arg10 : memref<!tpu.dma_semaphore, #tpu.memory_space<semaphore_mem>>)
      %run_scoped3A_563 = arith.constant 1 : i32
      %run_scoped3A_564 = arith.constant 1 : i32
      "tpu.region"() ({
        %run_scoped3A_686 = tpu.sem_alloc : memref<!tpu.dma_semaphore, #tpu.memory_space<semaphore_mem>>
        %dma_start3A_687 = arith.constant 0 : i32
        %dma_start3A_688 = tpu.memref_slice %arg6[%run_scoped3A_563, %run_scoped3A_564, %dma_start3A_687] : memref<8x2x128xi32, #tpu.memory_space<vmem>> -> memref<1x1x128xi32, #tpu.memory_space<vmem>>
        %dma_start3A_689 = tpu.memref_squeeze %dma_start3A_688 : memref<1x1x128xi32, #tpu.memory_space<vmem>> -> memref<128xi32, #tpu.memory_space<vmem>>
        %dma_start3A_690 = arith.constant 0 : i32
        %dma_start3A_691 = arith.constant 0 : i32
        %dma_start3A_692 = tpu.memref_slice %arg16[%dma_start3A_690, %dma_start3A_691] : memref<10240x128xf32, #tpu.memory_space<vmem_shared>> -> memref<10240x128xf32, #tpu.memory_space<vmem_shared>>
        tpu.enqueue_indirect_dma source(%arg9 : memref<128x128xf32, #tpu.memory_space<vmem>>) target(%dma_start3A_692 : memref<10240x128xf32, #tpu.memory_space<vmem_shared>>) offsets(%dma_start3A_689 : memref<128xi32, #tpu.memory_space<vmem>>) semaphore(%run_scoped3A_686 : memref<!tpu.dma_semaphore, #tpu.memory_space<semaphore_mem>>) {add = true}
        %dma_wait3A_693 = arith.constant 0 : i32
        %dma_wait3A_694 = tpu.memref_slice %arg6[%run_scoped3A_563, %run_scoped3A_564, %dma_wait3A_693] : memref<8x2x128xi32, #tpu.memory_space<vmem>> -> memref<1x1x128xi32, #tpu.memory_space<vmem>>
        %dma_wait3A_695 = tpu.memref_squeeze %dma_wait3A_694 : memref<1x1x128xi32, #tpu.memory_space<vmem>> -> memref<128xi32, #tpu.memory_space<vmem>>
        %dma_wait3A_696 = arith.constant 0 : i32
        %dma_wait3A_697 = arith.constant 0 : i32
        %dma_wait3A_698 = tpu.memref_slice %arg16[%dma_wait3A_696, %dma_wait3A_697] : memref<10240x128xf32, #tpu.memory_space<vmem_shared>> -> memref<10240x128xf32, #tpu.memory_space<vmem_shared>>
        tpu.wait_indirect_dma semaphore(%run_scoped3A_686 : memref<!tpu.dma_semaphore, #tpu.memory_space<semaphore_mem>>) src(%arg9 : memref<128x128xf32, #tpu.memory_space<vmem>>) dst(%dma_wait3A_698 : memref<10240x128xf32, #tpu.memory_space<vmem_shared>>)
        tpu.yield
      }) : () -> ()
      %dma_wait3A_565 = arith.constant 2 : i32
      %dma_wait3A_566 = arith.constant 0 : i32
      %dma_wait3A_567 = arith.constant 0 : i32
      %dma_wait3A_568 = tpu.memref_slice %arg6[%dma_wait3A_565, %dma_wait3A_566, %dma_wait3A_567] : memref<8x2x128xi32, #tpu.memory_space<vmem>> -> memref<1x1x128xi32, #tpu.memory_space<vmem>>
      %dma_wait3A_569 = tpu.memref_squeeze %dma_wait3A_568 : memref<1x1x128xi32, #tpu.memory_space<vmem>> -> memref<128xi32, #tpu.memory_space<vmem>>
      %dma_wait3A_570 = arith.constant 0 : i32
      %dma_wait3A_571 = arith.constant 0 : i32
      %dma_wait3A_572 = tpu.memref_slice %arg2[%dma_wait3A_570, %dma_wait3A_571] : memref<10240x128xf32, #tpu.memory_space<hbm>> -> memref<10240x128xf32, #tpu.memory_space<hbm>>
      tpu.wait_indirect_dma semaphore(%arg10 : memref<!tpu.dma_semaphore, #tpu.memory_space<semaphore_mem>>) src(%dma_wait3A_572 : memref<10240x128xf32, #tpu.memory_space<hbm>>) dst(%arg8 : memref<128x128xf32, #tpu.memory_space<vmem>>)
      %dma_start3A_573 = arith.constant 3 : i32
      %dma_start3A_574 = arith.constant 0 : i32
      %dma_start3A_575 = arith.constant 0 : i32
      %dma_start3A_576 = tpu.memref_slice %arg6[%dma_start3A_573, %dma_start3A_574, %dma_start3A_575] : memref<8x2x128xi32, #tpu.memory_space<vmem>> -> memref<1x1x128xi32, #tpu.memory_space<vmem>>
      %dma_start3A_577 = tpu.memref_squeeze %dma_start3A_576 : memref<1x1x128xi32, #tpu.memory_space<vmem>> -> memref<128xi32, #tpu.memory_space<vmem>>
      %dma_start3A_578 = arith.constant 0 : i32
      %dma_start3A_579 = arith.constant 0 : i32
      %dma_start3A_580 = tpu.memref_slice %arg2[%dma_start3A_578, %dma_start3A_579] : memref<10240x128xf32, #tpu.memory_space<hbm>> -> memref<10240x128xf32, #tpu.memory_space<hbm>>
      tpu.enqueue_indirect_dma source(%dma_start3A_580 : memref<10240x128xf32, #tpu.memory_space<hbm>>) target(%arg9 : memref<128x128xf32, #tpu.memory_space<vmem>>) offsets(%dma_start3A_577 : memref<128xi32, #tpu.memory_space<vmem>>) semaphore(%arg11 : memref<!tpu.dma_semaphore, #tpu.memory_space<semaphore_mem>>)
      %run_scoped3A_581 = arith.constant 2 : i32
      %run_scoped3A_582 = arith.constant 1 : i32
      "tpu.region"() ({
        %run_scoped3A_686 = tpu.sem_alloc : memref<!tpu.dma_semaphore, #tpu.memory_space<semaphore_mem>>
        %dma_start3A_687 = arith.constant 0 : i32
        %dma_start3A_688 = tpu.memref_slice %arg6[%run_scoped3A_581, %run_scoped3A_582, %dma_start3A_687] : memref<8x2x128xi32, #tpu.memory_space<vmem>> -> memref<1x1x128xi32, #tpu.memory_space<vmem>>
        %dma_start3A_689 = tpu.memref_squeeze %dma_start3A_688 : memref<1x1x128xi32, #tpu.memory_space<vmem>> -> memref<128xi32, #tpu.memory_space<vmem>>
        %dma_start3A_690 = arith.constant 0 : i32
        %dma_start3A_691 = arith.constant 0 : i32
        %dma_start3A_692 = tpu.memref_slice %arg16[%dma_start3A_690, %dma_start3A_691] : memref<10240x128xf32, #tpu.memory_space<vmem_shared>> -> memref<10240x128xf32, #tpu.memory_space<vmem_shared>>
        tpu.enqueue_indirect_dma source(%arg8 : memref<128x128xf32, #tpu.memory_space<vmem>>) target(%dma_start3A_692 : memref<10240x128xf32, #tpu.memory_space<vmem_shared>>) offsets(%dma_start3A_689 : memref<128xi32, #tpu.memory_space<vmem>>) semaphore(%run_scoped3A_686 : memref<!tpu.dma_semaphore, #tpu.memory_space<semaphore_mem>>) {add = true}
        %dma_wait3A_693 = arith.constant 0 : i32
        %dma_wait3A_694 = tpu.memref_slice %arg6[%run_scoped3A_581, %run_scoped3A_582, %dma_wait3A_693] : memref<8x2x128xi32, #tpu.memory_space<vmem>> -> memref<1x1x128xi32, #tpu.memory_space<vmem>>
        %dma_wait3A_695 = tpu.memref_squeeze %dma_wait3A_694 : memref<1x1x128xi32, #tpu.memory_space<vmem>> -> memref<128xi32, #tpu.memory_space<vmem>>
        %dma_wait3A_696 = arith.constant 0 : i32
        %dma_wait3A_697 = arith.constant 0 : i32
        %dma_wait3A_698 = tpu.memref_slice %arg16[%dma_wait3A_696, %dma_wait3A_697] : memref<10240x128xf32, #tpu.memory_space<vmem_shared>> -> memref<10240x128xf32, #tpu.memory_space<vmem_shared>>
        tpu.wait_indirect_dma semaphore(%run_scoped3A_686 : memref<!tpu.dma_semaphore, #tpu.memory_space<semaphore_mem>>) src(%arg8 : memref<128x128xf32, #tpu.memory_space<vmem>>) dst(%dma_wait3A_698 : memref<10240x128xf32, #tpu.memory_space<vmem_shared>>)
        tpu.yield
      }) : () -> ()
      %dma_wait3A_583 = arith.constant 3 : i32
      %dma_wait3A_584 = arith.constant 0 : i32
      %dma_wait3A_585 = arith.constant 0 : i32
      %dma_wait3A_586 = tpu.memref_slice %arg6[%dma_wait3A_583, %dma_wait3A_584, %dma_wait3A_585] : memref<8x2x128xi32, #tpu.memory_space<vmem>> -> memref<1x1x128xi32, #tpu.memory_space<vmem>>
      %dma_wait3A_587 = tpu.memref_squeeze %dma_wait3A_586 : memref<1x1x128xi32, #tpu.memory_space<vmem>> -> memref<128xi32, #tpu.memory_space<vmem>>
      %dma_wait3A_588 = arith.constant 0 : i32
      %dma_wait3A_589 = arith.constant 0 : i32
      %dma_wait3A_590 = tpu.memref_slice %arg2[%dma_wait3A_588, %dma_wait3A_589] : memref<10240x128xf32, #tpu.memory_space<hbm>> -> memref<10240x128xf32, #tpu.memory_space<hbm>>
      tpu.wait_indirect_dma semaphore(%arg11 : memref<!tpu.dma_semaphore, #tpu.memory_space<semaphore_mem>>) src(%dma_wait3A_590 : memref<10240x128xf32, #tpu.memory_space<hbm>>) dst(%arg9 : memref<128x128xf32, #tpu.memory_space<vmem>>)
      %dma_start3A_591 = arith.constant 4 : i32
      %dma_start3A_592 = arith.constant 0 : i32
      %dma_start3A_593 = arith.constant 0 : i32
      %dma_start3A_594 = tpu.memref_slice %arg6[%dma_start3A_591, %dma_start3A_592, %dma_start3A_593] : memref<8x2x128xi32, #tpu.memory_space<vmem>> -> memref<1x1x128xi32, #tpu.memory_space<vmem>>
      %dma_start3A_595 = tpu.memref_squeeze %dma_start3A_594 : memref<1x1x128xi32, #tpu.memory_space<vmem>> -> memref<128xi32, #tpu.memory_space<vmem>>
      %dma_start3A_596 = arith.constant 0 : i32
      %dma_start3A_597 = arith.constant 0 : i32
      %dma_start3A_598 = tpu.memref_slice %arg2[%dma_start3A_596, %dma_start3A_597] : memref<10240x128xf32, #tpu.memory_space<hbm>> -> memref<10240x128xf32, #tpu.memory_space<hbm>>
      tpu.enqueue_indirect_dma source(%dma_start3A_598 : memref<10240x128xf32, #tpu.memory_space<hbm>>) target(%arg8 : memref<128x128xf32, #tpu.memory_space<vmem>>) offsets(%dma_start3A_595 : memref<128xi32, #tpu.memory_space<vmem>>) semaphore(%arg10 : memref<!tpu.dma_semaphore, #tpu.memory_space<semaphore_mem>>)
      %run_scoped3A_599 = arith.constant 3 : i32
      %run_scoped3A_600 = arith.constant 1 : i32
      "tpu.region"() ({
        %run_scoped3A_686 = tpu.sem_alloc : memref<!tpu.dma_semaphore, #tpu.memory_space<semaphore_mem>>
        %dma_start3A_687 = arith.constant 0 : i32
        %dma_start3A_688 = tpu.memref_slice %arg6[%run_scoped3A_599, %run_scoped3A_600, %dma_start3A_687] : memref<8x2x128xi32, #tpu.memory_space<vmem>> -> memref<1x1x128xi32, #tpu.memory_space<vmem>>
        %dma_start3A_689 = tpu.memref_squeeze %dma_start3A_688 : memref<1x1x128xi32, #tpu.memory_space<vmem>> -> memref<128xi32, #tpu.memory_space<vmem>>
        %dma_start3A_690 = arith.constant 0 : i32
        %dma_start3A_691 = arith.constant 0 : i32
        %dma_start3A_692 = tpu.memref_slice %arg16[%dma_start3A_690, %dma_start3A_691] : memref<10240x128xf32, #tpu.memory_space<vmem_shared>> -> memref<10240x128xf32, #tpu.memory_space<vmem_shared>>
        tpu.enqueue_indirect_dma source(%arg9 : memref<128x128xf32, #tpu.memory_space<vmem>>) target(%dma_start3A_692 : memref<10240x128xf32, #tpu.memory_space<vmem_shared>>) offsets(%dma_start3A_689 : memref<128xi32, #tpu.memory_space<vmem>>) semaphore(%run_scoped3A_686 : memref<!tpu.dma_semaphore, #tpu.memory_space<semaphore_mem>>) {add = true}
        %dma_wait3A_693 = arith.constant 0 : i32
        %dma_wait3A_694 = tpu.memref_slice %arg6[%run_scoped3A_599, %run_scoped3A_600, %dma_wait3A_693] : memref<8x2x128xi32, #tpu.memory_space<vmem>> -> memref<1x1x128xi32, #tpu.memory_space<vmem>>
        %dma_wait3A_695 = tpu.memref_squeeze %dma_wait3A_694 : memref<1x1x128xi32, #tpu.memory_space<vmem>> -> memref<128xi32, #tpu.memory_space<vmem>>
        %dma_wait3A_696 = arith.constant 0 : i32
        %dma_wait3A_697 = arith.constant 0 : i32
        %dma_wait3A_698 = tpu.memref_slice %arg16[%dma_wait3A_696, %dma_wait3A_697] : memref<10240x128xf32, #tpu.memory_space<vmem_shared>> -> memref<10240x128xf32, #tpu.memory_space<vmem_shared>>
        tpu.wait_indirect_dma semaphore(%run_scoped3A_686 : memref<!tpu.dma_semaphore, #tpu.memory_space<semaphore_mem>>) src(%arg9 : memref<128x128xf32, #tpu.memory_space<vmem>>) dst(%dma_wait3A_698 : memref<10240x128xf32, #tpu.memory_space<vmem_shared>>)
        tpu.yield
      }) : () -> ()
      %dma_wait3A_601 = arith.constant 4 : i32
      %dma_wait3A_602 = arith.constant 0 : i32
      %dma_wait3A_603 = arith.constant 0 : i32
      %dma_wait3A_604 = tpu.memref_slice %arg6[%dma_wait3A_601, %dma_wait3A_602, %dma_wait3A_603] : memref<8x2x128xi32, #tpu.memory_space<vmem>> -> memref<1x1x128xi32, #tpu.memory_space<vmem>>
      %dma_wait3A_605 = tpu.memref_squeeze %dma_wait3A_604 : memref<1x1x128xi32, #tpu.memory_space<vmem>> -> memref<128xi32, #tpu.memory_space<vmem>>
      %dma_wait3A_606 = arith.constant 0 : i32
      %dma_wait3A_607 = arith.constant 0 : i32
      %dma_wait3A_608 = tpu.memref_slice %arg2[%dma_wait3A_606, %dma_wait3A_607] : memref<10240x128xf32, #tpu.memory_space<hbm>> -> memref<10240x128xf32, #tpu.memory_space<hbm>>
      tpu.wait_indirect_dma semaphore(%arg10 : memref<!tpu.dma_semaphore, #tpu.memory_space<semaphore_mem>>) src(%dma_wait3A_608 : memref<10240x128xf32, #tpu.memory_space<hbm>>) dst(%arg8 : memref<128x128xf32, #tpu.memory_space<vmem>>)
      %dma_start3A_609 = arith.constant 5 : i32
      %dma_start3A_610 = arith.constant 0 : i32
      %dma_start3A_611 = arith.constant 0 : i32
      %dma_start3A_612 = tpu.memref_slice %arg6[%dma_start3A_609, %dma_start3A_610, %dma_start3A_611] : memref<8x2x128xi32, #tpu.memory_space<vmem>> -> memref<1x1x128xi32, #tpu.memory_space<vmem>>
      %dma_start3A_613 = tpu.memref_squeeze %dma_start3A_612 : memref<1x1x128xi32, #tpu.memory_space<vmem>> -> memref<128xi32, #tpu.memory_space<vmem>>
      %dma_start3A_614 = arith.constant 0 : i32
      %dma_start3A_615 = arith.constant 0 : i32
      %dma_start3A_616 = tpu.memref_slice %arg2[%dma_start3A_614, %dma_start3A_615] : memref<10240x128xf32, #tpu.memory_space<hbm>> -> memref<10240x128xf32, #tpu.memory_space<hbm>>
      tpu.enqueue_indirect_dma source(%dma_start3A_616 : memref<10240x128xf32, #tpu.memory_space<hbm>>) target(%arg9 : memref<128x128xf32, #tpu.memory_space<vmem>>) offsets(%dma_start3A_613 : memref<128xi32, #tpu.memory_space<vmem>>) semaphore(%arg11 : memref<!tpu.dma_semaphore, #tpu.memory_space<semaphore_mem>>)
      %run_scoped3A_617 = arith.constant 4 : i32
      %run_scoped3A_618 = arith.constant 1 : i32
      "tpu.region"() ({
        %run_scoped3A_686 = tpu.sem_alloc : memref<!tpu.dma_semaphore, #tpu.memory_space<semaphore_mem>>
        %dma_start3A_687 = arith.constant 0 : i32
        %dma_start3A_688 = tpu.memref_slice %arg6[%run_scoped3A_617, %run_scoped3A_618, %dma_start3A_687] : memref<8x2x128xi32, #tpu.memory_space<vmem>> -> memref<1x1x128xi32, #tpu.memory_space<vmem>>
        %dma_start3A_689 = tpu.memref_squeeze %dma_start3A_688 : memref<1x1x128xi32, #tpu.memory_space<vmem>> -> memref<128xi32, #tpu.memory_space<vmem>>
        %dma_start3A_690 = arith.constant 0 : i32
        %dma_start3A_691 = arith.constant 0 : i32
        %dma_start3A_692 = tpu.memref_slice %arg16[%dma_start3A_690, %dma_start3A_691] : memref<10240x128xf32, #tpu.memory_space<vmem_shared>> -> memref<10240x128xf32, #tpu.memory_space<vmem_shared>>
        tpu.enqueue_indirect_dma source(%arg8 : memref<128x128xf32, #tpu.memory_space<vmem>>) target(%dma_start3A_692 : memref<10240x128xf32, #tpu.memory_space<vmem_shared>>) offsets(%dma_start3A_689 : memref<128xi32, #tpu.memory_space<vmem>>) semaphore(%run_scoped3A_686 : memref<!tpu.dma_semaphore, #tpu.memory_space<semaphore_mem>>) {add = true}
        %dma_wait3A_693 = arith.constant 0 : i32
        %dma_wait3A_694 = tpu.memref_slice %arg6[%run_scoped3A_617, %run_scoped3A_618, %dma_wait3A_693] : memref<8x2x128xi32, #tpu.memory_space<vmem>> -> memref<1x1x128xi32, #tpu.memory_space<vmem>>
        %dma_wait3A_695 = tpu.memref_squeeze %dma_wait3A_694 : memref<1x1x128xi32, #tpu.memory_space<vmem>> -> memref<128xi32, #tpu.memory_space<vmem>>
        %dma_wait3A_696 = arith.constant 0 : i32
        %dma_wait3A_697 = arith.constant 0 : i32
        %dma_wait3A_698 = tpu.memref_slice %arg16[%dma_wait3A_696, %dma_wait3A_697] : memref<10240x128xf32, #tpu.memory_space<vmem_shared>> -> memref<10240x128xf32, #tpu.memory_space<vmem_shared>>
        tpu.wait_indirect_dma semaphore(%run_scoped3A_686 : memref<!tpu.dma_semaphore, #tpu.memory_space<semaphore_mem>>) src(%arg8 : memref<128x128xf32, #tpu.memory_space<vmem>>) dst(%dma_wait3A_698 : memref<10240x128xf32, #tpu.memory_space<vmem_shared>>)
        tpu.yield
      }) : () -> ()
      %dma_wait3A_619 = arith.constant 5 : i32
      %dma_wait3A_620 = arith.constant 0 : i32
      %dma_wait3A_621 = arith.constant 0 : i32
      %dma_wait3A_622 = tpu.memref_slice %arg6[%dma_wait3A_619, %dma_wait3A_620, %dma_wait3A_621] : memref<8x2x128xi32, #tpu.memory_space<vmem>> -> memref<1x1x128xi32, #tpu.memory_space<vmem>>
      %dma_wait3A_623 = tpu.memref_squeeze %dma_wait3A_622 : memref<1x1x128xi32, #tpu.memory_space<vmem>> -> memref<128xi32, #tpu.memory_space<vmem>>
      %dma_wait3A_624 = arith.constant 0 : i32
      %dma_wait3A_625 = arith.constant 0 : i32
      %dma_wait3A_626 = tpu.memref_slice %arg2[%dma_wait3A_624, %dma_wait3A_625] : memref<10240x128xf32, #tpu.memory_space<hbm>> -> memref<10240x128xf32, #tpu.memory_space<hbm>>
      tpu.wait_indirect_dma semaphore(%arg11 : memref<!tpu.dma_semaphore, #tpu.memory_space<semaphore_mem>>) src(%dma_wait3A_626 : memref<10240x128xf32, #tpu.memory_space<hbm>>) dst(%arg9 : memref<128x128xf32, #tpu.memory_space<vmem>>)
      %dma_start3A_627 = arith.constant 6 : i32
      %dma_start3A_628 = arith.constant 0 : i32
      %dma_start3A_629 = arith.constant 0 : i32
      %dma_start3A_630 = tpu.memref_slice %arg6[%dma_start3A_627, %dma_start3A_628, %dma_start3A_629] : memref<8x2x128xi32, #tpu.memory_space<vmem>> -> memref<1x1x128xi32, #tpu.memory_space<vmem>>
      %dma_start3A_631 = tpu.memref_squeeze %dma_start3A_630 : memref<1x1x128xi32, #tpu.memory_space<vmem>> -> memref<128xi32, #tpu.memory_space<vmem>>
      %dma_start3A_632 = arith.constant 0 : i32
      %dma_start3A_633 = arith.constant 0 : i32
      %dma_start3A_634 = tpu.memref_slice %arg2[%dma_start3A_632, %dma_start3A_633] : memref<10240x128xf32, #tpu.memory_space<hbm>> -> memref<10240x128xf32, #tpu.memory_space<hbm>>
      tpu.enqueue_indirect_dma source(%dma_start3A_634 : memref<10240x128xf32, #tpu.memory_space<hbm>>) target(%arg8 : memref<128x128xf32, #tpu.memory_space<vmem>>) offsets(%dma_start3A_631 : memref<128xi32, #tpu.memory_space<vmem>>) semaphore(%arg10 : memref<!tpu.dma_semaphore, #tpu.memory_space<semaphore_mem>>)
      %run_scoped3A_635 = arith.constant 5 : i32
      %run_scoped3A_636 = arith.constant 1 : i32
      "tpu.region"() ({
        %run_scoped3A_686 = tpu.sem_alloc : memref<!tpu.dma_semaphore, #tpu.memory_space<semaphore_mem>>
        %dma_start3A_687 = arith.constant 0 : i32
        %dma_start3A_688 = tpu.memref_slice %arg6[%run_scoped3A_635, %run_scoped3A_636, %dma_start3A_687] : memref<8x2x128xi32, #tpu.memory_space<vmem>> -> memref<1x1x128xi32, #tpu.memory_space<vmem>>
        %dma_start3A_689 = tpu.memref_squeeze %dma_start3A_688 : memref<1x1x128xi32, #tpu.memory_space<vmem>> -> memref<128xi32, #tpu.memory_space<vmem>>
        %dma_start3A_690 = arith.constant 0 : i32
        %dma_start3A_691 = arith.constant 0 : i32
        %dma_start3A_692 = tpu.memref_slice %arg16[%dma_start3A_690, %dma_start3A_691] : memref<10240x128xf32, #tpu.memory_space<vmem_shared>> -> memref<10240x128xf32, #tpu.memory_space<vmem_shared>>
        tpu.enqueue_indirect_dma source(%arg9 : memref<128x128xf32, #tpu.memory_space<vmem>>) target(%dma_start3A_692 : memref<10240x128xf32, #tpu.memory_space<vmem_shared>>) offsets(%dma_start3A_689 : memref<128xi32, #tpu.memory_space<vmem>>) semaphore(%run_scoped3A_686 : memref<!tpu.dma_semaphore, #tpu.memory_space<semaphore_mem>>) {add = true}
        %dma_wait3A_693 = arith.constant 0 : i32
        %dma_wait3A_694 = tpu.memref_slice %arg6[%run_scoped3A_635, %run_scoped3A_636, %dma_wait3A_693] : memref<8x2x128xi32, #tpu.memory_space<vmem>> -> memref<1x1x128xi32, #tpu.memory_space<vmem>>
        %dma_wait3A_695 = tpu.memref_squeeze %dma_wait3A_694 : memref<1x1x128xi32, #tpu.memory_space<vmem>> -> memref<128xi32, #tpu.memory_space<vmem>>
        %dma_wait3A_696 = arith.constant 0 : i32
        %dma_wait3A_697 = arith.constant 0 : i32
        %dma_wait3A_698 = tpu.memref_slice %arg16[%dma_wait3A_696, %dma_wait3A_697] : memref<10240x128xf32, #tpu.memory_space<vmem_shared>> -> memref<10240x128xf32, #tpu.memory_space<vmem_shared>>
        tpu.wait_indirect_dma semaphore(%run_scoped3A_686 : memref<!tpu.dma_semaphore, #tpu.memory_space<semaphore_mem>>) src(%arg9 : memref<128x128xf32, #tpu.memory_space<vmem>>) dst(%dma_wait3A_698 : memref<10240x128xf32, #tpu.memory_space<vmem_shared>>)
        tpu.yield
      }) : () -> ()
      %dma_wait3A_637 = arith.constant 6 : i32
      %dma_wait3A_638 = arith.constant 0 : i32
      %dma_wait3A_639 = arith.constant 0 : i32
      %dma_wait3A_640 = tpu.memref_slice %arg6[%dma_wait3A_637, %dma_wait3A_638, %dma_wait3A_639] : memref<8x2x128xi32, #tpu.memory_space<vmem>> -> memref<1x1x128xi32, #tpu.memory_space<vmem>>
      %dma_wait3A_641 = tpu.memref_squeeze %dma_wait3A_640 : memref<1x1x128xi32, #tpu.memory_space<vmem>> -> memref<128xi32, #tpu.memory_space<vmem>>
      %dma_wait3A_642 = arith.constant 0 : i32
      %dma_wait3A_643 = arith.constant 0 : i32
      %dma_wait3A_644 = tpu.memref_slice %arg2[%dma_wait3A_642, %dma_wait3A_643] : memref<10240x128xf32, #tpu.memory_space<hbm>> -> memref<10240x128xf32, #tpu.memory_space<hbm>>
      tpu.wait_indirect_dma semaphore(%arg10 : memref<!tpu.dma_semaphore, #tpu.memory_space<semaphore_mem>>) src(%dma_wait3A_644 : memref<10240x128xf32, #tpu.memory_space<hbm>>) dst(%arg8 : memref<128x128xf32, #tpu.memory_space<vmem>>)
      %dma_start3A_645 = arith.constant 7 : i32
      %dma_start3A_646 = arith.constant 0 : i32
      %dma_start3A_647 = arith.constant 0 : i32
      %dma_start3A_648 = tpu.memref_slice %arg6[%dma_start3A_645, %dma_start3A_646, %dma_start3A_647] : memref<8x2x128xi32, #tpu.memory_space<vmem>> -> memref<1x1x128xi32, #tpu.memory_space<vmem>>
      %dma_start3A_649 = tpu.memref_squeeze %dma_start3A_648 : memref<1x1x128xi32, #tpu.memory_space<vmem>> -> memref<128xi32, #tpu.memory_space<vmem>>
      %dma_start3A_650 = arith.constant 0 : i32
      %dma_start3A_651 = arith.constant 0 : i32
      %dma_start3A_652 = tpu.memref_slice %arg2[%dma_start3A_650, %dma_start3A_651] : memref<10240x128xf32, #tpu.memory_space<hbm>> -> memref<10240x128xf32, #tpu.memory_space<hbm>>
      tpu.enqueue_indirect_dma source(%dma_start3A_652 : memref<10240x128xf32, #tpu.memory_space<hbm>>) target(%arg9 : memref<128x128xf32, #tpu.memory_space<vmem>>) offsets(%dma_start3A_649 : memref<128xi32, #tpu.memory_space<vmem>>) semaphore(%arg11 : memref<!tpu.dma_semaphore, #tpu.memory_space<semaphore_mem>>)
      %run_scoped3A_653 = arith.constant 6 : i32
      %run_scoped3A_654 = arith.constant 1 : i32
      "tpu.region"() ({
        %run_scoped3A_686 = tpu.sem_alloc : memref<!tpu.dma_semaphore, #tpu.memory_space<semaphore_mem>>
        %dma_start3A_687 = arith.constant 0 : i32
        %dma_start3A_688 = tpu.memref_slice %arg6[%run_scoped3A_653, %run_scoped3A_654, %dma_start3A_687] : memref<8x2x128xi32, #tpu.memory_space<vmem>> -> memref<1x1x128xi32, #tpu.memory_space<vmem>>
        %dma_start3A_689 = tpu.memref_squeeze %dma_start3A_688 : memref<1x1x128xi32, #tpu.memory_space<vmem>> -> memref<128xi32, #tpu.memory_space<vmem>>
        %dma_start3A_690 = arith.constant 0 : i32
        %dma_start3A_691 = arith.constant 0 : i32
        %dma_start3A_692 = tpu.memref_slice %arg16[%dma_start3A_690, %dma_start3A_691] : memref<10240x128xf32, #tpu.memory_space<vmem_shared>> -> memref<10240x128xf32, #tpu.memory_space<vmem_shared>>
        tpu.enqueue_indirect_dma source(%arg8 : memref<128x128xf32, #tpu.memory_space<vmem>>) target(%dma_start3A_692 : memref<10240x128xf32, #tpu.memory_space<vmem_shared>>) offsets(%dma_start3A_689 : memref<128xi32, #tpu.memory_space<vmem>>) semaphore(%run_scoped3A_686 : memref<!tpu.dma_semaphore, #tpu.memory_space<semaphore_mem>>) {add = true}
        %dma_wait3A_693 = arith.constant 0 : i32
        %dma_wait3A_694 = tpu.memref_slice %arg6[%run_scoped3A_653, %run_scoped3A_654, %dma_wait3A_693] : memref<8x2x128xi32, #tpu.memory_space<vmem>> -> memref<1x1x128xi32, #tpu.memory_space<vmem>>
        %dma_wait3A_695 = tpu.memref_squeeze %dma_wait3A_694 : memref<1x1x128xi32, #tpu.memory_space<vmem>> -> memref<128xi32, #tpu.memory_space<vmem>>
        %dma_wait3A_696 = arith.constant 0 : i32
        %dma_wait3A_697 = arith.constant 0 : i32
        %dma_wait3A_698 = tpu.memref_slice %arg16[%dma_wait3A_696, %dma_wait3A_697] : memref<10240x128xf32, #tpu.memory_space<vmem_shared>> -> memref<10240x128xf32, #tpu.memory_space<vmem_shared>>
        tpu.wait_indirect_dma semaphore(%run_scoped3A_686 : memref<!tpu.dma_semaphore, #tpu.memory_space<semaphore_mem>>) src(%arg8 : memref<128x128xf32, #tpu.memory_space<vmem>>) dst(%dma_wait3A_698 : memref<10240x128xf32, #tpu.memory_space<vmem_shared>>)
        tpu.yield
      }) : () -> ()
      %dma_wait3A_655 = arith.constant 7 : i32
      %dma_wait3A_656 = arith.constant 0 : i32
      %dma_wait3A_657 = arith.constant 0 : i32
      %dma_wait3A_658 = tpu.memref_slice %arg6[%dma_wait3A_655, %dma_wait3A_656, %dma_wait3A_657] : memref<8x2x128xi32, #tpu.memory_space<vmem>> -> memref<1x1x128xi32, #tpu.memory_space<vmem>>
      %dma_wait3A_659 = tpu.memref_squeeze %dma_wait3A_658 : memref<1x1x128xi32, #tpu.memory_space<vmem>> -> memref<128xi32, #tpu.memory_space<vmem>>
      %dma_wait3A_660 = arith.constant 0 : i32
      %dma_wait3A_661 = arith.constant 0 : i32
      %dma_wait3A_662 = tpu.memref_slice %arg2[%dma_wait3A_660, %dma_wait3A_661] : memref<10240x128xf32, #tpu.memory_space<hbm>> -> memref<10240x128xf32, #tpu.memory_space<hbm>>
      tpu.wait_indirect_dma semaphore(%arg11 : memref<!tpu.dma_semaphore, #tpu.memory_space<semaphore_mem>>) src(%dma_wait3A_662 : memref<10240x128xf32, #tpu.memory_space<hbm>>) dst(%arg9 : memref<128x128xf32, #tpu.memory_space<vmem>>)
      %add3A_663 = arith.constant 1 : i32
      %add3A_664 = arith.addi %add3A_516, %add3A_663 : i32
      %mul3A_665 = arith.constant 8 : i32
      %mul3A_666 = arith.muli %add3A_664, %mul3A_665 : i32
      %dma_wait3A_667 = arith.constant 0 : i32
      %dma_wait3A_668 = arith.constant 0 : i32
      %dma_wait3A_669 = tpu.memref_slice %arg3[%add3A, %mul3A_666, %dma_wait3A_667, %dma_wait3A_668] : memref<32x80x2x128xi32, #tpu.memory_space<hbm>> -> memref<1x8x2x128xi32, #tpu.memory_space<hbm>>
      %dma_wait3A_670 = tpu.memref_squeeze %dma_wait3A_669 : memref<1x8x2x128xi32, #tpu.memory_space<hbm>> -> memref<8x2x128xi32, #tpu.memory_space<hbm>>
      %dma_wait3A_671 = arith.constant 0 : i32
      %dma_wait3A_672 = arith.constant 0 : i32
      %dma_wait3A_673 = tpu.memref_slice %arg3[%add3A, %mul3A_666, %dma_wait3A_671, %dma_wait3A_672] : memref<32x80x2x128xi32, #tpu.memory_space<hbm>> -> memref<1x8x2x128xi32, #tpu.memory_space<hbm>>
      %dma_wait3A_674 = tpu.memref_squeeze %dma_wait3A_673 : memref<1x8x2x128xi32, #tpu.memory_space<hbm>> -> memref<8x2x128xi32, #tpu.memory_space<hbm>>
      tpu.wait_dma2 semaphore(%arg15 : memref<!tpu.dma_semaphore, #tpu.memory_space<semaphore_mem>>) src(%dma_wait3A_674 : memref<8x2x128xi32, #tpu.memory_space<hbm>>) dst(%arg7 : memref<8x2x128xi32, #tpu.memory_space<vmem>>)
      %dma_start3A_675 = arith.constant 0 : i32
      %dma_start3A_676 = arith.constant 0 : i32
      %dma_start3A_677 = arith.constant 0 : i32
      %dma_start3A_678 = tpu.memref_slice %arg7[%dma_start3A_675, %dma_start3A_676, %dma_start3A_677] : memref<8x2x128xi32, #tpu.memory_space<vmem>> -> memref<1x1x128xi32, #tpu.memory_space<vmem>>
      %dma_start3A_679 = tpu.memref_squeeze %dma_start3A_678 : memref<1x1x128xi32, #tpu.memory_space<vmem>> -> memref<128xi32, #tpu.memory_space<vmem>>
      %dma_start3A_680 = arith.constant 0 : i32
      %dma_start3A_681 = arith.constant 0 : i32
      %dma_start3A_682 = tpu.memref_slice %arg2[%dma_start3A_680, %dma_start3A_681] : memref<10240x128xf32, #tpu.memory_space<hbm>> -> memref<10240x128xf32, #tpu.memory_space<hbm>>
      tpu.enqueue_indirect_dma source(%dma_start3A_682 : memref<10240x128xf32, #tpu.memory_space<hbm>>) target(%arg8 : memref<128x128xf32, #tpu.memory_space<vmem>>) offsets(%dma_start3A_679 : memref<128xi32, #tpu.memory_space<vmem>>) semaphore(%arg10 : memref<!tpu.dma_semaphore, #tpu.memory_space<semaphore_mem>>)
      %run_scoped3A_683 = arith.constant 7 : i32
      %run_scoped3A_684 = arith.constant 1 : i32
      "tpu.region"() ({
        %run_scoped3A_686 = tpu.sem_alloc : memref<!tpu.dma_semaphore, #tpu.memory_space<semaphore_mem>>
        %dma_start3A_687 = arith.constant 0 : i32
        %dma_start3A_688 = tpu.memref_slice %arg6[%run_scoped3A_683, %run_scoped3A_684, %dma_start3A_687] : memref<8x2x128xi32, #tpu.memory_space<vmem>> -> memref<1x1x128xi32, #tpu.memory_space<vmem>>
        %dma_start3A_689 = tpu.memref_squeeze %dma_start3A_688 : memref<1x1x128xi32, #tpu.memory_space<vmem>> -> memref<128xi32, #tpu.memory_space<vmem>>
        %dma_start3A_690 = arith.constant 0 : i32
        %dma_start3A_691 = arith.constant 0 : i32
        %dma_start3A_692 = tpu.memref_slice %arg16[%dma_start3A_690, %dma_start3A_691] : memref<10240x128xf32, #tpu.memory_space<vmem_shared>> -> memref<10240x128xf32, #tpu.memory_space<vmem_shared>>
        tpu.enqueue_indirect_dma source(%arg9 : memref<128x128xf32, #tpu.memory_space<vmem>>) target(%dma_start3A_692 : memref<10240x128xf32, #tpu.memory_space<vmem_shared>>) offsets(%dma_start3A_689 : memref<128xi32, #tpu.memory_space<vmem>>) semaphore(%run_scoped3A_686 : memref<!tpu.dma_semaphore, #tpu.memory_space<semaphore_mem>>) {add = true}
        %dma_wait3A_693 = arith.constant 0 : i32
        %dma_wait3A_694 = tpu.memref_slice %arg6[%run_scoped3A_683, %run_scoped3A_684, %dma_wait3A_693] : memref<8x2x128xi32, #tpu.memory_space<vmem>> -> memref<1x1x128xi32, #tpu.memory_space<vmem>>
        %dma_wait3A_695 = tpu.memref_squeeze %dma_wait3A_694 : memref<1x1x128xi32, #tpu.memory_space<vmem>> -> memref<128xi32, #tpu.memory_space<vmem>>
        %dma_wait3A_696 = arith.constant 0 : i32
        %dma_wait3A_697 = arith.constant 0 : i32
        %dma_wait3A_698 = tpu.memref_slice %arg16[%dma_wait3A_696, %dma_wait3A_697] : memref<10240x128xf32, #tpu.memory_space<vmem_shared>> -> memref<10240x128xf32, #tpu.memory_space<vmem_shared>>
        tpu.wait_indirect_dma semaphore(%run_scoped3A_686 : memref<!tpu.dma_semaphore, #tpu.memory_space<semaphore_mem>>) src(%arg9 : memref<128x128xf32, #tpu.memory_space<vmem>>) dst(%dma_wait3A_698 : memref<10240x128xf32, #tpu.memory_space<vmem_shared>>)
        tpu.yield
      }) : () -> ()
      %scan3A_685 = arith.constant 0 : i32
      scf.yield %scan3A_685 : i32
    }
    %scan3A_199 = arith.constant 4 : i32
    %dma_wait3A_200 = arith.constant 0 : i32
    %dma_wait3A_201 = arith.constant 0 : i32
    %dma_wait3A_202 = arith.constant 0 : i32
    %dma_wait3A_203 = tpu.memref_slice %arg7[%dma_wait3A_200, %dma_wait3A_201, %dma_wait3A_202] : memref<8x2x128xi32, #tpu.memory_space<vmem>> -> memref<1x1x128xi32, #tpu.memory_space<vmem>>
    %dma_wait3A_204 = tpu.memref_squeeze %dma_wait3A_203 : memref<1x1x128xi32, #tpu.memory_space<vmem>> -> memref<128xi32, #tpu.memory_space<vmem>>
    %dma_wait3A_205 = arith.constant 0 : i32
    %dma_wait3A_206 = arith.constant 0 : i32
    %dma_wait3A_207 = tpu.memref_slice %arg2[%dma_wait3A_205, %dma_wait3A_206] : memref<10240x128xf32, #tpu.memory_space<hbm>> -> memref<10240x128xf32, #tpu.memory_space<hbm>>
    tpu.wait_indirect_dma semaphore(%arg10 : memref<!tpu.dma_semaphore, #tpu.memory_space<semaphore_mem>>) src(%dma_wait3A_207 : memref<10240x128xf32, #tpu.memory_space<hbm>>) dst(%arg8 : memref<128x128xf32, #tpu.memory_space<vmem>>)
    %dma_start3A_208 = arith.constant 1 : i32
    %dma_start3A_209 = arith.constant 0 : i32
    %dma_start3A_210 = arith.constant 0 : i32
    %dma_start3A_211 = tpu.memref_slice %arg7[%dma_start3A_208, %dma_start3A_209, %dma_start3A_210] : memref<8x2x128xi32, #tpu.memory_space<vmem>> -> memref<1x1x128xi32, #tpu.memory_space<vmem>>
    %dma_start3A_212 = tpu.memref_squeeze %dma_start3A_211 : memref<1x1x128xi32, #tpu.memory_space<vmem>> -> memref<128xi32, #tpu.memory_space<vmem>>
    %dma_start3A_213 = arith.constant 0 : i32
    %dma_start3A_214 = arith.constant 0 : i32
    %dma_start3A_215 = tpu.memref_slice %arg2[%dma_start3A_213, %dma_start3A_214] : memref<10240x128xf32, #tpu.memory_space<hbm>> -> memref<10240x128xf32, #tpu.memory_space<hbm>>
    tpu.enqueue_indirect_dma source(%dma_start3A_215 : memref<10240x128xf32, #tpu.memory_space<hbm>>) target(%arg9 : memref<128x128xf32, #tpu.memory_space<vmem>>) offsets(%dma_start3A_212 : memref<128xi32, #tpu.memory_space<vmem>>) semaphore(%arg11 : memref<!tpu.dma_semaphore, #tpu.memory_space<semaphore_mem>>)
    %run_scoped3A_216 = arith.constant 0 : i32
    %run_scoped3A_217 = arith.constant 1 : i32
    "tpu.region"() ({
      %run_scoped3A_341 = tpu.sem_alloc : memref<!tpu.dma_semaphore, #tpu.memory_space<semaphore_mem>>
      %dma_start3A_342 = arith.constant 0 : i32
      %dma_start3A_343 = tpu.memref_slice %arg7[%run_scoped3A_216, %run_scoped3A_217, %dma_start3A_342] : memref<8x2x128xi32, #tpu.memory_space<vmem>> -> memref<1x1x128xi32, #tpu.memory_space<vmem>>
      %dma_start3A_344 = tpu.memref_squeeze %dma_start3A_343 : memref<1x1x128xi32, #tpu.memory_space<vmem>> -> memref<128xi32, #tpu.memory_space<vmem>>
      %dma_start3A_345 = arith.constant 0 : i32
      %dma_start3A_346 = arith.constant 0 : i32
      %dma_start3A_347 = tpu.memref_slice %arg16[%dma_start3A_345, %dma_start3A_346] : memref<10240x128xf32, #tpu.memory_space<vmem_shared>> -> memref<10240x128xf32, #tpu.memory_space<vmem_shared>>
      tpu.enqueue_indirect_dma source(%arg8 : memref<128x128xf32, #tpu.memory_space<vmem>>) target(%dma_start3A_347 : memref<10240x128xf32, #tpu.memory_space<vmem_shared>>) offsets(%dma_start3A_344 : memref<128xi32, #tpu.memory_space<vmem>>) semaphore(%run_scoped3A_341 : memref<!tpu.dma_semaphore, #tpu.memory_space<semaphore_mem>>) {add = true}
      %dma_wait3A_348 = arith.constant 0 : i32
      %dma_wait3A_349 = tpu.memref_slice %arg7[%run_scoped3A_216, %run_scoped3A_217, %dma_wait3A_348] : memref<8x2x128xi32, #tpu.memory_space<vmem>> -> memref<1x1x128xi32, #tpu.memory_space<vmem>>
      %dma_wait3A_350 = tpu.memref_squeeze %dma_wait3A_349 : memref<1x1x128xi32, #tpu.memory_space<vmem>> -> memref<128xi32, #tpu.memory_space<vmem>>
      %dma_wait3A_351 = arith.constant 0 : i32
      %dma_wait3A_352 = arith.constant 0 : i32
      %dma_wait3A_353 = tpu.memref_slice %arg16[%dma_wait3A_351, %dma_wait3A_352] : memref<10240x128xf32, #tpu.memory_space<vmem_shared>> -> memref<10240x128xf32, #tpu.memory_space<vmem_shared>>
      tpu.wait_indirect_dma semaphore(%run_scoped3A_341 : memref<!tpu.dma_semaphore, #tpu.memory_space<semaphore_mem>>) src(%arg8 : memref<128x128xf32, #tpu.memory_space<vmem>>) dst(%dma_wait3A_353 : memref<10240x128xf32, #tpu.memory_space<vmem_shared>>)
      tpu.yield
    }) : () -> ()
    %dma_wait3A_218 = arith.constant 1 : i32
    %dma_wait3A_219 = arith.constant 0 : i32
    %dma_wait3A_220 = arith.constant 0 : i32
    %dma_wait3A_221 = tpu.memref_slice %arg7[%dma_wait3A_218, %dma_wait3A_219, %dma_wait3A_220] : memref<8x2x128xi32, #tpu.memory_space<vmem>> -> memref<1x1x128xi32, #tpu.memory_space<vmem>>
    %dma_wait3A_222 = tpu.memref_squeeze %dma_wait3A_221 : memref<1x1x128xi32, #tpu.memory_space<vmem>> -> memref<128xi32, #tpu.memory_space<vmem>>
    %dma_wait3A_223 = arith.constant 0 : i32
    %dma_wait3A_224 = arith.constant 0 : i32
    %dma_wait3A_225 = tpu.memref_slice %arg2[%dma_wait3A_223, %dma_wait3A_224] : memref<10240x128xf32, #tpu.memory_space<hbm>> -> memref<10240x128xf32, #tpu.memory_space<hbm>>
    tpu.wait_indirect_dma semaphore(%arg11 : memref<!tpu.dma_semaphore, #tpu.memory_space<semaphore_mem>>) src(%dma_wait3A_225 : memref<10240x128xf32, #tpu.memory_space<hbm>>) dst(%arg9 : memref<128x128xf32, #tpu.memory_space<vmem>>)
    %dma_start3A_226 = arith.constant 2 : i32
    %dma_start3A_227 = arith.constant 0 : i32
    %dma_start3A_228 = arith.constant 0 : i32
    %dma_start3A_229 = tpu.memref_slice %arg7[%dma_start3A_226, %dma_start3A_227, %dma_start3A_228] : memref<8x2x128xi32, #tpu.memory_space<vmem>> -> memref<1x1x128xi32, #tpu.memory_space<vmem>>
    %dma_start3A_230 = tpu.memref_squeeze %dma_start3A_229 : memref<1x1x128xi32, #tpu.memory_space<vmem>> -> memref<128xi32, #tpu.memory_space<vmem>>
    %dma_start3A_231 = arith.constant 0 : i32
    %dma_start3A_232 = arith.constant 0 : i32
    %dma_start3A_233 = tpu.memref_slice %arg2[%dma_start3A_231, %dma_start3A_232] : memref<10240x128xf32, #tpu.memory_space<hbm>> -> memref<10240x128xf32, #tpu.memory_space<hbm>>
    tpu.enqueue_indirect_dma source(%dma_start3A_233 : memref<10240x128xf32, #tpu.memory_space<hbm>>) target(%arg8 : memref<128x128xf32, #tpu.memory_space<vmem>>) offsets(%dma_start3A_230 : memref<128xi32, #tpu.memory_space<vmem>>) semaphore(%arg10 : memref<!tpu.dma_semaphore, #tpu.memory_space<semaphore_mem>>)
    %run_scoped3A_234 = arith.constant 1 : i32
    %run_scoped3A_235 = arith.constant 1 : i32
    "tpu.region"() ({
      %run_scoped3A_341 = tpu.sem_alloc : memref<!tpu.dma_semaphore, #tpu.memory_space<semaphore_mem>>
      %dma_start3A_342 = arith.constant 0 : i32
      %dma_start3A_343 = tpu.memref_slice %arg7[%run_scoped3A_234, %run_scoped3A_235, %dma_start3A_342] : memref<8x2x128xi32, #tpu.memory_space<vmem>> -> memref<1x1x128xi32, #tpu.memory_space<vmem>>
      %dma_start3A_344 = tpu.memref_squeeze %dma_start3A_343 : memref<1x1x128xi32, #tpu.memory_space<vmem>> -> memref<128xi32, #tpu.memory_space<vmem>>
      %dma_start3A_345 = arith.constant 0 : i32
      %dma_start3A_346 = arith.constant 0 : i32
      %dma_start3A_347 = tpu.memref_slice %arg16[%dma_start3A_345, %dma_start3A_346] : memref<10240x128xf32, #tpu.memory_space<vmem_shared>> -> memref<10240x128xf32, #tpu.memory_space<vmem_shared>>
      tpu.enqueue_indirect_dma source(%arg9 : memref<128x128xf32, #tpu.memory_space<vmem>>) target(%dma_start3A_347 : memref<10240x128xf32, #tpu.memory_space<vmem_shared>>) offsets(%dma_start3A_344 : memref<128xi32, #tpu.memory_space<vmem>>) semaphore(%run_scoped3A_341 : memref<!tpu.dma_semaphore, #tpu.memory_space<semaphore_mem>>) {add = true}
      %dma_wait3A_348 = arith.constant 0 : i32
      %dma_wait3A_349 = tpu.memref_slice %arg7[%run_scoped3A_234, %run_scoped3A_235, %dma_wait3A_348] : memref<8x2x128xi32, #tpu.memory_space<vmem>> -> memref<1x1x128xi32, #tpu.memory_space<vmem>>
      %dma_wait3A_350 = tpu.memref_squeeze %dma_wait3A_349 : memref<1x1x128xi32, #tpu.memory_space<vmem>> -> memref<128xi32, #tpu.memory_space<vmem>>
      %dma_wait3A_351 = arith.constant 0 : i32
      %dma_wait3A_352 = arith.constant 0 : i32
      %dma_wait3A_353 = tpu.memref_slice %arg16[%dma_wait3A_351, %dma_wait3A_352] : memref<10240x128xf32, #tpu.memory_space<vmem_shared>> -> memref<10240x128xf32, #tpu.memory_space<vmem_shared>>
      tpu.wait_indirect_dma semaphore(%run_scoped3A_341 : memref<!tpu.dma_semaphore, #tpu.memory_space<semaphore_mem>>) src(%arg9 : memref<128x128xf32, #tpu.memory_space<vmem>>) dst(%dma_wait3A_353 : memref<10240x128xf32, #tpu.memory_space<vmem_shared>>)
      tpu.yield
    }) : () -> ()
    %dma_wait3A_236 = arith.constant 2 : i32
    %dma_wait3A_237 = arith.constant 0 : i32
    %dma_wait3A_238 = arith.constant 0 : i32
    %dma_wait3A_239 = tpu.memref_slice %arg7[%dma_wait3A_236, %dma_wait3A_237, %dma_wait3A_238] : memref<8x2x128xi32, #tpu.memory_space<vmem>> -> memref<1x1x128xi32, #tpu.memory_space<vmem>>
    %dma_wait3A_240 = tpu.memref_squeeze %dma_wait3A_239 : memref<1x1x128xi32, #tpu.memory_space<vmem>> -> memref<128xi32, #tpu.memory_space<vmem>>
    %dma_wait3A_241 = arith.constant 0 : i32
    %dma_wait3A_242 = arith.constant 0 : i32
    %dma_wait3A_243 = tpu.memref_slice %arg2[%dma_wait3A_241, %dma_wait3A_242] : memref<10240x128xf32, #tpu.memory_space<hbm>> -> memref<10240x128xf32, #tpu.memory_space<hbm>>
    tpu.wait_indirect_dma semaphore(%arg10 : memref<!tpu.dma_semaphore, #tpu.memory_space<semaphore_mem>>) src(%dma_wait3A_243 : memref<10240x128xf32, #tpu.memory_space<hbm>>) dst(%arg8 : memref<128x128xf32, #tpu.memory_space<vmem>>)
    %dma_start3A_244 = arith.constant 3 : i32
    %dma_start3A_245 = arith.constant 0 : i32
    %dma_start3A_246 = arith.constant 0 : i32
    %dma_start3A_247 = tpu.memref_slice %arg7[%dma_start3A_244, %dma_start3A_245, %dma_start3A_246] : memref<8x2x128xi32, #tpu.memory_space<vmem>> -> memref<1x1x128xi32, #tpu.memory_space<vmem>>
    %dma_start3A_248 = tpu.memref_squeeze %dma_start3A_247 : memref<1x1x128xi32, #tpu.memory_space<vmem>> -> memref<128xi32, #tpu.memory_space<vmem>>
    %dma_start3A_249 = arith.constant 0 : i32
    %dma_start3A_250 = arith.constant 0 : i32
    %dma_start3A_251 = tpu.memref_slice %arg2[%dma_start3A_249, %dma_start3A_250] : memref<10240x128xf32, #tpu.memory_space<hbm>> -> memref<10240x128xf32, #tpu.memory_space<hbm>>
    tpu.enqueue_indirect_dma source(%dma_start3A_251 : memref<10240x128xf32, #tpu.memory_space<hbm>>) target(%arg9 : memref<128x128xf32, #tpu.memory_space<vmem>>) offsets(%dma_start3A_248 : memref<128xi32, #tpu.memory_space<vmem>>) semaphore(%arg11 : memref<!tpu.dma_semaphore, #tpu.memory_space<semaphore_mem>>)
    %run_scoped3A_252 = arith.constant 2 : i32
    %run_scoped3A_253 = arith.constant 1 : i32
    "tpu.region"() ({
      %run_scoped3A_341 = tpu.sem_alloc : memref<!tpu.dma_semaphore, #tpu.memory_space<semaphore_mem>>
      %dma_start3A_342 = arith.constant 0 : i32
      %dma_start3A_343 = tpu.memref_slice %arg7[%run_scoped3A_252, %run_scoped3A_253, %dma_start3A_342] : memref<8x2x128xi32, #tpu.memory_space<vmem>> -> memref<1x1x128xi32, #tpu.memory_space<vmem>>
      %dma_start3A_344 = tpu.memref_squeeze %dma_start3A_343 : memref<1x1x128xi32, #tpu.memory_space<vmem>> -> memref<128xi32, #tpu.memory_space<vmem>>
      %dma_start3A_345 = arith.constant 0 : i32
      %dma_start3A_346 = arith.constant 0 : i32
      %dma_start3A_347 = tpu.memref_slice %arg16[%dma_start3A_345, %dma_start3A_346] : memref<10240x128xf32, #tpu.memory_space<vmem_shared>> -> memref<10240x128xf32, #tpu.memory_space<vmem_shared>>
      tpu.enqueue_indirect_dma source(%arg8 : memref<128x128xf32, #tpu.memory_space<vmem>>) target(%dma_start3A_347 : memref<10240x128xf32, #tpu.memory_space<vmem_shared>>) offsets(%dma_start3A_344 : memref<128xi32, #tpu.memory_space<vmem>>) semaphore(%run_scoped3A_341 : memref<!tpu.dma_semaphore, #tpu.memory_space<semaphore_mem>>) {add = true}
      %dma_wait3A_348 = arith.constant 0 : i32
      %dma_wait3A_349 = tpu.memref_slice %arg7[%run_scoped3A_252, %run_scoped3A_253, %dma_wait3A_348] : memref<8x2x128xi32, #tpu.memory_space<vmem>> -> memref<1x1x128xi32, #tpu.memory_space<vmem>>
      %dma_wait3A_350 = tpu.memref_squeeze %dma_wait3A_349 : memref<1x1x128xi32, #tpu.memory_space<vmem>> -> memref<128xi32, #tpu.memory_space<vmem>>
      %dma_wait3A_351 = arith.constant 0 : i32
      %dma_wait3A_352 = arith.constant 0 : i32
      %dma_wait3A_353 = tpu.memref_slice %arg16[%dma_wait3A_351, %dma_wait3A_352] : memref<10240x128xf32, #tpu.memory_space<vmem_shared>> -> memref<10240x128xf32, #tpu.memory_space<vmem_shared>>
      tpu.wait_indirect_dma semaphore(%run_scoped3A_341 : memref<!tpu.dma_semaphore, #tpu.memory_space<semaphore_mem>>) src(%arg8 : memref<128x128xf32, #tpu.memory_space<vmem>>) dst(%dma_wait3A_353 : memref<10240x128xf32, #tpu.memory_space<vmem_shared>>)
      tpu.yield
    }) : () -> ()
    %dma_wait3A_254 = arith.constant 3 : i32
    %dma_wait3A_255 = arith.constant 0 : i32
    %dma_wait3A_256 = arith.constant 0 : i32
    %dma_wait3A_257 = tpu.memref_slice %arg7[%dma_wait3A_254, %dma_wait3A_255, %dma_wait3A_256] : memref<8x2x128xi32, #tpu.memory_space<vmem>> -> memref<1x1x128xi32, #tpu.memory_space<vmem>>
    %dma_wait3A_258 = tpu.memref_squeeze %dma_wait3A_257 : memref<1x1x128xi32, #tpu.memory_space<vmem>> -> memref<128xi32, #tpu.memory_space<vmem>>
    %dma_wait3A_259 = arith.constant 0 : i32
    %dma_wait3A_260 = arith.constant 0 : i32
    %dma_wait3A_261 = tpu.memref_slice %arg2[%dma_wait3A_259, %dma_wait3A_260] : memref<10240x128xf32, #tpu.memory_space<hbm>> -> memref<10240x128xf32, #tpu.memory_space<hbm>>
    tpu.wait_indirect_dma semaphore(%arg11 : memref<!tpu.dma_semaphore, #tpu.memory_space<semaphore_mem>>) src(%dma_wait3A_261 : memref<10240x128xf32, #tpu.memory_space<hbm>>) dst(%arg9 : memref<128x128xf32, #tpu.memory_space<vmem>>)
    %dma_start3A_262 = arith.constant 4 : i32
    %dma_start3A_263 = arith.constant 0 : i32
    %dma_start3A_264 = arith.constant 0 : i32
    %dma_start3A_265 = tpu.memref_slice %arg7[%dma_start3A_262, %dma_start3A_263, %dma_start3A_264] : memref<8x2x128xi32, #tpu.memory_space<vmem>> -> memref<1x1x128xi32, #tpu.memory_space<vmem>>
    %dma_start3A_266 = tpu.memref_squeeze %dma_start3A_265 : memref<1x1x128xi32, #tpu.memory_space<vmem>> -> memref<128xi32, #tpu.memory_space<vmem>>
    %dma_start3A_267 = arith.constant 0 : i32
    %dma_start3A_268 = arith.constant 0 : i32
    %dma_start3A_269 = tpu.memref_slice %arg2[%dma_start3A_267, %dma_start3A_268] : memref<10240x128xf32, #tpu.memory_space<hbm>> -> memref<10240x128xf32, #tpu.memory_space<hbm>>
    tpu.enqueue_indirect_dma source(%dma_start3A_269 : memref<10240x128xf32, #tpu.memory_space<hbm>>) target(%arg8 : memref<128x128xf32, #tpu.memory_space<vmem>>) offsets(%dma_start3A_266 : memref<128xi32, #tpu.memory_space<vmem>>) semaphore(%arg10 : memref<!tpu.dma_semaphore, #tpu.memory_space<semaphore_mem>>)
    %run_scoped3A_270 = arith.constant 3 : i32
    %run_scoped3A_271 = arith.constant 1 : i32
    "tpu.region"() ({
      %run_scoped3A_341 = tpu.sem_alloc : memref<!tpu.dma_semaphore, #tpu.memory_space<semaphore_mem>>
      %dma_start3A_342 = arith.constant 0 : i32
      %dma_start3A_343 = tpu.memref_slice %arg7[%run_scoped3A_270, %run_scoped3A_271, %dma_start3A_342] : memref<8x2x128xi32, #tpu.memory_space<vmem>> -> memref<1x1x128xi32, #tpu.memory_space<vmem>>
      %dma_start3A_344 = tpu.memref_squeeze %dma_start3A_343 : memref<1x1x128xi32, #tpu.memory_space<vmem>> -> memref<128xi32, #tpu.memory_space<vmem>>
      %dma_start3A_345 = arith.constant 0 : i32
      %dma_start3A_346 = arith.constant 0 : i32
      %dma_start3A_347 = tpu.memref_slice %arg16[%dma_start3A_345, %dma_start3A_346] : memref<10240x128xf32, #tpu.memory_space<vmem_shared>> -> memref<10240x128xf32, #tpu.memory_space<vmem_shared>>
      tpu.enqueue_indirect_dma source(%arg9 : memref<128x128xf32, #tpu.memory_space<vmem>>) target(%dma_start3A_347 : memref<10240x128xf32, #tpu.memory_space<vmem_shared>>) offsets(%dma_start3A_344 : memref<128xi32, #tpu.memory_space<vmem>>) semaphore(%run_scoped3A_341 : memref<!tpu.dma_semaphore, #tpu.memory_space<semaphore_mem>>) {add = true}
      %dma_wait3A_348 = arith.constant 0 : i32
      %dma_wait3A_349 = tpu.memref_slice %arg7[%run_scoped3A_270, %run_scoped3A_271, %dma_wait3A_348] : memref<8x2x128xi32, #tpu.memory_space<vmem>> -> memref<1x1x128xi32, #tpu.memory_space<vmem>>
      %dma_wait3A_350 = tpu.memref_squeeze %dma_wait3A_349 : memref<1x1x128xi32, #tpu.memory_space<vmem>> -> memref<128xi32, #tpu.memory_space<vmem>>
      %dma_wait3A_351 = arith.constant 0 : i32
      %dma_wait3A_352 = arith.constant 0 : i32
      %dma_wait3A_353 = tpu.memref_slice %arg16[%dma_wait3A_351, %dma_wait3A_352] : memref<10240x128xf32, #tpu.memory_space<vmem_shared>> -> memref<10240x128xf32, #tpu.memory_space<vmem_shared>>
      tpu.wait_indirect_dma semaphore(%run_scoped3A_341 : memref<!tpu.dma_semaphore, #tpu.memory_space<semaphore_mem>>) src(%arg9 : memref<128x128xf32, #tpu.memory_space<vmem>>) dst(%dma_wait3A_353 : memref<10240x128xf32, #tpu.memory_space<vmem_shared>>)
      tpu.yield
    }) : () -> ()
    %dma_wait3A_272 = arith.constant 4 : i32
    %dma_wait3A_273 = arith.constant 0 : i32
    %dma_wait3A_274 = arith.constant 0 : i32
    %dma_wait3A_275 = tpu.memref_slice %arg7[%dma_wait3A_272, %dma_wait3A_273, %dma_wait3A_274] : memref<8x2x128xi32, #tpu.memory_space<vmem>> -> memref<1x1x128xi32, #tpu.memory_space<vmem>>
    %dma_wait3A_276 = tpu.memref_squeeze %dma_wait3A_275 : memref<1x1x128xi32, #tpu.memory_space<vmem>> -> memref<128xi32, #tpu.memory_space<vmem>>
    %dma_wait3A_277 = arith.constant 0 : i32
    %dma_wait3A_278 = arith.constant 0 : i32
    %dma_wait3A_279 = tpu.memref_slice %arg2[%dma_wait3A_277, %dma_wait3A_278] : memref<10240x128xf32, #tpu.memory_space<hbm>> -> memref<10240x128xf32, #tpu.memory_space<hbm>>
    tpu.wait_indirect_dma semaphore(%arg10 : memref<!tpu.dma_semaphore, #tpu.memory_space<semaphore_mem>>) src(%dma_wait3A_279 : memref<10240x128xf32, #tpu.memory_space<hbm>>) dst(%arg8 : memref<128x128xf32, #tpu.memory_space<vmem>>)
    %dma_start3A_280 = arith.constant 5 : i32
    %dma_start3A_281 = arith.constant 0 : i32
    %dma_start3A_282 = arith.constant 0 : i32
    %dma_start3A_283 = tpu.memref_slice %arg7[%dma_start3A_280, %dma_start3A_281, %dma_start3A_282] : memref<8x2x128xi32, #tpu.memory_space<vmem>> -> memref<1x1x128xi32, #tpu.memory_space<vmem>>
    %dma_start3A_284 = tpu.memref_squeeze %dma_start3A_283 : memref<1x1x128xi32, #tpu.memory_space<vmem>> -> memref<128xi32, #tpu.memory_space<vmem>>
    %dma_start3A_285 = arith.constant 0 : i32
    %dma_start3A_286 = arith.constant 0 : i32
    %dma_start3A_287 = tpu.memref_slice %arg2[%dma_start3A_285, %dma_start3A_286] : memref<10240x128xf32, #tpu.memory_space<hbm>> -> memref<10240x128xf32, #tpu.memory_space<hbm>>
    tpu.enqueue_indirect_dma source(%dma_start3A_287 : memref<10240x128xf32, #tpu.memory_space<hbm>>) target(%arg9 : memref<128x128xf32, #tpu.memory_space<vmem>>) offsets(%dma_start3A_284 : memref<128xi32, #tpu.memory_space<vmem>>) semaphore(%arg11 : memref<!tpu.dma_semaphore, #tpu.memory_space<semaphore_mem>>)
    %run_scoped3A_288 = arith.constant 4 : i32
    %run_scoped3A_289 = arith.constant 1 : i32
    "tpu.region"() ({
      %run_scoped3A_341 = tpu.sem_alloc : memref<!tpu.dma_semaphore, #tpu.memory_space<semaphore_mem>>
      %dma_start3A_342 = arith.constant 0 : i32
      %dma_start3A_343 = tpu.memref_slice %arg7[%run_scoped3A_288, %run_scoped3A_289, %dma_start3A_342] : memref<8x2x128xi32, #tpu.memory_space<vmem>> -> memref<1x1x128xi32, #tpu.memory_space<vmem>>
      %dma_start3A_344 = tpu.memref_squeeze %dma_start3A_343 : memref<1x1x128xi32, #tpu.memory_space<vmem>> -> memref<128xi32, #tpu.memory_space<vmem>>
      %dma_start3A_345 = arith.constant 0 : i32
      %dma_start3A_346 = arith.constant 0 : i32
      %dma_start3A_347 = tpu.memref_slice %arg16[%dma_start3A_345, %dma_start3A_346] : memref<10240x128xf32, #tpu.memory_space<vmem_shared>> -> memref<10240x128xf32, #tpu.memory_space<vmem_shared>>
      tpu.enqueue_indirect_dma source(%arg8 : memref<128x128xf32, #tpu.memory_space<vmem>>) target(%dma_start3A_347 : memref<10240x128xf32, #tpu.memory_space<vmem_shared>>) offsets(%dma_start3A_344 : memref<128xi32, #tpu.memory_space<vmem>>) semaphore(%run_scoped3A_341 : memref<!tpu.dma_semaphore, #tpu.memory_space<semaphore_mem>>) {add = true}
      %dma_wait3A_348 = arith.constant 0 : i32
      %dma_wait3A_349 = tpu.memref_slice %arg7[%run_scoped3A_288, %run_scoped3A_289, %dma_wait3A_348] : memref<8x2x128xi32, #tpu.memory_space<vmem>> -> memref<1x1x128xi32, #tpu.memory_space<vmem>>
      %dma_wait3A_350 = tpu.memref_squeeze %dma_wait3A_349 : memref<1x1x128xi32, #tpu.memory_space<vmem>> -> memref<128xi32, #tpu.memory_space<vmem>>
      %dma_wait3A_351 = arith.constant 0 : i32
      %dma_wait3A_352 = arith.constant 0 : i32
      %dma_wait3A_353 = tpu.memref_slice %arg16[%dma_wait3A_351, %dma_wait3A_352] : memref<10240x128xf32, #tpu.memory_space<vmem_shared>> -> memref<10240x128xf32, #tpu.memory_space<vmem_shared>>
      tpu.wait_indirect_dma semaphore(%run_scoped3A_341 : memref<!tpu.dma_semaphore, #tpu.memory_space<semaphore_mem>>) src(%arg8 : memref<128x128xf32, #tpu.memory_space<vmem>>) dst(%dma_wait3A_353 : memref<10240x128xf32, #tpu.memory_space<vmem_shared>>)
      tpu.yield
    }) : () -> ()
    %dma_wait3A_290 = arith.constant 5 : i32
    %dma_wait3A_291 = arith.constant 0 : i32
    %dma_wait3A_292 = arith.constant 0 : i32
    %dma_wait3A_293 = tpu.memref_slice %arg7[%dma_wait3A_290, %dma_wait3A_291, %dma_wait3A_292] : memref<8x2x128xi32, #tpu.memory_space<vmem>> -> memref<1x1x128xi32, #tpu.memory_space<vmem>>
    %dma_wait3A_294 = tpu.memref_squeeze %dma_wait3A_293 : memref<1x1x128xi32, #tpu.memory_space<vmem>> -> memref<128xi32, #tpu.memory_space<vmem>>
    %dma_wait3A_295 = arith.constant 0 : i32
    %dma_wait3A_296 = arith.constant 0 : i32
    %dma_wait3A_297 = tpu.memref_slice %arg2[%dma_wait3A_295, %dma_wait3A_296] : memref<10240x128xf32, #tpu.memory_space<hbm>> -> memref<10240x128xf32, #tpu.memory_space<hbm>>
    tpu.wait_indirect_dma semaphore(%arg11 : memref<!tpu.dma_semaphore, #tpu.memory_space<semaphore_mem>>) src(%dma_wait3A_297 : memref<10240x128xf32, #tpu.memory_space<hbm>>) dst(%arg9 : memref<128x128xf32, #tpu.memory_space<vmem>>)
    %dma_start3A_298 = arith.constant 6 : i32
    %dma_start3A_299 = arith.constant 0 : i32
    %dma_start3A_300 = arith.constant 0 : i32
    %dma_start3A_301 = tpu.memref_slice %arg7[%dma_start3A_298, %dma_start3A_299, %dma_start3A_300] : memref<8x2x128xi32, #tpu.memory_space<vmem>> -> memref<1x1x128xi32, #tpu.memory_space<vmem>>
    %dma_start3A_302 = tpu.memref_squeeze %dma_start3A_301 : memref<1x1x128xi32, #tpu.memory_space<vmem>> -> memref<128xi32, #tpu.memory_space<vmem>>
    %dma_start3A_303 = arith.constant 0 : i32
    %dma_start3A_304 = arith.constant 0 : i32
    %dma_start3A_305 = tpu.memref_slice %arg2[%dma_start3A_303, %dma_start3A_304] : memref<10240x128xf32, #tpu.memory_space<hbm>> -> memref<10240x128xf32, #tpu.memory_space<hbm>>
    tpu.enqueue_indirect_dma source(%dma_start3A_305 : memref<10240x128xf32, #tpu.memory_space<hbm>>) target(%arg8 : memref<128x128xf32, #tpu.memory_space<vmem>>) offsets(%dma_start3A_302 : memref<128xi32, #tpu.memory_space<vmem>>) semaphore(%arg10 : memref<!tpu.dma_semaphore, #tpu.memory_space<semaphore_mem>>)
    %run_scoped3A_306 = arith.constant 5 : i32
    %run_scoped3A_307 = arith.constant 1 : i32
    "tpu.region"() ({
      %run_scoped3A_341 = tpu.sem_alloc : memref<!tpu.dma_semaphore, #tpu.memory_space<semaphore_mem>>
      %dma_start3A_342 = arith.constant 0 : i32
      %dma_start3A_343 = tpu.memref_slice %arg7[%run_scoped3A_306, %run_scoped3A_307, %dma_start3A_342] : memref<8x2x128xi32, #tpu.memory_space<vmem>> -> memref<1x1x128xi32, #tpu.memory_space<vmem>>
      %dma_start3A_344 = tpu.memref_squeeze %dma_start3A_343 : memref<1x1x128xi32, #tpu.memory_space<vmem>> -> memref<128xi32, #tpu.memory_space<vmem>>
      %dma_start3A_345 = arith.constant 0 : i32
      %dma_start3A_346 = arith.constant 0 : i32
      %dma_start3A_347 = tpu.memref_slice %arg16[%dma_start3A_345, %dma_start3A_346] : memref<10240x128xf32, #tpu.memory_space<vmem_shared>> -> memref<10240x128xf32, #tpu.memory_space<vmem_shared>>
      tpu.enqueue_indirect_dma source(%arg9 : memref<128x128xf32, #tpu.memory_space<vmem>>) target(%dma_start3A_347 : memref<10240x128xf32, #tpu.memory_space<vmem_shared>>) offsets(%dma_start3A_344 : memref<128xi32, #tpu.memory_space<vmem>>) semaphore(%run_scoped3A_341 : memref<!tpu.dma_semaphore, #tpu.memory_space<semaphore_mem>>) {add = true}
      %dma_wait3A_348 = arith.constant 0 : i32
      %dma_wait3A_349 = tpu.memref_slice %arg7[%run_scoped3A_306, %run_scoped3A_307, %dma_wait3A_348] : memref<8x2x128xi32, #tpu.memory_space<vmem>> -> memref<1x1x128xi32, #tpu.memory_space<vmem>>
      %dma_wait3A_350 = tpu.memref_squeeze %dma_wait3A_349 : memref<1x1x128xi32, #tpu.memory_space<vmem>> -> memref<128xi32, #tpu.memory_space<vmem>>
      %dma_wait3A_351 = arith.constant 0 : i32
      %dma_wait3A_352 = arith.constant 0 : i32
      %dma_wait3A_353 = tpu.memref_slice %arg16[%dma_wait3A_351, %dma_wait3A_352] : memref<10240x128xf32, #tpu.memory_space<vmem_shared>> -> memref<10240x128xf32, #tpu.memory_space<vmem_shared>>
      tpu.wait_indirect_dma semaphore(%run_scoped3A_341 : memref<!tpu.dma_semaphore, #tpu.memory_space<semaphore_mem>>) src(%arg9 : memref<128x128xf32, #tpu.memory_space<vmem>>) dst(%dma_wait3A_353 : memref<10240x128xf32, #tpu.memory_space<vmem_shared>>)
      tpu.yield
    }) : () -> ()
    %dma_wait3A_308 = arith.constant 6 : i32
    %dma_wait3A_309 = arith.constant 0 : i32
    %dma_wait3A_310 = arith.constant 0 : i32
    %dma_wait3A_311 = tpu.memref_slice %arg7[%dma_wait3A_308, %dma_wait3A_309, %dma_wait3A_310] : memref<8x2x128xi32, #tpu.memory_space<vmem>> -> memref<1x1x128xi32, #tpu.memory_space<vmem>>
    %dma_wait3A_312 = tpu.memref_squeeze %dma_wait3A_311 : memref<1x1x128xi32, #tpu.memory_space<vmem>> -> memref<128xi32, #tpu.memory_space<vmem>>
    %dma_wait3A_313 = arith.constant 0 : i32
    %dma_wait3A_314 = arith.constant 0 : i32
    %dma_wait3A_315 = tpu.memref_slice %arg2[%dma_wait3A_313, %dma_wait3A_314] : memref<10240x128xf32, #tpu.memory_space<hbm>> -> memref<10240x128xf32, #tpu.memory_space<hbm>>
    tpu.wait_indirect_dma semaphore(%arg10 : memref<!tpu.dma_semaphore, #tpu.memory_space<semaphore_mem>>) src(%dma_wait3A_315 : memref<10240x128xf32, #tpu.memory_space<hbm>>) dst(%arg8 : memref<128x128xf32, #tpu.memory_space<vmem>>)
    %dma_start3A_316 = arith.constant 7 : i32
    %dma_start3A_317 = arith.constant 0 : i32
    %dma_start3A_318 = arith.constant 0 : i32
    %dma_start3A_319 = tpu.memref_slice %arg7[%dma_start3A_316, %dma_start3A_317, %dma_start3A_318] : memref<8x2x128xi32, #tpu.memory_space<vmem>> -> memref<1x1x128xi32, #tpu.memory_space<vmem>>
    %dma_start3A_320 = tpu.memref_squeeze %dma_start3A_319 : memref<1x1x128xi32, #tpu.memory_space<vmem>> -> memref<128xi32, #tpu.memory_space<vmem>>
    %dma_start3A_321 = arith.constant 0 : i32
    %dma_start3A_322 = arith.constant 0 : i32
    %dma_start3A_323 = tpu.memref_slice %arg2[%dma_start3A_321, %dma_start3A_322] : memref<10240x128xf32, #tpu.memory_space<hbm>> -> memref<10240x128xf32, #tpu.memory_space<hbm>>
    tpu.enqueue_indirect_dma source(%dma_start3A_323 : memref<10240x128xf32, #tpu.memory_space<hbm>>) target(%arg9 : memref<128x128xf32, #tpu.memory_space<vmem>>) offsets(%dma_start3A_320 : memref<128xi32, #tpu.memory_space<vmem>>) semaphore(%arg11 : memref<!tpu.dma_semaphore, #tpu.memory_space<semaphore_mem>>)
    %run_scoped3A_324 = arith.constant 6 : i32
    %run_scoped3A_325 = arith.constant 1 : i32
    "tpu.region"() ({
      %run_scoped3A_341 = tpu.sem_alloc : memref<!tpu.dma_semaphore, #tpu.memory_space<semaphore_mem>>
      %dma_start3A_342 = arith.constant 0 : i32
      %dma_start3A_343 = tpu.memref_slice %arg7[%run_scoped3A_324, %run_scoped3A_325, %dma_start3A_342] : memref<8x2x128xi32, #tpu.memory_space<vmem>> -> memref<1x1x128xi32, #tpu.memory_space<vmem>>
      %dma_start3A_344 = tpu.memref_squeeze %dma_start3A_343 : memref<1x1x128xi32, #tpu.memory_space<vmem>> -> memref<128xi32, #tpu.memory_space<vmem>>
      %dma_start3A_345 = arith.constant 0 : i32
      %dma_start3A_346 = arith.constant 0 : i32
      %dma_start3A_347 = tpu.memref_slice %arg16[%dma_start3A_345, %dma_start3A_346] : memref<10240x128xf32, #tpu.memory_space<vmem_shared>> -> memref<10240x128xf32, #tpu.memory_space<vmem_shared>>
      tpu.enqueue_indirect_dma source(%arg8 : memref<128x128xf32, #tpu.memory_space<vmem>>) target(%dma_start3A_347 : memref<10240x128xf32, #tpu.memory_space<vmem_shared>>) offsets(%dma_start3A_344 : memref<128xi32, #tpu.memory_space<vmem>>) semaphore(%run_scoped3A_341 : memref<!tpu.dma_semaphore, #tpu.memory_space<semaphore_mem>>) {add = true}
      %dma_wait3A_348 = arith.constant 0 : i32
      %dma_wait3A_349 = tpu.memref_slice %arg7[%run_scoped3A_324, %run_scoped3A_325, %dma_wait3A_348] : memref<8x2x128xi32, #tpu.memory_space<vmem>> -> memref<1x1x128xi32, #tpu.memory_space<vmem>>
      %dma_wait3A_350 = tpu.memref_squeeze %dma_wait3A_349 : memref<1x1x128xi32, #tpu.memory_space<vmem>> -> memref<128xi32, #tpu.memory_space<vmem>>
      %dma_wait3A_351 = arith.constant 0 : i32
      %dma_wait3A_352 = arith.constant 0 : i32
      %dma_wait3A_353 = tpu.memref_slice %arg16[%dma_wait3A_351, %dma_wait3A_352] : memref<10240x128xf32, #tpu.memory_space<vmem_shared>> -> memref<10240x128xf32, #tpu.memory_space<vmem_shared>>
      tpu.wait_indirect_dma semaphore(%run_scoped3A_341 : memref<!tpu.dma_semaphore, #tpu.memory_space<semaphore_mem>>) src(%arg8 : memref<128x128xf32, #tpu.memory_space<vmem>>) dst(%dma_wait3A_353 : memref<10240x128xf32, #tpu.memory_space<vmem_shared>>)
      tpu.yield
    }) : () -> ()
    %dma_wait3A_326 = arith.constant 7 : i32
    %dma_wait3A_327 = arith.constant 0 : i32
    %dma_wait3A_328 = arith.constant 0 : i32
    %dma_wait3A_329 = tpu.memref_slice %arg7[%dma_wait3A_326, %dma_wait3A_327, %dma_wait3A_328] : memref<8x2x128xi32, #tpu.memory_space<vmem>> -> memref<1x1x128xi32, #tpu.memory_space<vmem>>
    %dma_wait3A_330 = tpu.memref_squeeze %dma_wait3A_329 : memref<1x1x128xi32, #tpu.memory_space<vmem>> -> memref<128xi32, #tpu.memory_space<vmem>>
    %dma_wait3A_331 = arith.constant 0 : i32
    %dma_wait3A_332 = arith.constant 0 : i32
    %dma_wait3A_333 = tpu.memref_slice %arg2[%dma_wait3A_331, %dma_wait3A_332] : memref<10240x128xf32, #tpu.memory_space<hbm>> -> memref<10240x128xf32, #tpu.memory_space<hbm>>
    tpu.wait_indirect_dma semaphore(%arg11 : memref<!tpu.dma_semaphore, #tpu.memory_space<semaphore_mem>>) src(%dma_wait3A_333 : memref<10240x128xf32, #tpu.memory_space<hbm>>) dst(%arg9 : memref<128x128xf32, #tpu.memory_space<vmem>>)
    %run_scoped3A_334 = arith.constant 7 : i32
    %run_scoped3A_335 = arith.constant 1 : i32
    "tpu.region"() ({
      %run_scoped3A_341 = tpu.sem_alloc : memref<!tpu.dma_semaphore, #tpu.memory_space<semaphore_mem>>
      %dma_start3A_342 = arith.constant 0 : i32
      %dma_start3A_343 = tpu.memref_slice %arg7[%run_scoped3A_334, %run_scoped3A_335, %dma_start3A_342] : memref<8x2x128xi32, #tpu.memory_space<vmem>> -> memref<1x1x128xi32, #tpu.memory_space<vmem>>
      %dma_start3A_344 = tpu.memref_squeeze %dma_start3A_343 : memref<1x1x128xi32, #tpu.memory_space<vmem>> -> memref<128xi32, #tpu.memory_space<vmem>>
      %dma_start3A_345 = arith.constant 0 : i32
      %dma_start3A_346 = arith.constant 0 : i32
      %dma_start3A_347 = tpu.memref_slice %arg16[%dma_start3A_345, %dma_start3A_346] : memref<10240x128xf32, #tpu.memory_space<vmem_shared>> -> memref<10240x128xf32, #tpu.memory_space<vmem_shared>>
      tpu.enqueue_indirect_dma source(%arg9 : memref<128x128xf32, #tpu.memory_space<vmem>>) target(%dma_start3A_347 : memref<10240x128xf32, #tpu.memory_space<vmem_shared>>) offsets(%dma_start3A_344 : memref<128xi32, #tpu.memory_space<vmem>>) semaphore(%run_scoped3A_341 : memref<!tpu.dma_semaphore, #tpu.memory_space<semaphore_mem>>) {add = true}
      %dma_wait3A_348 = arith.constant 0 : i32
      %dma_wait3A_349 = tpu.memref_slice %arg7[%run_scoped3A_334, %run_scoped3A_335, %dma_wait3A_348] : memref<8x2x128xi32, #tpu.memory_space<vmem>> -> memref<1x1x128xi32, #tpu.memory_space<vmem>>
      %dma_wait3A_350 = tpu.memref_squeeze %dma_wait3A_349 : memref<1x1x128xi32, #tpu.memory_space<vmem>> -> memref<128xi32, #tpu.memory_space<vmem>>
      %dma_wait3A_351 = arith.constant 0 : i32
      %dma_wait3A_352 = arith.constant 0 : i32
      %dma_wait3A_353 = tpu.memref_slice %arg16[%dma_wait3A_351, %dma_wait3A_352] : memref<10240x128xf32, #tpu.memory_space<vmem_shared>> -> memref<10240x128xf32, #tpu.memory_space<vmem_shared>>
      tpu.wait_indirect_dma semaphore(%run_scoped3A_341 : memref<!tpu.dma_semaphore, #tpu.memory_space<semaphore_mem>>) src(%arg9 : memref<128x128xf32, #tpu.memory_space<vmem>>) dst(%dma_wait3A_353 : memref<10240x128xf32, #tpu.memory_space<vmem_shared>>)
      tpu.yield
    }) : () -> ()
    %barrier3A_336 = arith.constant 0 : index
    tpu.barrier barrier_id(%barrier3A_336)
    %mul3A_337 = arith.constant 640 : i32
    %mul3A_338 = arith.muli %arg1, %mul3A_337 : i32
    %mul3A_339 = arith.constant 640 : i32
    %mul3A_340 = arith.muli %arg1, %mul3A_339 : i32
    "tpu.region"() ({
      %run_scoped3A_341 = tpu.sem_alloc : memref<!tpu.dma_semaphore, #tpu.memory_space<semaphore_mem>>
      %dma_start3A_342 = arith.constant 0 : i32
      %dma_start3A_343 = tpu.memref_slice %arg5[%arg0, %mul3A_340, %dma_start3A_342] : memref<2x10240x128xf32, #tpu.memory_space<hbm>> -> memref<1x640x128xf32, #tpu.memory_space<hbm>>
      %dma_start3A_344 = tpu.memref_squeeze %dma_start3A_343 : memref<1x640x128xf32, #tpu.memory_space<hbm>> -> memref<640x128xf32, #tpu.memory_space<hbm>>
      %dma_start3A_345 = arith.constant 0 : i32
      %dma_start3A_346 = tpu.memref_slice %arg16[%mul3A_338, %dma_start3A_345] : memref<10240x128xf32, #tpu.memory_space<vmem_shared>> -> memref<640x128xf32, #tpu.memory_space<vmem_shared>>
      tpu.enqueue_dma source(%dma_start3A_346 : memref<640x128xf32, #tpu.memory_space<vmem_shared>>) target(%dma_start3A_344 : memref<640x128xf32, #tpu.memory_space<hbm>>) target_semaphore(%run_scoped3A_341 : memref<!tpu.dma_semaphore, #tpu.memory_space<semaphore_mem>>)
      %dma_wait3A_347 = arith.constant 0 : i32
      %dma_wait3A_348 = tpu.memref_slice %arg5[%arg0, %mul3A_340, %dma_wait3A_347] : memref<2x10240x128xf32, #tpu.memory_space<hbm>> -> memref<1x640x128xf32, #tpu.memory_space<hbm>>
      %dma_wait3A_349 = tpu.memref_squeeze %dma_wait3A_348 : memref<1x640x128xf32, #tpu.memory_space<hbm>> -> memref<640x128xf32, #tpu.memory_space<hbm>>
      %dma_wait3A_350 = arith.constant 0 : i32
      %dma_wait3A_351 = tpu.memref_slice %arg16[%mul3A_338, %dma_wait3A_350] : memref<10240x128xf32, #tpu.memory_space<vmem_shared>> -> memref<640x128xf32, #tpu.memory_space<vmem_shared>>
      tpu.wait_dma2 semaphore(%run_scoped3A_341 : memref<!tpu.dma_semaphore, #tpu.memory_space<semaphore_mem>>) src(%dma_wait3A_351 : memref<640x128xf32, #tpu.memory_space<vmem_shared>>) dst(%dma_wait3A_349 : memref<640x128xf32, #tpu.memory_space<hbm>>)
      tpu.yield
    }) : () -> ()
    return
  }
}

module attributes {stable_mosaic.version = 14 : i64} {
  func.func @_tc_scale_mm(%arg0: i32, %arg1: memref<1024x2xf32, #tpu.memory_space<vmem>>, %arg2: memref<1024x128xf32, #tpu.memory_space<vmem>>, %arg3: memref<128x128xf32, #tpu.memory_space<vmem>>, %arg4: memref<1024x128xf32, #tpu.memory_space<vmem>>) attributes {dimension_semantics = [#tpu.dimension_semantics<arbitrary>], iteration_bounds = array<i64: 10>, scalar_prefetch = 0 : i64, scratch_operands = 0 : i64, tpu.core_type = #tpu.core_type<tc>, window_params = [{transform_indices = @transform_0, window_bounds = array<i64: 1024, 2>}, {transform_indices = @transform_1, window_bounds = array<i64: 1024, 128>}, {pipeline_mode = #tpu.pipeline_mode<synchronous>, transform_indices = @transform_2, window_bounds = array<i64: 128, 128>}, {transform_indices = @transform_3, window_bounds = array<i64: 1024, 128>}]} {
    %get3A = arith.constant 0 : index
    %get3A_0 = arith.constant 0 : index
    %get3A_1 = vector.load %arg1[%get3A, %get3A_0] : memref<1024x2xf32, #tpu.memory_space<vmem>>, vector<1024x2xf32>
    %reduce_sum3A = arith.constant dense<0.000000e+00> : vector<1024xf32>
    %reduce_sum3A_2 = vector.multi_reduction <add>, %get3A_1, %reduce_sum3A [1] : vector<1024x2xf32> to vector<1024xf32>
    %broadcast_in_dim3A = vector.shape_cast %reduce_sum3A_2 : vector<1024xf32> to vector<1024x1xf32>
    %add3A = arith.constant 1.000000e+00 : f32
    %add3A_3 = vector.broadcast %add3A : f32 to vector<1024x1xf32>
    %add3A_4 = arith.addf %broadcast_in_dim3A, %add3A_3 : vector<1024x1xf32>
    %rsqrt3A = math.rsqrt %add3A_4 : vector<1024x1xf32>
    %get3A_5 = arith.constant 0 : index
    %get3A_6 = arith.constant 0 : index
    %get3A_7 = vector.load %arg2[%get3A_5, %get3A_6] : memref<1024x128xf32, #tpu.memory_space<vmem>>, vector<1024x128xf32>
    %get3A_8 = arith.constant 0 : index
    %get3A_9 = arith.constant 0 : index
    %get3A_10 = vector.load %arg3[%get3A_8, %get3A_9] : memref<128x128xf32, #tpu.memory_space<vmem>>, vector<128x128xf32>
    %dot_general3A = arith.constant dense<0.000000e+00> : vector<1024x128xf32>
    %dot_general3A_11 = tpu.matmul %get3A_7, %get3A_10, %dot_general3A {dimension_numbers = #tpu.dot_dimension_numbers<[1], [0], [0], [1], [0, 0, 1, 1], [], []>, transpose_lhs_hint = false} : vector<1024x128xf32>, vector<128x128xf32>, vector<1024x128xf32> -> vector<1024x128xf32>
    %mul3A = vector.broadcast %rsqrt3A : vector<1024x1xf32> to vector<1024x128xf32>
    %mul3A_12 = arith.mulf %dot_general3A_11, %mul3A : vector<1024x128xf32>
    %swap3A = arith.constant 0 : index
    %swap3A_13 = arith.constant 0 : index
    %swap3A_14 = vector.load %arg4[%swap3A, %swap3A_13] : memref<1024x128xf32, #tpu.memory_space<vmem>>, vector<1024x128xf32>
    tpu.vector_store %arg4[%swap3A, %swap3A_13], %mul3A_12 {strides = array<i32>} : memref<1024x128xf32, #tpu.memory_space<vmem>>, vector<1024x128xf32>,
    return
  }
  func.func @transform_0(%arg0: i32) -> (i32, i32) {
    %c0_i32 = arith.constant 0 : i32
    %c0_i32_0 = arith.constant 0 : i32
    return %arg0, %c0_i32 : i32, i32
  }
  func.func @transform_1(%arg0: i32) -> (i32, i32) {
    %c0_i32 = arith.constant 0 : i32
    %c0_i32_0 = arith.constant 0 : i32
    return %arg0, %c0_i32 : i32, i32
  }
  func.func @transform_2(%arg0: i32) -> (i32, i32) {
    %c0_i32 = arith.constant 0 : i32
    %c0_i32_0 = arith.constant 0 : i32
    %c0_i32_1 = arith.constant 0 : i32
    return %c0_i32, %c0_i32_0 : i32, i32
  }
  func.func @transform_3(%arg0: i32) -> (i32, i32) {
    %c0_i32 = arith.constant 0 : i32
    %c0_i32_0 = arith.constant 0 : i32
    return %arg0, %c0_i32 : i32, i32
  }
}

module attributes {stable_mosaic.version = 14 : i64} {
  func.func @_tc_combine_mm(%arg0: i32, %arg1: memref<1024x2xf32, #tpu.memory_space<vmem>>, %arg2: memref<1024x128xf32, #tpu.memory_space<vmem>>, %arg3: memref<1024x128xf32, #tpu.memory_space<vmem>>, %arg4: memref<1024x128xf32, #tpu.memory_space<vmem>>, %arg5: memref<1x128xf32, #tpu.memory_space<vmem>>, %arg6: memref<128x128xf32, #tpu.memory_space<vmem>>, %arg7: memref<1024x128xf32, #tpu.memory_space<vmem>>) attributes {dimension_semantics = [#tpu.dimension_semantics<arbitrary>], iteration_bounds = array<i64: 10>, scalar_prefetch = 0 : i64, scratch_operands = 0 : i64, tpu.core_type = #tpu.core_type<tc>, window_params = [{transform_indices = @transform_0, window_bounds = array<i64: 1024, 2>}, {transform_indices = @transform_1, window_bounds = array<i64: 1024, 128>}, {transform_indices = @transform_2, window_bounds = array<i64: 1024, 128>}, {transform_indices = @transform_3, window_bounds = array<i64: 1024, 128>}, {pipeline_mode = #tpu.pipeline_mode<synchronous>, transform_indices = @transform_4, window_bounds = array<i64: 1, 128>}, {pipeline_mode = #tpu.pipeline_mode<synchronous>, transform_indices = @transform_5, window_bounds = array<i64: 128, 128>}, {transform_indices = @transform_6, window_bounds = array<i64: 1024, 128>}]} {
    %get3A = arith.constant 0 : index
    %get3A_0 = arith.constant 0 : index
    %get3A_1 = vector.load %arg1[%get3A, %get3A_0] : memref<1024x2xf32, #tpu.memory_space<vmem>>, vector<1024x2xf32>
    %reduce_sum3A = arith.constant dense<0.000000e+00> : vector<1024xf32>
    %reduce_sum3A_2 = vector.multi_reduction <add>, %get3A_1, %reduce_sum3A [1] : vector<1024x2xf32> to vector<1024xf32>
    %broadcast_in_dim3A = vector.shape_cast %reduce_sum3A_2 : vector<1024xf32> to vector<1024x1xf32>
    %add3A = arith.constant 1.000000e+00 : f32
    %add3A_3 = vector.broadcast %add3A : f32 to vector<1024x1xf32>
    %add3A_4 = arith.addf %broadcast_in_dim3A, %add3A_3 : vector<1024x1xf32>
    %rsqrt3A = math.rsqrt %add3A_4 : vector<1024x1xf32>
    %get3A_5 = arith.constant 0 : index
    %get3A_6 = arith.constant 0 : index
    %get3A_7 = vector.load %arg2[%get3A_5, %get3A_6] : memref<1024x128xf32, #tpu.memory_space<vmem>>, vector<1024x128xf32>
    %get3A_8 = arith.constant 0 : index
    %get3A_9 = arith.constant 0 : index
    %get3A_10 = vector.load %arg3[%get3A_8, %get3A_9] : memref<1024x128xf32, #tpu.memory_space<vmem>>, vector<1024x128xf32>
    %add3A_11 = arith.addf %get3A_7, %get3A_10 : vector<1024x128xf32>
    %get3A_12 = arith.constant 0 : index
    %get3A_13 = arith.constant 0 : index
    %get3A_14 = vector.load %arg4[%get3A_12, %get3A_13] : memref<1024x128xf32, #tpu.memory_space<vmem>>, vector<1024x128xf32>
    %add3A_15 = arith.addf %add3A_11, %get3A_14 : vector<1024x128xf32>
    %mul3A = vector.broadcast %rsqrt3A : vector<1024x1xf32> to vector<1024x128xf32>
    %mul3A_16 = arith.mulf %add3A_15, %mul3A : vector<1024x128xf32>
    %get3A_17 = arith.constant 0 : index
    %get3A_18 = arith.constant 0 : index
    %get3A_19 = vector.load %arg5[%get3A_17, %get3A_18] : memref<1x128xf32, #tpu.memory_space<vmem>>, vector<1x128xf32>
    %add3A_20 = vector.broadcast %get3A_19 : vector<1x128xf32> to vector<1024x128xf32>
    %add3A_21 = arith.addf %mul3A_16, %add3A_20 : vector<1024x128xf32>
    %max3A = arith.constant 0.000000e+00 : f32
    %max3A_22 = vector.broadcast %max3A : f32 to vector<1024x128xf32>
    %max3A_23 = arith.maximumf %add3A_21, %max3A_22 : vector<1024x128xf32>
    %get3A_24 = arith.constant 0 : index
    %get3A_25 = arith.constant 0 : index
    %get3A_26 = vector.load %arg6[%get3A_24, %get3A_25] : memref<128x128xf32, #tpu.memory_space<vmem>>, vector<128x128xf32>
    %dot_general3A = arith.constant dense<0.000000e+00> : vector<1024x128xf32>
    %dot_general3A_27 = tpu.matmul %max3A_23, %get3A_26, %dot_general3A {dimension_numbers = #tpu.dot_dimension_numbers<[1], [0], [0], [1], [0, 0, 1, 1], [], []>, transpose_lhs_hint = false} : vector<1024x128xf32>, vector<128x128xf32>, vector<1024x128xf32> -> vector<1024x128xf32>
    %mul3A_28 = vector.broadcast %rsqrt3A : vector<1024x1xf32> to vector<1024x128xf32>
    %mul3A_29 = arith.mulf %dot_general3A_27, %mul3A_28 : vector<1024x128xf32>
    %mul3A_30 = arith.constant 1024 : i32
    %mul3A_31 = arith.muli %arg0, %mul3A_30 : i32
    %iota3A = tpu.iota {dimensions = array<i32: 0>} : vector<1024x128xi32>
    %add3A_32 = vector.broadcast %mul3A_31 : i32 to vector<1024x128xi32>
    %add3A_33 = arith.addi %add3A_32, %iota3A : vector<1024x128xi32>
    %lt3A = arith.constant 10000 : i32
    %lt3A_34 = vector.broadcast %lt3A : i32 to vector<1024x128xi32>
    %lt3A_35 = arith.cmpi slt, %add3A_33, %lt3A_34 : vector<1024x128xi32>
    %convert_element_type3A = arith.extui %lt3A_35 : vector<1024x128xi1> to vector<1024x128xi32>
    %convert_element_type3A_36 = arith.sitofp %convert_element_type3A : vector<1024x128xi32> to vector<1024x128xf32>
    %mul3A_37 = arith.mulf %mul3A_29, %convert_element_type3A_36 : vector<1024x128xf32>
    %swap3A = arith.constant 0 : index
    %swap3A_38 = arith.constant 0 : index
    %swap3A_39 = vector.load %arg7[%swap3A, %swap3A_38] : memref<1024x128xf32, #tpu.memory_space<vmem>>, vector<1024x128xf32>
    tpu.vector_store %arg7[%swap3A, %swap3A_38], %mul3A_37 {strides = array<i32>} : memref<1024x128xf32, #tpu.memory_space<vmem>>, vector<1024x128xf32>,
    return
  }
  func.func @transform_0(%arg0: i32) -> (i32, i32) {
    %c0_i32 = arith.constant 0 : i32
    %c0_i32_0 = arith.constant 0 : i32
    return %arg0, %c0_i32 : i32, i32
  }
  func.func @transform_1(%arg0: i32) -> (i32, i32) {
    %c0_i32 = arith.constant 0 : i32
    %c0_i32_0 = arith.constant 0 : i32
    return %arg0, %c0_i32 : i32, i32
  }
  func.func @transform_2(%arg0: i32) -> (i32, i32) {
    %c0_i32 = arith.constant 0 : i32
    %c0_i32_0 = arith.constant 0 : i32
    return %arg0, %c0_i32 : i32, i32
  }
  func.func @transform_3(%arg0: i32) -> (i32, i32) {
    %c0_i32 = arith.constant 0 : i32
    %c0_i32_0 = arith.constant 0 : i32
    return %arg0, %c0_i32 : i32, i32
  }
  func.func @transform_4(%arg0: i32) -> (i32, i32) {
    %c0_i32 = arith.constant 0 : i32
    %c0_i32_0 = arith.constant 0 : i32
    %c0_i32_1 = arith.constant 0 : i32
    return %c0_i32, %c0_i32_0 : i32, i32
  }
  func.func @transform_5(%arg0: i32) -> (i32, i32) {
    %c0_i32 = arith.constant 0 : i32
    %c0_i32_0 = arith.constant 0 : i32
    %c0_i32_1 = arith.constant 0 : i32
    return %c0_i32, %c0_i32_0 : i32, i32
  }
  func.func @transform_6(%arg0: i32) -> (i32, i32) {
    %c0_i32 = arith.constant 0 : i32
    %c0_i32_0 = arith.constant 0 : i32
    return %arg0, %c0_i32 : i32, i32
  }
}

module attributes {stable_mosaic.version = 14 : i64} {
  func.func @_tc_cls_pool(%arg0: i32, %arg1: memref<1024x2xf32, #tpu.memory_space<vmem>>, %arg2: memref<1024x128xf32, #tpu.memory_space<vmem>>, %arg3: memref<1024x128xf32, #tpu.memory_space<vmem>>, %arg4: memref<1024x128xf32, #tpu.memory_space<vmem>>, %arg5: memref<1x128xf32, #tpu.memory_space<vmem>>, %arg6: memref<128x8xf32, #tpu.memory_space<vmem>>, %arg7: memref<1024x1xi32, #tpu.memory_space<vmem>>, %arg8: memref<1x8xf32, #tpu.memory_space<vmem>>, %arg9: memref<512x8xf32, #tpu.memory_space<vmem>>, %arg10: memref<512x128xf32, #tpu.memory_space<vmem>>, %arg11: memref<512x8xf32, #tpu.memory_space<vmem>>) attributes {dimension_semantics = [#tpu.dimension_semantics<arbitrary>], iteration_bounds = array<i64: 10>, scalar_prefetch = 0 : i64, scratch_operands = 2 : i64, tpu.core_type = #tpu.core_type<tc>, window_params = [{transform_indices = @transform_0, window_bounds = array<i64: 1024, 2>}, {transform_indices = @transform_1, window_bounds = array<i64: 1024, 128>}, {transform_indices = @transform_2, window_bounds = array<i64: 1024, 128>}, {transform_indices = @transform_3, window_bounds = array<i64: 1024, 128>}, {pipeline_mode = #tpu.pipeline_mode<synchronous>, transform_indices = @transform_4, window_bounds = array<i64: 1, 128>}, {pipeline_mode = #tpu.pipeline_mode<synchronous>, transform_indices = @transform_5, window_bounds = array<i64: 128, 8>}, {transform_indices = @transform_6, window_bounds = array<i64: 1024, 1>}, {pipeline_mode = #tpu.pipeline_mode<synchronous>, transform_indices = @transform_7, window_bounds = array<i64: 1, 8>}, {pipeline_mode = #tpu.pipeline_mode<synchronous>, transform_indices = @transform_8, window_bounds = array<i64: 512, 8>}]} {
    %get3A = arith.constant 0 : index
    %get3A_0 = arith.constant 0 : index
    %get3A_1 = vector.load %arg1[%get3A, %get3A_0] : memref<1024x2xf32, #tpu.memory_space<vmem>>, vector<1024x2xf32>
    %reduce_sum3A = arith.constant dense<0.000000e+00> : vector<1024xf32>
    %reduce_sum3A_2 = vector.multi_reduction <add>, %get3A_1, %reduce_sum3A [1] : vector<1024x2xf32> to vector<1024xf32>
    %broadcast_in_dim3A = vector.shape_cast %reduce_sum3A_2 : vector<1024xf32> to vector<1024x1xf32>
    %add3A = arith.constant 1.000000e+00 : f32
    %add3A_3 = vector.broadcast %add3A : f32 to vector<1024x1xf32>
    %add3A_4 = arith.addf %broadcast_in_dim3A, %add3A_3 : vector<1024x1xf32>
    %rsqrt3A = math.rsqrt %add3A_4 : vector<1024x1xf32>
    %get3A_5 = arith.constant 0 : index
    %get3A_6 = arith.constant 0 : index
    %get3A_7 = vector.load %arg2[%get3A_5, %get3A_6] : memref<1024x128xf32, #tpu.memory_space<vmem>>, vector<1024x128xf32>
    %get3A_8 = arith.constant 0 : index
    %get3A_9 = arith.constant 0 : index
    %get3A_10 = vector.load %arg3[%get3A_8, %get3A_9] : memref<1024x128xf32, #tpu.memory_space<vmem>>, vector<1024x128xf32>
    %add3A_11 = arith.addf %get3A_7, %get3A_10 : vector<1024x128xf32>
    %get3A_12 = arith.constant 0 : index
    %get3A_13 = arith.constant 0 : index
    %get3A_14 = vector.load %arg4[%get3A_12, %get3A_13] : memref<1024x128xf32, #tpu.memory_space<vmem>>, vector<1024x128xf32>
    %add3A_15 = arith.addf %add3A_11, %get3A_14 : vector<1024x128xf32>
    %mul3A = vector.broadcast %rsqrt3A : vector<1024x1xf32> to vector<1024x128xf32>
    %mul3A_16 = arith.mulf %add3A_15, %mul3A : vector<1024x128xf32>
    %get3A_17 = arith.constant 0 : index
    %get3A_18 = arith.constant 0 : index
    %get3A_19 = vector.load %arg5[%get3A_17, %get3A_18] : memref<1x128xf32, #tpu.memory_space<vmem>>, vector<1x128xf32>
    %add3A_20 = vector.broadcast %get3A_19 : vector<1x128xf32> to vector<1024x128xf32>
    %add3A_21 = arith.addf %mul3A_16, %add3A_20 : vector<1024x128xf32>
    %mul3A_22 = arith.constant 1024 : i32
    %mul3A_23 = arith.muli %arg0, %mul3A_22 : i32
    %iota3A = tpu.iota {dimensions = array<i32: 0>} : vector<1024x1xi32>
    %add3A_24 = vector.broadcast %mul3A_23 : i32 to vector<1024x1xi32>
    %add3A_25 = arith.addi %add3A_24, %iota3A : vector<1024x1xi32>
    %lt3A = arith.constant 10000 : i32
    %lt3A_26 = vector.broadcast %lt3A : i32 to vector<1024x1xi32>
    %lt3A_27 = arith.cmpi slt, %add3A_25, %lt3A_26 : vector<1024x1xi32>
    %convert_element_type3A = arith.extui %lt3A_27 : vector<1024x1xi1> to vector<1024x1xi32>
    %convert_element_type3A_28 = arith.sitofp %convert_element_type3A : vector<1024x1xi32> to vector<1024x1xf32>
    %mul3A_29 = vector.broadcast %convert_element_type3A_28 : vector<1024x1xf32> to vector<1024x128xf32>
    %mul3A_30 = arith.mulf %add3A_21, %mul3A_29 : vector<1024x128xf32>
    %get3A_31 = arith.constant 0 : index
    %get3A_32 = arith.constant 0 : index
    %get3A_33 = vector.load %arg7[%get3A_31, %get3A_32] : memref<1024x1xi32, #tpu.memory_space<vmem>>, vector<1024x1xi32>
    %iota3A_34 = tpu.iota {dimensions = array<i32: 1>} : vector<1024x512xi32>
    %eq3A = vector.broadcast %get3A_33 : vector<1024x1xi32> to vector<1024x512xi32>
    %eq3A_35 = arith.cmpi eq, %eq3A, %iota3A_34 : vector<1024x512xi32>
    %convert_element_type3A_36 = arith.extui %eq3A_35 : vector<1024x512xi1> to vector<1024x512xi32>
    %convert_element_type3A_37 = arith.sitofp %convert_element_type3A_36 : vector<1024x512xi32> to vector<1024x512xf32>
    %dot_general3A = arith.constant dense<0.000000e+00> : vector<512x128xf32>
    %dot_general3A_38 = tpu.matmul %convert_element_type3A_37, %mul3A_30, %dot_general3A {dimension_numbers = #tpu.dot_dimension_numbers<[0], [0], [1], [1], [0, 1, 1, 1], [], []>, precision = #tpu.contract_precision<fp32>, transpose_lhs_hint = false} : vector<1024x512xf32>, vector<1024x128xf32>, vector<512x128xf32> -> vector<512x128xf32>
    %broadcast_in_dim3A_39 = vector.shape_cast %convert_element_type3A_28 : vector<1024x1xf32> to vector<1024x1xf32>
    %broadcast_in_dim3A_40 = vector.broadcast %broadcast_in_dim3A_39 : vector<1024x1xf32> to vector<1024x8xf32>
    %dot_general3A_41 = arith.constant dense<0.000000e+00> : vector<512x8xf32>
    %dot_general3A_42 = tpu.matmul %convert_element_type3A_37, %broadcast_in_dim3A_40, %dot_general3A_41 {dimension_numbers = #tpu.dot_dimension_numbers<[0], [0], [1], [1], [0, 1, 1, 1], [], []>, precision = #tpu.contract_precision<fp32>, transpose_lhs_hint = false} : vector<1024x512xf32>, vector<1024x8xf32>, vector<512x8xf32> -> vector<512x8xf32>
    %eq3A_43 = arith.constant 0 : i32
    %eq3A_44 = arith.cmpi eq, %arg0, %eq3A_43 : i32
    %convert_element_type3A_45 = arith.extui %eq3A_44 : i1 to i32
    %cond3A = arith.constant 0 : i32
    %cond3A_46 = arith.cmpi ne, %convert_element_type3A_45, %cond3A : i32
    scf.if %cond3A_46 {
      %swap3A = arith.constant 0 : index
      %swap3A_56 = arith.constant 0 : index
      %swap3A_57 = vector.load %arg10[%swap3A, %swap3A_56] : memref<512x128xf32, #tpu.memory_space<vmem>>, vector<512x128xf32>
      tpu.vector_store %arg10[%swap3A, %swap3A_56], %dot_general3A_38 {strides = array<i32>} : memref<512x128xf32, #tpu.memory_space<vmem>>, vector<512x128xf32>,
      %swap3A_58 = arith.constant 0 : index
      %swap3A_59 = arith.constant 0 : index
      %swap3A_60 = vector.load %arg11[%swap3A_58, %swap3A_59] : memref<512x8xf32, #tpu.memory_space<vmem>>, vector<512x8xf32>
      tpu.vector_store %arg11[%swap3A_58, %swap3A_59], %dot_general3A_42 {strides = array<i32>} : memref<512x8xf32, #tpu.memory_space<vmem>>, vector<512x8xf32>,
    } else {
    }
    %gt3A = arith.constant 0 : i32
    %gt3A_47 = arith.cmpi sgt, %arg0, %gt3A : i32
    %convert_element_type3A_48 = arith.extui %gt3A_47 : i1 to i32
    %cond3A_49 = arith.constant 0 : i32
    %cond3A_50 = arith.cmpi ne, %convert_element_type3A_48, %cond3A_49 : i32
    scf.if %cond3A_50 {
      %get3A_56 = arith.constant 0 : index
      %get3A_57 = arith.constant 0 : index
      %get3A_58 = vector.load %arg10[%get3A_56, %get3A_57] : memref<512x128xf32, #tpu.memory_space<vmem>>, vector<512x128xf32>
      %add3A_59 = arith.addf %get3A_58, %dot_general3A_38 : vector<512x128xf32>
      %swap3A = arith.constant 0 : index
      %swap3A_60 = arith.constant 0 : index
      %swap3A_61 = vector.load %arg10[%swap3A, %swap3A_60] : memref<512x128xf32, #tpu.memory_space<vmem>>, vector<512x128xf32>
      tpu.vector_store %arg10[%swap3A, %swap3A_60], %add3A_59 {strides = array<i32>} : memref<512x128xf32, #tpu.memory_space<vmem>>, vector<512x128xf32>,
      %get3A_62 = arith.constant 0 : index
      %get3A_63 = arith.constant 0 : index
      %get3A_64 = vector.load %arg11[%get3A_62, %get3A_63] : memref<512x8xf32, #tpu.memory_space<vmem>>, vector<512x8xf32>
      %add3A_65 = arith.addf %get3A_64, %dot_general3A_42 : vector<512x8xf32>
      %swap3A_66 = arith.constant 0 : index
      %swap3A_67 = arith.constant 0 : index
      %swap3A_68 = vector.load %arg11[%swap3A_66, %swap3A_67] : memref<512x8xf32, #tpu.memory_space<vmem>>, vector<512x8xf32>
      tpu.vector_store %arg11[%swap3A_66, %swap3A_67], %add3A_65 {strides = array<i32>} : memref<512x8xf32, #tpu.memory_space<vmem>>, vector<512x8xf32>,
    } else {
    }
    %eq3A_51 = arith.constant 9 : i32
    %eq3A_52 = arith.cmpi eq, %arg0, %eq3A_51 : i32
    %convert_element_type3A_53 = arith.extui %eq3A_52 : i1 to i32
    %cond3A_54 = arith.constant 0 : i32
    %cond3A_55 = arith.cmpi ne, %convert_element_type3A_53, %cond3A_54 : i32
    scf.if %cond3A_55 {
      %get3A_56 = arith.constant 0 : index
      %get3A_57 = arith.constant 0 : index
      %get3A_58 = vector.load %arg10[%get3A_56, %get3A_57] : memref<512x128xf32, #tpu.memory_space<vmem>>, vector<512x128xf32>
      %get3A_59 = arith.constant 0 : index
      %get3A_60 = arith.constant 0 : index
      %get3A_61 = vector.load %arg11[%get3A_59, %get3A_60] : memref<512x8xf32, #tpu.memory_space<vmem>>, vector<512x1xf32>
      %max3A = arith.constant 1.000000e+00 : f32
      %max3A_62 = vector.broadcast %max3A : f32 to vector<512x1xf32>
      %max3A_63 = arith.maximumf %get3A_61, %max3A_62 : vector<512x1xf32>
      %div3A = vector.broadcast %max3A_63 : vector<512x1xf32> to vector<512x128xf32>
      %div3A_64 = arith.divf %get3A_58, %div3A : vector<512x128xf32>
      %get3A_65 = arith.constant 0 : index
      %get3A_66 = arith.constant 0 : index
      %get3A_67 = vector.load %arg6[%get3A_65, %get3A_66] : memref<128x8xf32, #tpu.memory_space<vmem>>, vector<128x8xf32>
      %dot_general3A_68 = arith.constant dense<0.000000e+00> : vector<512x8xf32>
      %dot_general3A_69 = tpu.matmul %div3A_64, %get3A_67, %dot_general3A_68 {dimension_numbers = #tpu.dot_dimension_numbers<[1], [0], [0], [1], [0, 0, 1, 1], [], []>, transpose_lhs_hint = false} : vector<512x128xf32>, vector<128x8xf32>, vector<512x8xf32> -> vector<512x8xf32>
      %get3A_70 = arith.constant 0 : index
      %get3A_71 = arith.constant 0 : index
      %get3A_72 = vector.load %arg8[%get3A_70, %get3A_71] : memref<1x8xf32, #tpu.memory_space<vmem>>, vector<1x8xf32>
      %add3A_73 = vector.broadcast %get3A_72 : vector<1x8xf32> to vector<512x8xf32>
      %add3A_74 = arith.addf %dot_general3A_69, %add3A_73 : vector<512x8xf32>
      %swap3A = arith.constant 0 : index
      %swap3A_75 = arith.constant 0 : index
      %swap3A_76 = vector.load %arg9[%swap3A, %swap3A_75] : memref<512x8xf32, #tpu.memory_space<vmem>>, vector<512x8xf32>
      tpu.vector_store %arg9[%swap3A, %swap3A_75], %add3A_74 {strides = array<i32>} : memref<512x8xf32, #tpu.memory_space<vmem>>, vector<512x8xf32>,
    } else {
    }
    return
  }
  func.func @transform_0(%arg0: i32) -> (i32, i32) {
    %c0_i32 = arith.constant 0 : i32
    %c0_i32_0 = arith.constant 0 : i32
    return %arg0, %c0_i32 : i32, i32
  }
  func.func @transform_1(%arg0: i32) -> (i32, i32) {
    %c0_i32 = arith.constant 0 : i32
    %c0_i32_0 = arith.constant 0 : i32
    return %arg0, %c0_i32 : i32, i32
  }
  func.func @transform_2(%arg0: i32) -> (i32, i32) {
    %c0_i32 = arith.constant 0 : i32
    %c0_i32_0 = arith.constant 0 : i32
    return %arg0, %c0_i32 : i32, i32
  }
  func.func @transform_3(%arg0: i32) -> (i32, i32) {
    %c0_i32 = arith.constant 0 : i32
    %c0_i32_0 = arith.constant 0 : i32
    return %arg0, %c0_i32 : i32, i32
  }
  func.func @transform_4(%arg0: i32) -> (i32, i32) {
    %c0_i32 = arith.constant 0 : i32
    %c0_i32_0 = arith.constant 0 : i32
    %c0_i32_1 = arith.constant 0 : i32
    return %c0_i32, %c0_i32_0 : i32, i32
  }
  func.func @transform_5(%arg0: i32) -> (i32, i32) {
    %c0_i32 = arith.constant 0 : i32
    %c0_i32_0 = arith.constant 0 : i32
    %c0_i32_1 = arith.constant 0 : i32
    return %c0_i32, %c0_i32_0 : i32, i32
  }
  func.func @transform_6(%arg0: i32) -> (i32, i32) {
    %c0_i32 = arith.constant 0 : i32
    %c0_i32_0 = arith.constant 0 : i32
    return %arg0, %c0_i32 : i32, i32
  }
  func.func @transform_7(%arg0: i32) -> (i32, i32) {
    %c0_i32 = arith.constant 0 : i32
    %c0_i32_0 = arith.constant 0 : i32
    %c0_i32_1 = arith.constant 0 : i32
    return %c0_i32, %c0_i32_0 : i32, i32
  }
  func.func @transform_8(%arg0: i32) -> (i32, i32) {
    %c0_i32 = arith.constant 0 : i32
    %c0_i32_0 = arith.constant 0 : i32
    %c0_i32_1 = arith.constant 0 : i32
    return %c0_i32, %c0_i32_0 : i32, i32
  }
}

</mosaic_0001>

<sc_bundles>
// kernel: kernel.11.cloned.1.call-start
scs
__scs_entry_jumppad:
0x0: {  	(pc) =	sbr.rel $0x88, $3  }
0x1: {  	(tag) =	ssettag $0x0;
	lr =	simm.s32 $0x1  }
0x2: {  	[smem:$0x3F98] =	sst lr;
	_ =	strace $0xD0000000  }
0x3: {  	_ = 	snop  }
0x4: {  	_ = 	snop  }
0x5: {  	_ = 	snop  }
0x6: {  	_ = 	snop  }
0x7: {  	_ = 	snop  }
__scs_overlays_trampoline_lowered:
0x8: {  	[smem:$0x3FA7] =	sst s0  }
0x9: {  	[smem:$0x3FA8] =	sst s1  }
0xa: {  	[smem:$0x3FA9] =	sst s2  }
0xb: {  	[smem:$0x3FAA] =	sst s3  }
0xc: {  	[smem:$0x3FAB] =	sst s4  }
0xd: {  	[smem:$0x3FAC] =	sst s5  }
0xe: {  	[smem:$0x3FAD] =	sst s6  }
0xf: {  	[smem:$0x3FAE] =	sst s7  }
0x10: {  	[smem:$0x3FAF] =	sst s8  }
0x11: {  	[smem:$0x3FB0] =	sst s9;
	s0 =	simm.s32 @!p0 $0x0  }
0x12: {  	s1 =	sld [smem:$0x3F96];
	s0 =	simm.s32 @p0 $0x1  }
0x13: {  	[smem:$0x3FB1] =	sst s0;
	s0 =	simm.s32 @!p1 $0x0  }
0x14: {  	s2 =	sld [smem:$0x3F95];
	s0 =	simm.s32 @p1 $0x1  }
0x15: {  	[smem:$0x3FB2] =	sst s0;
	s0 =	simm.s32 @!p2 $0x0  }
0x16: {  	s3 =	sld [smem:$0x3FDB];
	s0 =	simm.s32 @p2 $0x1  }
0x17: {  	s4 =	simm.s32 $0x1BF5;
	[smem:$0x3FB4] =	sst s0  }
0x18: {  	s0 =	sld [smem:$0x3F97];
	_ =	swait.ge [sflag:s4], $0x0  }
0x19: {  	s7 =	sld [smem:$0x3F98]  }
0x1a: {  	s8 =	sadd.s32 $0xFFFFE003, lr  }
0x1b: {  	s9 =	sadd.s32 $0xFFFFFEF7, lr;
	s5 =	simm.s32 $0xFFFFFFFF;
	p2 =	slt.u32 s8, $0xFFFFF086  }
0x1c: {  	p1 =	slt.u32 s9, $0xF7A;
	s5 =	simm.s32 @!p2 $0x0  }
0x1d: {  	s5 =	simm.s32 @p1 $0x1;
	p0 =	seq.s32 s7, s2  }
0x1e: {  	s7 =	smul.u32 @!p0 $0xF7A, s2;
	p2 =	seq.s32 @!p0 s5, $0x0  }
0x1f: {  	s9 =	smul.u32 $0xF7A, s1;
	s8 =	simm.s32 @!p0 $0x1BF5;
	p2 =	por !p2, p0  }
0x20: {  	[sflag:s8] =	ssyncset.s32 @!p0 $0xFFFFF086;
	s6 =	sadd.s32 @!p0 s3, s7;
	s7 =	simm.s32 @!p0 $0x108  }
0x21: {  	s3 =	sadd.s32 s3, s9;
	s6 =	sadd.s32 @!p0 $0x88, s6;
	s7 =	simm.s32 @p2 $0x1082  }
0x22: {  	[simem:s7], [sflag:s8] =	dma.local @!p0 [hbm:s6], $0xF7A  }
0x23: {  	s9 =	sor.u32 $0xD0000000, s2;
	s6 =	simm.s32 $0x108;
	_ =	swait.ge @!p0 [sflag:s8], $0x0  }
0x24: {  	s3 =	sadd.s32 $0x88, s3;
	s6 =	simm.s32 @!p1 $0x1082;
	[sflag:s4] =	ssyncset.s32 $0xFFFFF086  }
0x25: {  	[simem:s6], [sflag:s4] =	dma.local [hbm:s3], $0xF7A  }
0x26: {  	[smem:$0x3F98] =	sst s1;
	(tag) =	ssettag s2;
	_ =	strace s9  }
0x27: {  	s1 =	sld [smem:$0x3FA8]  }
0x28: {  	s2 =	sld [smem:$0x3FA9]  }
0x29: {  	s4 =	sld [smem:$0x3FAB]  }
0x2a: {  	p0 =	seq.s32 s5, $0x0;
	s5 =	sld [smem:$0x3FAC]  }
0x2b: {  	s6 =	sld [smem:$0x3FAD]  }
0x2c: {  	s7 =	sld [smem:$0x3FAE]  }
0x2d: {  	s3 =	simm.s32 $0x108;
	s8 =	sld [smem:$0x3FAF]  }
0x2e: {  	s3 =	simm.s32 @!p0 $0x1082;
	s9 =	sld [smem:$0x3FB0]  }
0x2f: {  	lr =	sadd.s32 s0, s3;
	s0 =	sld [smem:$0x3FA7]  }
0x30: {  	s3 =	sld [smem:$0x3FAA]  }
0x31: {  	[smem:$0x3FB3] =	sst s10  }
0x32: {  	s10 =	sld [smem:$0x3FB1];
	_ =	sdelay $0x3  }
0x33: {  	p0 =	seq.s32 s10, $0x1;
	s10 =	sld [smem:$0x3FB3];
	_ =	sdelay $0x3  }
0x34: {  	[smem:$0x3FB3] =	sst s10  }
0x35: {  	s10 =	sld [smem:$0x3FB2];
	_ =	sdelay $0x3  }
0x36: {  	p1 =	seq.s32 s10, $0x1;
	s10 =	sld [smem:$0x3FB3];
	_ =	sdelay $0x3  }
0x37: {  	[smem:$0x3FB3] =	sst s10  }
0x38: {  	s10 =	sld [smem:$0x3FB4]  }
0x39: {  	_ = 	snop;
	(pc) =	sbr.ind lr, $3  }
0x3a: {  	_ = 	snop  }
0x3b: {  	_ = 	snop  }
0x3c: {  	p2 =	seq.s32 s10, $0x1;
	s10 =	sld [smem:$0x3FB3]  }
0x3d: {  	_ =	shalt  }
0x3e: {  	_ =	shalt  }
0x3f: {  	_ =	shalt  }
0x40: {  	_ =	shalt  }
0x41: {  	_ =	shalt  }
0x42: {  	_ =	shalt  }
0x43: {  	_ =	shalt  }
0x44: {  	_ =	shalt  }
0x45: {  	_ =	shalt  }
0x46: {  	_ =	shalt  }
0x47: {  	_ =	shalt  }
0x48: {  	_ =	shalt  }
0x49: {  	_ =	shalt  }
0x4a: {  	_ =	shalt  }
0x4b: {  	_ =	shalt  }
0x4c: {  	_ =	shalt  }
0x4d: {  	_ =	shalt  }
0x4e: {  	_ =	shalt  }
0x4f: {  	_ =	shalt  }
0x50: {  	_ =	shalt  }
0x51: {  	_ =	shalt  }
0x52: {  	_ =	shalt  }
0x53: {  	_ =	shalt  }
0x54: {  	_ =	shalt  }
0x55: {  	_ =	shalt  }
0x56: {  	_ =	shalt  }
0x57: {  	_ =	shalt  }
0x58: {  	_ =	shalt  }
0x59: {  	_ =	shalt  }
0x5a: {  	_ =	shalt  }
0x5b: {  	_ =	shalt  }
0x5c: {  	_ =	shalt  }
0x5d: {  	_ =	shalt  }
0x5e: {  	_ =	shalt  }
0x5f: {  	_ =	shalt  }
0x60: {  	_ =	shalt  }
0x61: {  	_ =	shalt  }
0x62: {  	_ =	shalt  }
0x63: {  	_ =	shalt  }
0x64: {  	_ =	shalt  }
0x65: {  	_ =	shalt  }
0x66: {  	_ =	shalt  }
0x67: {  	_ =	shalt  }
0x68: {  	_ =	shalt  }
0x69: {  	_ =	shalt  }
0x6a: {  	_ =	shalt  }
0x6b: {  	_ =	shalt  }
0x6c: {  	_ =	shalt  }
0x6d: {  	_ =	shalt  }
0x6e: {  	_ =	shalt  }
0x6f: {  	_ =	shalt  }
0x70: {  	_ =	shalt  }
0x71: {  	_ =	shalt  }
0x72: {  	_ =	shalt  }
0x73: {  	_ =	shalt  }
0x74: {  	_ =	shalt  }
0x75: {  	_ =	shalt  }
0x76: {  	_ =	shalt  }
0x77: {  	_ =	shalt  }
0x78: {  	_ =	shalt  }
0x79: {  	_ =	shalt  }
0x7a: {  	_ =	shalt  }
0x7b: {  	_ =	shalt  }
0x7c: {  	_ =	shalt  }
0x7d: {  	_ =	shalt  }
0x7e: {  	_ =	shalt  }
0x7f: {  	_ =	shalt  }
0x80: {  	_ =	shalt  }
0x81: {  	_ =	shalt  }
0x82: {  	_ =	shalt  }
0x83: {  	_ =	shalt  }
0x84: {  	_ =	shalt  }
0x85: {  	_ =	shalt  }
0x86: {  	_ =	shalt  }
0x87: {  	_ =	shalt  }
.Lfunc_end0:
.L_simem_size_0:
called_computation.1_lowered:
.L_overlay_start_0:
0x88: {  	s2 =	sld [smem:$0x3FD9]  }
0x89: {  	s3 =	sld [smem:$0x3FFE];
	_ =	sdelay $0x1  }
0x8a: {  	s1 =	srdreg.scid  }
0x8b: {  	s0 =	sand.u32 $0x1, s1  }
0x8c: {  	s16 =	sshll.u32 s0, $0xA;
	s2 =	sadd.s32 s3, s2  }
0x8d: {  	s2 =	sadd.s32 s2, s16  }
0x8e: {  	[smem:$0x3FBF] =	sst s2  }
0x8f: {  	_ = 	snop  }
0x90: {  	(tm) =	ssettm $0x1  }
0x91: {  	s17 =	sld [smem:$0x3FFB];
	_ =	sdelay $0x3  }
0x92: {  	_ =	strace s17  }
0x93: {  	s2 =	sld [smem:$0x3FFC];
	_ =	sdelay $0x3  }
0x94: {  	_ =	strace s2  }
0x95: {  	s2 =	sld [smem:$0x3FFD];
	_ =	sdelay $0x3  }
0x96: {  	_ =	strace s2  }
0x97: {  	_ =	strace $0x8FFFFFFF  }
0x98: {  	s18 =	sld [smem:$0x3FDB];
	_ =	sdelay $0x1  }
0x99: {  	s19 =	simm.s32 $_scs_section_size  }
0x9a: {  	s4 =	simm.s32 $_size__tile_overlayer_lowered;
	s5 =	simm.s32 $_tile_overlayer_lowered  }
0x9b: {  	s22 =	simm.s32 $0x1BFF;
	s21 =	sshll.u32 s5, $0x1;
	s2 =	sadd.s32 s19, s18  }
0x9c: {  	s6 =	simm.s32 $0x0;
	s20 =	sshll.u32 s4, $0x1;
	s4 =	sadd.s32 s21, s2  }
0x9d: {  	[timem:s6], [sflag:s22] =	dma.local [hbm:s4], s20  }
0x9e: {  	_ =	swait.ge [sflag:s22], s20  }
0x9f: {  	s3 =	ssub.s32 $0x0, s20;
	[sflag:s22] =	ssyncset.done $0x0  }
0xa0: {  	[sflag:s22] =	ssyncadd.s32 s3;
	_ =	sdelay $0x1  }
0xa1: {  	s23 =	simm.s32 $0x1B8B  }
0xa2: {  	_ =	swait.ge [sflag:s23], $0x1  }
0xa3: {  	[sflag:s23] =	ssyncset.done $0x0  }
0xa4: {  	s25 =	simm.s32 $0x1B8E;
	s24 =	sld [smem:$0x3FFE];
	[sflag:s23] =	ssyncadd.s32 $0xFFFFFFFF  }
0xa5: {  	s26 =	simm.s32 $execute0_lowered;
	[smem:$0x3FD2] =	sst s25  }
0xa6: {  	s4 =	sshll.u32 s26, $0x1;
	_ =	strace $0x80000049;
	[dreg:$0x1] =	wrdreg $0xFFFFFFFF  }
0xa7: {  	s28 =	simm.s32 $_size_execute0_lowered;
	s2 =	sadd.s32 s2, s4;
	[dreg:$0x0] =	wrdreg $0x0  }
0xa8: {  	s4 =	sshll.u32 s28, $0x1;
	[dreg:$0x2] =	wrdreg s2  }
0xa9: {  	[dreg:$0x3] =	wrdreg s4  }
0xaa: {  	[dreg:$0x4] =	wrdreg $0xC0  }
0xab: {  	_ =	task [dreg:s6], $0x5FFFF  }
0xac: {  	[dreg:$0x1] =	wrdreg $0xFFFFFFFF  }
0xad: {  	[dreg:$0x0] =	wrdreg $0x60  }
0xae: {  	[dreg:$0x2] =	wrdreg s24  }
0xaf: {  	[dreg:$0x3] =	wrdreg $0x90000  }
0xb0: {  	[dreg:$0x4] =	wrdreg $0x9  }
0xb1: {  	_ =	task.clear_ibuf [dreg:s6], $0x5FFFF;
	_ =	strace $0x90000049  }
0xb2: {  	s29 =	simm.s32 $0x9;
	_ =	strace $0x8000004B  }
0xb3: {  	_ =	swait.ge [sflag:s29], $0x1  }
0xb4: {  	[sflag:s29] =	ssyncadd.s32 $0xFFFFFFFF  }
0xb5: {  	_ =	strace $0x9000004B  }
0xb6: {  	_ =	sfence  }
0xb7: {  	s30 =	sld [smem:$0x0];
	_ =	sdelay $0x2  }
0xb8: {  	s31 =	sshll.u32 s1, $0xD;
	s1 =	sshrl.u32 s1, $0x2  }
0xb9: {  	s3 =	sand.u32 $0x4000, s31;
	s1 =	sadd.s32 s1, s30  }
0xba: {  	s0 =	sor.u32 s3, s0;
	s1 =	sshll.u32 s1, $0x11  }
0xbb: {  	s0 =	sor.u32 s1, s0  }
0xbc: {  	s0 =	sadd.s32 $0x8F2B, s0  }
0xbd: {  	[sflag:s0] =	ssyncadd.remote.s32 $0x1  }
0xbe: {  	_ =	sfence.sel $0xFFFF  }
0xbf: {  	[dreg:$0x0] =	wrdreg $0xFFFFFFFF;
	(pc) =	sbr.abs _section_cstart, $3  }
0xc0: {  	[dreg:$0x1] =	wrdreg $0xFFFFFFFF  }
0xc1: {  	_ =	task.clear_ibuf [dreg:s6], $0x2FFFF;
	_ =	strace $0x9FFFFFFF  }
0xc2: {  	(tm) =	ssettm $0x7FFFFFFF  }
0xc3: {  	_ =	shalt  }
tec
execute0_lowered:
.L_overlay_start_1:
0x0: {  	(tag) =	ssettag $0x1  }
0x1: {  	s0 =	rddreg [dreg:$0x0]  }
0x2: {  	s1 =	rddreg [dreg:$0x1];
	s3 =	simm.s32 $0x0  }
0x3: {  	s14 =	stileid.u32;
	s2 =	srdreg.scid;
	s12 =	simm.s32 $0x3  }
0x4: {  	s13 =	simm.s32 $0x80;
	s15 =	simm.s32 $0xA00;
	s16 =	simm.s32 $0x980  }
0x5: {  	s28 =	simm.s32 $0xC80;
	s29 =	simm.s32 $0xE00;
	s30 =	simm.s32 $0xD80  }
0x6: {  	s31 =	simm.s32 $0xF00;
	[smem:$0x7FF] =	sst s3;
	s6 =	smul.u32 $0x14000, s14  }
0x7: {  	s2 =	sand.u32 $0x1, s2;
	s5 =	sshll.u32 s14, $0x1;
	s18 =	smul.u32 $0xA000, s14  }
0x8: {  	s4 =	sadd.s32 $0x16C00, s0;
	s17 =	sadd.s32 $0x2C00, s0;
	s11 =	smul.u32 $0x50000, s14  }
0x9: {  	s26 =	sshll.u32 s14, $0x6;
	s14 =	simm.s32 $0x1000;
	_ =	strace $0x8000004A  }
0xa: {  	s7 =	smul.u32 $0x140000, s2;
	s8 =	sor.u32 s2, s5;
	s10 =	ssub.s32 $0x2, s2  }
0xb: {  	s2 =	smul.u32 $0x5000, s2;
	[dreg:$0x4] =	wrdreg s17;
	s5 =	simm.s32 $0xE80  }
0xc: {  	s9 =	sshrl.u32 s6, $0x3;
	s8 =	smul.u32 $0x5000, s8;
	s19 =	sshrl.u32 s10, $0x1  }
0xd: {  	s21 =	sshrl.u32 s11, $0x2;
	s9 =	sadd.s32 s9, s0;
	s6 =	sadd.s32 s6, s7  }
0xe: {  	s2 =	sadd.s32 s2, s18;
	s7 =	sadd.s32 s21, s1;
	s21 =	simm.s32 $0x5000  }
0xf: {  	s18 =	simm.s32 $0xF80;
	s6 =	sshrl.u32 s6, $0x3;
	s8 =	sshrl.u32 s8, $0x3  }
0x10: {  	s22 =	sadd.s32 $0x1800, s2;
	s9 =	sadd.s32 $0x3EC00, s9;
	s25 =	sadd.s32 $0x1000, s2  }
0x11: {  	s7 =	sshrl.u32 s7, $0x3;
	s2 =	simm.s32 $0x880;
	s0 =	sadd.s32 s6, s0  }
0x12: {  	s6 =	ssub.s32 s10, s19;
	s20 =	sadd.s32 s17, s8;
	[dreg:$0x6] =	wrdreg s9  }
0x13: {  	s8 =	sshrl.u32 s22, $0x3;
	[dreg:$0xa] =	wrdreg s25;
	s19 =	simm.s32 $0x1  }
0x14: {  	s22 =	simm.s32 $0x2;
	s9 =	simm.s32 $0x4;
	[dreg:$0xc] =	wrdreg s7  }
0x15: {  	s25 =	simm.s32 $0xB80;
	[dreg:$0x5] =	wrdreg s20;
	s23 =	sadd.s32 $0x100, s20  }
0x16: {  	s0 =	sadd.s32 $0x66C00, s0;
	s24 =	sadd.s32 s8, s17;
	[dreg:$0x7] =	wrdreg s23  }
0x17: {  	s6 =	smax.u32 s6, $0x1;
	s8 =	sor.u32 $0x1C05, s26;
	[dreg:$0x8] =	wrdreg s0  }
0x18: {  	s17 =	simm.s32 $0x5;
	s20 =	simm.s32 $0xB00;
	[dreg:$0x9] =	wrdreg s6  }
0x19: {  	s26 =	simm.s32 $0xD00;
	[dreg:$0x3] =	wrdreg s24;
	s23 =	simm.s32 $0xA80  }
0x1a: {  	s24 =	simm.s32 $0xC00;
	s0 =	simm.s32 $0x0;
	[dreg:$0xb] =	wrdreg s8  }
.LBB2_1:
0x1b: {  	[dreg:$0xd] =	wrdreg s0  }
0x1c: {  	s6 =	rddreg [dreg:$0x5]  }
0x1d: {  	[tilespmem:s3], [sflag:$0x3] =	stream.linear.gather [hbm4b:s6+s3], $0x800, $0x38;
	[tilespmem:$0x1D000] =	vst v63  }
0x1e: {  	_ =	swait.ge [sflag:s12], $0x800  }
0x1f: {  	[sflag:s12] =	ssyncset.done $0x0  }
0x20: {  	s11 =	rddreg [dreg:$0x6];
	[sflag:s12] =	ssyncadd.s32 $0xFFFFF800  }
0x21: {  	[tilespmem:s14], [sflag:$0x1] =	stream.indirect.gather [hbm4b:s4+s13], $0x80, s3, s13, $0xb8;
	[tilespmem:$0x1D000] =	vst v63  }
0x22: {  	[spmem:s7], [sflag:s8] =	dma.local [hbm:s11], $0x2800  }
0x23: {  	_ =	swait.ge [sflag:s17], $0x2800  }
0x24: {  	[sflag:s17] =	ssyncset.done $0x0  }
0x25: {  	[sflag:s17] =	ssyncadd.s32 $0xFFFFD800  }
0x26: {  	[bflag:$0x0] =	sbarrier.arrive $0xFFFF  }
0x27: {  	s8 =	simm.s32 $0x800;
	s0 =	rddreg [dreg:$0x7]  }
0x28: {  	[tilespmem:s8], [sflag:$0x4] =	stream.linear.gather [hbm4b:s0+s3], $0x800, $0x38;
	[tilespmem:$0x1D000] =	vst v63  }
0x29: {  	_ =	swait.ge [sflag:s19], $0x4000  }
0x2a: {  	[sflag:s19] =	ssyncset.done $0x0  }
0x2b: {  	s6 =	simm.s32 $0x100;
	[sflag:s19] =	ssyncadd.s32 $0xFFFFC000  }
0x2c: {  	[tilespmem:s21], [sflag:$0x2] =	stream.indirect.gather [hbm4b:s4+s13], $0x80, s6, s13, $0xb8;
	[tilespmem:$0x1D000] =	vst v63  }
0x2d: {  	_ = 	snop  }
0x2e: {  	[spmem:s1] =	stream.indirect.scatter.add.f32 [tilespmem:s14], [sflag:$0x5], $0x80, s13, s13, $0xb8;
	[tilespmem:$0x1D000] =	vst v63  }
0x2f: {  	_ =	swait.ge [sflag:s17], $0x4000  }
0x30: {  	[sflag:s17] =	ssyncset.done $0x0  }
0x31: {  	[sflag:s17] =	ssyncadd.s32 $0xFFFFC000  }
0x32: {  	_ =	swait.ge [sflag:s22], $0x4000  }
0x33: {  	[sflag:s22] =	ssyncset.done $0x0  }
0x34: {  	s7 =	simm.s32 $0x200;
	[sflag:s22] =	ssyncadd.s32 $0xFFFFC000  }
0x35: {  	[tilespmem:s14], [sflag:$0x1] =	stream.indirect.gather [hbm4b:s4+s13], $0x80, s7, s13, $0xb8;
	[tilespmem:$0x1D000] =	vst v63  }
0x36: {  	s11 =	simm.s32 $0x180  }
0x37: {  	[spmem:s1] =	stream.indirect.scatter.add.f32 [tilespmem:s21], [sflag:$0x5], $0x80, s11, s13, $0xb8;
	[tilespmem:$0x1D000] =	vst v63  }
0x38: {  	_ =	swait.ge [sflag:s17], $0x4000  }
0x39: {  	[sflag:s17] =	ssyncset.done $0x0  }
0x3a: {  	[sflag:s17] =	ssyncadd.s32 $0xFFFFC000  }
0x3b: {  	_ =	swait.ge [sflag:s19], $0x4000  }
0x3c: {  	[sflag:s19] =	ssyncset.done $0x0  }
0x3d: {  	s10 =	simm.s32 $0x300;
	[sflag:s19] =	ssyncadd.s32 $0xFFFFC000  }
0x3e: {  	[tilespmem:s21], [sflag:$0x2] =	stream.indirect.gather [hbm4b:s4+s13], $0x80, s10, s13, $0xb8;
	[tilespmem:$0x1D000] =	vst v63  }
0x3f: {  	s6 =	simm.s32 $0x280  }
0x40: {  	[spmem:s1] =	stream.indirect.scatter.add.f32 [tilespmem:s14], [sflag:$0x5], $0x80, s6, s13, $0xb8;
	[tilespmem:$0x1D000] =	vst v63  }
0x41: {  	_ =	swait.ge [sflag:s17], $0x4000  }
0x42: {  	[sflag:s17] =	ssyncset.done $0x0  }
0x43: {  	[sflag:s17] =	ssyncadd.s32 $0xFFFFC000  }
0x44: {  	_ =	swait.ge [sflag:s22], $0x4000  }
0x45: {  	[sflag:s22] =	ssyncset.done $0x0  }
0x46: {  	s7 =	simm.s32 $0x400;
	[sflag:s22] =	ssyncadd.s32 $0xFFFFC000  }
0x47: {  	[tilespmem:s14], [sflag:$0x1] =	stream.indirect.gather [hbm4b:s4+s13], $0x80, s7, s13, $0xb8;
	[tilespmem:$0x1D000] =	vst v63  }
0x48: {  	s10 =	simm.s32 $0x380  }
0x49: {  	[spmem:s1] =	stream.indirect.scatter.add.f32 [tilespmem:s21], [sflag:$0x5], $0x80, s10, s13, $0xb8;
	[tilespmem:$0x1D000] =	vst v63  }
0x4a: {  	_ =	swait.ge [sflag:s17], $0x4000  }
0x4b: {  	[sflag:s17] =	ssyncset.done $0x0  }
0x4c: {  	[sflag:s17] =	ssyncadd.s32 $0xFFFFC000  }
0x4d: {  	_ =	swait.ge [sflag:s19], $0x4000  }
0x4e: {  	[sflag:s19] =	ssyncset.done $0x0  }
0x4f: {  	s6 =	simm.s32 $0x500;
	[sflag:s19] =	ssyncadd.s32 $0xFFFFC000  }
0x50: {  	[tilespmem:s21], [sflag:$0x2] =	stream.indirect.gather [hbm4b:s4+s13], $0x80, s6, s13, $0xb8;
	[tilespmem:$0x1D000] =	vst v63  }
0x51: {  	s7 =	simm.s32 $0x480  }
0x52: {  	[spmem:s1] =	stream.indirect.scatter.add.f32 [tilespmem:s14], [sflag:$0x5], $0x80, s7, s13, $0xb8;
	[tilespmem:$0x1D000] =	vst v63  }
0x53: {  	_ =	swait.ge [sflag:s17], $0x4000  }
0x54: {  	[sflag:s17] =	ssyncset.done $0x0  }
0x55: {  	[sflag:s17] =	ssyncadd.s32 $0xFFFFC000  }
0x56: {  	_ =	swait.ge [sflag:s22], $0x4000  }
0x57: {  	[sflag:s22] =	ssyncset.done $0x0  }
0x58: {  	s10 =	simm.s32 $0x600;
	[sflag:s22] =	ssyncadd.s32 $0xFFFFC000  }
0x59: {  	[tilespmem:s14], [sflag:$0x1] =	stream.indirect.gather [hbm4b:s4+s13], $0x80, s10, s13, $0xb8;
	[tilespmem:$0x1D000] =	vst v63  }
0x5a: {  	s6 =	simm.s32 $0x580  }
0x5b: {  	[spmem:s1] =	stream.indirect.scatter.add.f32 [tilespmem:s21], [sflag:$0x5], $0x80, s6, s13, $0xb8;
	[tilespmem:$0x1D000] =	vst v63  }
0x5c: {  	_ =	swait.ge [sflag:s17], $0x4000  }
0x5d: {  	[sflag:s17] =	ssyncset.done $0x0  }
0x5e: {  	[sflag:s17] =	ssyncadd.s32 $0xFFFFC000  }
0x5f: {  	_ =	swait.ge [sflag:s19], $0x4000  }
0x60: {  	[sflag:s19] =	ssyncset.done $0x0  }
0x61: {  	s7 =	simm.s32 $0x700;
	[sflag:s19] =	ssyncadd.s32 $0xFFFFC000  }
0x62: {  	[tilespmem:s21], [sflag:$0x2] =	stream.indirect.gather [hbm4b:s4+s13], $0x80, s7, s13, $0xb8;
	[tilespmem:$0x1D000] =	vst v63  }
0x63: {  	s10 =	simm.s32 $0x680  }
0x64: {  	[spmem:s1] =	stream.indirect.scatter.add.f32 [tilespmem:s14], [sflag:$0x5], $0x80, s10, s13, $0xb8;
	[tilespmem:$0x1D000] =	vst v63  }
0x65: {  	_ =	swait.ge [sflag:s17], $0x4000  }
0x66: {  	[sflag:s17] =	ssyncset.done $0x0  }
0x67: {  	[sflag:s17] =	ssyncadd.s32 $0xFFFFC000  }
0x68: {  	_ =	swait.ge [sflag:s22], $0x4000  }
0x69: {  	[sflag:s22] =	ssyncset.done $0x0  }
0x6a: {  	[sflag:s22] =	ssyncadd.s32 $0xFFFFC000  }
0x6b: {  	_ =	swait.ge [sflag:s9], $0x800  }
0x6c: {  	[sflag:s9] =	ssyncset.done $0x0  }
0x6d: {  	[sflag:s9] =	ssyncadd.s32 $0xFFFFF800  }
0x6e: {  	[tilespmem:s14], [sflag:$0x1] =	stream.indirect.gather [hbm4b:s4+s13], $0x80, s8, s13, $0xb8;
	[tilespmem:$0x1D000] =	vst v63  }
0x6f: {  	s6 =	simm.s32 $0x780  }
0x70: {  	[spmem:s1] =	stream.indirect.scatter.add.f32 [tilespmem:s21], [sflag:$0x5], $0x80, s6, s13, $0xb8;
	[tilespmem:$0x1D000] =	vst v63  }
0x71: {  	_ =	swait.ge [sflag:s17], $0x4000  }
0x72: {  	s10 =	rddreg [dreg:$0xa]  }
0x73: {  	[sflag:s17] =	ssyncset.done $0x0;
	s0 =	rddreg [dreg:$0x4];
	s7 =	sshrl.u32 s10, $0x3  }
0x74: {  	[sflag:s17] =	ssyncadd.s32 $0xFFFFC000;
	s6 =	sadd.s32 s0, s7  }
0x75: {  	[tilespmem:s3], [sflag:$0x3] =	stream.linear.gather [hbm4b:s6+s3], $0x800, $0x38;
	[tilespmem:$0x1D000] =	vst v63  }
0x76: {  	_ =	swait.ge [sflag:s19], $0x4000  }
0x77: {  	[sflag:s19] =	ssyncset.done $0x0  }
0x78: {  	s7 =	simm.s32 $0x900;
	[sflag:s19] =	ssyncadd.s32 $0xFFFFC000  }
0x79: {  	[tilespmem:s21], [sflag:$0x2] =	stream.indirect.gather [hbm4b:s4+s13], $0x80, s7, s13, $0xb8;
	[tilespmem:$0x1D000] =	vst v63  }
0x7a: {  	_ = 	snop  }
0x7b: {  	[spmem:s1] =	stream.indirect.scatter.add.f32 [tilespmem:s14], [sflag:$0x5], $0x80, s2, s13, $0xb8;
	[tilespmem:$0x1D000] =	vst v63  }
0x7c: {  	_ =	swait.ge [sflag:s17], $0x4000  }
0x7d: {  	[sflag:s17] =	ssyncset.done $0x0  }
0x7e: {  	[sflag:s17] =	ssyncadd.s32 $0xFFFFC000  }
0x7f: {  	_ =	swait.ge [sflag:s22], $0x4000  }
0x80: {  	[sflag:s22] =	ssyncset.done $0x0  }
0x81: {  	[sflag:s22] =	ssyncadd.s32 $0xFFFFC000  }
0x82: {  	[tilespmem:s14], [sflag:$0x1] =	stream.indirect.gather [hbm4b:s4+s13], $0x80, s15, s13, $0xb8;
	[tilespmem:$0x1D000] =	vst v63  }
0x83: {  	_ = 	snop  }
0x84: {  	[spmem:s1] =	stream.indirect.scatter.add.f32 [tilespmem:s21], [sflag:$0x5], $0x80, s16, s13, $0xb8;
	[tilespmem:$0x1D000] =	vst v63  }
0x85: {  	_ =	swait.ge [sflag:s17], $0x4000  }
0x86: {  	[sflag:s17] =	ssyncset.done $0x0  }
0x87: {  	[sflag:s17] =	ssyncadd.s32 $0xFFFFC000  }
0x88: {  	_ =	swait.ge [sflag:s19], $0x4000  }
0x89: {  	[sflag:s19] =	ssyncset.done $0x0  }
0x8a: {  	[sflag:s19] =	ssyncadd.s32 $0xFFFFC000  }
0x8b: {  	[tilespmem:s21], [sflag:$0x2] =	stream.indirect.gather [hbm4b:s4+s13], $0x80, s20, s13, $0xb8;
	[tilespmem:$0x1D000] =	vst v63  }
0x8c: {  	_ = 	snop  }
0x8d: {  	[spmem:s1] =	stream.indirect.scatter.add.f32 [tilespmem:s14], [sflag:$0x5], $0x80, s23, s13, $0xb8;
	[tilespmem:$0x1D000] =	vst v63  }
0x8e: {  	_ =	swait.ge [sflag:s17], $0x4000  }
0x8f: {  	[sflag:s17] =	ssyncset.done $0x0  }
0x90: {  	[sflag:s17] =	ssyncadd.s32 $0xFFFFC000  }
0x91: {  	_ =	swait.ge [sflag:s22], $0x4000  }
0x92: {  	[sflag:s22] =	ssyncset.done $0x0  }
0x93: {  	[sflag:s22] =	ssyncadd.s32 $0xFFFFC000  }
0x94: {  	[tilespmem:s14], [sflag:$0x1] =	stream.indirect.gather [hbm4b:s4+s13], $0x80, s24, s13, $0xb8;
	[tilespmem:$0x1D000] =	vst v63  }
0x95: {  	_ = 	snop  }
0x96: {  	[spmem:s1] =	stream.indirect.scatter.add.f32 [tilespmem:s21], [sflag:$0x5], $0x80, s25, s13, $0xb8;
	[tilespmem:$0x1D000] =	vst v63  }
0x97: {  	_ =	swait.ge [sflag:s17], $0x4000  }
0x98: {  	[sflag:s17] =	ssyncset.done $0x0  }
0x99: {  	[sflag:s17] =	ssyncadd.s32 $0xFFFFC000  }
0x9a: {  	_ =	swait.ge [sflag:s19], $0x4000  }
0x9b: {  	[sflag:s19] =	ssyncset.done $0x0  }
0x9c: {  	[sflag:s19] =	ssyncadd.s32 $0xFFFFC000  }
0x9d: {  	[tilespmem:s21], [sflag:$0x2] =	stream.indirect.gather [hbm4b:s4+s13], $0x80, s26, s13, $0xb8;
	[tilespmem:$0x1D000] =	vst v63  }
0x9e: {  	_ = 	snop  }
0x9f: {  	[spmem:s1] =	stream.indirect.scatter.add.f32 [tilespmem:s14], [sflag:$0x5], $0x80, s28, s13, $0xb8;
	[tilespmem:$0x1D000] =	vst v63  }
0xa0: {  	_ =	swait.ge [sflag:s17], $0x4000  }
0xa1: {  	[sflag:s17] =	ssyncset.done $0x0  }
0xa2: {  	[sflag:s17] =	ssyncadd.s32 $0xFFFFC000  }
0xa3: {  	_ =	swait.ge [sflag:s22], $0x4000  }
0xa4: {  	[sflag:s22] =	ssyncset.done $0x0  }
0xa5: {  	[sflag:s22] =	ssyncadd.s32 $0xFFFFC000  }
0xa6: {  	[tilespmem:s14], [sflag:$0x1] =	stream.indirect.gather [hbm4b:s4+s13], $0x80, s29, s13, $0xb8;
	[tilespmem:$0x1D000] =	vst v63  }
0xa7: {  	_ = 	snop  }
0xa8: {  	[spmem:s1] =	stream.indirect.scatter.add.f32 [tilespmem:s21], [sflag:$0x5], $0x80, s30, s13, $0xb8;
	[tilespmem:$0x1D000] =	vst v63  }
0xa9: {  	_ =	swait.ge [sflag:s17], $0x4000  }
0xaa: {  	[sflag:s17] =	ssyncset.done $0x0  }
0xab: {  	[sflag:s17] =	ssyncadd.s32 $0xFFFFC000  }
0xac: {  	_ =	swait.ge [sflag:s19], $0x4000  }
0xad: {  	[sflag:s19] =	ssyncset.done $0x0  }
0xae: {  	[sflag:s19] =	ssyncadd.s32 $0xFFFFC000  }
0xaf: {  	[tilespmem:s21], [sflag:$0x2] =	stream.indirect.gather [hbm4b:s4+s13], $0x80, s31, s13, $0xb8;
	[tilespmem:$0x1D000] =	vst v63  }
0xb0: {  	_ = 	snop  }
0xb1: {  	[spmem:s1] =	stream.indirect.scatter.add.f32 [tilespmem:s14], [sflag:$0x5], $0x80, s5, s13, $0xb8;
	[tilespmem:$0x1D000] =	vst v63  }
0xb2: {  	_ =	swait.ge [sflag:s17], $0x4000  }
0xb3: {  	[sflag:s17] =	ssyncset.done $0x0  }
0xb4: {  	[sflag:s17] =	ssyncadd.s32 $0xFFFFC000  }
0xb5: {  	_ =	swait.ge [sflag:s22], $0x4000  }
0xb6: {  	[sflag:s22] =	ssyncset.done $0x0  }
0xb7: {  	[sflag:s22] =	ssyncadd.s32 $0xFFFFC000  }
0xb8: {  	_ =	swait.ge [sflag:s12], $0x800  }
0xb9: {  	[sflag:s12] =	ssyncset.done $0x0  }
0xba: {  	[sflag:s12] =	ssyncadd.s32 $0xFFFFF800  }
0xbb: {  	[tilespmem:s14], [sflag:$0x1] =	stream.indirect.gather [hbm4b:s4+s13], $0x80, s3, s13, $0xb8;
	[tilespmem:$0x1D000] =	vst v63  }
0xbc: {  	_ = 	snop  }
0xbd: {  	[spmem:s1] =	stream.indirect.scatter.add.f32 [tilespmem:s21], [sflag:$0x5], $0x80, s18, s13, $0xb8;
	[tilespmem:$0x1D000] =	vst v63  }
0xbe: {  	_ =	swait.ge [sflag:s17], $0x4000  }
0xbf: {  	s0 =	rddreg [dreg:$0x3];
	[sflag:s17] =	ssyncset.done $0x0  }
0xc0: {  	[sflag:s17] =	ssyncadd.s32 $0xFFFFC000;
	s6 =	sadd.s32 $0x0, s0  }
0xc1: {  	[tilespmem:s8], [sflag:$0x4] =	stream.linear.gather [hbm4b:s6+s3], $0x800, $0x38;
	[tilespmem:$0x1D000] =	vst v63  }
0xc2: {  	_ =	swait.ge [sflag:s19], $0x4000  }
0xc3: {  	[sflag:s19] =	ssyncset.done $0x0  }
0xc4: {  	s7 =	simm.s32 $0x100;
	[sflag:s19] =	ssyncadd.s32 $0xFFFFC000  }
0xc5: {  	[tilespmem:s21], [sflag:$0x2] =	stream.indirect.gather [hbm4b:s4+s13], $0x80, s7, s13, $0xb8;
	[tilespmem:$0x1D000] =	vst v63  }
0xc6: {  	_ = 	snop  }
0xc7: {  	[spmem:s1] =	stream.indirect.scatter.add.f32 [tilespmem:s14], [sflag:$0x5], $0x80, s13, s13, $0xb8;
	[tilespmem:$0x1D000] =	vst v63  }
0xc8: {  	_ =	swait.ge [sflag:s17], $0x4000  }
0xc9: {  	[sflag:s17] =	ssyncset.done $0x0  }
0xca: {  	[sflag:s17] =	ssyncadd.s32 $0xFFFFC000  }
0xcb: {  	_ =	swait.ge [sflag:s22], $0x4000  }
0xcc: {  	[sflag:s22] =	ssyncset.done $0x0  }
0xcd: {  	s6 =	simm.s32 $0x200;
	[sflag:s22] =	ssyncadd.s32 $0xFFFFC000  }
0xce: {  	[tilespmem:s14], [sflag:$0x1] =	stream.indirect.gather [hbm4b:s4+s13], $0x80, s6, s13, $0xb8;
	[tilespmem:$0x1D000] =	vst v63  }
0xcf: {  	_ = 	snop  }
0xd0: {  	[spmem:s1] =	stream.indirect.scatter.add.f32 [tilespmem:s21], [sflag:$0x5], $0x80, s11, s13, $0xb8;
	[tilespmem:$0x1D000] =	vst v63  }
0xd1: {  	_ =	swait.ge [sflag:s17], $0x4000  }
0xd2: {  	[sflag:s17] =	ssyncset.done $0x0  }
0xd3: {  	[sflag:s17] =	ssyncadd.s32 $0xFFFFC000  }
0xd4: {  	_ =	swait.ge [sflag:s19], $0x4000  }
0xd5: {  	[sflag:s19] =	ssyncset.done $0x0  }
0xd6: {  	s7 =	simm.s32 $0x300;
	[sflag:s19] =	ssyncadd.s32 $0xFFFFC000  }
0xd7: {  	[tilespmem:s21], [sflag:$0x2] =	stream.indirect.gather [hbm4b:s4+s13], $0x80, s7, s13, $0xb8;
	[tilespmem:$0x1D000] =	vst v63  }
0xd8: {  	s11 =	simm.s32 $0x280  }
0xd9: {  	[spmem:s1] =	stream.indirect.scatter.add.f32 [tilespmem:s14], [sflag:$0x5], $0x80, s11, s13, $0xb8;
	[tilespmem:$0x1D000] =	vst v63  }
0xda: {  	_ =	swait.ge [sflag:s17], $0x4000  }
0xdb: {  	[sflag:s17] =	ssyncset.done $0x0  }
0xdc: {  	[sflag:s17] =	ssyncadd.s32 $0xFFFFC000  }
0xdd: {  	_ =	swait.ge [sflag:s22], $0x4000  }
0xde: {  	[sflag:s22] =	ssyncset.done $0x0  }
0xdf: {  	s6 =	simm.s32 $0x400;
	[sflag:s22] =	ssyncadd.s32 $0xFFFFC000  }
0xe0: {  	[tilespmem:s14], [sflag:$0x1] =	stream.indirect.gather [hbm4b:s4+s13], $0x80, s6, s13, $0xb8;
	[tilespmem:$0x1D000] =	vst v63  }
0xe1: {  	s7 =	simm.s32 $0x380  }
0xe2: {  	[spmem:s1] =	stream.indirect.scatter.add.f32 [tilespmem:s21], [sflag:$0x5], $0x80, s7, s13, $0xb8;
	[tilespmem:$0x1D000] =	vst v63  }
0xe3: {  	_ =	swait.ge [sflag:s17], $0x4000  }
0xe4: {  	[sflag:s17] =	ssyncset.done $0x0  }
0xe5: {  	[sflag:s17] =	ssyncadd.s32 $0xFFFFC000  }
0xe6: {  	_ =	swait.ge [sflag:s19], $0x4000  }
0xe7: {  	[sflag:s19] =	ssyncset.done $0x0  }
0xe8: {  	s11 =	simm.s32 $0x500;
	[sflag:s19] =	ssyncadd.s32 $0xFFFFC000  }
0xe9: {  	[tilespmem:s21], [sflag:$0x2] =	stream.indirect.gather [hbm4b:s4+s13], $0x80, s11, s13, $0xb8;
	[tilespmem:$0x1D000] =	vst v63  }
0xea: {  	s6 =	simm.s32 $0x480  }
0xeb: {  	[spmem:s1] =	stream.indirect.scatter.add.f32 [tilespmem:s14], [sflag:$0x5], $0x80, s6, s13, $0xb8;
	[tilespmem:$0x1D000] =	vst v63  }
0xec: {  	_ =	swait.ge [sflag:s17], $0x4000  }
0xed: {  	[sflag:s17] =	ssyncset.done $0x0  }
0xee: {  	[sflag:s17] =	ssyncadd.s32 $0xFFFFC000  }
0xef: {  	_ =	swait.ge [sflag:s22], $0x4000  }
0xf0: {  	[sflag:s22] =	ssyncset.done $0x0  }
0xf1: {  	s7 =	simm.s32 $0x600;
	[sflag:s22] =	ssyncadd.s32 $0xFFFFC000  }
0xf2: {  	[tilespmem:s14], [sflag:$0x1] =	stream.indirect.gather [hbm4b:s4+s13], $0x80, s7, s13, $0xb8;
	[tilespmem:$0x1D000] =	vst v63  }
0xf3: {  	s11 =	simm.s32 $0x580  }
0xf4: {  	[spmem:s1] =	stream.indirect.scatter.add.f32 [tilespmem:s21], [sflag:$0x5], $0x80, s11, s13, $0xb8;
	[tilespmem:$0x1D000] =	vst v63  }
0xf5: {  	_ =	swait.ge [sflag:s17], $0x4000  }
0xf6: {  	[sflag:s17] =	ssyncset.done $0x0  }
0xf7: {  	[sflag:s17] =	ssyncadd.s32 $0xFFFFC000  }
0xf8: {  	_ =	swait.ge [sflag:s19], $0x4000  }
0xf9: {  	[sflag:s19] =	ssyncset.done $0x0  }
0xfa: {  	s6 =	simm.s32 $0x700;
	[sflag:s19] =	ssyncadd.s32 $0xFFFFC000  }
0xfb: {  	[tilespmem:s21], [sflag:$0x2] =	stream.indirect.gather [hbm4b:s4+s13], $0x80, s6, s13, $0xb8;
	[tilespmem:$0x1D000] =	vst v63  }
0xfc: {  	s7 =	simm.s32 $0x680  }
0xfd: {  	[spmem:s1] =	stream.indirect.scatter.add.f32 [tilespmem:s14], [sflag:$0x5], $0x80, s7, s13, $0xb8;
	[tilespmem:$0x1D000] =	vst v63  }
0xfe: {  	_ =	swait.ge [sflag:s17], $0x4000  }
0xff: {  	[sflag:s17] =	ssyncset.done $0x0  }
0x100: {  	[sflag:s17] =	ssyncadd.s32 $0xFFFFC000  }
0x101: {  	_ =	swait.ge [sflag:s22], $0x4000  }
0x102: {  	[sflag:s22] =	ssyncset.done $0x0  }
0x103: {  	[sflag:s22] =	ssyncadd.s32 $0xFFFFC000  }
0x104: {  	_ =	swait.ge [sflag:s9], $0x800  }
0x105: {  	[sflag:s9] =	ssyncset.done $0x0  }
0x106: {  	[sflag:s9] =	ssyncadd.s32 $0xFFFFF800  }
0x107: {  	[tilespmem:s14], [sflag:$0x1] =	stream.indirect.gather [hbm4b:s4+s13], $0x80, s8, s13, $0xb8;
	[tilespmem:$0x1D000] =	vst v63  }
0x108: {  	s11 =	simm.s32 $0x780  }
0x109: {  	[spmem:s1] =	stream.indirect.scatter.add.f32 [tilespmem:s21], [sflag:$0x5], $0x80, s11, s13, $0xb8;
	[tilespmem:$0x1D000] =	vst v63  }
0x10a: {  	s10 =	sadd.s32 $0x1000, s10;
	_ =	swait.ge [sflag:s17], $0x4000  }
0x10b: {  	s7 =	simm.s32 $0x200;
	s8 =	simm.s32 $0x400;
	[sflag:s17] =	ssyncset.done $0x0  }
.LBB2_2:
0x10c: {  	s6 =	sshrl.u32 s10, $0x3;
	s11 =	rddreg [dreg:$0x4]  }
0x10d: {  	[sflag:s17] =	ssyncadd.s32 $0xFFFFC000;
	s11 =	sadd.s32 s11, s6  }
0x10e: {  	[tilespmem:s3], [sflag:$0x3] =	stream.linear.gather [hbm4b:s11+s3], $0x800, $0x38;
	[tilespmem:$0x1D000] =	vst v63  }
0x10f: {  	_ =	swait.ge [sflag:s19], $0x4000  }
0x110: {  	[sflag:s19] =	ssyncset.done $0x0  }
0x111: {  	s0 =	simm.s32 $0x900;
	[sflag:s19] =	ssyncadd.s32 $0xFFFFC000  }
0x112: {  	[tilespmem:s21], [sflag:$0x2] =	stream.indirect.gather [hbm4b:s4+s13], $0x80, s0, s13, $0xb8;
	[tilespmem:$0x1D000] =	vst v63  }
0x113: {  	_ = 	snop  }
0x114: {  	[spmem:s1] =	stream.indirect.scatter.add.f32 [tilespmem:s14], [sflag:$0x5], $0x80, s2, s13, $0xb8;
	[tilespmem:$0x1D000] =	vst v63  }
0x115: {  	_ =	swait.ge [sflag:s17], $0x4000  }
0x116: {  	[sflag:s17] =	ssyncset.done $0x0  }
0x117: {  	[sflag:s17] =	ssyncadd.s32 $0xFFFFC000  }
0x118: {  	_ =	swait.ge [sflag:s22], $0x4000  }
0x119: {  	[sflag:s22] =	ssyncset.done $0x0  }
0x11a: {  	[sflag:s22] =	ssyncadd.s32 $0xFFFFC000  }
0x11b: {  	[tilespmem:s14], [sflag:$0x1] =	stream.indirect.gather [hbm4b:s4+s13], $0x80, s15, s13, $0xb8;
	[tilespmem:$0x1D000] =	vst v63  }
0x11c: {  	_ = 	snop  }
0x11d: {  	[spmem:s1] =	stream.indirect.scatter.add.f32 [tilespmem:s21], [sflag:$0x5], $0x80, s16, s13, $0xb8;
	[tilespmem:$0x1D000] =	vst v63  }
0x11e: {  	_ =	swait.ge [sflag:s17], $0x4000  }
0x11f: {  	[sflag:s17] =	ssyncset.done $0x0  }
0x120: {  	[sflag:s17] =	ssyncadd.s32 $0xFFFFC000  }
0x121: {  	_ =	swait.ge [sflag:s19], $0x4000  }
0x122: {  	[sflag:s19] =	ssyncset.done $0x0  }
0x123: {  	[sflag:s19] =	ssyncadd.s32 $0xFFFFC000  }
0x124: {  	[tilespmem:s21], [sflag:$0x2] =	stream.indirect.gather [hbm4b:s4+s13], $0x80, s20, s13, $0xb8;
	[tilespmem:$0x1D000] =	vst v63  }
0x125: {  	_ = 	snop  }
0x126: {  	[spmem:s1] =	stream.indirect.scatter.add.f32 [tilespmem:s14], [sflag:$0x5], $0x80, s23, s13, $0xb8;
	[tilespmem:$0x1D000] =	vst v63  }
0x127: {  	_ =	swait.ge [sflag:s17], $0x4000  }
0x128: {  	[sflag:s17] =	ssyncset.done $0x0  }
0x129: {  	[sflag:s17] =	ssyncadd.s32 $0xFFFFC000  }
0x12a: {  	_ =	swait.ge [sflag:s22], $0x4000  }
0x12b: {  	[sflag:s22] =	ssyncset.done $0x0  }
0x12c: {  	[sflag:s22] =	ssyncadd.s32 $0xFFFFC000  }
0x12d: {  	[tilespmem:s14], [sflag:$0x1] =	stream.indirect.gather [hbm4b:s4+s13], $0x80, s24, s13, $0xb8;
	[tilespmem:$0x1D000] =	vst v63  }
0x12e: {  	_ = 	snop  }
0x12f: {  	[spmem:s1] =	stream.indirect.scatter.add.f32 [tilespmem:s21], [sflag:$0x5], $0x80, s25, s13, $0xb8;
	[tilespmem:$0x1D000] =	vst v63  }
0x130: {  	_ =	swait.ge [sflag:s17], $0x4000  }
0x131: {  	[sflag:s17] =	ssyncset.done $0x0  }
0x132: {  	[sflag:s17] =	ssyncadd.s32 $0xFFFFC000  }
0x133: {  	_ =	swait.ge [sflag:s19], $0x4000  }
0x134: {  	[sflag:s19] =	ssyncset.done $0x0  }
0x135: {  	[sflag:s19] =	ssyncadd.s32 $0xFFFFC000  }
0x136: {  	[tilespmem:s21], [sflag:$0x2] =	stream.indirect.gather [hbm4b:s4+s13], $0x80, s26, s13, $0xb8;
	[tilespmem:$0x1D000] =	vst v63  }
0x137: {  	_ = 	snop  }
0x138: {  	[spmem:s1] =	stream.indirect.scatter.add.f32 [tilespmem:s14], [sflag:$0x5], $0x80, s28, s13, $0xb8;
	[tilespmem:$0x1D000] =	vst v63  }
0x139: {  	_ =	swait.ge [sflag:s17], $0x4000  }
0x13a: {  	[sflag:s17] =	ssyncset.done $0x0  }
0x13b: {  	[sflag:s17] =	ssyncadd.s32 $0xFFFFC000  }
0x13c: {  	_ =	swait.ge [sflag:s22], $0x4000  }
0x13d: {  	[sflag:s22] =	ssyncset.done $0x0  }
0x13e: {  	[sflag:s22] =	ssyncadd.s32 $0xFFFFC000  }
0x13f: {  	[tilespmem:s14], [sflag:$0x1] =	stream.indirect.gather [hbm4b:s4+s13], $0x80, s29, s13, $0xb8;
	[tilespmem:$0x1D000] =	vst v63  }
0x140: {  	_ = 	snop  }
0x141: {  	[spmem:s1] =	stream.indirect.scatter.add.f32 [tilespmem:s21], [sflag:$0x5], $0x80, s30, s13, $0xb8;
	[tilespmem:$0x1D000] =	vst v63  }
0x142: {  	_ =	swait.ge [sflag:s17], $0x4000  }
0x143: {  	[sflag:s17] =	ssyncset.done $0x0  }
0x144: {  	[sflag:s17] =	ssyncadd.s32 $0xFFFFC000  }
0x145: {  	_ =	swait.ge [sflag:s19], $0x4000  }
0x146: {  	[sflag:s19] =	ssyncset.done $0x0  }
0x147: {  	[sflag:s19] =	ssyncadd.s32 $0xFFFFC000  }
0x148: {  	[tilespmem:s21], [sflag:$0x2] =	stream.indirect.gather [hbm4b:s4+s13], $0x80, s31, s13, $0xb8;
	[tilespmem:$0x1D000] =	vst v63  }
0x149: {  	_ = 	snop  }
0x14a: {  	[spmem:s1] =	stream.indirect.scatter.add.f32 [tilespmem:s14], [sflag:$0x5], $0x80, s5, s13, $0xb8;
	[tilespmem:$0x1D000] =	vst v63  }
0x14b: {  	_ =	swait.ge [sflag:s17], $0x4000  }
0x14c: {  	[sflag:s17] =	ssyncset.done $0x0  }
0x14d: {  	[sflag:s17] =	ssyncadd.s32 $0xFFFFC000  }
0x14e: {  	_ =	swait.ge [sflag:s22], $0x4000  }
0x14f: {  	[sflag:s22] =	ssyncset.done $0x0  }
0x150: {  	[sflag:s22] =	ssyncadd.s32 $0xFFFFC000  }
0x151: {  	_ =	swait.ge [sflag:s12], $0x800  }
0x152: {  	[sflag:s12] =	ssyncset.done $0x0  }
0x153: {  	[sflag:s12] =	ssyncadd.s32 $0xFFFFF800  }
0x154: {  	[tilespmem:s14], [sflag:$0x1] =	stream.indirect.gather [hbm4b:s4+s13], $0x80, s3, s13, $0xb8;
	[tilespmem:$0x1D000] =	vst v63  }
0x155: {  	_ = 	snop  }
0x156: {  	[spmem:s1] =	stream.indirect.scatter.add.f32 [tilespmem:s21], [sflag:$0x5], $0x80, s18, s13, $0xb8;
	[tilespmem:$0x1D000] =	vst v63  }
0x157: {  	_ =	swait.ge [sflag:s17], $0x4000  }
0x158: {  	s0 =	rddreg [dreg:$0x3];
	[sflag:s17] =	ssyncset.done $0x0  }
0x159: {  	[sflag:s17] =	ssyncadd.s32 $0xFFFFC000;
	s11 =	sadd.s32 s7, s0;
	s0 =	simm.s32 $0x800  }
0x15a: {  	[tilespmem:s0], [sflag:$0x4] =	stream.linear.gather [hbm4b:s11+s3], $0x800, $0x38;
	[tilespmem:$0x1D000] =	vst v63  }
0x15b: {  	_ =	swait.ge [sflag:s19], $0x4000  }
0x15c: {  	[sflag:s19] =	ssyncset.done $0x0  }
0x15d: {  	s11 =	simm.s32 $0x100;
	[sflag:s19] =	ssyncadd.s32 $0xFFFFC000  }
0x15e: {  	[tilespmem:s21], [sflag:$0x2] =	stream.indirect.gather [hbm4b:s4+s13], $0x80, s11, s13, $0xb8;
	[tilespmem:$0x1D000] =	vst v63  }
0x15f: {  	_ = 	snop  }
0x160: {  	[spmem:s1] =	stream.indirect.scatter.add.f32 [tilespmem:s14], [sflag:$0x5], $0x80, s13, s13, $0xb8;
	[tilespmem:$0x1D000] =	vst v63  }
0x161: {  	_ =	swait.ge [sflag:s17], $0x4000  }
0x162: {  	[sflag:s17] =	ssyncset.done $0x0  }
0x163: {  	[sflag:s17] =	ssyncadd.s32 $0xFFFFC000  }
0x164: {  	_ =	swait.ge [sflag:s22], $0x4000  }
0x165: {  	[sflag:s22] =	ssyncset.done $0x0  }
0x166: {  	s11 =	simm.s32 $0x200;
	[sflag:s22] =	ssyncadd.s32 $0xFFFFC000  }
0x167: {  	[tilespmem:s14], [sflag:$0x1] =	stream.indirect.gather [hbm4b:s4+s13], $0x80, s11, s13, $0xb8;
	[tilespmem:$0x1D000] =	vst v63  }
0x168: {  	s11 =	simm.s32 $0x180  }
0x169: {  	[spmem:s1] =	stream.indirect.scatter.add.f32 [tilespmem:s21], [sflag:$0x5], $0x80, s11, s13, $0xb8;
	[tilespmem:$0x1D000] =	vst v63  }
0x16a: {  	_ =	swait.ge [sflag:s17], $0x4000  }
0x16b: {  	[sflag:s17] =	ssyncset.done $0x0  }
0x16c: {  	[sflag:s17] =	ssyncadd.s32 $0xFFFFC000  }
0x16d: {  	_ =	swait.ge [sflag:s19], $0x4000  }
0x16e: {  	[sflag:s19] =	ssyncset.done $0x0  }
0x16f: {  	s11 =	simm.s32 $0x300;
	[sflag:s19] =	ssyncadd.s32 $0xFFFFC000  }
0x170: {  	[tilespmem:s21], [sflag:$0x2] =	stream.indirect.gather [hbm4b:s4+s13], $0x80, s11, s13, $0xb8;
	[tilespmem:$0x1D000] =	vst v63  }
0x171: {  	s11 =	simm.s32 $0x280  }
0x172: {  	[spmem:s1] =	stream.indirect.scatter.add.f32 [tilespmem:s14], [sflag:$0x5], $0x80, s11, s13, $0xb8;
	[tilespmem:$0x1D000] =	vst v63  }
0x173: {  	_ =	swait.ge [sflag:s17], $0x4000  }
0x174: {  	[sflag:s17] =	ssyncset.done $0x0  }
0x175: {  	[sflag:s17] =	ssyncadd.s32 $0xFFFFC000  }
0x176: {  	_ =	swait.ge [sflag:s22], $0x4000  }
0x177: {  	[sflag:s22] =	ssyncset.done $0x0  }
0x178: {  	s11 =	simm.s32 $0x400;
	[sflag:s22] =	ssyncadd.s32 $0xFFFFC000  }
0x179: {  	[tilespmem:s14], [sflag:$0x1] =	stream.indirect.gather [hbm4b:s4+s13], $0x80, s11, s13, $0xb8;
	[tilespmem:$0x1D000] =	vst v63  }
0x17a: {  	s11 =	simm.s32 $0x380  }
0x17b: {  	[spmem:s1] =	stream.indirect.scatter.add.f32 [tilespmem:s21], [sflag:$0x5], $0x80, s11, s13, $0xb8;
	[tilespmem:$0x1D000] =	vst v63  }
0x17c: {  	_ =	swait.ge [sflag:s17], $0x4000  }
0x17d: {  	[sflag:s17] =	ssyncset.done $0x0  }
0x17e: {  	[sflag:s17] =	ssyncadd.s32 $0xFFFFC000  }
0x17f: {  	_ =	swait.ge [sflag:s19], $0x4000  }
0x180: {  	[sflag:s19] =	ssyncset.done $0x0  }
0x181: {  	s11 =	simm.s32 $0x500;
	[sflag:s19] =	ssyncadd.s32 $0xFFFFC000  }
0x182: {  	[tilespmem:s21], [sflag:$0x2] =	stream.indirect.gather [hbm4b:s4+s13], $0x80, s11, s13, $0xb8;
	[tilespmem:$0x1D000] =	vst v63  }
0x183: {  	s11 =	simm.s32 $0x480  }
0x184: {  	[spmem:s1] =	stream.indirect.scatter.add.f32 [tilespmem:s14], [sflag:$0x5], $0x80, s11, s13, $0xb8;
	[tilespmem:$0x1D000] =	vst v63  }
0x185: {  	_ =	swait.ge [sflag:s17], $0x4000  }
0x186: {  	[sflag:s17] =	ssyncset.done $0x0  }
0x187: {  	[sflag:s17] =	ssyncadd.s32 $0xFFFFC000  }
0x188: {  	_ =	swait.ge [sflag:s22], $0x4000  }
0x189: {  	[sflag:s22] =	ssyncset.done $0x0  }
0x18a: {  	s11 =	simm.s32 $0x600;
	[sflag:s22] =	ssyncadd.s32 $0xFFFFC000  }
0x18b: {  	[tilespmem:s14], [sflag:$0x1] =	stream.indirect.gather [hbm4b:s4+s13], $0x80, s11, s13, $0xb8;
	[tilespmem:$0x1D000] =	vst v63  }
0x18c: {  	s11 =	simm.s32 $0x580  }
0x18d: {  	[spmem:s1] =	stream.indirect.scatter.add.f32 [tilespmem:s21], [sflag:$0x5], $0x80, s11, s13, $0xb8;
	[tilespmem:$0x1D000] =	vst v63  }
0x18e: {  	_ =	swait.ge [sflag:s17], $0x4000  }
0x18f: {  	[sflag:s17] =	ssyncset.done $0x0  }
0x190: {  	[sflag:s17] =	ssyncadd.s32 $0xFFFFC000  }
0x191: {  	_ =	swait.ge [sflag:s19], $0x4000  }
0x192: {  	[sflag:s19] =	ssyncset.done $0x0  }
0x193: {  	s11 =	simm.s32 $0x700;
	[sflag:s19] =	ssyncadd.s32 $0xFFFFC000  }
0x194: {  	[tilespmem:s21], [sflag:$0x2] =	stream.indirect.gather [hbm4b:s4+s13], $0x80, s11, s13, $0xb8;
	[tilespmem:$0x1D000] =	vst v63  }
0x195: {  	s11 =	simm.s32 $0x680  }
0x196: {  	[spmem:s1] =	stream.indirect.scatter.add.f32 [tilespmem:s14], [sflag:$0x5], $0x80, s11, s13, $0xb8;
	[tilespmem:$0x1D000] =	vst v63  }
0x197: {  	_ =	swait.ge [sflag:s17], $0x4000  }
0x198: {  	[sflag:s17] =	ssyncset.done $0x0  }
0x199: {  	[sflag:s17] =	ssyncadd.s32 $0xFFFFC000  }
0x19a: {  	_ =	swait.ge [sflag:s22], $0x4000  }
0x19b: {  	[sflag:s22] =	ssyncset.done $0x0  }
0x19c: {  	[sflag:s22] =	ssyncadd.s32 $0xFFFFC000  }
0x19d: {  	_ =	swait.ge [sflag:s9], $0x800  }
0x19e: {  	[sflag:s9] =	ssyncset.done $0x0  }
0x19f: {  	p0 =	sne.s32 s8, $0x600;
	[sflag:s9] =	ssyncadd.s32 $0xFFFFF800  }
0x1a0: {  	[tilespmem:s14], [sflag:$0x1] =	stream.indirect.gather [hbm4b:s4+s13], $0x80, s0, s13, $0xb8;
	[tilespmem:$0x1D000] =	vst v63  }
.Ltmp0:
0x1a1: {  	_ = 	snop;
	(pc) =	sbr.rel @p0 .LBB2_2-.Ltmp0, $4  }
0x1a2: {  	s11 =	simm.s32 $0x780  }
0x1a3: {  	[spmem:s1] =	stream.indirect.scatter.add.f32 [tilespmem:s21], [sflag:$0x5], $0x80, s11, s13, $0xb8;
	[tilespmem:$0x1D000] =	vst v63  }
0x1a4: {  	s10 =	sadd.s32 $0x1000, s10;
	s6 =	smov.u32 s8;
	_ =	swait.ge [sflag:s17], $0x4000  }
0x1a5: {  	s8 =	sadd.s32 $0x200, s8;
	s7 =	smov.u32 s6;
	[sflag:s17] =	ssyncset.done $0x0  }
0x1a6: {  	s6 =	sshrl.u32 s10, $0x3;
	s0 =	rddreg [dreg:$0x4]  }
0x1a7: {  	[sflag:s17] =	ssyncadd.s32 $0xFFFFC000;
	s6 =	sadd.s32 s0, s6  }
0x1a8: {  	[tilespmem:s3], [sflag:$0x3] =	stream.linear.gather [hbm4b:s6+s3], $0x800, $0x38;
	[tilespmem:$0x1D000] =	vst v63  }
0x1a9: {  	_ =	swait.ge [sflag:s19], $0x4000  }
0x1aa: {  	[sflag:s19] =	ssyncset.done $0x0  }
0x1ab: {  	s2 =	simm.s32 $0x900;
	[sflag:s19] =	ssyncadd.s32 $0xFFFFC000  }
0x1ac: {  	[tilespmem:s21], [sflag:$0x2] =	stream.indirect.gather [hbm4b:s4+s13], $0x80, s2, s13, $0xb8;
	[tilespmem:$0x1D000] =	vst v63  }
0x1ad: {  	s10 =	simm.s32 $0x880  }
0x1ae: {  	[spmem:s1] =	stream.indirect.scatter.add.f32 [tilespmem:s14], [sflag:$0x5], $0x80, s10, s13, $0xb8;
	[tilespmem:$0x1D000] =	vst v63  }
0x1af: {  	_ =	swait.ge [sflag:s17], $0x4000  }
0x1b0: {  	[sflag:s17] =	ssyncset.done $0x0  }
0x1b1: {  	[sflag:s17] =	ssyncadd.s32 $0xFFFFC000  }
0x1b2: {  	_ =	swait.ge [sflag:s22], $0x4000  }
0x1b3: {  	[sflag:s22] =	ssyncset.done $0x0  }
0x1b4: {  	s11 =	simm.s32 $0xA00;
	[sflag:s22] =	ssyncadd.s32 $0xFFFFC000  }
0x1b5: {  	[tilespmem:s14], [sflag:$0x1] =	stream.indirect.gather [hbm4b:s4+s13], $0x80, s11, s13, $0xb8;
	[tilespmem:$0x1D000] =	vst v63  }
0x1b6: {  	s18 =	simm.s32 $0x980  }
0x1b7: {  	[spmem:s1] =	stream.indirect.scatter.add.f32 [tilespmem:s21], [sflag:$0x5], $0x80, s18, s13, $0xb8;
	[tilespmem:$0x1D000] =	vst v63  }
0x1b8: {  	_ =	swait.ge [sflag:s17], $0x4000  }
0x1b9: {  	[sflag:s17] =	ssyncset.done $0x0  }
0x1ba: {  	[sflag:s17] =	ssyncadd.s32 $0xFFFFC000  }
0x1bb: {  	_ =	swait.ge [sflag:s19], $0x4000  }
0x1bc: {  	[sflag:s19] =	ssyncset.done $0x0  }
0x1bd: {  	s23 =	simm.s32 $0xB00;
	[sflag:s19] =	ssyncadd.s32 $0xFFFFC000  }
0x1be: {  	[tilespmem:s21], [sflag:$0x2] =	stream.indirect.gather [hbm4b:s4+s13], $0x80, s23, s13, $0xb8;
	[tilespmem:$0x1D000] =	vst v63  }
0x1bf: {  	s24 =	simm.s32 $0xA80  }
0x1c0: {  	[spmem:s1] =	stream.indirect.scatter.add.f32 [tilespmem:s14], [sflag:$0x5], $0x80, s24, s13, $0xb8;
	[tilespmem:$0x1D000] =	vst v63  }
0x1c1: {  	_ =	swait.ge [sflag:s17], $0x4000  }
0x1c2: {  	[sflag:s17] =	ssyncset.done $0x0  }
0x1c3: {  	[sflag:s17] =	ssyncadd.s32 $0xFFFFC000  }
0x1c4: {  	_ =	swait.ge [sflag:s22], $0x4000  }
0x1c5: {  	[sflag:s22] =	ssyncset.done $0x0  }
0x1c6: {  	s25 =	simm.s32 $0xC00;
	[sflag:s22] =	ssyncadd.s32 $0xFFFFC000  }
0x1c7: {  	[tilespmem:s14], [sflag:$0x1] =	stream.indirect.gather [hbm4b:s4+s13], $0x80, s25, s13, $0xb8;
	[tilespmem:$0x1D000] =	vst v63  }
0x1c8: {  	s26 =	simm.s32 $0xB80  }
0x1c9: {  	[spmem:s1] =	stream.indirect.scatter.add.f32 [tilespmem:s21], [sflag:$0x5], $0x80, s26, s13, $0xb8;
	[tilespmem:$0x1D000] =	vst v63  }
0x1ca: {  	_ =	swait.ge [sflag:s17], $0x4000  }
0x1cb: {  	[sflag:s17] =	ssyncset.done $0x0  }
0x1cc: {  	[sflag:s17] =	ssyncadd.s32 $0xFFFFC000  }
0x1cd: {  	_ =	swait.ge [sflag:s19], $0x4000  }
0x1ce: {  	[sflag:s19] =	ssyncset.done $0x0  }
0x1cf: {  	s28 =	simm.s32 $0xD00;
	[sflag:s19] =	ssyncadd.s32 $0xFFFFC000  }
0x1d0: {  	[tilespmem:s21], [sflag:$0x2] =	stream.indirect.gather [hbm4b:s4+s13], $0x80, s28, s13, $0xb8;
	[tilespmem:$0x1D000] =	vst v63  }
0x1d1: {  	s29 =	simm.s32 $0xC80  }
0x1d2: {  	[spmem:s1] =	stream.indirect.scatter.add.f32 [tilespmem:s14], [sflag:$0x5], $0x80, s29, s13, $0xb8;
	[tilespmem:$0x1D000] =	vst v63  }
0x1d3: {  	_ =	swait.ge [sflag:s17], $0x4000  }
0x1d4: {  	[sflag:s17] =	ssyncset.done $0x0  }
0x1d5: {  	[sflag:s17] =	ssyncadd.s32 $0xFFFFC000  }
0x1d6: {  	_ =	swait.ge [sflag:s22], $0x4000  }
0x1d7: {  	[sflag:s22] =	ssyncset.done $0x0  }
0x1d8: {  	s30 =	simm.s32 $0xE00;
	[sflag:s22] =	ssyncadd.s32 $0xFFFFC000  }
0x1d9: {  	[tilespmem:s14], [sflag:$0x1] =	stream.indirect.gather [hbm4b:s4+s13], $0x80, s30, s13, $0xb8;
	[tilespmem:$0x1D000] =	vst v63  }
0x1da: {  	s31 =	simm.s32 $0xD80  }
0x1db: {  	[spmem:s1] =	stream.indirect.scatter.add.f32 [tilespmem:s21], [sflag:$0x5], $0x80, s31, s13, $0xb8;
	[tilespmem:$0x1D000] =	vst v63  }
0x1dc: {  	_ =	swait.ge [sflag:s17], $0x4000  }
0x1dd: {  	[sflag:s17] =	ssyncset.done $0x0  }
0x1de: {  	[sflag:s17] =	ssyncadd.s32 $0xFFFFC000  }
0x1df: {  	_ =	swait.ge [sflag:s19], $0x4000  }
0x1e0: {  	[sflag:s19] =	ssyncset.done $0x0  }
0x1e1: {  	s6 =	simm.s32 $0xF00;
	[sflag:s19] =	ssyncadd.s32 $0xFFFFC000  }
0x1e2: {  	[tilespmem:s21], [sflag:$0x2] =	stream.indirect.gather [hbm4b:s4+s13], $0x80, s6, s13, $0xb8;
	[tilespmem:$0x1D000] =	vst v63  }
0x1e3: {  	s8 =	simm.s32 $0xE80  }
0x1e4: {  	[spmem:s1] =	stream.indirect.scatter.add.f32 [tilespmem:s14], [sflag:$0x5], $0x80, s8, s13, $0xb8;
	[tilespmem:$0x1D000] =	vst v63  }
0x1e5: {  	_ =	swait.ge [sflag:s17], $0x4000  }
0x1e6: {  	[sflag:s17] =	ssyncset.done $0x0  }
0x1e7: {  	[sflag:s17] =	ssyncadd.s32 $0xFFFFC000  }
0x1e8: {  	_ =	swait.ge [sflag:s22], $0x4000  }
0x1e9: {  	[sflag:s22] =	ssyncset.done $0x0  }
0x1ea: {  	[sflag:s22] =	ssyncadd.s32 $0xFFFFC000  }
0x1eb: {  	_ =	swait.ge [sflag:s12], $0x800  }
0x1ec: {  	[sflag:s12] =	ssyncset.done $0x0  }
0x1ed: {  	[sflag:s12] =	ssyncadd.s32 $0xFFFFF800  }
0x1ee: {  	[tilespmem:s14], [sflag:$0x1] =	stream.indirect.gather [hbm4b:s4+s13], $0x80, s3, s13, $0xb8;
	[tilespmem:$0x1D000] =	vst v63  }
0x1ef: {  	s8 =	simm.s32 $0xF80  }
0x1f0: {  	[spmem:s1] =	stream.indirect.scatter.add.f32 [tilespmem:s21], [sflag:$0x5], $0x80, s8, s13, $0xb8;
	[tilespmem:$0x1D000] =	vst v63  }
0x1f1: {  	_ =	swait.ge [sflag:s17], $0x4000  }
0x1f2: {  	s15 =	rddreg [dreg:$0x3];
	[sflag:s17] =	ssyncset.done $0x0  }
0x1f3: {  	s5 =	simm.s32 $0x800;
	s6 =	sadd.s32 s7, s15;
	[sflag:s17] =	ssyncadd.s32 $0xFFFFC000  }
0x1f4: {  	[tilespmem:s5], [sflag:$0x4] =	stream.linear.gather [hbm4b:s6+s3], $0x800, $0x38;
	[tilespmem:$0x1D000] =	vst v63  }
0x1f5: {  	_ =	swait.ge [sflag:s19], $0x4000  }
0x1f6: {  	[sflag:s19] =	ssyncset.done $0x0  }
0x1f7: {  	s16 =	simm.s32 $0x100;
	[sflag:s19] =	ssyncadd.s32 $0xFFFFC000  }
0x1f8: {  	[tilespmem:s21], [sflag:$0x2] =	stream.indirect.gather [hbm4b:s4+s13], $0x80, s16, s13, $0xb8;
	[tilespmem:$0x1D000] =	vst v63  }
0x1f9: {  	_ = 	snop  }
0x1fa: {  	[spmem:s1] =	stream.indirect.scatter.add.f32 [tilespmem:s14], [sflag:$0x5], $0x80, s13, s13, $0xb8;
	[tilespmem:$0x1D000] =	vst v63  }
0x1fb: {  	_ =	swait.ge [sflag:s17], $0x4000  }
0x1fc: {  	[sflag:s17] =	ssyncset.done $0x0  }
0x1fd: {  	[sflag:s17] =	ssyncadd.s32 $0xFFFFC000  }
0x1fe: {  	_ =	swait.ge [sflag:s22], $0x4000  }
0x1ff: {  	[sflag:s22] =	ssyncset.done $0x0  }
0x200: {  	s20 =	simm.s32 $0x200;
	[sflag:s22] =	ssyncadd.s32 $0xFFFFC000  }
0x201: {  	[tilespmem:s14], [sflag:$0x1] =	stream.indirect.gather [hbm4b:s4+s13], $0x80, s20, s13, $0xb8;
	[tilespmem:$0x1D000] =	vst v63  }
0x202: {  	s6 =	simm.s32 $0x180  }
0x203: {  	[spmem:s1] =	stream.indirect.scatter.add.f32 [tilespmem:s21], [sflag:$0x5], $0x80, s6, s13, $0xb8;
	[tilespmem:$0x1D000] =	vst v63  }
0x204: {  	_ =	swait.ge [sflag:s17], $0x4000  }
0x205: {  	[sflag:s17] =	ssyncset.done $0x0  }
0x206: {  	[sflag:s17] =	ssyncadd.s32 $0xFFFFC000  }
0x207: {  	_ =	swait.ge [sflag:s19], $0x4000  }
0x208: {  	[sflag:s19] =	ssyncset.done $0x0  }
0x209: {  	s7 =	simm.s32 $0x300;
	[sflag:s19] =	ssyncadd.s32 $0xFFFFC000  }
0x20a: {  	[tilespmem:s21], [sflag:$0x2] =	stream.indirect.gather [hbm4b:s4+s13], $0x80, s7, s13, $0xb8;
	[tilespmem:$0x1D000] =	vst v63  }
0x20b: {  	s15 =	simm.s32 $0x280  }
0x20c: {  	[spmem:s1] =	stream.indirect.scatter.add.f32 [tilespmem:s14], [sflag:$0x5], $0x80, s15, s13, $0xb8;
	[tilespmem:$0x1D000] =	vst v63  }
0x20d: {  	_ =	swait.ge [sflag:s17], $0x4000  }
0x20e: {  	[sflag:s17] =	ssyncset.done $0x0  }
0x20f: {  	[sflag:s17] =	ssyncadd.s32 $0xFFFFC000  }
0x210: {  	_ =	swait.ge [sflag:s22], $0x4000  }
0x211: {  	[sflag:s22] =	ssyncset.done $0x0  }
0x212: {  	s16 =	simm.s32 $0x400;
	[sflag:s22] =	ssyncadd.s32 $0xFFFFC000  }
0x213: {  	[tilespmem:s14], [sflag:$0x1] =	stream.indirect.gather [hbm4b:s4+s13], $0x80, s16, s13, $0xb8;
	[tilespmem:$0x1D000] =	vst v63  }
0x214: {  	s20 =	simm.s32 $0x380  }
0x215: {  	[spmem:s1] =	stream.indirect.scatter.add.f32 [tilespmem:s21], [sflag:$0x5], $0x80, s20, s13, $0xb8;
	[tilespmem:$0x1D000] =	vst v63  }
0x216: {  	_ =	swait.ge [sflag:s17], $0x4000  }
0x217: {  	[sflag:s17] =	ssyncset.done $0x0  }
0x218: {  	[sflag:s17] =	ssyncadd.s32 $0xFFFFC000  }
0x219: {  	_ =	swait.ge [sflag:s19], $0x4000  }
0x21a: {  	[sflag:s19] =	ssyncset.done $0x0  }
0x21b: {  	s6 =	simm.s32 $0x500;
	[sflag:s19] =	ssyncadd.s32 $0xFFFFC000  }
0x21c: {  	[tilespmem:s21], [sflag:$0x2] =	stream.indirect.gather [hbm4b:s4+s13], $0x80, s6, s13, $0xb8;
	[tilespmem:$0x1D000] =	vst v63  }
0x21d: {  	s7 =	simm.s32 $0x480  }
0x21e: {  	[spmem:s1] =	stream.indirect.scatter.add.f32 [tilespmem:s14], [sflag:$0x5], $0x80, s7, s13, $0xb8;
	[tilespmem:$0x1D000] =	vst v63  }
0x21f: {  	_ =	swait.ge [sflag:s17], $0x4000  }
0x220: {  	[sflag:s17] =	ssyncset.done $0x0  }
0x221: {  	[sflag:s17] =	ssyncadd.s32 $0xFFFFC000  }
0x222: {  	_ =	swait.ge [sflag:s22], $0x4000  }
0x223: {  	[sflag:s22] =	ssyncset.done $0x0  }
0x224: {  	s15 =	simm.s32 $0x600;
	[sflag:s22] =	ssyncadd.s32 $0xFFFFC000  }
0x225: {  	[tilespmem:s14], [sflag:$0x1] =	stream.indirect.gather [hbm4b:s4+s13], $0x80, s15, s13, $0xb8;
	[tilespmem:$0x1D000] =	vst v63  }
0x226: {  	s16 =	simm.s32 $0x580  }
0x227: {  	[spmem:s1] =	stream.indirect.scatter.add.f32 [tilespmem:s21], [sflag:$0x5], $0x80, s16, s13, $0xb8;
	[tilespmem:$0x1D000] =	vst v63  }
0x228: {  	_ =	swait.ge [sflag:s17], $0x4000  }
0x229: {  	[sflag:s17] =	ssyncset.done $0x0  }
0x22a: {  	[sflag:s17] =	ssyncadd.s32 $0xFFFFC000  }
0x22b: {  	_ =	swait.ge [sflag:s19], $0x4000  }
0x22c: {  	[sflag:s19] =	ssyncset.done $0x0  }
0x22d: {  	s20 =	simm.s32 $0x700;
	[sflag:s19] =	ssyncadd.s32 $0xFFFFC000  }
0x22e: {  	[tilespmem:s21], [sflag:$0x2] =	stream.indirect.gather [hbm4b:s4+s13], $0x80, s20, s13, $0xb8;
	[tilespmem:$0x1D000] =	vst v63  }
0x22f: {  	s6 =	simm.s32 $0x680  }
0x230: {  	[spmem:s1] =	stream.indirect.scatter.add.f32 [tilespmem:s14], [sflag:$0x5], $0x80, s6, s13, $0xb8;
	[tilespmem:$0x1D000] =	vst v63  }
0x231: {  	_ =	swait.ge [sflag:s17], $0x4000  }
0x232: {  	[sflag:s17] =	ssyncset.done $0x0  }
0x233: {  	[sflag:s17] =	ssyncadd.s32 $0xFFFFC000  }
0x234: {  	_ =	swait.ge [sflag:s22], $0x4000  }
0x235: {  	[sflag:s22] =	ssyncset.done $0x0  }
0x236: {  	[sflag:s22] =	ssyncadd.s32 $0xFFFFC000  }
0x237: {  	_ =	swait.ge [sflag:s9], $0x800  }
0x238: {  	[sflag:s9] =	ssyncset.done $0x0  }
0x239: {  	[sflag:s9] =	ssyncadd.s32 $0xFFFFF800  }
0x23a: {  	[tilespmem:s14], [sflag:$0x1] =	stream.indirect.gather [hbm4b:s4+s13], $0x80, s5, s13, $0xb8;
	[tilespmem:$0x1D000] =	vst v63  }
0x23b: {  	s7 =	simm.s32 $0x780  }
0x23c: {  	[spmem:s1] =	stream.indirect.scatter.add.f32 [tilespmem:s21], [sflag:$0x5], $0x80, s7, s13, $0xb8;
	[tilespmem:$0x1D000] =	vst v63  }
0x23d: {  	_ =	swait.ge [sflag:s17], $0x4000  }
0x23e: {  	[sflag:s17] =	ssyncset.done $0x0  }
0x23f: {  	[sflag:s17] =	ssyncadd.s32 $0xFFFFC000  }
0x240: {  	_ =	swait.ge [sflag:s19], $0x4000  }
0x241: {  	[sflag:s19] =	ssyncset.done $0x0  }
0x242: {  	[sflag:s19] =	ssyncadd.s32 $0xFFFFC000  }
0x243: {  	[tilespmem:s21], [sflag:$0x2] =	stream.indirect.gather [hbm4b:s4+s13], $0x80, s2, s13, $0xb8;
	[tilespmem:$0x1D000] =	vst v63  }
0x244: {  	_ = 	snop  }
0x245: {  	[spmem:s1] =	stream.indirect.scatter.add.f32 [tilespmem:s14], [sflag:$0x5], $0x80, s10, s13, $0xb8;
	[tilespmem:$0x1D000] =	vst v63  }
0x246: {  	_ =	swait.ge [sflag:s17], $0x4000  }
0x247: {  	[sflag:s17] =	ssyncset.done $0x0  }
0x248: {  	[sflag:s17] =	ssyncadd.s32 $0xFFFFC000  }
0x249: {  	_ =	swait.ge [sflag:s22], $0x4000  }
0x24a: {  	[sflag:s22] =	ssyncset.done $0x0  }
0x24b: {  	[sflag:s22] =	ssyncadd.s32 $0xFFFFC000  }
0x24c: {  	[tilespmem:s14], [sflag:$0x1] =	stream.indirect.gather [hbm4b:s4+s13], $0x80, s11, s13, $0xb8;
	[tilespmem:$0x1D000] =	vst v63  }
0x24d: {  	_ = 	snop  }
0x24e: {  	[spmem:s1] =	stream.indirect.scatter.add.f32 [tilespmem:s21], [sflag:$0x5], $0x80, s18, s13, $0xb8;
	[tilespmem:$0x1D000] =	vst v63  }
0x24f: {  	_ =	swait.ge [sflag:s17], $0x4000  }
0x250: {  	[sflag:s17] =	ssyncset.done $0x0  }
0x251: {  	[sflag:s17] =	ssyncadd.s32 $0xFFFFC000  }
0x252: {  	_ =	swait.ge [sflag:s19], $0x4000  }
0x253: {  	[sflag:s19] =	ssyncset.done $0x0  }
0x254: {  	[sflag:s19] =	ssyncadd.s32 $0xFFFFC000  }
0x255: {  	[tilespmem:s21], [sflag:$0x2] =	stream.indirect.gather [hbm4b:s4+s13], $0x80, s23, s13, $0xb8;
	[tilespmem:$0x1D000] =	vst v63  }
0x256: {  	_ = 	snop  }
0x257: {  	[spmem:s1] =	stream.indirect.scatter.add.f32 [tilespmem:s14], [sflag:$0x5], $0x80, s24, s13, $0xb8;
	[tilespmem:$0x1D000] =	vst v63  }
0x258: {  	_ =	swait.ge [sflag:s17], $0x4000  }
0x259: {  	[sflag:s17] =	ssyncset.done $0x0  }
0x25a: {  	[sflag:s17] =	ssyncadd.s32 $0xFFFFC000  }
0x25b: {  	_ =	swait.ge [sflag:s22], $0x4000  }
0x25c: {  	[sflag:s22] =	ssyncset.done $0x0  }
0x25d: {  	[sflag:s22] =	ssyncadd.s32 $0xFFFFC000  }
0x25e: {  	[tilespmem:s14], [sflag:$0x1] =	stream.indirect.gather [hbm4b:s4+s13], $0x80, s25, s13, $0xb8;
	[tilespmem:$0x1D000] =	vst v63  }
0x25f: {  	_ = 	snop  }
0x260: {  	[spmem:s1] =	stream.indirect.scatter.add.f32 [tilespmem:s21], [sflag:$0x5], $0x80, s26, s13, $0xb8;
	[tilespmem:$0x1D000] =	vst v63  }
0x261: {  	_ =	swait.ge [sflag:s17], $0x4000  }
0x262: {  	[sflag:s17] =	ssyncset.done $0x0  }
0x263: {  	[sflag:s17] =	ssyncadd.s32 $0xFFFFC000  }
0x264: {  	_ =	swait.ge [sflag:s19], $0x4000  }
0x265: {  	[sflag:s19] =	ssyncset.done $0x0  }
0x266: {  	[sflag:s19] =	ssyncadd.s32 $0xFFFFC000  }
0x267: {  	[tilespmem:s21], [sflag:$0x2] =	stream.indirect.gather [hbm4b:s4+s13], $0x80, s28, s13, $0xb8;
	[tilespmem:$0x1D000] =	vst v63  }
0x268: {  	_ = 	snop  }
0x269: {  	[spmem:s1] =	stream.indirect.scatter.add.f32 [tilespmem:s14], [sflag:$0x5], $0x80, s29, s13, $0xb8;
	[tilespmem:$0x1D000] =	vst v63  }
0x26a: {  	_ =	swait.ge [sflag:s17], $0x4000  }
0x26b: {  	[sflag:s17] =	ssyncset.done $0x0  }
0x26c: {  	[sflag:s17] =	ssyncadd.s32 $0xFFFFC000  }
0x26d: {  	_ =	swait.ge [sflag:s22], $0x4000  }
0x26e: {  	[sflag:s22] =	ssyncset.done $0x0  }
0x26f: {  	[sflag:s22] =	ssyncadd.s32 $0xFFFFC000  }
0x270: {  	[tilespmem:s14], [sflag:$0x1] =	stream.indirect.gather [hbm4b:s4+s13], $0x80, s30, s13, $0xb8;
	[tilespmem:$0x1D000] =	vst v63  }
0x271: {  	_ = 	snop  }
0x272: {  	[spmem:s1] =	stream.indirect.scatter.add.f32 [tilespmem:s21], [sflag:$0x5], $0x80, s31, s13, $0xb8;
	[tilespmem:$0x1D000] =	vst v63  }
0x273: {  	_ =	swait.ge [sflag:s17], $0x4000  }
0x274: {  	[sflag:s17] =	ssyncset.done $0x0  }
0x275: {  	[sflag:s17] =	ssyncadd.s32 $0xFFFFC000  }
0x276: {  	_ =	swait.ge [sflag:s19], $0x4000  }
0x277: {  	[sflag:s19] =	ssyncset.done $0x0  }
0x278: {  	s11 =	simm.s32 $0xF00;
	[sflag:s19] =	ssyncadd.s32 $0xFFFFC000  }
0x279: {  	[tilespmem:s21], [sflag:$0x2] =	stream.indirect.gather [hbm4b:s4+s13], $0x80, s11, s13, $0xb8;
	[tilespmem:$0x1D000] =	vst v63  }
0x27a: {  	s18 =	simm.s32 $0xE80  }
0x27b: {  	[spmem:s1] =	stream.indirect.scatter.add.f32 [tilespmem:s14], [sflag:$0x5], $0x80, s18, s13, $0xb8;
	[tilespmem:$0x1D000] =	vst v63  }
0x27c: {  	_ =	swait.ge [sflag:s17], $0x4000  }
0x27d: {  	[sflag:s17] =	ssyncset.done $0x0  }
0x27e: {  	[sflag:s17] =	ssyncadd.s32 $0xFFFFC000  }
0x27f: {  	_ =	swait.ge [sflag:s22], $0x4000  }
0x280: {  	[sflag:s22] =	ssyncset.done $0x0  }
0x281: {  	[sflag:s22] =	ssyncadd.s32 $0xFFFFC000  }
0x282: {  	[spmem:s1] =	stream.indirect.scatter.add.f32 [tilespmem:s21], [sflag:$0x5], $0x80, s8, s13, $0xb8;
	[tilespmem:$0x1D000] =	vst v63  }
0x283: {  	_ =	swait.ge [sflag:s17], $0x4000  }
0x284: {  	[sflag:s17] =	ssyncset.done $0x0  }
0x285: {  	[sflag:s17] =	ssyncadd.s32 $0xFFFFC000  }
0x286: {  	[bflag:$0x0] =	sbarrier.arrive $0xFFFF  }
0x287: {  	s0 =	rddreg [dreg:$0x8]  }
0x288: {  	s8 =	rddreg [dreg:$0xb]  }
0x289: {  	s7 =	rddreg [dreg:$0xc]  }
0x28a: {  	[hbm:s0], [sflag:s8] =	dma.local [spmem:s7], $0x2800  }
0x28b: {  	_ =	swait.ge [sflag:s17], $0x2800  }
0x28c: {  	s10 =	rddreg [dreg:$0xd]  }
0x28d: {  	s11 =	rddreg [dreg:$0x9];
	s0 =	sadd.s32 $0x1, s10  }
0x28e: {  	s15 =	simm.s32 $0xA00;
	s16 =	simm.s32 $0x980;
	p0 =	sne.s32 s0, s11  }
.Ltmp1:
0x28f: {  	s20 =	simm.s32 $0xB00;
	s5 =	simm.s32 $0xE80;
	(pc) =	sbr.rel @p0 .LBB2_1-.Ltmp1, $4  }
0x290: {  	s2 =	simm.s32 $0x880;
	s23 =	simm.s32 $0xA80;
	s24 =	simm.s32 $0xC00  }
0x291: {  	s25 =	simm.s32 $0xB80;
	s26 =	simm.s32 $0xD00;
	s28 =	simm.s32 $0xC80  }
0x292: {  	s29 =	simm.s32 $0xE00;
	s30 =	simm.s32 $0xD80;
	[sflag:s17] =	ssyncset.done $0x0  }
0x293: {  	s31 =	simm.s32 $0xF00;
	s18 =	simm.s32 $0xF80;
	[sflag:s17] =	ssyncadd.s32 $0xFFFFD800  }
0x294: {  	_ =	sfence.sel $0x180000  }
0x295: {  	[bflag:$0x0] =	sbarrier.arrive $0xFFFF  }
0x296: {  	_ =	strace $0x9000004A  }
0x297: {  	s0 =	stileid.u32;
	[bflag:$0x2] =	sbarrier.arrive $0xFFFF  }
0x298: {  	p0 =	sne.s32 s0, $0x0;
	s0 =	rddreg [dreg:$0x2]  }
0x299: {  	s0 =	sadd.s32 @!p0 $0x100000, s0  }
0x29a: {  	[sflag:s0] =	ssyncadd.tile.s32 @!p0 $0x1;
	_ =	shalt  }
.Lfunc_end2:
_tile_overlayer_lowered:
.L_overlay_start_2:
0x29b: {  	(tag) =	ssettag $0x2  }
0x29c: {  	s0 =	rddreg [dreg:$0x0];
	s2 =	stileid.u32  }
0x29d: {  	s1 =	rddreg [dreg:$0x1];
	p0 =	sne.s32 s2, $0x0  }
0x29e: {  	s3 =	rddreg [dreg:$0x2];
	[bflag:$0x3] =	sbarrier.arrive $0xFFFF;
	s2 =	simm.s32 @!p0 $0x1C05  }
0x29f: {  	[timem:s3], [sflag:s2] =	dma.local @!p0 [hbm:s0], s1  }
0x2a0: {  	s0 =	simm.s32 @!p0 $0x5  }
0x2a1: {  	_ =	swait.ge @!p0 [sflag:s0], s1  }
0x2a2: {  	s1 =	ssub.s32 @!p0 $0x0, s1;
	[sflag:s0] =	ssyncset.done @!p0 $0x0  }
0x2a3: {  	[sflag:s0] =	ssyncadd.s32 @!p0 s1  }
0x2a4: {  	[bflag:$0x3] =	sbarrier.arrive $0xFFFF  }
0x2a5: {  	_ =	shalt  }

// kernel: kernel.14.cloned.1.call-start
scs
__scs_entry_jumppad:
0x0: {  	(pc) =	sbr.rel $0x88, $3  }
0x1: {  	(tag) =	ssettag $0x0;
	lr =	simm.s32 $0x1  }
0x2: {  	[smem:$0x3F98] =	sst lr;
	_ =	strace $0xD0000000  }
0x3: {  	_ = 	snop  }
0x4: {  	_ = 	snop  }
0x5: {  	_ = 	snop  }
0x6: {  	_ = 	snop  }
0x7: {  	_ = 	snop  }
__scs_overlays_trampoline_lowered:
0x8: {  	[smem:$0x3FA7] =	sst s0  }
0x9: {  	[smem:$0x3FA8] =	sst s1  }
0xa: {  	[smem:$0x3FA9] =	sst s2  }
0xb: {  	[smem:$0x3FAA] =	sst s3  }
0xc: {  	[smem:$0x3FAB] =	sst s4  }
0xd: {  	[smem:$0x3FAC] =	sst s5  }
0xe: {  	[smem:$0x3FAD] =	sst s6  }
0xf: {  	[smem:$0x3FAE] =	sst s7  }
0x10: {  	[smem:$0x3FAF] =	sst s8  }
0x11: {  	[smem:$0x3FB0] =	sst s9;
	s0 =	simm.s32 @!p0 $0x0  }
0x12: {  	s1 =	sld [smem:$0x3F96];
	s0 =	simm.s32 @p0 $0x1  }
0x13: {  	[smem:$0x3FB1] =	sst s0;
	s0 =	simm.s32 @!p1 $0x0  }
0x14: {  	s2 =	sld [smem:$0x3F95];
	s0 =	simm.s32 @p1 $0x1  }
0x15: {  	[smem:$0x3FB2] =	sst s0;
	s0 =	simm.s32 @!p2 $0x0  }
0x16: {  	s3 =	sld [smem:$0x3FDB];
	s0 =	simm.s32 @p2 $0x1  }
0x17: {  	s4 =	simm.s32 $0x1BF5;
	[smem:$0x3FB4] =	sst s0  }
0x18: {  	s0 =	sld [smem:$0x3F97];
	_ =	swait.ge [sflag:s4], $0x0  }
0x19: {  	s7 =	sld [smem:$0x3F98]  }
0x1a: {  	s8 =	sadd.s32 $0xFFFFE003, lr  }
0x1b: {  	s9 =	sadd.s32 $0xFFFFFEF7, lr;
	s5 =	simm.s32 $0xFFFFFFFF;
	p2 =	slt.u32 s8, $0xFFFFF086  }
0x1c: {  	p1 =	slt.u32 s9, $0xF7A;
	s5 =	simm.s32 @!p2 $0x0  }
0x1d: {  	s5 =	simm.s32 @p1 $0x1;
	p0 =	seq.s32 s7, s2  }
0x1e: {  	s7 =	smul.u32 @!p0 $0xF7A, s2;
	p2 =	seq.s32 @!p0 s5, $0x0  }
0x1f: {  	s9 =	smul.u32 $0xF7A, s1;
	s8 =	simm.s32 @!p0 $0x1BF5;
	p2 =	por !p2, p0  }
0x20: {  	[sflag:s8] =	ssyncset.s32 @!p0 $0xFFFFF086;
	s6 =	sadd.s32 @!p0 s3, s7;
	s7 =	simm.s32 @!p0 $0x108  }
0x21: {  	s3 =	sadd.s32 s3, s9;
	s6 =	sadd.s32 @!p0 $0x88, s6;
	s7 =	simm.s32 @p2 $0x1082  }
0x22: {  	[simem:s7], [sflag:s8] =	dma.local @!p0 [hbm:s6], $0xF7A  }
0x23: {  	s9 =	sor.u32 $0xD0000000, s2;
	s6 =	simm.s32 $0x108;
	_ =	swait.ge @!p0 [sflag:s8], $0x0  }
0x24: {  	s3 =	sadd.s32 $0x88, s3;
	s6 =	simm.s32 @!p1 $0x1082;
	[sflag:s4] =	ssyncset.s32 $0xFFFFF086  }
0x25: {  	[simem:s6], [sflag:s4] =	dma.local [hbm:s3], $0xF7A  }
0x26: {  	[smem:$0x3F98] =	sst s1;
	(tag) =	ssettag s2;
	_ =	strace s9  }
0x27: {  	s1 =	sld [smem:$0x3FA8]  }
0x28: {  	s2 =	sld [smem:$0x3FA9]  }
0x29: {  	s4 =	sld [smem:$0x3FAB]  }
0x2a: {  	p0 =	seq.s32 s5, $0x0;
	s5 =	sld [smem:$0x3FAC]  }
0x2b: {  	s6 =	sld [smem:$0x3FAD]  }
0x2c: {  	s7 =	sld [smem:$0x3FAE]  }
0x2d: {  	s3 =	simm.s32 $0x108;
	s8 =	sld [smem:$0x3FAF]  }
0x2e: {  	s3 =	simm.s32 @!p0 $0x1082;
	s9 =	sld [smem:$0x3FB0]  }
0x2f: {  	lr =	sadd.s32 s0, s3;
	s0 =	sld [smem:$0x3FA7]  }
0x30: {  	s3 =	sld [smem:$0x3FAA]  }
0x31: {  	[smem:$0x3FB3] =	sst s10  }
0x32: {  	s10 =	sld [smem:$0x3FB1];
	_ =	sdelay $0x3  }
0x33: {  	p0 =	seq.s32 s10, $0x1;
	s10 =	sld [smem:$0x3FB3];
	_ =	sdelay $0x3  }
0x34: {  	[smem:$0x3FB3] =	sst s10  }
0x35: {  	s10 =	sld [smem:$0x3FB2];
	_ =	sdelay $0x3  }
0x36: {  	p1 =	seq.s32 s10, $0x1;
	s10 =	sld [smem:$0x3FB3];
	_ =	sdelay $0x3  }
0x37: {  	[smem:$0x3FB3] =	sst s10  }
0x38: {  	s10 =	sld [smem:$0x3FB4]  }
0x39: {  	_ = 	snop;
	(pc) =	sbr.ind lr, $3  }
0x3a: {  	_ = 	snop  }
0x3b: {  	_ = 	snop  }
0x3c: {  	p2 =	seq.s32 s10, $0x1;
	s10 =	sld [smem:$0x3FB3]  }
0x3d: {  	_ =	shalt  }
0x3e: {  	_ =	shalt  }
0x3f: {  	_ =	shalt  }
0x40: {  	_ =	shalt  }
0x41: {  	_ =	shalt  }
0x42: {  	_ =	shalt  }
0x43: {  	_ =	shalt  }
0x44: {  	_ =	shalt  }
0x45: {  	_ =	shalt  }
0x46: {  	_ =	shalt  }
0x47: {  	_ =	shalt  }
0x48: {  	_ =	shalt  }
0x49: {  	_ =	shalt  }
0x4a: {  	_ =	shalt  }
0x4b: {  	_ =	shalt  }
0x4c: {  	_ =	shalt  }
0x4d: {  	_ =	shalt  }
0x4e: {  	_ =	shalt  }
0x4f: {  	_ =	shalt  }
0x50: {  	_ =	shalt  }
0x51: {  	_ =	shalt  }
0x52: {  	_ =	shalt  }
0x53: {  	_ =	shalt  }
0x54: {  	_ =	shalt  }
0x55: {  	_ =	shalt  }
0x56: {  	_ =	shalt  }
0x57: {  	_ =	shalt  }
0x58: {  	_ =	shalt  }
0x59: {  	_ =	shalt  }
0x5a: {  	_ =	shalt  }
0x5b: {  	_ =	shalt  }
0x5c: {  	_ =	shalt  }
0x5d: {  	_ =	shalt  }
0x5e: {  	_ =	shalt  }
0x5f: {  	_ =	shalt  }
0x60: {  	_ =	shalt  }
0x61: {  	_ =	shalt  }
0x62: {  	_ =	shalt  }
0x63: {  	_ =	shalt  }
0x64: {  	_ =	shalt  }
0x65: {  	_ =	shalt  }
0x66: {  	_ =	shalt  }
0x67: {  	_ =	shalt  }
0x68: {  	_ =	shalt  }
0x69: {  	_ =	shalt  }
0x6a: {  	_ =	shalt  }
0x6b: {  	_ =	shalt  }
0x6c: {  	_ =	shalt  }
0x6d: {  	_ =	shalt  }
0x6e: {  	_ =	shalt  }
0x6f: {  	_ =	shalt  }
0x70: {  	_ =	shalt  }
0x71: {  	_ =	shalt  }
0x72: {  	_ =	shalt  }
0x73: {  	_ =	shalt  }
0x74: {  	_ =	shalt  }
0x75: {  	_ =	shalt  }
0x76: {  	_ =	shalt  }
0x77: {  	_ =	shalt  }
0x78: {  	_ =	shalt  }
0x79: {  	_ =	shalt  }
0x7a: {  	_ =	shalt  }
0x7b: {  	_ =	shalt  }
0x7c: {  	_ =	shalt  }
0x7d: {  	_ =	shalt  }
0x7e: {  	_ =	shalt  }
0x7f: {  	_ =	shalt  }
0x80: {  	_ =	shalt  }
0x81: {  	_ =	shalt  }
0x82: {  	_ =	shalt  }
0x83: {  	_ =	shalt  }
0x84: {  	_ =	shalt  }
0x85: {  	_ =	shalt  }
0x86: {  	_ =	shalt  }
0x87: {  	_ =	shalt  }
.Lfunc_end0:
.L_simem_size_0:
called_computation.2_lowered:
.L_overlay_start_0:
0x88: {  	s2 =	sld [smem:$0x3FD9]  }
0x89: {  	s3 =	sld [smem:$0x3FFE];
	_ =	sdelay $0x1  }
0x8a: {  	s1 =	srdreg.scid  }
0x8b: {  	s0 =	sand.u32 $0x1, s1  }
0x8c: {  	s16 =	sshll.u32 s0, $0xA;
	s2 =	sadd.s32 s3, s2  }
0x8d: {  	s2 =	sadd.s32 s2, s16  }
0x8e: {  	[smem:$0x3FBF] =	sst s2  }
0x8f: {  	_ = 	snop  }
0x90: {  	(tm) =	ssettm $0x1  }
0x91: {  	s17 =	sld [smem:$0x3FFB];
	_ =	sdelay $0x3  }
0x92: {  	_ =	strace s17  }
0x93: {  	s2 =	sld [smem:$0x3FFC];
	_ =	sdelay $0x3  }
0x94: {  	_ =	strace s2  }
0x95: {  	s2 =	sld [smem:$0x3FFD];
	_ =	sdelay $0x3  }
0x96: {  	_ =	strace s2  }
0x97: {  	_ =	strace $0x8FFFFFFF  }
0x98: {  	s18 =	sld [smem:$0x3FDB];
	_ =	sdelay $0x1  }
0x99: {  	s19 =	simm.s32 $_scs_section_size  }
0x9a: {  	s4 =	simm.s32 $_size__tile_overlayer_lowered;
	s5 =	simm.s32 $_tile_overlayer_lowered  }
0x9b: {  	s22 =	simm.s32 $0x1BFF;
	s21 =	sshll.u32 s5, $0x1;
	s2 =	sadd.s32 s19, s18  }
0x9c: {  	s6 =	simm.s32 $0x0;
	s20 =	sshll.u32 s4, $0x1;
	s4 =	sadd.s32 s21, s2  }
0x9d: {  	[timem:s6], [sflag:s22] =	dma.local [hbm:s4], s20  }
0x9e: {  	_ =	swait.ge [sflag:s22], s20  }
0x9f: {  	s3 =	ssub.s32 $0x0, s20;
	[sflag:s22] =	ssyncset.done $0x0  }
0xa0: {  	[sflag:s22] =	ssyncadd.s32 s3;
	_ =	sdelay $0x1  }
0xa1: {  	s23 =	simm.s32 $0x1B8B  }
0xa2: {  	_ =	swait.ge [sflag:s23], $0x1  }
0xa3: {  	[sflag:s23] =	ssyncset.done $0x0  }
0xa4: {  	s25 =	simm.s32 $0x1B8E;
	s24 =	sld [smem:$0x3FFE];
	[sflag:s23] =	ssyncadd.s32 $0xFFFFFFFF  }
0xa5: {  	s26 =	simm.s32 $execute0_lowered;
	[smem:$0x3FD2] =	sst s25  }
0xa6: {  	s4 =	sshll.u32 s26, $0x1;
	_ =	strace $0x8000004C;
	[dreg:$0x1] =	wrdreg $0xFFFFFFFF  }
0xa7: {  	s28 =	simm.s32 $_size_execute0_lowered;
	s2 =	sadd.s32 s2, s4;
	[dreg:$0x0] =	wrdreg $0x0  }
0xa8: {  	s4 =	sshll.u32 s28, $0x1;
	[dreg:$0x2] =	wrdreg s2  }
0xa9: {  	[dreg:$0x3] =	wrdreg s4  }
0xaa: {  	[dreg:$0x4] =	wrdreg $0xC0  }
0xab: {  	_ =	task [dreg:s6], $0x5FFFF  }
0xac: {  	[dreg:$0x1] =	wrdreg $0xFFFFFFFF  }
0xad: {  	[dreg:$0x0] =	wrdreg $0x60  }
0xae: {  	[dreg:$0x2] =	wrdreg s24  }
0xaf: {  	[dreg:$0x3] =	wrdreg $0x90000  }
0xb0: {  	[dreg:$0x4] =	wrdreg $0x9  }
0xb1: {  	_ =	task.clear_ibuf [dreg:s6], $0x5FFFF;
	_ =	strace $0x9000004C  }
0xb2: {  	s29 =	simm.s32 $0x9;
	_ =	strace $0x8000004E  }
0xb3: {  	_ =	swait.ge [sflag:s29], $0x1  }
0xb4: {  	[sflag:s29] =	ssyncadd.s32 $0xFFFFFFFF  }
0xb5: {  	_ =	strace $0x9000004E  }
0xb6: {  	_ =	sfence  }
0xb7: {  	s30 =	sld [smem:$0x0];
	_ =	sdelay $0x2  }
0xb8: {  	s31 =	sshll.u32 s1, $0xD;
	s1 =	sshrl.u32 s1, $0x2  }
0xb9: {  	s3 =	sand.u32 $0x4000, s31;
	s1 =	sadd.s32 s1, s30  }
0xba: {  	s0 =	sor.u32 s3, s0;
	s1 =	sshll.u32 s1, $0x11  }
0xbb: {  	s0 =	sor.u32 s1, s0  }
0xbc: {  	s0 =	sadd.s32 $0x8F2B, s0  }
0xbd: {  	[sflag:s0] =	ssyncadd.remote.s32 $0x1  }
0xbe: {  	_ =	sfence.sel $0xFFFF  }
0xbf: {  	[dreg:$0x0] =	wrdreg $0xFFFFFFFF;
	(pc) =	sbr.abs _section_cstart, $3  }
0xc0: {  	[dreg:$0x1] =	wrdreg $0xFFFFFFFF  }
0xc1: {  	_ =	task.clear_ibuf [dreg:s6], $0x2FFFF;
	_ =	strace $0x9FFFFFFF  }
0xc2: {  	(tm) =	ssettm $0x7FFFFFFF  }
0xc3: {  	_ =	shalt  }
tec
execute0_lowered:
.L_overlay_start_1:
0x0: {  	(tag) =	ssettag $0x1  }
0x1: {  	s0 =	rddreg [dreg:$0x0]  }
0x2: {  	s1 =	rddreg [dreg:$0x1];
	s3 =	simm.s32 $0x0  }
0x3: {  	s14 =	stileid.u32;
	s2 =	srdreg.scid;
	s12 =	simm.s32 $0x3  }
0x4: {  	s13 =	simm.s32 $0x80;
	s15 =	simm.s32 $0xA00;
	s16 =	simm.s32 $0x980  }
0x5: {  	s28 =	simm.s32 $0xC80;
	s29 =	simm.s32 $0xE00;
	s30 =	simm.s32 $0xD80  }
0x6: {  	s31 =	simm.s32 $0xF00;
	[smem:$0x7FF] =	sst s3;
	s6 =	smul.u32 $0x14000, s14  }
0x7: {  	s2 =	sand.u32 $0x1, s2;
	s5 =	sshll.u32 s14, $0x1;
	s18 =	smul.u32 $0xA000, s14  }
0x8: {  	s4 =	sadd.s32 $0x16C00, s0;
	s17 =	sadd.s32 $0x2C00, s0;
	s11 =	smul.u32 $0x50000, s14  }
0x9: {  	s26 =	sshll.u32 s14, $0x6;
	s14 =	simm.s32 $0x1000;
	_ =	strace $0x8000004D  }
0xa: {  	s7 =	smul.u32 $0x140000, s2;
	s8 =	sor.u32 s2, s5;
	s10 =	ssub.s32 $0x2, s2  }
0xb: {  	s2 =	smul.u32 $0x5000, s2;
	[dreg:$0x4] =	wrdreg s17;
	s5 =	simm.s32 $0xE80  }
0xc: {  	s9 =	sshrl.u32 s6, $0x3;
	s8 =	smul.u32 $0x5000, s8;
	s19 =	sshrl.u32 s10, $0x1  }
0xd: {  	s21 =	sshrl.u32 s11, $0x2;
	s9 =	sadd.s32 s9, s0;
	s6 =	sadd.s32 s6, s7  }
0xe: {  	s2 =	sadd.s32 s2, s18;
	s7 =	sadd.s32 s21, s1;
	s21 =	simm.s32 $0x5000  }
0xf: {  	s18 =	simm.s32 $0xF80;
	s6 =	sshrl.u32 s6, $0x3;
	s8 =	sshrl.u32 s8, $0x3  }
0x10: {  	s22 =	sadd.s32 $0x1800, s2;
	s9 =	sadd.s32 $0x3EC00, s9;
	s25 =	sadd.s32 $0x1000, s2  }
0x11: {  	s7 =	sshrl.u32 s7, $0x3;
	s2 =	simm.s32 $0x880;
	s0 =	sadd.s32 s6, s0  }
0x12: {  	s6 =	ssub.s32 s10, s19;
	s20 =	sadd.s32 s17, s8;
	[dreg:$0x6] =	wrdreg s9  }
0x13: {  	s8 =	sshrl.u32 s22, $0x3;
	[dreg:$0xa] =	wrdreg s25;
	s19 =	simm.s32 $0x1  }
0x14: {  	s22 =	simm.s32 $0x2;
	s9 =	simm.s32 $0x4;
	[dreg:$0xc] =	wrdreg s7  }
0x15: {  	s25 =	simm.s32 $0xB80;
	[dreg:$0x5] =	wrdreg s20;
	s23 =	sadd.s32 $0x100, s20  }
0x16: {  	s0 =	sadd.s32 $0x66C00, s0;
	s24 =	sadd.s32 s8, s17;
	[dreg:$0x7] =	wrdreg s23  }
0x17: {  	s6 =	smax.u32 s6, $0x1;
	s8 =	sor.u32 $0x1C05, s26;
	[dreg:$0x8] =	wrdreg s0  }
0x18: {  	s17 =	simm.s32 $0x5;
	s20 =	simm.s32 $0xB00;
	[dreg:$0x9] =	wrdreg s6  }
0x19: {  	s26 =	simm.s32 $0xD00;
	[dreg:$0x3] =	wrdreg s24;
	s23 =	simm.s32 $0xA80  }
0x1a: {  	s24 =	simm.s32 $0xC00;
	s0 =	simm.s32 $0x0;
	[dreg:$0xb] =	wrdreg s8  }
.LBB2_1:
0x1b: {  	[dreg:$0xd] =	wrdreg s0  }
0x1c: {  	s6 =	rddreg [dreg:$0x5]  }
0x1d: {  	[tilespmem:s3], [sflag:$0x3] =	stream.linear.gather [hbm4b:s6+s3], $0x800, $0x38;
	[tilespmem:$0x1D000] =	vst v63  }
0x1e: {  	_ =	swait.ge [sflag:s12], $0x800  }
0x1f: {  	[sflag:s12] =	ssyncset.done $0x0  }
0x20: {  	s11 =	rddreg [dreg:$0x6];
	[sflag:s12] =	ssyncadd.s32 $0xFFFFF800  }
0x21: {  	[tilespmem:s14], [sflag:$0x1] =	stream.indirect.gather [hbm4b:s4+s13], $0x80, s3, s13, $0xb8;
	[tilespmem:$0x1D000] =	vst v63  }
0x22: {  	[spmem:s7], [sflag:s8] =	dma.local [hbm:s11], $0x2800  }
0x23: {  	_ =	swait.ge [sflag:s17], $0x2800  }
0x24: {  	[sflag:s17] =	ssyncset.done $0x0  }
0x25: {  	[sflag:s17] =	ssyncadd.s32 $0xFFFFD800  }
0x26: {  	[bflag:$0x0] =	sbarrier.arrive $0xFFFF  }
0x27: {  	s8 =	simm.s32 $0x800;
	s0 =	rddreg [dreg:$0x7]  }
0x28: {  	[tilespmem:s8], [sflag:$0x4] =	stream.linear.gather [hbm4b:s0+s3], $0x800, $0x38;
	[tilespmem:$0x1D000] =	vst v63  }
0x29: {  	_ =	swait.ge [sflag:s19], $0x4000  }
0x2a: {  	[sflag:s19] =	ssyncset.done $0x0  }
0x2b: {  	s6 =	simm.s32 $0x100;
	[sflag:s19] =	ssyncadd.s32 $0xFFFFC000  }
0x2c: {  	[tilespmem:s21], [sflag:$0x2] =	stream.indirect.gather [hbm4b:s4+s13], $0x80, s6, s13, $0xb8;
	[tilespmem:$0x1D000] =	vst v63  }
0x2d: {  	_ = 	snop  }
0x2e: {  	[spmem:s1] =	stream.indirect.scatter.add.f32 [tilespmem:s14], [sflag:$0x5], $0x80, s13, s13, $0xb8;
	[tilespmem:$0x1D000] =	vst v63  }
0x2f: {  	_ =	swait.ge [sflag:s17], $0x4000  }
0x30: {  	[sflag:s17] =	ssyncset.done $0x0  }
0x31: {  	[sflag:s17] =	ssyncadd.s32 $0xFFFFC000  }
0x32: {  	_ =	swait.ge [sflag:s22], $0x4000  }
0x33: {  	[sflag:s22] =	ssyncset.done $0x0  }
0x34: {  	s7 =	simm.s32 $0x200;
	[sflag:s22] =	ssyncadd.s32 $0xFFFFC000  }
0x35: {  	[tilespmem:s14], [sflag:$0x1] =	stream.indirect.gather [hbm4b:s4+s13], $0x80, s7, s13, $0xb8;
	[tilespmem:$0x1D000] =	vst v63  }
0x36: {  	s11 =	simm.s32 $0x180  }
0x37: {  	[spmem:s1] =	stream.indirect.scatter.add.f32 [tilespmem:s21], [sflag:$0x5], $0x80, s11, s13, $0xb8;
	[tilespmem:$0x1D000] =	vst v63  }
0x38: {  	_ =	swait.ge [sflag:s17], $0x4000  }
0x39: {  	[sflag:s17] =	ssyncset.done $0x0  }
0x3a: {  	[sflag:s17] =	ssyncadd.s32 $0xFFFFC000  }
0x3b: {  	_ =	swait.ge [sflag:s19], $0x4000  }
0x3c: {  	[sflag:s19] =	ssyncset.done $0x0  }
0x3d: {  	s10 =	simm.s32 $0x300;
	[sflag:s19] =	ssyncadd.s32 $0xFFFFC000  }
0x3e: {  	[tilespmem:s21], [sflag:$0x2] =	stream.indirect.gather [hbm4b:s4+s13], $0x80, s10, s13, $0xb8;
	[tilespmem:$0x1D000] =	vst v63  }
0x3f: {  	s6 =	simm.s32 $0x280  }
0x40: {  	[spmem:s1] =	stream.indirect.scatter.add.f32 [tilespmem:s14], [sflag:$0x5], $0x80, s6, s13, $0xb8;
	[tilespmem:$0x1D000] =	vst v63  }
0x41: {  	_ =	swait.ge [sflag:s17], $0x4000  }
0x42: {  	[sflag:s17] =	ssyncset.done $0x0  }
0x43: {  	[sflag:s17] =	ssyncadd.s32 $0xFFFFC000  }
0x44: {  	_ =	swait.ge [sflag:s22], $0x4000  }
0x45: {  	[sflag:s22] =	ssyncset.done $0x0  }
0x46: {  	s7 =	simm.s32 $0x400;
	[sflag:s22] =	ssyncadd.s32 $0xFFFFC000  }
0x47: {  	[tilespmem:s14], [sflag:$0x1] =	stream.indirect.gather [hbm4b:s4+s13], $0x80, s7, s13, $0xb8;
	[tilespmem:$0x1D000] =	vst v63  }
0x48: {  	s10 =	simm.s32 $0x380  }
0x49: {  	[spmem:s1] =	stream.indirect.scatter.add.f32 [tilespmem:s21], [sflag:$0x5], $0x80, s10, s13, $0xb8;
	[tilespmem:$0x1D000] =	vst v63  }
0x4a: {  	_ =	swait.ge [sflag:s17], $0x4000  }
0x4b: {  	[sflag:s17] =	ssyncset.done $0x0  }
0x4c: {  	[sflag:s17] =	ssyncadd.s32 $0xFFFFC000  }
0x4d: {  	_ =	swait.ge [sflag:s19], $0x4000  }
0x4e: {  	[sflag:s19] =	ssyncset.done $0x0  }
0x4f: {  	s6 =	simm.s32 $0x500;
	[sflag:s19] =	ssyncadd.s32 $0xFFFFC000  }
0x50: {  	[tilespmem:s21], [sflag:$0x2] =	stream.indirect.gather [hbm4b:s4+s13], $0x80, s6, s13, $0xb8;
	[tilespmem:$0x1D000] =	vst v63  }
0x51: {  	s7 =	simm.s32 $0x480  }
0x52: {  	[spmem:s1] =	stream.indirect.scatter.add.f32 [tilespmem:s14], [sflag:$0x5], $0x80, s7, s13, $0xb8;
	[tilespmem:$0x1D000] =	vst v63  }
0x53: {  	_ =	swait.ge [sflag:s17], $0x4000  }
0x54: {  	[sflag:s17] =	ssyncset.done $0x0  }
0x55: {  	[sflag:s17] =	ssyncadd.s32 $0xFFFFC000  }
0x56: {  	_ =	swait.ge [sflag:s22], $0x4000  }
0x57: {  	[sflag:s22] =	ssyncset.done $0x0  }
0x58: {  	s10 =	simm.s32 $0x600;
	[sflag:s22] =	ssyncadd.s32 $0xFFFFC000  }
0x59: {  	[tilespmem:s14], [sflag:$0x1] =	stream.indirect.gather [hbm4b:s4+s13], $0x80, s10, s13, $0xb8;
	[tilespmem:$0x1D000] =	vst v63  }
0x5a: {  	s6 =	simm.s32 $0x580  }
0x5b: {  	[spmem:s1] =	stream.indirect.scatter.add.f32 [tilespmem:s21], [sflag:$0x5], $0x80, s6, s13, $0xb8;
	[tilespmem:$0x1D000] =	vst v63  }
0x5c: {  	_ =	swait.ge [sflag:s17], $0x4000  }
0x5d: {  	[sflag:s17] =	ssyncset.done $0x0  }
0x5e: {  	[sflag:s17] =	ssyncadd.s32 $0xFFFFC000  }
0x5f: {  	_ =	swait.ge [sflag:s19], $0x4000  }
0x60: {  	[sflag:s19] =	ssyncset.done $0x0  }
0x61: {  	s7 =	simm.s32 $0x700;
	[sflag:s19] =	ssyncadd.s32 $0xFFFFC000  }
0x62: {  	[tilespmem:s21], [sflag:$0x2] =	stream.indirect.gather [hbm4b:s4+s13], $0x80, s7, s13, $0xb8;
	[tilespmem:$0x1D000] =	vst v63  }
0x63: {  	s10 =	simm.s32 $0x680  }
0x64: {  	[spmem:s1] =	stream.indirect.scatter.add.f32 [tilespmem:s14], [sflag:$0x5], $0x80, s10, s13, $0xb8;
	[tilespmem:$0x1D000] =	vst v63  }
0x65: {  	_ =	swait.ge [sflag:s17], $0x4000  }
0x66: {  	[sflag:s17] =	ssyncset.done $0x0  }
0x67: {  	[sflag:s17] =	ssyncadd.s32 $0xFFFFC000  }
0x68: {  	_ =	swait.ge [sflag:s22], $0x4000  }
0x69: {  	[sflag:s22] =	ssyncset.done $0x0  }
0x6a: {  	[sflag:s22] =	ssyncadd.s32 $0xFFFFC000  }
0x6b: {  	_ =	swait.ge [sflag:s9], $0x800  }
0x6c: {  	[sflag:s9] =	ssyncset.done $0x0  }
0x6d: {  	[sflag:s9] =	ssyncadd.s32 $0xFFFFF800  }
0x6e: {  	[tilespmem:s14], [sflag:$0x1] =	stream.indirect.gather [hbm4b:s4+s13], $0x80, s8, s13, $0xb8;
	[tilespmem:$0x1D000] =	vst v63  }
0x6f: {  	s6 =	simm.s32 $0x780  }
0x70: {  	[spmem:s1] =	stream.indirect.scatter.add.f32 [tilespmem:s21], [sflag:$0x5], $0x80, s6, s13, $0xb8;
	[tilespmem:$0x1D000] =	vst v63  }
0x71: {  	_ =	swait.ge [sflag:s17], $0x4000  }
0x72: {  	s10 =	rddreg [dreg:$0xa]  }
0x73: {  	[sflag:s17] =	ssyncset.done $0x0;
	s0 =	rddreg [dreg:$0x4];
	s7 =	sshrl.u32 s10, $0x3  }
0x74: {  	[sflag:s17] =	ssyncadd.s32 $0xFFFFC000;
	s6 =	sadd.s32 s0, s7  }
0x75: {  	[tilespmem:s3], [sflag:$0x3] =	stream.linear.gather [hbm4b:s6+s3], $0x800, $0x38;
	[tilespmem:$0x1D000] =	vst v63  }
0x76: {  	_ =	swait.ge [sflag:s19], $0x4000  }
0x77: {  	[sflag:s19] =	ssyncset.done $0x0  }
0x78: {  	s7 =	simm.s32 $0x900;
	[sflag:s19] =	ssyncadd.s32 $0xFFFFC000  }
0x79: {  	[tilespmem:s21], [sflag:$0x2] =	stream.indirect.gather [hbm4b:s4+s13], $0x80, s7, s13, $0xb8;
	[tilespmem:$0x1D000] =	vst v63  }
0x7a: {  	_ = 	snop  }
0x7b: {  	[spmem:s1] =	stream.indirect.scatter.add.f32 [tilespmem:s14], [sflag:$0x5], $0x80, s2, s13, $0xb8;
	[tilespmem:$0x1D000] =	vst v63  }
0x7c: {  	_ =	swait.ge [sflag:s17], $0x4000  }
0x7d: {  	[sflag:s17] =	ssyncset.done $0x0  }
0x7e: {  	[sflag:s17] =	ssyncadd.s32 $0xFFFFC000  }
0x7f: {  	_ =	swait.ge [sflag:s22], $0x4000  }
0x80: {  	[sflag:s22] =	ssyncset.done $0x0  }
0x81: {  	[sflag:s22] =	ssyncadd.s32 $0xFFFFC000  }
0x82: {  	[tilespmem:s14], [sflag:$0x1] =	stream.indirect.gather [hbm4b:s4+s13], $0x80, s15, s13, $0xb8;
	[tilespmem:$0x1D000] =	vst v63  }
0x83: {  	_ = 	snop  }
0x84: {  	[spmem:s1] =	stream.indirect.scatter.add.f32 [tilespmem:s21], [sflag:$0x5], $0x80, s16, s13, $0xb8;
	[tilespmem:$0x1D000] =	vst v63  }
0x85: {  	_ =	swait.ge [sflag:s17], $0x4000  }
0x86: {  	[sflag:s17] =	ssyncset.done $0x0  }
0x87: {  	[sflag:s17] =	ssyncadd.s32 $0xFFFFC000  }
0x88: {  	_ =	swait.ge [sflag:s19], $0x4000  }
0x89: {  	[sflag:s19] =	ssyncset.done $0x0  }
0x8a: {  	[sflag:s19] =	ssyncadd.s32 $0xFFFFC000  }
0x8b: {  	[tilespmem:s21], [sflag:$0x2] =	stream.indirect.gather [hbm4b:s4+s13], $0x80, s20, s13, $0xb8;
	[tilespmem:$0x1D000] =	vst v63  }
0x8c: {  	_ = 	snop  }
0x8d: {  	[spmem:s1] =	stream.indirect.scatter.add.f32 [tilespmem:s14], [sflag:$0x5], $0x80, s23, s13, $0xb8;
	[tilespmem:$0x1D000] =	vst v63  }
0x8e: {  	_ =	swait.ge [sflag:s17], $0x4000  }
0x8f: {  	[sflag:s17] =	ssyncset.done $0x0  }
0x90: {  	[sflag:s17] =	ssyncadd.s32 $0xFFFFC000  }
0x91: {  	_ =	swait.ge [sflag:s22], $0x4000  }
0x92: {  	[sflag:s22] =	ssyncset.done $0x0  }
0x93: {  	[sflag:s22] =	ssyncadd.s32 $0xFFFFC000  }
0x94: {  	[tilespmem:s14], [sflag:$0x1] =	stream.indirect.gather [hbm4b:s4+s13], $0x80, s24, s13, $0xb8;
	[tilespmem:$0x1D000] =	vst v63  }
0x95: {  	_ = 	snop  }
0x96: {  	[spmem:s1] =	stream.indirect.scatter.add.f32 [tilespmem:s21], [sflag:$0x5], $0x80, s25, s13, $0xb8;
	[tilespmem:$0x1D000] =	vst v63  }
0x97: {  	_ =	swait.ge [sflag:s17], $0x4000  }
0x98: {  	[sflag:s17] =	ssyncset.done $0x0  }
0x99: {  	[sflag:s17] =	ssyncadd.s32 $0xFFFFC000  }
0x9a: {  	_ =	swait.ge [sflag:s19], $0x4000  }
0x9b: {  	[sflag:s19] =	ssyncset.done $0x0  }
0x9c: {  	[sflag:s19] =	ssyncadd.s32 $0xFFFFC000  }
0x9d: {  	[tilespmem:s21], [sflag:$0x2] =	stream.indirect.gather [hbm4b:s4+s13], $0x80, s26, s13, $0xb8;
	[tilespmem:$0x1D000] =	vst v63  }
0x9e: {  	_ = 	snop  }
0x9f: {  	[spmem:s1] =	stream.indirect.scatter.add.f32 [tilespmem:s14], [sflag:$0x5], $0x80, s28, s13, $0xb8;
	[tilespmem:$0x1D000] =	vst v63  }
0xa0: {  	_ =	swait.ge [sflag:s17], $0x4000  }
0xa1: {  	[sflag:s17] =	ssyncset.done $0x0  }
0xa2: {  	[sflag:s17] =	ssyncadd.s32 $0xFFFFC000  }
0xa3: {  	_ =	swait.ge [sflag:s22], $0x4000  }
0xa4: {  	[sflag:s22] =	ssyncset.done $0x0  }
0xa5: {  	[sflag:s22] =	ssyncadd.s32 $0xFFFFC000  }
0xa6: {  	[tilespmem:s14], [sflag:$0x1] =	stream.indirect.gather [hbm4b:s4+s13], $0x80, s29, s13, $0xb8;
	[tilespmem:$0x1D000] =	vst v63  }
0xa7: {  	_ = 	snop  }
0xa8: {  	[spmem:s1] =	stream.indirect.scatter.add.f32 [tilespmem:s21], [sflag:$0x5], $0x80, s30, s13, $0xb8;
	[tilespmem:$0x1D000] =	vst v63  }
0xa9: {  	_ =	swait.ge [sflag:s17], $0x4000  }
0xaa: {  	[sflag:s17] =	ssyncset.done $0x0  }
0xab: {  	[sflag:s17] =	ssyncadd.s32 $0xFFFFC000  }
0xac: {  	_ =	swait.ge [sflag:s19], $0x4000  }
0xad: {  	[sflag:s19] =	ssyncset.done $0x0  }
0xae: {  	[sflag:s19] =	ssyncadd.s32 $0xFFFFC000  }
0xaf: {  	[tilespmem:s21], [sflag:$0x2] =	stream.indirect.gather [hbm4b:s4+s13], $0x80, s31, s13, $0xb8;
	[tilespmem:$0x1D000] =	vst v63  }
0xb0: {  	_ = 	snop  }
0xb1: {  	[spmem:s1] =	stream.indirect.scatter.add.f32 [tilespmem:s14], [sflag:$0x5], $0x80, s5, s13, $0xb8;
	[tilespmem:$0x1D000] =	vst v63  }
0xb2: {  	_ =	swait.ge [sflag:s17], $0x4000  }
0xb3: {  	[sflag:s17] =	ssyncset.done $0x0  }
0xb4: {  	[sflag:s17] =	ssyncadd.s32 $0xFFFFC000  }
0xb5: {  	_ =	swait.ge [sflag:s22], $0x4000  }
0xb6: {  	[sflag:s22] =	ssyncset.done $0x0  }
0xb7: {  	[sflag:s22] =	ssyncadd.s32 $0xFFFFC000  }
0xb8: {  	_ =	swait.ge [sflag:s12], $0x800  }
0xb9: {  	[sflag:s12] =	ssyncset.done $0x0  }
0xba: {  	[sflag:s12] =	ssyncadd.s32 $0xFFFFF800  }
0xbb: {  	[tilespmem:s14], [sflag:$0x1] =	stream.indirect.gather [hbm4b:s4+s13], $0x80, s3, s13, $0xb8;
	[tilespmem:$0x1D000] =	vst v63  }
0xbc: {  	_ = 	snop  }
0xbd: {  	[spmem:s1] =	stream.indirect.scatter.add.f32 [tilespmem:s21], [sflag:$0x5], $0x80, s18, s13, $0xb8;
	[tilespmem:$0x1D000] =	vst v63  }
0xbe: {  	_ =	swait.ge [sflag:s17], $0x4000  }
0xbf: {  	s0 =	rddreg [dreg:$0x3];
	[sflag:s17] =	ssyncset.done $0x0  }
0xc0: {  	[sflag:s17] =	ssyncadd.s32 $0xFFFFC000;
	s6 =	sadd.s32 $0x0, s0  }
0xc1: {  	[tilespmem:s8], [sflag:$0x4] =	stream.linear.gather [hbm4b:s6+s3], $0x800, $0x38;
	[tilespmem:$0x1D000] =	vst v63  }
0xc2: {  	_ =	swait.ge [sflag:s19], $0x4000  }
0xc3: {  	[sflag:s19] =	ssyncset.done $0x0  }
0xc4: {  	s7 =	simm.s32 $0x100;
	[sflag:s19] =	ssyncadd.s32 $0xFFFFC000  }
0xc5: {  	[tilespmem:s21], [sflag:$0x2] =	stream.indirect.gather [hbm4b:s4+s13], $0x80, s7, s13, $0xb8;
	[tilespmem:$0x1D000] =	vst v63  }
0xc6: {  	_ = 	snop  }
0xc7: {  	[spmem:s1] =	stream.indirect.scatter.add.f32 [tilespmem:s14], [sflag:$0x5], $0x80, s13, s13, $0xb8;
	[tilespmem:$0x1D000] =	vst v63  }
0xc8: {  	_ =	swait.ge [sflag:s17], $0x4000  }
0xc9: {  	[sflag:s17] =	ssyncset.done $0x0  }
0xca: {  	[sflag:s17] =	ssyncadd.s32 $0xFFFFC000  }
0xcb: {  	_ =	swait.ge [sflag:s22], $0x4000  }
0xcc: {  	[sflag:s22] =	ssyncset.done $0x0  }
0xcd: {  	s6 =	simm.s32 $0x200;
	[sflag:s22] =	ssyncadd.s32 $0xFFFFC000  }
0xce: {  	[tilespmem:s14], [sflag:$0x1] =	stream.indirect.gather [hbm4b:s4+s13], $0x80, s6, s13, $0xb8;
	[tilespmem:$0x1D000] =	vst v63  }
0xcf: {  	_ = 	snop  }
0xd0: {  	[spmem:s1] =	stream.indirect.scatter.add.f32 [tilespmem:s21], [sflag:$0x5], $0x80, s11, s13, $0xb8;
	[tilespmem:$0x1D000] =	vst v63  }
0xd1: {  	_ =	swait.ge [sflag:s17], $0x4000  }
0xd2: {  	[sflag:s17] =	ssyncset.done $0x0  }
0xd3: {  	[sflag:s17] =	ssyncadd.s32 $0xFFFFC000  }
0xd4: {  	_ =	swait.ge [sflag:s19], $0x4000  }
0xd5: {  	[sflag:s19] =	ssyncset.done $0x0  }
0xd6: {  	s7 =	simm.s32 $0x300;
	[sflag:s19] =	ssyncadd.s32 $0xFFFFC000  }
0xd7: {  	[tilespmem:s21], [sflag:$0x2] =	stream.indirect.gather [hbm4b:s4+s13], $0x80, s7, s13, $0xb8;
	[tilespmem:$0x1D000] =	vst v63  }
0xd8: {  	s11 =	simm.s32 $0x280  }
0xd9: {  	[spmem:s1] =	stream.indirect.scatter.add.f32 [tilespmem:s14], [sflag:$0x5], $0x80, s11, s13, $0xb8;
	[tilespmem:$0x1D000] =	vst v63  }
0xda: {  	_ =	swait.ge [sflag:s17], $0x4000  }
0xdb: {  	[sflag:s17] =	ssyncset.done $0x0  }
0xdc: {  	[sflag:s17] =	ssyncadd.s32 $0xFFFFC000  }
0xdd: {  	_ =	swait.ge [sflag:s22], $0x4000  }
0xde: {  	[sflag:s22] =	ssyncset.done $0x0  }
0xdf: {  	s6 =	simm.s32 $0x400;
	[sflag:s22] =	ssyncadd.s32 $0xFFFFC000  }
0xe0: {  	[tilespmem:s14], [sflag:$0x1] =	stream.indirect.gather [hbm4b:s4+s13], $0x80, s6, s13, $0xb8;
	[tilespmem:$0x1D000] =	vst v63  }
0xe1: {  	s7 =	simm.s32 $0x380  }
0xe2: {  	[spmem:s1] =	stream.indirect.scatter.add.f32 [tilespmem:s21], [sflag:$0x5], $0x80, s7, s13, $0xb8;
	[tilespmem:$0x1D000] =	vst v63  }
0xe3: {  	_ =	swait.ge [sflag:s17], $0x4000  }
0xe4: {  	[sflag:s17] =	ssyncset.done $0x0  }
0xe5: {  	[sflag:s17] =	ssyncadd.s32 $0xFFFFC000  }
0xe6: {  	_ =	swait.ge [sflag:s19], $0x4000  }
0xe7: {  	[sflag:s19] =	ssyncset.done $0x0  }
0xe8: {  	s11 =	simm.s32 $0x500;
	[sflag:s19] =	ssyncadd.s32 $0xFFFFC000  }
0xe9: {  	[tilespmem:s21], [sflag:$0x2] =	stream.indirect.gather [hbm4b:s4+s13], $0x80, s11, s13, $0xb8;
	[tilespmem:$0x1D000] =	vst v63  }
0xea: {  	s6 =	simm.s32 $0x480  }
0xeb: {  	[spmem:s1] =	stream.indirect.scatter.add.f32 [tilespmem:s14], [sflag:$0x5], $0x80, s6, s13, $0xb8;
	[tilespmem:$0x1D000] =	vst v63  }
0xec: {  	_ =	swait.ge [sflag:s17], $0x4000  }
0xed: {  	[sflag:s17] =	ssyncset.done $0x0  }
0xee: {  	[sflag:s17] =	ssyncadd.s32 $0xFFFFC000  }
0xef: {  	_ =	swait.ge [sflag:s22], $0x4000  }
0xf0: {  	[sflag:s22] =	ssyncset.done $0x0  }
0xf1: {  	s7 =	simm.s32 $0x600;
	[sflag:s22] =	ssyncadd.s32 $0xFFFFC000  }
0xf2: {  	[tilespmem:s14], [sflag:$0x1] =	stream.indirect.gather [hbm4b:s4+s13], $0x80, s7, s13, $0xb8;
	[tilespmem:$0x1D000] =	vst v63  }
0xf3: {  	s11 =	simm.s32 $0x580  }
0xf4: {  	[spmem:s1] =	stream.indirect.scatter.add.f32 [tilespmem:s21], [sflag:$0x5], $0x80, s11, s13, $0xb8;
	[tilespmem:$0x1D000] =	vst v63  }
0xf5: {  	_ =	swait.ge [sflag:s17], $0x4000  }
0xf6: {  	[sflag:s17] =	ssyncset.done $0x0  }
0xf7: {  	[sflag:s17] =	ssyncadd.s32 $0xFFFFC000  }
0xf8: {  	_ =	swait.ge [sflag:s19], $0x4000  }
0xf9: {  	[sflag:s19] =	ssyncset.done $0x0  }
0xfa: {  	s6 =	simm.s32 $0x700;
	[sflag:s19] =	ssyncadd.s32 $0xFFFFC000  }
0xfb: {  	[tilespmem:s21], [sflag:$0x2] =	stream.indirect.gather [hbm4b:s4+s13], $0x80, s6, s13, $0xb8;
	[tilespmem:$0x1D000] =	vst v63  }
0xfc: {  	s7 =	simm.s32 $0x680  }
0xfd: {  	[spmem:s1] =	stream.indirect.scatter.add.f32 [tilespmem:s14], [sflag:$0x5], $0x80, s7, s13, $0xb8;
	[tilespmem:$0x1D000] =	vst v63  }
0xfe: {  	_ =	swait.ge [sflag:s17], $0x4000  }
0xff: {  	[sflag:s17] =	ssyncset.done $0x0  }
0x100: {  	[sflag:s17] =	ssyncadd.s32 $0xFFFFC000  }
0x101: {  	_ =	swait.ge [sflag:s22], $0x4000  }
0x102: {  	[sflag:s22] =	ssyncset.done $0x0  }
0x103: {  	[sflag:s22] =	ssyncadd.s32 $0xFFFFC000  }
0x104: {  	_ =	swait.ge [sflag:s9], $0x800  }
0x105: {  	[sflag:s9] =	ssyncset.done $0x0  }
0x106: {  	[sflag:s9] =	ssyncadd.s32 $0xFFFFF800  }
0x107: {  	[tilespmem:s14], [sflag:$0x1] =	stream.indirect.gather [hbm4b:s4+s13], $0x80, s8, s13, $0xb8;
	[tilespmem:$0x1D000] =	vst v63  }
0x108: {  	s11 =	simm.s32 $0x780  }
0x109: {  	[spmem:s1] =	stream.indirect.scatter.add.f32 [tilespmem:s21], [sflag:$0x5], $0x80, s11, s13, $0xb8;
	[tilespmem:$0x1D000] =	vst v63  }
0x10a: {  	s10 =	sadd.s32 $0x1000, s10;
	_ =	swait.ge [sflag:s17], $0x4000  }
0x10b: {  	s7 =	simm.s32 $0x200;
	s8 =	simm.s32 $0x400;
	[sflag:s17] =	ssyncset.done $0x0  }
.LBB2_2:
0x10c: {  	s6 =	sshrl.u32 s10, $0x3;
	s11 =	rddreg [dreg:$0x4]  }
0x10d: {  	[sflag:s17] =	ssyncadd.s32 $0xFFFFC000;
	s11 =	sadd.s32 s11, s6  }
0x10e: {  	[tilespmem:s3], [sflag:$0x3] =	stream.linear.gather [hbm4b:s11+s3], $0x800, $0x38;
	[tilespmem:$0x1D000] =	vst v63  }
0x10f: {  	_ =	swait.ge [sflag:s19], $0x4000  }
0x110: {  	[sflag:s19] =	ssyncset.done $0x0  }
0x111: {  	s0 =	simm.s32 $0x900;
	[sflag:s19] =	ssyncadd.s32 $0xFFFFC000  }
0x112: {  	[tilespmem:s21], [sflag:$0x2] =	stream.indirect.gather [hbm4b:s4+s13], $0x80, s0, s13, $0xb8;
	[tilespmem:$0x1D000] =	vst v63  }
0x113: {  	_ = 	snop  }
0x114: {  	[spmem:s1] =	stream.indirect.scatter.add.f32 [tilespmem:s14], [sflag:$0x5], $0x80, s2, s13, $0xb8;
	[tilespmem:$0x1D000] =	vst v63  }
0x115: {  	_ =	swait.ge [sflag:s17], $0x4000  }
0x116: {  	[sflag:s17] =	ssyncset.done $0x0  }
0x117: {  	[sflag:s17] =	ssyncadd.s32 $0xFFFFC000  }
0x118: {  	_ =	swait.ge [sflag:s22], $0x4000  }
0x119: {  	[sflag:s22] =	ssyncset.done $0x0  }
0x11a: {  	[sflag:s22] =	ssyncadd.s32 $0xFFFFC000  }
0x11b: {  	[tilespmem:s14], [sflag:$0x1] =	stream.indirect.gather [hbm4b:s4+s13], $0x80, s15, s13, $0xb8;
	[tilespmem:$0x1D000] =	vst v63  }
0x11c: {  	_ = 	snop  }
0x11d: {  	[spmem:s1] =	stream.indirect.scatter.add.f32 [tilespmem:s21], [sflag:$0x5], $0x80, s16, s13, $0xb8;
	[tilespmem:$0x1D000] =	vst v63  }
0x11e: {  	_ =	swait.ge [sflag:s17], $0x4000  }
0x11f: {  	[sflag:s17] =	ssyncset.done $0x0  }
0x120: {  	[sflag:s17] =	ssyncadd.s32 $0xFFFFC000  }
0x121: {  	_ =	swait.ge [sflag:s19], $0x4000  }
0x122: {  	[sflag:s19] =	ssyncset.done $0x0  }
0x123: {  	[sflag:s19] =	ssyncadd.s32 $0xFFFFC000  }
0x124: {  	[tilespmem:s21], [sflag:$0x2] =	stream.indirect.gather [hbm4b:s4+s13], $0x80, s20, s13, $0xb8;
	[tilespmem:$0x1D000] =	vst v63  }
0x125: {  	_ = 	snop  }
0x126: {  	[spmem:s1] =	stream.indirect.scatter.add.f32 [tilespmem:s14], [sflag:$0x5], $0x80, s23, s13, $0xb8;
	[tilespmem:$0x1D000] =	vst v63  }
0x127: {  	_ =	swait.ge [sflag:s17], $0x4000  }
0x128: {  	[sflag:s17] =	ssyncset.done $0x0  }
0x129: {  	[sflag:s17] =	ssyncadd.s32 $0xFFFFC000  }
0x12a: {  	_ =	swait.ge [sflag:s22], $0x4000  }
0x12b: {  	[sflag:s22] =	ssyncset.done $0x0  }
0x12c: {  	[sflag:s22] =	ssyncadd.s32 $0xFFFFC000  }
0x12d: {  	[tilespmem:s14], [sflag:$0x1] =	stream.indirect.gather [hbm4b:s4+s13], $0x80, s24, s13, $0xb8;
	[tilespmem:$0x1D000] =	vst v63  }
0x12e: {  	_ = 	snop  }
0x12f: {  	[spmem:s1] =	stream.indirect.scatter.add.f32 [tilespmem:s21], [sflag:$0x5], $0x80, s25, s13, $0xb8;
	[tilespmem:$0x1D000] =	vst v63  }
0x130: {  	_ =	swait.ge [sflag:s17], $0x4000  }
0x131: {  	[sflag:s17] =	ssyncset.done $0x0  }
0x132: {  	[sflag:s17] =	ssyncadd.s32 $0xFFFFC000  }
0x133: {  	_ =	swait.ge [sflag:s19], $0x4000  }
0x134: {  	[sflag:s19] =	ssyncset.done $0x0  }
0x135: {  	[sflag:s19] =	ssyncadd.s32 $0xFFFFC000  }
0x136: {  	[tilespmem:s21], [sflag:$0x2] =	stream.indirect.gather [hbm4b:s4+s13], $0x80, s26, s13, $0xb8;
	[tilespmem:$0x1D000] =	vst v63  }
0x137: {  	_ = 	snop  }
0x138: {  	[spmem:s1] =	stream.indirect.scatter.add.f32 [tilespmem:s14], [sflag:$0x5], $0x80, s28, s13, $0xb8;
	[tilespmem:$0x1D000] =	vst v63  }
0x139: {  	_ =	swait.ge [sflag:s17], $0x4000  }
0x13a: {  	[sflag:s17] =	ssyncset.done $0x0  }
0x13b: {  	[sflag:s17] =	ssyncadd.s32 $0xFFFFC000  }
0x13c: {  	_ =	swait.ge [sflag:s22], $0x4000  }
0x13d: {  	[sflag:s22] =	ssyncset.done $0x0  }
0x13e: {  	[sflag:s22] =	ssyncadd.s32 $0xFFFFC000  }
0x13f: {  	[tilespmem:s14], [sflag:$0x1] =	stream.indirect.gather [hbm4b:s4+s13], $0x80, s29, s13, $0xb8;
	[tilespmem:$0x1D000] =	vst v63  }
0x140: {  	_ = 	snop  }
0x141: {  	[spmem:s1] =	stream.indirect.scatter.add.f32 [tilespmem:s21], [sflag:$0x5], $0x80, s30, s13, $0xb8;
	[tilespmem:$0x1D000] =	vst v63  }
0x142: {  	_ =	swait.ge [sflag:s17], $0x4000  }
0x143: {  	[sflag:s17] =	ssyncset.done $0x0  }
0x144: {  	[sflag:s17] =	ssyncadd.s32 $0xFFFFC000  }
0x145: {  	_ =	swait.ge [sflag:s19], $0x4000  }
0x146: {  	[sflag:s19] =	ssyncset.done $0x0  }
0x147: {  	[sflag:s19] =	ssyncadd.s32 $0xFFFFC000  }
0x148: {  	[tilespmem:s21], [sflag:$0x2] =	stream.indirect.gather [hbm4b:s4+s13], $0x80, s31, s13, $0xb8;
	[tilespmem:$0x1D000] =	vst v63  }
0x149: {  	_ = 	snop  }
0x14a: {  	[spmem:s1] =	stream.indirect.scatter.add.f32 [tilespmem:s14], [sflag:$0x5], $0x80, s5, s13, $0xb8;
	[tilespmem:$0x1D000] =	vst v63  }
0x14b: {  	_ =	swait.ge [sflag:s17], $0x4000  }
0x14c: {  	[sflag:s17] =	ssyncset.done $0x0  }
0x14d: {  	[sflag:s17] =	ssyncadd.s32 $0xFFFFC000  }
0x14e: {  	_ =	swait.ge [sflag:s22], $0x4000  }
0x14f: {  	[sflag:s22] =	ssyncset.done $0x0  }
0x150: {  	[sflag:s22] =	ssyncadd.s32 $0xFFFFC000  }
0x151: {  	_ =	swait.ge [sflag:s12], $0x800  }
0x152: {  	[sflag:s12] =	ssyncset.done $0x0  }
0x153: {  	[sflag:s12] =	ssyncadd.s32 $0xFFFFF800  }
0x154: {  	[tilespmem:s14], [sflag:$0x1] =	stream.indirect.gather [hbm4b:s4+s13], $0x80, s3, s13, $0xb8;
	[tilespmem:$0x1D000] =	vst v63  }
0x155: {  	_ = 	snop  }
0x156: {  	[spmem:s1] =	stream.indirect.scatter.add.f32 [tilespmem:s21], [sflag:$0x5], $0x80, s18, s13, $0xb8;
	[tilespmem:$0x1D000] =	vst v63  }
0x157: {  	_ =	swait.ge [sflag:s17], $0x4000  }
0x158: {  	s0 =	rddreg [dreg:$0x3];
	[sflag:s17] =	ssyncset.done $0x0  }
0x159: {  	[sflag:s17] =	ssyncadd.s32 $0xFFFFC000;
	s11 =	sadd.s32 s7, s0;
	s0 =	simm.s32 $0x800  }
0x15a: {  	[tilespmem:s0], [sflag:$0x4] =	stream.linear.gather [hbm4b:s11+s3], $0x800, $0x38;
	[tilespmem:$0x1D000] =	vst v63  }
0x15b: {  	_ =	swait.ge [sflag:s19], $0x4000  }
0x15c: {  	[sflag:s19] =	ssyncset.done $0x0  }
0x15d: {  	s11 =	simm.s32 $0x100;
	[sflag:s19] =	ssyncadd.s32 $0xFFFFC000  }
0x15e: {  	[tilespmem:s21], [sflag:$0x2] =	stream.indirect.gather [hbm4b:s4+s13], $0x80, s11, s13, $0xb8;
	[tilespmem:$0x1D000] =	vst v63  }
0x15f: {  	_ = 	snop  }
0x160: {  	[spmem:s1] =	stream.indirect.scatter.add.f32 [tilespmem:s14], [sflag:$0x5], $0x80, s13, s13, $0xb8;
	[tilespmem:$0x1D000] =	vst v63  }
0x161: {  	_ =	swait.ge [sflag:s17], $0x4000  }
0x162: {  	[sflag:s17] =	ssyncset.done $0x0  }
0x163: {  	[sflag:s17] =	ssyncadd.s32 $0xFFFFC000  }
0x164: {  	_ =	swait.ge [sflag:s22], $0x4000  }
0x165: {  	[sflag:s22] =	ssyncset.done $0x0  }
0x166: {  	s11 =	simm.s32 $0x200;
	[sflag:s22] =	ssyncadd.s32 $0xFFFFC000  }
0x167: {  	[tilespmem:s14], [sflag:$0x1] =	stream.indirect.gather [hbm4b:s4+s13], $0x80, s11, s13, $0xb8;
	[tilespmem:$0x1D000] =	vst v63  }
0x168: {  	s11 =	simm.s32 $0x180  }
0x169: {  	[spmem:s1] =	stream.indirect.scatter.add.f32 [tilespmem:s21], [sflag:$0x5], $0x80, s11, s13, $0xb8;
	[tilespmem:$0x1D000] =	vst v63  }
0x16a: {  	_ =	swait.ge [sflag:s17], $0x4000  }
0x16b: {  	[sflag:s17] =	ssyncset.done $0x0  }
0x16c: {  	[sflag:s17] =	ssyncadd.s32 $0xFFFFC000  }
0x16d: {  	_ =	swait.ge [sflag:s19], $0x4000  }
0x16e: {  	[sflag:s19] =	ssyncset.done $0x0  }
0x16f: {  	s11 =	simm.s32 $0x300;
	[sflag:s19] =	ssyncadd.s32 $0xFFFFC000  }
0x170: {  	[tilespmem:s21], [sflag:$0x2] =	stream.indirect.gather [hbm4b:s4+s13], $0x80, s11, s13, $0xb8;
	[tilespmem:$0x1D000] =	vst v63  }
0x171: {  	s11 =	simm.s32 $0x280  }
0x172: {  	[spmem:s1] =	stream.indirect.scatter.add.f32 [tilespmem:s14], [sflag:$0x5], $0x80, s11, s13, $0xb8;
	[tilespmem:$0x1D000] =	vst v63  }
0x173: {  	_ =	swait.ge [sflag:s17], $0x4000  }
0x174: {  	[sflag:s17] =	ssyncset.done $0x0  }
0x175: {  	[sflag:s17] =	ssyncadd.s32 $0xFFFFC000  }
0x176: {  	_ =	swait.ge [sflag:s22], $0x4000  }
0x177: {  	[sflag:s22] =	ssyncset.done $0x0  }
0x178: {  	s11 =	simm.s32 $0x400;
	[sflag:s22] =	ssyncadd.s32 $0xFFFFC000  }
0x179: {  	[tilespmem:s14], [sflag:$0x1] =	stream.indirect.gather [hbm4b:s4+s13], $0x80, s11, s13, $0xb8;
	[tilespmem:$0x1D000] =	vst v63  }
0x17a: {  	s11 =	simm.s32 $0x380  }
0x17b: {  	[spmem:s1] =	stream.indirect.scatter.add.f32 [tilespmem:s21], [sflag:$0x5], $0x80, s11, s13, $0xb8;
	[tilespmem:$0x1D000] =	vst v63  }
0x17c: {  	_ =	swait.ge [sflag:s17], $0x4000  }
0x17d: {  	[sflag:s17] =	ssyncset.done $0x0  }
0x17e: {  	[sflag:s17] =	ssyncadd.s32 $0xFFFFC000  }
0x17f: {  	_ =	swait.ge [sflag:s19], $0x4000  }
0x180: {  	[sflag:s19] =	ssyncset.done $0x0  }
0x181: {  	s11 =	simm.s32 $0x500;
	[sflag:s19] =	ssyncadd.s32 $0xFFFFC000  }
0x182: {  	[tilespmem:s21], [sflag:$0x2] =	stream.indirect.gather [hbm4b:s4+s13], $0x80, s11, s13, $0xb8;
	[tilespmem:$0x1D000] =	vst v63  }
0x183: {  	s11 =	simm.s32 $0x480  }
0x184: {  	[spmem:s1] =	stream.indirect.scatter.add.f32 [tilespmem:s14], [sflag:$0x5], $0x80, s11, s13, $0xb8;
	[tilespmem:$0x1D000] =	vst v63  }
0x185: {  	_ =	swait.ge [sflag:s17], $0x4000  }
0x186: {  	[sflag:s17] =	ssyncset.done $0x0  }
0x187: {  	[sflag:s17] =	ssyncadd.s32 $0xFFFFC000  }
0x188: {  	_ =	swait.ge [sflag:s22], $0x4000  }
0x189: {  	[sflag:s22] =	ssyncset.done $0x0  }
0x18a: {  	s11 =	simm.s32 $0x600;
	[sflag:s22] =	ssyncadd.s32 $0xFFFFC000  }
0x18b: {  	[tilespmem:s14], [sflag:$0x1] =	stream.indirect.gather [hbm4b:s4+s13], $0x80, s11, s13, $0xb8;
	[tilespmem:$0x1D000] =	vst v63  }
0x18c: {  	s11 =	simm.s32 $0x580  }
0x18d: {  	[spmem:s1] =	stream.indirect.scatter.add.f32 [tilespmem:s21], [sflag:$0x5], $0x80, s11, s13, $0xb8;
	[tilespmem:$0x1D000] =	vst v63  }
0x18e: {  	_ =	swait.ge [sflag:s17], $0x4000  }
0x18f: {  	[sflag:s17] =	ssyncset.done $0x0  }
0x190: {  	[sflag:s17] =	ssyncadd.s32 $0xFFFFC000  }
0x191: {  	_ =	swait.ge [sflag:s19], $0x4000  }
0x192: {  	[sflag:s19] =	ssyncset.done $0x0  }
0x193: {  	s11 =	simm.s32 $0x700;
	[sflag:s19] =	ssyncadd.s32 $0xFFFFC000  }
0x194: {  	[tilespmem:s21], [sflag:$0x2] =	stream.indirect.gather [hbm4b:s4+s13], $0x80, s11, s13, $0xb8;
	[tilespmem:$0x1D000] =	vst v63  }
0x195: {  	s11 =	simm.s32 $0x680  }
0x196: {  	[spmem:s1] =	stream.indirect.scatter.add.f32 [tilespmem:s14], [sflag:$0x5], $0x80, s11, s13, $0xb8;
	[tilespmem:$0x1D000] =	vst v63  }
0x197: {  	_ =	swait.ge [sflag:s17], $0x4000  }
0x198: {  	[sflag:s17] =	ssyncset.done $0x0  }
0x199: {  	[sflag:s17] =	ssyncadd.s32 $0xFFFFC000  }
0x19a: {  	_ =	swait.ge [sflag:s22], $0x4000  }
0x19b: {  	[sflag:s22] =	ssyncset.done $0x0  }
0x19c: {  	[sflag:s22] =	ssyncadd.s32 $0xFFFFC000  }
0x19d: {  	_ =	swait.ge [sflag:s9], $0x800  }
0x19e: {  	[sflag:s9] =	ssyncset.done $0x0  }
0x19f: {  	p0 =	sne.s32 s8, $0x600;
	[sflag:s9] =	ssyncadd.s32 $0xFFFFF800  }
0x1a0: {  	[tilespmem:s14], [sflag:$0x1] =	stream.indirect.gather [hbm4b:s4+s13], $0x80, s0, s13, $0xb8;
	[tilespmem:$0x1D000] =	vst v63  }
.Ltmp0:
0x1a1: {  	_ = 	snop;
	(pc) =	sbr.rel @p0 .LBB2_2-.Ltmp0, $4  }
0x1a2: {  	s11 =	simm.s32 $0x780  }
0x1a3: {  	[spmem:s1] =	stream.indirect.scatter.add.f32 [tilespmem:s21], [sflag:$0x5], $0x80, s11, s13, $0xb8;
	[tilespmem:$0x1D000] =	vst v63  }
0x1a4: {  	s10 =	sadd.s32 $0x1000, s10;
	s6 =	smov.u32 s8;
	_ =	swait.ge [sflag:s17], $0x4000  }
0x1a5: {  	s8 =	sadd.s32 $0x200, s8;
	s7 =	smov.u32 s6;
	[sflag:s17] =	ssyncset.done $0x0  }
0x1a6: {  	s6 =	sshrl.u32 s10, $0x3;
	s0 =	rddreg [dreg:$0x4]  }
0x1a7: {  	[sflag:s17] =	ssyncadd.s32 $0xFFFFC000;
	s6 =	sadd.s32 s0, s6  }
0x1a8: {  	[tilespmem:s3], [sflag:$0x3] =	stream.linear.gather [hbm4b:s6+s3], $0x800, $0x38;
	[tilespmem:$0x1D000] =	vst v63  }
0x1a9: {  	_ =	swait.ge [sflag:s19], $0x4000  }
0x1aa: {  	[sflag:s19] =	ssyncset.done $0x0  }
0x1ab: {  	s2 =	simm.s32 $0x900;
	[sflag:s19] =	ssyncadd.s32 $0xFFFFC000  }
0x1ac: {  	[tilespmem:s21], [sflag:$0x2] =	stream.indirect.gather [hbm4b:s4+s13], $0x80, s2, s13, $0xb8;
	[tilespmem:$0x1D000] =	vst v63  }
0x1ad: {  	s10 =	simm.s32 $0x880  }
0x1ae: {  	[spmem:s1] =	stream.indirect.scatter.add.f32 [tilespmem:s14], [sflag:$0x5], $0x80, s10, s13, $0xb8;
	[tilespmem:$0x1D000] =	vst v63  }
0x1af: {  	_ =	swait.ge [sflag:s17], $0x4000  }
0x1b0: {  	[sflag:s17] =	ssyncset.done $0x0  }
0x1b1: {  	[sflag:s17] =	ssyncadd.s32 $0xFFFFC000  }
0x1b2: {  	_ =	swait.ge [sflag:s22], $0x4000  }
0x1b3: {  	[sflag:s22] =	ssyncset.done $0x0  }
0x1b4: {  	s11 =	simm.s32 $0xA00;
	[sflag:s22] =	ssyncadd.s32 $0xFFFFC000  }
0x1b5: {  	[tilespmem:s14], [sflag:$0x1] =	stream.indirect.gather [hbm4b:s4+s13], $0x80, s11, s13, $0xb8;
	[tilespmem:$0x1D000] =	vst v63  }
0x1b6: {  	s18 =	simm.s32 $0x980  }
0x1b7: {  	[spmem:s1] =	stream.indirect.scatter.add.f32 [tilespmem:s21], [sflag:$0x5], $0x80, s18, s13, $0xb8;
	[tilespmem:$0x1D000] =	vst v63  }
0x1b8: {  	_ =	swait.ge [sflag:s17], $0x4000  }
0x1b9: {  	[sflag:s17] =	ssyncset.done $0x0  }
0x1ba: {  	[sflag:s17] =	ssyncadd.s32 $0xFFFFC000  }
0x1bb: {  	_ =	swait.ge [sflag:s19], $0x4000  }
0x1bc: {  	[sflag:s19] =	ssyncset.done $0x0  }
0x1bd: {  	s23 =	simm.s32 $0xB00;
	[sflag:s19] =	ssyncadd.s32 $0xFFFFC000  }
0x1be: {  	[tilespmem:s21], [sflag:$0x2] =	stream.indirect.gather [hbm4b:s4+s13], $0x80, s23, s13, $0xb8;
	[tilespmem:$0x1D000] =	vst v63  }
0x1bf: {  	s24 =	simm.s32 $0xA80  }
0x1c0: {  	[spmem:s1] =	stream.indirect.scatter.add.f32 [tilespmem:s14], [sflag:$0x5], $0x80, s24, s13, $0xb8;
	[tilespmem:$0x1D000] =	vst v63  }
0x1c1: {  	_ =	swait.ge [sflag:s17], $0x4000  }
0x1c2: {  	[sflag:s17] =	ssyncset.done $0x0  }
0x1c3: {  	[sflag:s17] =	ssyncadd.s32 $0xFFFFC000  }
0x1c4: {  	_ =	swait.ge [sflag:s22], $0x4000  }
0x1c5: {  	[sflag:s22] =	ssyncset.done $0x0  }
0x1c6: {  	s25 =	simm.s32 $0xC00;
	[sflag:s22] =	ssyncadd.s32 $0xFFFFC000  }
0x1c7: {  	[tilespmem:s14], [sflag:$0x1] =	stream.indirect.gather [hbm4b:s4+s13], $0x80, s25, s13, $0xb8;
	[tilespmem:$0x1D000] =	vst v63  }
0x1c8: {  	s26 =	simm.s32 $0xB80  }
0x1c9: {  	[spmem:s1] =	stream.indirect.scatter.add.f32 [tilespmem:s21], [sflag:$0x5], $0x80, s26, s13, $0xb8;
	[tilespmem:$0x1D000] =	vst v63  }
0x1ca: {  	_ =	swait.ge [sflag:s17], $0x4000  }
0x1cb: {  	[sflag:s17] =	ssyncset.done $0x0  }
0x1cc: {  	[sflag:s17] =	ssyncadd.s32 $0xFFFFC000  }
0x1cd: {  	_ =	swait.ge [sflag:s19], $0x4000  }
0x1ce: {  	[sflag:s19] =	ssyncset.done $0x0  }
0x1cf: {  	s28 =	simm.s32 $0xD00;
	[sflag:s19] =	ssyncadd.s32 $0xFFFFC000  }
0x1d0: {  	[tilespmem:s21], [sflag:$0x2] =	stream.indirect.gather [hbm4b:s4+s13], $0x80, s28, s13, $0xb8;
	[tilespmem:$0x1D000] =	vst v63  }
0x1d1: {  	s29 =	simm.s32 $0xC80  }
0x1d2: {  	[spmem:s1] =	stream.indirect.scatter.add.f32 [tilespmem:s14], [sflag:$0x5], $0x80, s29, s13, $0xb8;
	[tilespmem:$0x1D000] =	vst v63  }
0x1d3: {  	_ =	swait.ge [sflag:s17], $0x4000  }
0x1d4: {  	[sflag:s17] =	ssyncset.done $0x0  }
0x1d5: {  	[sflag:s17] =	ssyncadd.s32 $0xFFFFC000  }
0x1d6: {  	_ =	swait.ge [sflag:s22], $0x4000  }
0x1d7: {  	[sflag:s22] =	ssyncset.done $0x0  }
0x1d8: {  	s30 =	simm.s32 $0xE00;
	[sflag:s22] =	ssyncadd.s32 $0xFFFFC000  }
0x1d9: {  	[tilespmem:s14], [sflag:$0x1] =	stream.indirect.gather [hbm4b:s4+s13], $0x80, s30, s13, $0xb8;
	[tilespmem:$0x1D000] =	vst v63  }
0x1da: {  	s31 =	simm.s32 $0xD80  }
0x1db: {  	[spmem:s1] =	stream.indirect.scatter.add.f32 [tilespmem:s21], [sflag:$0x5], $0x80, s31, s13, $0xb8;
	[tilespmem:$0x1D000] =	vst v63  }
0x1dc: {  	_ =	swait.ge [sflag:s17], $0x4000  }
0x1dd: {  	[sflag:s17] =	ssyncset.done $0x0  }
0x1de: {  	[sflag:s17] =	ssyncadd.s32 $0xFFFFC000  }
0x1df: {  	_ =	swait.ge [sflag:s19], $0x4000  }
0x1e0: {  	[sflag:s19] =	ssyncset.done $0x0  }
0x1e1: {  	s6 =	simm.s32 $0xF00;
	[sflag:s19] =	ssyncadd.s32 $0xFFFFC000  }
0x1e2: {  	[tilespmem:s21], [sflag:$0x2] =	stream.indirect.gather [hbm4b:s4+s13], $0x80, s6, s13, $0xb8;
	[tilespmem:$0x1D000] =	vst v63  }
0x1e3: {  	s8 =	simm.s32 $0xE80  }
0x1e4: {  	[spmem:s1] =	stream.indirect.scatter.add.f32 [tilespmem:s14], [sflag:$0x5], $0x80, s8, s13, $0xb8;
	[tilespmem:$0x1D000] =	vst v63  }
0x1e5: {  	_ =	swait.ge [sflag:s17], $0x4000  }
0x1e6: {  	[sflag:s17] =	ssyncset.done $0x0  }
0x1e7: {  	[sflag:s17] =	ssyncadd.s32 $0xFFFFC000  }
0x1e8: {  	_ =	swait.ge [sflag:s22], $0x4000  }
0x1e9: {  	[sflag:s22] =	ssyncset.done $0x0  }
0x1ea: {  	[sflag:s22] =	ssyncadd.s32 $0xFFFFC000  }
0x1eb: {  	_ =	swait.ge [sflag:s12], $0x800  }
0x1ec: {  	[sflag:s12] =	ssyncset.done $0x0  }
0x1ed: {  	[sflag:s12] =	ssyncadd.s32 $0xFFFFF800  }
0x1ee: {  	[tilespmem:s14], [sflag:$0x1] =	stream.indirect.gather [hbm4b:s4+s13], $0x80, s3, s13, $0xb8;
	[tilespmem:$0x1D000] =	vst v63  }
0x1ef: {  	s8 =	simm.s32 $0xF80  }
0x1f0: {  	[spmem:s1] =	stream.indirect.scatter.add.f32 [tilespmem:s21], [sflag:$0x5], $0x80, s8, s13, $0xb8;
	[tilespmem:$0x1D000] =	vst v63  }
0x1f1: {  	_ =	swait.ge [sflag:s17], $0x4000  }
0x1f2: {  	s15 =	rddreg [dreg:$0x3];
	[sflag:s17] =	ssyncset.done $0x0  }
0x1f3: {  	s5 =	simm.s32 $0x800;
	s6 =	sadd.s32 s7, s15;
	[sflag:s17] =	ssyncadd.s32 $0xFFFFC000  }
0x1f4: {  	[tilespmem:s5], [sflag:$0x4] =	stream.linear.gather [hbm4b:s6+s3], $0x800, $0x38;
	[tilespmem:$0x1D000] =	vst v63  }
0x1f5: {  	_ =	swait.ge [sflag:s19], $0x4000  }
0x1f6: {  	[sflag:s19] =	ssyncset.done $0x0  }
0x1f7: {  	s16 =	simm.s32 $0x100;
	[sflag:s19] =	ssyncadd.s32 $0xFFFFC000  }
0x1f8: {  	[tilespmem:s21], [sflag:$0x2] =	stream.indirect.gather [hbm4b:s4+s13], $0x80, s16, s13, $0xb8;
	[tilespmem:$0x1D000] =	vst v63  }
0x1f9: {  	_ = 	snop  }
0x1fa: {  	[spmem:s1] =	stream.indirect.scatter.add.f32 [tilespmem:s14], [sflag:$0x5], $0x80, s13, s13, $0xb8;
	[tilespmem:$0x1D000] =	vst v63  }
0x1fb: {  	_ =	swait.ge [sflag:s17], $0x4000  }
0x1fc: {  	[sflag:s17] =	ssyncset.done $0x0  }
0x1fd: {  	[sflag:s17] =	ssyncadd.s32 $0xFFFFC000  }
0x1fe: {  	_ =	swait.ge [sflag:s22], $0x4000  }
0x1ff: {  	[sflag:s22] =	ssyncset.done $0x0  }
0x200: {  	s20 =	simm.s32 $0x200;
	[sflag:s22] =	ssyncadd.s32 $0xFFFFC000  }
0x201: {  	[tilespmem:s14], [sflag:$0x1] =	stream.indirect.gather [hbm4b:s4+s13], $0x80, s20, s13, $0xb8;
	[tilespmem:$0x1D000] =	vst v63  }
0x202: {  	s6 =	simm.s32 $0x180  }
0x203: {  	[spmem:s1] =	stream.indirect.scatter.add.f32 [tilespmem:s21], [sflag:$0x5], $0x80, s6, s13, $0xb8;
	[tilespmem:$0x1D000] =	vst v63  }
0x204: {  	_ =	swait.ge [sflag:s17], $0x4000  }
0x205: {  	[sflag:s17] =	ssyncset.done $0x0  }
0x206: {  	[sflag:s17] =	ssyncadd.s32 $0xFFFFC000  }
0x207: {  	_ =	swait.ge [sflag:s19], $0x4000  }
0x208: {  	[sflag:s19] =	ssyncset.done $0x0  }
0x209: {  	s7 =	simm.s32 $0x300;
	[sflag:s19] =	ssyncadd.s32 $0xFFFFC000  }
0x20a: {  	[tilespmem:s21], [sflag:$0x2] =	stream.indirect.gather [hbm4b:s4+s13], $0x80, s7, s13, $0xb8;
	[tilespmem:$0x1D000] =	vst v63  }
0x20b: {  	s15 =	simm.s32 $0x280  }
0x20c: {  	[spmem:s1] =	stream.indirect.scatter.add.f32 [tilespmem:s14], [sflag:$0x5], $0x80, s15, s13, $0xb8;
	[tilespmem:$0x1D000] =	vst v63  }
0x20d: {  	_ =	swait.ge [sflag:s17], $0x4000  }
0x20e: {  	[sflag:s17] =	ssyncset.done $0x0  }
0x20f: {  	[sflag:s17] =	ssyncadd.s32 $0xFFFFC000  }
0x210: {  	_ =	swait.ge [sflag:s22], $0x4000  }
0x211: {  	[sflag:s22] =	ssyncset.done $0x0  }
0x212: {  	s16 =	simm.s32 $0x400;
	[sflag:s22] =	ssyncadd.s32 $0xFFFFC000  }
0x213: {  	[tilespmem:s14], [sflag:$0x1] =	stream.indirect.gather [hbm4b:s4+s13], $0x80, s16, s13, $0xb8;
	[tilespmem:$0x1D000] =	vst v63  }
0x214: {  	s20 =	simm.s32 $0x380  }
0x215: {  	[spmem:s1] =	stream.indirect.scatter.add.f32 [tilespmem:s21], [sflag:$0x5], $0x80, s20, s13, $0xb8;
	[tilespmem:$0x1D000] =	vst v63  }
0x216: {  	_ =	swait.ge [sflag:s17], $0x4000  }
0x217: {  	[sflag:s17] =	ssyncset.done $0x0  }
0x218: {  	[sflag:s17] =	ssyncadd.s32 $0xFFFFC000  }
0x219: {  	_ =	swait.ge [sflag:s19], $0x4000  }
0x21a: {  	[sflag:s19] =	ssyncset.done $0x0  }
0x21b: {  	s6 =	simm.s32 $0x500;
	[sflag:s19] =	ssyncadd.s32 $0xFFFFC000  }
0x21c: {  	[tilespmem:s21], [sflag:$0x2] =	stream.indirect.gather [hbm4b:s4+s13], $0x80, s6, s13, $0xb8;
	[tilespmem:$0x1D000] =	vst v63  }
0x21d: {  	s7 =	simm.s32 $0x480  }
0x21e: {  	[spmem:s1] =	stream.indirect.scatter.add.f32 [tilespmem:s14], [sflag:$0x5], $0x80, s7, s13, $0xb8;
	[tilespmem:$0x1D000] =	vst v63  }
0x21f: {  	_ =	swait.ge [sflag:s17], $0x4000  }
0x220: {  	[sflag:s17] =	ssyncset.done $0x0  }
0x221: {  	[sflag:s17] =	ssyncadd.s32 $0xFFFFC000  }
0x222: {  	_ =	swait.ge [sflag:s22], $0x4000  }
0x223: {  	[sflag:s22] =	ssyncset.done $0x0  }
0x224: {  	s15 =	simm.s32 $0x600;
	[sflag:s22] =	ssyncadd.s32 $0xFFFFC000  }
0x225: {  	[tilespmem:s14], [sflag:$0x1] =	stream.indirect.gather [hbm4b:s4+s13], $0x80, s15, s13, $0xb8;
	[tilespmem:$0x1D000] =	vst v63  }
0x226: {  	s16 =	simm.s32 $0x580  }
0x227: {  	[spmem:s1] =	stream.indirect.scatter.add.f32 [tilespmem:s21], [sflag:$0x5], $0x80, s16, s13, $0xb8;
	[tilespmem:$0x1D000] =	vst v63  }
0x228: {  	_ =	swait.ge [sflag:s17], $0x4000  }
0x229: {  	[sflag:s17] =	ssyncset.done $0x0  }
0x22a: {  	[sflag:s17] =	ssyncadd.s32 $0xFFFFC000  }
0x22b: {  	_ =	swait.ge [sflag:s19], $0x4000  }
0x22c: {  	[sflag:s19] =	ssyncset.done $0x0  }
0x22d: {  	s20 =	simm.s32 $0x700;
	[sflag:s19] =	ssyncadd.s32 $0xFFFFC000  }
0x22e: {  	[tilespmem:s21], [sflag:$0x2] =	stream.indirect.gather [hbm4b:s4+s13], $0x80, s20, s13, $0xb8;
	[tilespmem:$0x1D000] =	vst v63  }
0x22f: {  	s6 =	simm.s32 $0x680  }
0x230: {  	[spmem:s1] =	stream.indirect.scatter.add.f32 [tilespmem:s14], [sflag:$0x5], $0x80, s6, s13, $0xb8;
	[tilespmem:$0x1D000] =	vst v63  }
0x231: {  	_ =	swait.ge [sflag:s17], $0x4000  }
0x232: {  	[sflag:s17] =	ssyncset.done $0x0  }
0x233: {  	[sflag:s17] =	ssyncadd.s32 $0xFFFFC000  }
0x234: {  	_ =	swait.ge [sflag:s22], $0x4000  }
0x235: {  	[sflag:s22] =	ssyncset.done $0x0  }
0x236: {  	[sflag:s22] =	ssyncadd.s32 $0xFFFFC000  }
0x237: {  	_ =	swait.ge [sflag:s9], $0x800  }
0x238: {  	[sflag:s9] =	ssyncset.done $0x0  }
0x239: {  	[sflag:s9] =	ssyncadd.s32 $0xFFFFF800  }
0x23a: {  	[tilespmem:s14], [sflag:$0x1] =	stream.indirect.gather [hbm4b:s4+s13], $0x80, s5, s13, $0xb8;
	[tilespmem:$0x1D000] =	vst v63  }
0x23b: {  	s7 =	simm.s32 $0x780  }
0x23c: {  	[spmem:s1] =	stream.indirect.scatter.add.f32 [tilespmem:s21], [sflag:$0x5], $0x80, s7, s13, $0xb8;
	[tilespmem:$0x1D000] =	vst v63  }
0x23d: {  	_ =	swait.ge [sflag:s17], $0x4000  }
0x23e: {  	[sflag:s17] =	ssyncset.done $0x0  }
0x23f: {  	[sflag:s17] =	ssyncadd.s32 $0xFFFFC000  }
0x240: {  	_ =	swait.ge [sflag:s19], $0x4000  }
0x241: {  	[sflag:s19] =	ssyncset.done $0x0  }
0x242: {  	[sflag:s19] =	ssyncadd.s32 $0xFFFFC000  }
0x243: {  	[tilespmem:s21], [sflag:$0x2] =	stream.indirect.gather [hbm4b:s4+s13], $0x80, s2, s13, $0xb8;
	[tilespmem:$0x1D000] =	vst v63  }
0x244: {  	_ = 	snop  }
0x245: {  	[spmem:s1] =	stream.indirect.scatter.add.f32 [tilespmem:s14], [sflag:$0x5], $0x80, s10, s13, $0xb8;
	[tilespmem:$0x1D000] =	vst v63  }
0x246: {  	_ =	swait.ge [sflag:s17], $0x4000  }
0x247: {  	[sflag:s17] =	ssyncset.done $0x0  }
0x248: {  	[sflag:s17] =	ssyncadd.s32 $0xFFFFC000  }
0x249: {  	_ =	swait.ge [sflag:s22], $0x4000  }
0x24a: {  	[sflag:s22] =	ssyncset.done $0x0  }
0x24b: {  	[sflag:s22] =	ssyncadd.s32 $0xFFFFC000  }
0x24c: {  	[tilespmem:s14], [sflag:$0x1] =	stream.indirect.gather [hbm4b:s4+s13], $0x80, s11, s13, $0xb8;
	[tilespmem:$0x1D000] =	vst v63  }
0x24d: {  	_ = 	snop  }
0x24e: {  	[spmem:s1] =	stream.indirect.scatter.add.f32 [tilespmem:s21], [sflag:$0x5], $0x80, s18, s13, $0xb8;
	[tilespmem:$0x1D000] =	vst v63  }
0x24f: {  	_ =	swait.ge [sflag:s17], $0x4000  }
0x250: {  	[sflag:s17] =	ssyncset.done $0x0  }
0x251: {  	[sflag:s17] =	ssyncadd.s32 $0xFFFFC000  }
0x252: {  	_ =	swait.ge [sflag:s19], $0x4000  }
0x253: {  	[sflag:s19] =	ssyncset.done $0x0  }
0x254: {  	[sflag:s19] =	ssyncadd.s32 $0xFFFFC000  }
0x255: {  	[tilespmem:s21], [sflag:$0x2] =	stream.indirect.gather [hbm4b:s4+s13], $0x80, s23, s13, $0xb8;
	[tilespmem:$0x1D000] =	vst v63  }
0x256: {  	_ = 	snop  }
0x257: {  	[spmem:s1] =	stream.indirect.scatter.add.f32 [tilespmem:s14], [sflag:$0x5], $0x80, s24, s13, $0xb8;
	[tilespmem:$0x1D000] =	vst v63  }
0x258: {  	_ =	swait.ge [sflag:s17], $0x4000  }
0x259: {  	[sflag:s17] =	ssyncset.done $0x0  }
0x25a: {  	[sflag:s17] =	ssyncadd.s32 $0xFFFFC000  }
0x25b: {  	_ =	swait.ge [sflag:s22], $0x4000  }
0x25c: {  	[sflag:s22] =	ssyncset.done $0x0  }
0x25d: {  	[sflag:s22] =	ssyncadd.s32 $0xFFFFC000  }
0x25e: {  	[tilespmem:s14], [sflag:$0x1] =	stream.indirect.gather [hbm4b:s4+s13], $0x80, s25, s13, $0xb8;
	[tilespmem:$0x1D000] =	vst v63  }
0x25f: {  	_ = 	snop  }
0x260: {  	[spmem:s1] =	stream.indirect.scatter.add.f32 [tilespmem:s21], [sflag:$0x5], $0x80, s26, s13, $0xb8;
	[tilespmem:$0x1D000] =	vst v63  }
0x261: {  	_ =	swait.ge [sflag:s17], $0x4000  }
0x262: {  	[sflag:s17] =	ssyncset.done $0x0  }
0x263: {  	[sflag:s17] =	ssyncadd.s32 $0xFFFFC000  }
0x264: {  	_ =	swait.ge [sflag:s19], $0x4000  }
0x265: {  	[sflag:s19] =	ssyncset.done $0x0  }
0x266: {  	[sflag:s19] =	ssyncadd.s32 $0xFFFFC000  }
0x267: {  	[tilespmem:s21], [sflag:$0x2] =	stream.indirect.gather [hbm4b:s4+s13], $0x80, s28, s13, $0xb8;
	[tilespmem:$0x1D000] =	vst v63  }
0x268: {  	_ = 	snop  }
0x269: {  	[spmem:s1] =	stream.indirect.scatter.add.f32 [tilespmem:s14], [sflag:$0x5], $0x80, s29, s13, $0xb8;
	[tilespmem:$0x1D000] =	vst v63  }
0x26a: {  	_ =	swait.ge [sflag:s17], $0x4000  }
0x26b: {  	[sflag:s17] =	ssyncset.done $0x0  }
0x26c: {  	[sflag:s17] =	ssyncadd.s32 $0xFFFFC000  }
0x26d: {  	_ =	swait.ge [sflag:s22], $0x4000  }
0x26e: {  	[sflag:s22] =	ssyncset.done $0x0  }
0x26f: {  	[sflag:s22] =	ssyncadd.s32 $0xFFFFC000  }
0x270: {  	[tilespmem:s14], [sflag:$0x1] =	stream.indirect.gather [hbm4b:s4+s13], $0x80, s30, s13, $0xb8;
	[tilespmem:$0x1D000] =	vst v63  }
0x271: {  	_ = 	snop  }
0x272: {  	[spmem:s1] =	stream.indirect.scatter.add.f32 [tilespmem:s21], [sflag:$0x5], $0x80, s31, s13, $0xb8;
	[tilespmem:$0x1D000] =	vst v63  }
0x273: {  	_ =	swait.ge [sflag:s17], $0x4000  }
0x274: {  	[sflag:s17] =	ssyncset.done $0x0  }
0x275: {  	[sflag:s17] =	ssyncadd.s32 $0xFFFFC000  }
0x276: {  	_ =	swait.ge [sflag:s19], $0x4000  }
0x277: {  	[sflag:s19] =	ssyncset.done $0x0  }
0x278: {  	s11 =	simm.s32 $0xF00;
	[sflag:s19] =	ssyncadd.s32 $0xFFFFC000  }
0x279: {  	[tilespmem:s21], [sflag:$0x2] =	stream.indirect.gather [hbm4b:s4+s13], $0x80, s11, s13, $0xb8;
	[tilespmem:$0x1D000] =	vst v63  }
0x27a: {  	s18 =	simm.s32 $0xE80  }
0x27b: {  	[spmem:s1] =	stream.indirect.scatter.add.f32 [tilespmem:s14], [sflag:$0x5], $0x80, s18, s13, $0xb8;
	[tilespmem:$0x1D000] =	vst v63  }
0x27c: {  	_ =	swait.ge [sflag:s17], $0x4000  }
0x27d: {  	[sflag:s17] =	ssyncset.done $0x0  }
0x27e: {  	[sflag:s17] =	ssyncadd.s32 $0xFFFFC000  }
0x27f: {  	_ =	swait.ge [sflag:s22], $0x4000  }
0x280: {  	[sflag:s22] =	ssyncset.done $0x0  }
0x281: {  	[sflag:s22] =	ssyncadd.s32 $0xFFFFC000  }
0x282: {  	[spmem:s1] =	stream.indirect.scatter.add.f32 [tilespmem:s21], [sflag:$0x5], $0x80, s8, s13, $0xb8;
	[tilespmem:$0x1D000] =	vst v63  }
0x283: {  	_ =	swait.ge [sflag:s17], $0x4000  }
0x284: {  	[sflag:s17] =	ssyncset.done $0x0  }
0x285: {  	[sflag:s17] =	ssyncadd.s32 $0xFFFFC000  }
0x286: {  	[bflag:$0x0] =	sbarrier.arrive $0xFFFF  }
0x287: {  	s0 =	rddreg [dreg:$0x8]  }
0x288: {  	s8 =	rddreg [dreg:$0xb]  }
0x289: {  	s7 =	rddreg [dreg:$0xc]  }
0x28a: {  	[hbm:s0], [sflag:s8] =	dma.local [spmem:s7], $0x2800  }
0x28b: {  	_ =	swait.ge [sflag:s17], $0x2800  }
0x28c: {  	s10 =	rddreg [dreg:$0xd]  }
0x28d: {  	s11 =	rddreg [dreg:$0x9];
	s0 =	sadd.s32 $0x1, s10  }
0x28e: {  	s15 =	simm.s32 $0xA00;
	s16 =	simm.s32 $0x980;
	p0 =	sne.s32 s0, s11  }
.Ltmp1:
0x28f: {  	s20 =	simm.s32 $0xB00;
	s5 =	simm.s32 $0xE80;
	(pc) =	sbr.rel @p0 .LBB2_1-.Ltmp1, $4  }
0x290: {  	s2 =	simm.s32 $0x880;
	s23 =	simm.s32 $0xA80;
	s24 =	simm.s32 $0xC00  }
0x291: {  	s25 =	simm.s32 $0xB80;
	s26 =	simm.s32 $0xD00;
	s28 =	simm.s32 $0xC80  }
0x292: {  	s29 =	simm.s32 $0xE00;
	s30 =	simm.s32 $0xD80;
	[sflag:s17] =	ssyncset.done $0x0  }
0x293: {  	s31 =	simm.s32 $0xF00;
	s18 =	simm.s32 $0xF80;
	[sflag:s17] =	ssyncadd.s32 $0xFFFFD800  }
0x294: {  	_ =	sfence.sel $0x180000  }
0x295: {  	[bflag:$0x0] =	sbarrier.arrive $0xFFFF  }
0x296: {  	_ =	strace $0x9000004D  }
0x297: {  	s0 =	stileid.u32;
	[bflag:$0x2] =	sbarrier.arrive $0xFFFF  }
0x298: {  	p0 =	sne.s32 s0, $0x0;
	s0 =	rddreg [dreg:$0x2]  }
0x299: {  	s0 =	sadd.s32 @!p0 $0x100000, s0  }
0x29a: {  	[sflag:s0] =	ssyncadd.tile.s32 @!p0 $0x1;
	_ =	shalt  }
.Lfunc_end2:
_tile_overlayer_lowered:
.L_overlay_start_2:
0x29b: {  	(tag) =	ssettag $0x2  }
0x29c: {  	s0 =	rddreg [dreg:$0x0];
	s2 =	stileid.u32  }
0x29d: {  	s1 =	rddreg [dreg:$0x1];
	p0 =	sne.s32 s2, $0x0  }
0x29e: {  	s3 =	rddreg [dreg:$0x2];
	[bflag:$0x3] =	sbarrier.arrive $0xFFFF;
	s2 =	simm.s32 @!p0 $0x1C05  }
0x29f: {  	[timem:s3], [sflag:s2] =	dma.local @!p0 [hbm:s0], s1  }
0x2a0: {  	s0 =	simm.s32 @!p0 $0x5  }
0x2a1: {  	_ =	swait.ge @!p0 [sflag:s0], s1  }
0x2a2: {  	s1 =	ssub.s32 @!p0 $0x0, s1;
	[sflag:s0] =	ssyncset.done @!p0 $0x0  }
0x2a3: {  	[sflag:s0] =	ssyncadd.s32 @!p0 s1  }
0x2a4: {  	[bflag:$0x3] =	sbarrier.arrive $0xFFFF  }
0x2a5: {  	_ =	shalt  }

// kernel: kernel.8.cloned.1.call-start
scs
__scs_entry_jumppad:
0x0: {  	(pc) =	sbr.rel $0x88, $3  }
0x1: {  	(tag) =	ssettag $0x0;
	lr =	simm.s32 $0x1  }
0x2: {  	[smem:$0x3F98] =	sst lr;
	_ =	strace $0xD0000000  }
0x3: {  	_ = 	snop  }
0x4: {  	_ = 	snop  }
0x5: {  	_ = 	snop  }
0x6: {  	_ = 	snop  }
0x7: {  	_ = 	snop  }
__scs_overlays_trampoline_lowered:
0x8: {  	[smem:$0x3FA7] =	sst s0  }
0x9: {  	[smem:$0x3FA8] =	sst s1  }
0xa: {  	[smem:$0x3FA9] =	sst s2  }
0xb: {  	[smem:$0x3FAA] =	sst s3  }
0xc: {  	[smem:$0x3FAB] =	sst s4  }
0xd: {  	[smem:$0x3FAC] =	sst s5  }
0xe: {  	[smem:$0x3FAD] =	sst s6  }
0xf: {  	[smem:$0x3FAE] =	sst s7  }
0x10: {  	[smem:$0x3FAF] =	sst s8  }
0x11: {  	[smem:$0x3FB0] =	sst s9;
	s0 =	simm.s32 @!p0 $0x0  }
0x12: {  	s1 =	sld [smem:$0x3F96];
	s0 =	simm.s32 @p0 $0x1  }
0x13: {  	[smem:$0x3FB1] =	sst s0;
	s0 =	simm.s32 @!p1 $0x0  }
0x14: {  	s2 =	sld [smem:$0x3F95];
	s0 =	simm.s32 @p1 $0x1  }
0x15: {  	[smem:$0x3FB2] =	sst s0;
	s0 =	simm.s32 @!p2 $0x0  }
0x16: {  	s3 =	sld [smem:$0x3FDB];
	s0 =	simm.s32 @p2 $0x1  }
0x17: {  	s4 =	simm.s32 $0x1BF5;
	[smem:$0x3FB4] =	sst s0  }
0x18: {  	s0 =	sld [smem:$0x3F97];
	_ =	swait.ge [sflag:s4], $0x0  }
0x19: {  	s7 =	sld [smem:$0x3F98]  }
0x1a: {  	s8 =	sadd.s32 $0xFFFFE003, lr  }
0x1b: {  	s9 =	sadd.s32 $0xFFFFFEF7, lr;
	s5 =	simm.s32 $0xFFFFFFFF;
	p2 =	slt.u32 s8, $0xFFFFF086  }
0x1c: {  	p1 =	slt.u32 s9, $0xF7A;
	s5 =	simm.s32 @!p2 $0x0  }
0x1d: {  	s5 =	simm.s32 @p1 $0x1;
	p0 =	seq.s32 s7, s2  }
0x1e: {  	s7 =	smul.u32 @!p0 $0xF7A, s2;
	p2 =	seq.s32 @!p0 s5, $0x0  }
0x1f: {  	s9 =	smul.u32 $0xF7A, s1;
	s8 =	simm.s32 @!p0 $0x1BF5;
	p2 =	por !p2, p0  }
0x20: {  	[sflag:s8] =	ssyncset.s32 @!p0 $0xFFFFF086;
	s6 =	sadd.s32 @!p0 s3, s7;
	s7 =	simm.s32 @!p0 $0x108  }
0x21: {  	s3 =	sadd.s32 s3, s9;
	s6 =	sadd.s32 @!p0 $0x88, s6;
	s7 =	simm.s32 @p2 $0x1082  }
0x22: {  	[simem:s7], [sflag:s8] =	dma.local @!p0 [hbm:s6], $0xF7A  }
0x23: {  	s9 =	sor.u32 $0xD0000000, s2;
	s6 =	simm.s32 $0x108;
	_ =	swait.ge @!p0 [sflag:s8], $0x0  }
0x24: {  	s3 =	sadd.s32 $0x88, s3;
	s6 =	simm.s32 @!p1 $0x1082;
	[sflag:s4] =	ssyncset.s32 $0xFFFFF086  }
0x25: {  	[simem:s6], [sflag:s4] =	dma.local [hbm:s3], $0xF7A  }
0x26: {  	[smem:$0x3F98] =	sst s1;
	(tag) =	ssettag s2;
	_ =	strace s9  }
0x27: {  	s1 =	sld [smem:$0x3FA8]  }
0x28: {  	s2 =	sld [smem:$0x3FA9]  }
0x29: {  	s4 =	sld [smem:$0x3FAB]  }
0x2a: {  	p0 =	seq.s32 s5, $0x0;
	s5 =	sld [smem:$0x3FAC]  }
0x2b: {  	s6 =	sld [smem:$0x3FAD]  }
0x2c: {  	s7 =	sld [smem:$0x3FAE]  }
0x2d: {  	s3 =	simm.s32 $0x108;
	s8 =	sld [smem:$0x3FAF]  }
0x2e: {  	s3 =	simm.s32 @!p0 $0x1082;
	s9 =	sld [smem:$0x3FB0]  }
0x2f: {  	lr =	sadd.s32 s0, s3;
	s0 =	sld [smem:$0x3FA7]  }
0x30: {  	s3 =	sld [smem:$0x3FAA]  }
0x31: {  	[smem:$0x3FB3] =	sst s10  }
0x32: {  	s10 =	sld [smem:$0x3FB1];
	_ =	sdelay $0x3  }
0x33: {  	p0 =	seq.s32 s10, $0x1;
	s10 =	sld [smem:$0x3FB3];
	_ =	sdelay $0x3  }
0x34: {  	[smem:$0x3FB3] =	sst s10  }
0x35: {  	s10 =	sld [smem:$0x3FB2];
	_ =	sdelay $0x3  }
0x36: {  	p1 =	seq.s32 s10, $0x1;
	s10 =	sld [smem:$0x3FB3];
	_ =	sdelay $0x3  }
0x37: {  	[smem:$0x3FB3] =	sst s10  }
0x38: {  	s10 =	sld [smem:$0x3FB4]  }
0x39: {  	_ = 	snop;
	(pc) =	sbr.ind lr, $3  }
0x3a: {  	_ = 	snop  }
0x3b: {  	_ = 	snop  }
0x3c: {  	p2 =	seq.s32 s10, $0x1;
	s10 =	sld [smem:$0x3FB3]  }
0x3d: {  	_ =	shalt  }
0x3e: {  	_ =	shalt  }
0x3f: {  	_ =	shalt  }
0x40: {  	_ =	shalt  }
0x41: {  	_ =	shalt  }
0x42: {  	_ =	shalt  }
0x43: {  	_ =	shalt  }
0x44: {  	_ =	shalt  }
0x45: {  	_ =	shalt  }
0x46: {  	_ =	shalt  }
0x47: {  	_ =	shalt  }
0x48: {  	_ =	shalt  }
0x49: {  	_ =	shalt  }
0x4a: {  	_ =	shalt  }
0x4b: {  	_ =	shalt  }
0x4c: {  	_ =	shalt  }
0x4d: {  	_ =	shalt  }
0x4e: {  	_ =	shalt  }
0x4f: {  	_ =	shalt  }
0x50: {  	_ =	shalt  }
0x51: {  	_ =	shalt  }
0x52: {  	_ =	shalt  }
0x53: {  	_ =	shalt  }
0x54: {  	_ =	shalt  }
0x55: {  	_ =	shalt  }
0x56: {  	_ =	shalt  }
0x57: {  	_ =	shalt  }
0x58: {  	_ =	shalt  }
0x59: {  	_ =	shalt  }
0x5a: {  	_ =	shalt  }
0x5b: {  	_ =	shalt  }
0x5c: {  	_ =	shalt  }
0x5d: {  	_ =	shalt  }
0x5e: {  	_ =	shalt  }
0x5f: {  	_ =	shalt  }
0x60: {  	_ =	shalt  }
0x61: {  	_ =	shalt  }
0x62: {  	_ =	shalt  }
0x63: {  	_ =	shalt  }
0x64: {  	_ =	shalt  }
0x65: {  	_ =	shalt  }
0x66: {  	_ =	shalt  }
0x67: {  	_ =	shalt  }
0x68: {  	_ =	shalt  }
0x69: {  	_ =	shalt  }
0x6a: {  	_ =	shalt  }
0x6b: {  	_ =	shalt  }
0x6c: {  	_ =	shalt  }
0x6d: {  	_ =	shalt  }
0x6e: {  	_ =	shalt  }
0x6f: {  	_ =	shalt  }
0x70: {  	_ =	shalt  }
0x71: {  	_ =	shalt  }
0x72: {  	_ =	shalt  }
0x73: {  	_ =	shalt  }
0x74: {  	_ =	shalt  }
0x75: {  	_ =	shalt  }
0x76: {  	_ =	shalt  }
0x77: {  	_ =	shalt  }
0x78: {  	_ =	shalt  }
0x79: {  	_ =	shalt  }
0x7a: {  	_ =	shalt  }
0x7b: {  	_ =	shalt  }
0x7c: {  	_ =	shalt  }
0x7d: {  	_ =	shalt  }
0x7e: {  	_ =	shalt  }
0x7f: {  	_ =	shalt  }
0x80: {  	_ =	shalt  }
0x81: {  	_ =	shalt  }
0x82: {  	_ =	shalt  }
0x83: {  	_ =	shalt  }
0x84: {  	_ =	shalt  }
0x85: {  	_ =	shalt  }
0x86: {  	_ =	shalt  }
0x87: {  	_ =	shalt  }
.Lfunc_end0:
.L_simem_size_0:
called_computation_lowered:
.L_overlay_start_0:
0x88: {  	s2 =	sld [smem:$0x3FD9]  }
0x89: {  	s3 =	sld [smem:$0x3FFE];
	_ =	sdelay $0x1  }
0x8a: {  	s1 =	srdreg.scid  }
0x8b: {  	s0 =	sand.u32 $0x1, s1  }
0x8c: {  	s16 =	sshll.u32 s0, $0xA;
	s2 =	sadd.s32 s3, s2  }
0x8d: {  	s2 =	sadd.s32 s2, s16  }
0x8e: {  	[smem:$0x3FBF] =	sst s2  }
0x8f: {  	_ = 	snop  }
0x90: {  	(tm) =	ssettm $0x1  }
0x91: {  	s17 =	sld [smem:$0x3FFB];
	_ =	sdelay $0x3  }
0x92: {  	_ =	strace s17  }
0x93: {  	s2 =	sld [smem:$0x3FFC];
	_ =	sdelay $0x3  }
0x94: {  	_ =	strace s2  }
0x95: {  	s2 =	sld [smem:$0x3FFD];
	_ =	sdelay $0x3  }
0x96: {  	_ =	strace s2  }
0x97: {  	_ =	strace $0x8FFFFFFF  }
0x98: {  	s18 =	sld [smem:$0x3FDB];
	_ =	sdelay $0x1  }
0x99: {  	s19 =	simm.s32 $_scs_section_size  }
0x9a: {  	s4 =	simm.s32 $_size__tile_overlayer_lowered;
	s5 =	simm.s32 $_tile_overlayer_lowered  }
0x9b: {  	s22 =	simm.s32 $0x1BFF;
	s21 =	sshll.u32 s5, $0x1;
	s2 =	sadd.s32 s19, s18  }
0x9c: {  	s6 =	simm.s32 $0x0;
	s20 =	sshll.u32 s4, $0x1;
	s4 =	sadd.s32 s21, s2  }
0x9d: {  	[timem:s6], [sflag:s22] =	dma.local [hbm:s4], s20  }
0x9e: {  	_ =	swait.ge [sflag:s22], s20  }
0x9f: {  	s3 =	ssub.s32 $0x0, s20;
	[sflag:s22] =	ssyncset.done $0x0  }
0xa0: {  	[sflag:s22] =	ssyncadd.s32 s3;
	_ =	sdelay $0x1  }
0xa1: {  	s23 =	simm.s32 $0x1B8B  }
0xa2: {  	_ =	swait.ge [sflag:s23], $0x1  }
0xa3: {  	[sflag:s23] =	ssyncset.done $0x0  }
0xa4: {  	s25 =	simm.s32 $0x1B8E;
	s24 =	sld [smem:$0x3FFE];
	[sflag:s23] =	ssyncadd.s32 $0xFFFFFFFF  }
0xa5: {  	s26 =	simm.s32 $execute0_lowered;
	[smem:$0x3FD2] =	sst s25  }
0xa6: {  	s4 =	sshll.u32 s26, $0x1;
	_ =	strace $0x80000046;
	[dreg:$0x1] =	wrdreg $0xFFFFFFFF  }
0xa7: {  	s28 =	simm.s32 $_size_execute0_lowered;
	s2 =	sadd.s32 s2, s4;
	[dreg:$0x0] =	wrdreg $0x0  }
0xa8: {  	s4 =	sshll.u32 s28, $0x1;
	[dreg:$0x2] =	wrdreg s2  }
0xa9: {  	[dreg:$0x3] =	wrdreg s4  }
0xaa: {  	[dreg:$0x4] =	wrdreg $0xC0  }
0xab: {  	_ =	task [dreg:s6], $0x5FFFF  }
0xac: {  	[dreg:$0x1] =	wrdreg $0xFFFFFFFF  }
0xad: {  	[dreg:$0x0] =	wrdreg $0x60  }
0xae: {  	[dreg:$0x2] =	wrdreg s24  }
0xaf: {  	[dreg:$0x3] =	wrdreg $0x50800  }
0xb0: {  	[dreg:$0x4] =	wrdreg $0x9  }
0xb1: {  	_ =	task.clear_ibuf [dreg:s6], $0x5FFFF;
	_ =	strace $0x90000046  }
0xb2: {  	s29 =	simm.s32 $0x9;
	_ =	strace $0x80000048  }
0xb3: {  	_ =	swait.ge [sflag:s29], $0x1  }
0xb4: {  	[sflag:s29] =	ssyncadd.s32 $0xFFFFFFFF  }
0xb5: {  	_ =	strace $0x90000048  }
0xb6: {  	_ =	sfence  }
0xb7: {  	s30 =	sld [smem:$0x0];
	_ =	sdelay $0x2  }
0xb8: {  	s31 =	sshll.u32 s1, $0xD;
	s1 =	sshrl.u32 s1, $0x2  }
0xb9: {  	s3 =	sand.u32 $0x4000, s31;
	s1 =	sadd.s32 s1, s30  }
0xba: {  	s0 =	sor.u32 s3, s0;
	s1 =	sshll.u32 s1, $0x11  }
0xbb: {  	s0 =	sor.u32 s1, s0  }
0xbc: {  	s0 =	sadd.s32 $0x8F2B, s0  }
0xbd: {  	[sflag:s0] =	ssyncadd.remote.s32 $0x1  }
0xbe: {  	_ =	sfence.sel $0xFFFF  }
0xbf: {  	[dreg:$0x0] =	wrdreg $0xFFFFFFFF;
	(pc) =	sbr.abs _section_cstart, $3  }
0xc0: {  	[dreg:$0x1] =	wrdreg $0xFFFFFFFF  }
0xc1: {  	_ =	task.clear_ibuf [dreg:s6], $0x2FFFF;
	_ =	strace $0x9FFFFFFF  }
0xc2: {  	(tm) =	ssettm $0x7FFFFFFF  }
0xc3: {  	_ =	shalt  }
tec
execute0_lowered:
.L_overlay_start_1:
0x0: {  	(tag) =	ssettag $0x1  }
0x1: {  	s1 =	srdreg.scid;
	s5 =	rddreg [dreg:$0x0]  }
0x2: {  	s0 =	stileid.u32;
	s2 =	rddreg [dreg:$0x1];
	s3 =	simm.s32 $0x0  }
0x3: {  	s12 =	simm.s32 $0x5000;
	s13 =	simm.s32 $0x0;
	s4 =	sand.u32 $0x1, s1  }
0x4: {  	s30 =	sshll.u32 s0, $0x1;
	s7 =	smul.u32 $0x280, s0;
	[smem:$0x7FF] =	sst s3  }
0x5: {  	s31 =	sshll.u32 s0, $0x6;
	s1 =	sor.u32 s4, s30;
	s8 =	smul.u32 $0x2800, s4  }
0x6: {  	s4 =	ssub.s32 $0x2, s4;
	s6 =	smul.u32 $0xA00, s1;
	s1 =	rddreg [dreg:$0x2]  }
0x7: {  	_ =	strace $0x80000047;
	s9 =	sshrl.u32 s7, $0x3;
	s10 =	sshrl.u32 s4, $0x1  }
0x8: {  	s11 =	sadd.s32 s7, s2;
	s8 =	sadd.s32 s7, s8;
	s9 =	sadd.s32 s9, s5  }
0x9: {  	s10 =	ssub.s32 s4, s10;
	s6 =	sadd.s32 s6, s5;
	s8 =	sshrl.u32 s8, $0x3  }
0xa: {  	s7 =	smax.u32 s10, $0x1;
	s10 =	sshrl.u32 s11, $0x3;
	s11 =	simm.s32 $0x80  }
0xb: {  	s8 =	sadd.s32 s8, s5;
	s4 =	sadd.s32 $0x2C00, s6;
	s5 =	sadd.s32 $0x16C00, s9  }
0xc: {  	v0 =	vimm.f32 $1.000000000e+00;
	s9 =	sor.u32 $0x1C01, s31;
	s6 =	sadd.s32 $0x17200, s8;
	s8 =	simm.s32 $0x1  }
.LBB2_1:
0xd: {  	[tilespmem:s3], [sflag:$0x1] =	stream.linear.gather [hbm4b:s4+s3], $0x5000, $0x38;
	[tilespmem:$0x5300] =	vst v63  }
0xe: {  	_ =	swait.ge [sflag:s8], $0x5000  }
0xf: {  	[sflag:s8] =	ssyncset.done $0x0  }
0x10: {  	[sflag:s8] =	ssyncadd.s32 $0xFFFFB000  }
0x11: {  	[tilespmem:$0x5000] =	vst v0  }
0x12: {  	[tilespmem:$0x5010] =	vst v0  }
0x13: {  	[tilespmem:$0x5020] =	vst v0  }
0x14: {  	[tilespmem:$0x5030] =	vst v0  }
0x15: {  	[tilespmem:$0x5040] =	vst v0  }
0x16: {  	[tilespmem:$0x5050] =	vst v0  }
0x17: {  	[tilespmem:$0x5060] =	vst v0  }
0x18: {  	[tilespmem:$0x5070] =	vst v0  }
0x19: {  	[spmem:s10], [sflag:s9] =	dma.local [hbm:s5], $0x50  }
0x1a: {  	_ =	swait.ge [sflag:s8], $0x50  }
0x1b: {  	[sflag:s8] =	ssyncset.done $0x0  }
0x1c: {  	[sflag:s8] =	ssyncadd.s32 $0xFFFFFFB0  }
0x1d: {  	s14 =	simm.s32 $0x80;
	[bflag:$0x0] =	sbarrier.arrive $0xFFFF  }
0x1e: {  	[spmem:s2] =	stream.indirect.scatter.add.f32 [tilespmem:s12], [sflag:$0x1], $0x1, s14, s11, $0xb8;
	[tilespmem:$0x5300] =	vst v63  }
0x1f: {  	_ =	swait.ge [sflag:s8], $0x80  }
0x20: {  	s14 =	simm.s32 $0x600;
	[sflag:s8] =	ssyncset.done $0x0  }
.LBB2_2:
0x21: {  	s15 =	sshra.s32 s14, $0x2;
	[sflag:s8] =	ssyncadd.s32 $0xFFFFFF80;
	p0 =	sne.s32 s14, $0x13E00  }
0x22: {  	[spmem:s2] =	stream.indirect.scatter.add.f32 [tilespmem:s12], [sflag:$0x1], $0x1, s15, s11, $0xb8;
	[tilespmem:$0x5300] =	vst v63  }
.Ltmp0:
0x23: {  	_ = 	snop;
	(pc) =	sbr.rel @p0 .LBB2_2-.Ltmp0, $4  }
0x24: {  	_ = 	snop  }
0x25: {  	s14 =	sadd.s32 $0x400, s14  }
0x26: {  	_ =	swait.ge [sflag:s8], $0x80  }
0x27: {  	[sflag:s8] =	ssyncset.done $0x0  }
0x28: {  	s13 =	sadd.s32 $0x1, s13  }
0x29: {  	[sflag:s8] =	ssyncadd.s32 $0xFFFFFF80;
	p0 =	sne.s32 s13, s7  }
.Ltmp1:
0x2a: {  	[bflag:$0x0] =	sbarrier.arrive $0xFFFF;
	(pc) =	sbr.rel @p0 .LBB2_1-.Ltmp1, $4  }
0x2b: {  	[hbm:s6], [sflag:s9] =	dma.local [spmem:s10], $0x50  }
0x2c: {  	_ =	swait.ge [sflag:s8], $0x50  }
0x2d: {  	[sflag:s8] =	ssyncset.done $0x0  }
0x2e: {  	[sflag:s8] =	ssyncadd.s32 $0xFFFFFFB0  }
0x2f: {  	_ =	sfence.sel $0x180000  }
0x30: {  	[bflag:$0x0] =	sbarrier.arrive $0xFFFF  }
0x31: {  	p0 =	sne.s32 s0, $0x0;
	_ =	strace $0x90000047  }
0x32: {  	s0 =	sadd.s32 @!p0 $0x100000, s1;
	[bflag:$0x2] =	sbarrier.arrive $0xFFFF  }
0x33: {  	[sflag:s0] =	ssyncadd.tile.s32 @!p0 $0x1;
	_ =	shalt  }
.Lfunc_end2:
_tile_overlayer_lowered:
.L_overlay_start_2:
0x34: {  	(tag) =	ssettag $0x2  }
0x35: {  	s0 =	rddreg [dreg:$0x0];
	s2 =	stileid.u32  }
0x36: {  	s1 =	rddreg [dreg:$0x1];
	p0 =	sne.s32 s2, $0x0  }
0x37: {  	s3 =	rddreg [dreg:$0x2];
	[bflag:$0x3] =	sbarrier.arrive $0xFFFF;
	s2 =	simm.s32 @!p0 $0x1C01  }
0x38: {  	[timem:s3], [sflag:s2] =	dma.local @!p0 [hbm:s0], s1  }
0x39: {  	s0 =	simm.s32 @!p0 $0x1  }
0x3a: {  	_ =	swait.ge @!p0 [sflag:s0], s1  }
0x3b: {  	s1 =	ssub.s32 @!p0 $0x0, s1;
	[sflag:s0] =	ssyncset.done @!p0 $0x0  }
0x3c: {  	[sflag:s0] =	ssyncadd.s32 @!p0 s1  }
0x3d: {  	[bflag:$0x3] =	sbarrier.arrive $0xFFFF  }
0x3e: {  	_ =	shalt  }

</sc_bundles>
